<compile_context>
chip_gen: v7x
topology: tpu7x:2x2x1
jax: 0.10.2.dev20260603
libtpu: 0.0.44.dev20260713+nightly
codegen_flags: <defaults>
</compile_context>

<pallas_src>
import functools

import jax
import jax.numpy as jnp
from jax import lax
from jax.experimental import pallas as pl
from jax.experimental.pallas import tpu as pltpu
from jax.experimental.pallas import tpu_sc as plsc

EMB = 32
BATCH = 16384
CH = 128
NBUF = 4


def _make_kernel(ngroups, batch):
    info = plsc.get_sparse_core_info()
    nw = info.num_cores * info.num_subcores
    b_per_w = batch // nw
    nch = (2 * b_per_w) // CH
    mesh = plsc.VectorSubcoreMesh(core_axis_name="c", subcore_axis_name="s")

    @functools.partial(
        pl.kernel,
        mesh=mesh,
        out_type=[
            jax.ShapeDtypeStruct((batch, EMB), jnp.float32),
            jax.ShapeDtypeStruct((batch, EMB), jnp.float32),
        ],
        scratch_types=[
            pltpu.VMEM((2 * b_per_w,), jnp.int32),
        ]
        + [pltpu.VMEM((CH // 8, 8, EMB), jnp.float32) for _ in range(NBUF)]
        + [pltpu.SemaphoreType.DMA for _ in range(NBUF)]
        + [pltpu.SemaphoreType.DMA for _ in range(NBUF)],
        compiler_params=pltpu.CompilerParams(needs_layout_passes=False),
    )
    def gather_kernel(table_hbm, uidx_hbm, iidx_hbm, out_u, out_i,
                      idx_v, *bufs_sems):
        bufs = bufs_sems[:NBUF]
        gsems = bufs_sems[NBUF:2 * NBUF]
        wsems = bufs_sems[2 * NBUF:]
        wid = lax.axis_index("s") * info.num_cores + lax.axis_index("c")
        base = wid * b_per_w
        pltpu.sync_copy(uidx_hbm.at[pl.ds(base, b_per_w)],
                        idx_v.at[pl.ds(0, b_per_w)])
        pltpu.sync_copy(iidx_hbm.at[pl.ds(base, b_per_w)],
                        idx_v.at[pl.ds(b_per_w, b_per_w)])

        def fire_gather(c, buf, gsem):
            def blk(kb, _):
                v = idx_v[pl.ds(c * CH + kb * 16, 16)]
                for j in range(16):
                    pltpu.async_copy(
                        table_hbm.at[pl.ds(v[j] >> 3, 1), pl.ds(v[j] & 7, 1)],
                        buf.at[pl.ds(kb * 2 + j // 8, 1), pl.ds(j % 8, 1)],
                        gsem)
                return 0

            lax.fori_loop(0, CH // 16, blk, 0)

        def wait_gather(buf, gsem):
            pltpu.make_async_copy(
                table_hbm.at[pl.ds(0, CH // 8)], buf, gsem).wait()

        def out_row0(c):
            return base + (c % (nch // 2)) * CH

        def fire_writeout(c, buf, wsem):
            out = out_u if c < nch // 2 else out_i
            row0 = out_row0(c)

            def row(k, _):
                pltpu.async_copy(buf.at[k // 8, k % 8],
                                 out.at[row0 + k], wsem)
                return 0

            lax.fori_loop(0, CH, row, 0)

        def wait_writeout(c, buf, wsem):
            out = out_u if c < nch // 2 else out_i
            pltpu.make_async_copy(buf, out.at[pl.ds(out_row0(c), CH)],
                                  wsem).wait()

        for c in range(NBUF):
            fire_gather(c, bufs[c], gsems[c])
        for c in range(nch):
            p = c % NBUF
            wait_gather(bufs[p], gsems[p])
            fire_writeout(c, bufs[p], wsems[p])
            if c + NBUF < nch:
                wait_writeout(c, bufs[p], wsems[p])
                fire_gather(c + NBUF, bufs[p], gsems[p])
        for c in range(max(nch - NBUF, 0), nch):
            p = c % NBUF
            wait_writeout(c, bufs[p], wsems[p])

    return gather_kernel


def kernel(embeddings, user_ids, item_ids):
    vocab, emb = embeddings.shape
    table3 = embeddings.reshape(vocab // 8, 8, emb)
    batch = user_ids.shape[0]
    fn = _make_kernel(vocab // 8, batch)
    users_emb, items_emb = fn(table3, user_ids, item_ids)
    return (users_emb, items_emb)

# --- scband reference (transcript-rebuilt; emitter-appended) ---
"""Pipeline reference for scband-matrix-factorization-bpr-15461882266354 (READ-ONLY COPY).

The authoritative reference and input builder live on the scoring server;
editing this copy changes nothing except your own understanding.
"""

import jax, jax.numpy as jnp
import numpy as np

VOCAB = 1000000  # user_count + item_count (combined embedding table rows)
EMB = 32         # embeddings_size
BATCH = 16384


def setup_inputs(seed: int = 0) -> dict:
    key = jax.random.key(seed)
    k1, k2, k3 = jax.random.split(key, 3)
    # Glorot-uniform initialized combined user+item embedding table
    limit = np.sqrt(6.0 / (VOCAB + EMB))
    embeddings = jax.random.uniform(k1, (VOCAB, EMB), dtype=jnp.float32, minval=-limit, maxval=limit)
    # user ids live in the first part of the table, item ids span the rest
    user_ids = jax.random.randint(k2, (BATCH,), 0, 900000, dtype=jnp.int64 if jax.config.jax_enable_x64 else jnp.int32).astype(jnp.int32)
    item_ids = jax.random.randint(k3, (BATCH,), 0, VOCAB, dtype=jnp.int32)
    return {"embeddings": embeddings, "user_ids": user_ids, "item_ids": item_ids}


def reference(embeddings, user_ids, item_ids):
    # MatrixFactorizationBPR.__call__ returns the embedding table;
    # compute_representations gathers user rows and item rows from it.
    users_emb = jnp.take(embeddings, user_ids, axis=0)
    items_emb = jnp.take(embeddings, item_ids, axis=0)
    return (users_emb, items_emb)

if __name__ == "__main__":
    import jax
    _d = setup_inputs()
    print(jax.jit(kernel)(*tuple(_d.values())))

</pallas_src>

<mosaic_0001>
#map = affine_map<(d0, d1) -> (0, 0, 0)>
#map1 = affine_map<(d0, d1) -> (0)>
#map2 = affine_map<(d0, d1) -> (0, 0)>
module attributes {stable_mosaic.version = 14 : i64} {
  func.func @gather_kernel(%arg0: i32, %arg1: i32, %arg2: memref<125000x8x32xf32, #tpu.memory_space<hbm>>, %arg3: memref<16384xi32, #tpu.memory_space<hbm>>, %arg4: memref<16384xi32, #tpu.memory_space<hbm>>, %arg5: memref<16384x32xf32, #tpu.memory_space<hbm>>, %arg6: memref<16384x32xf32, #tpu.memory_space<hbm>>, %arg7: memref<1024xi32, #tpu.memory_space<vmem>>, %arg8: memref<16x8x32xf32, #tpu.memory_space<vmem>>, %arg9: memref<16x8x32xf32, #tpu.memory_space<vmem>>, %arg10: memref<16x8x32xf32, #tpu.memory_space<vmem>>, %arg11: memref<16x8x32xf32, #tpu.memory_space<vmem>>, %arg12: memref<!tpu.dma_semaphore, #tpu.memory_space<semaphore_mem>>, %arg13: memref<!tpu.dma_semaphore, #tpu.memory_space<semaphore_mem>>, %arg14: memref<!tpu.dma_semaphore, #tpu.memory_space<semaphore_mem>>, %arg15: memref<!tpu.dma_semaphore, #tpu.memory_space<semaphore_mem>>, %arg16: memref<!tpu.dma_semaphore, #tpu.memory_space<semaphore_mem>>, %arg17: memref<!tpu.dma_semaphore, #tpu.memory_space<semaphore_mem>>, %arg18: memref<!tpu.dma_semaphore, #tpu.memory_space<semaphore_mem>>, %arg19: memref<!tpu.dma_semaphore, #tpu.memory_space<semaphore_mem>>) attributes {dimension_semantics = [#tpu.dimension_semantics<core_parallel>, #tpu.dimension_semantics<subcore_parallel>], iteration_bounds = array<i64: 2, 16>, scalar_prefetch = 0 : i64, scratch_operands = 13 : i64, tpu.core_type = #tpu.core_type<sc_vector_subcore>, window_params = [{transform_indices = #map}, {transform_indices = #map1}, {transform_indices = #map1}, {transform_indices = #map2}, {transform_indices = #map2}]} {
    %mul3A = arith.constant 2 : i32
    %mul3A_0 = arith.muli %arg1, %mul3A : i32
    %add3A = arith.addi %mul3A_0, %arg0 : i32
    %mul3A_1 = arith.constant 512 : i32
    %mul3A_2 = arith.muli %add3A, %mul3A_1 : i32
    "tpu.region"() ({
      %run_scoped3A = tpu.sem_alloc : memref<!tpu.dma_semaphore, #tpu.memory_space<semaphore_mem>>
      %dma_start3A = arith.constant 0 : i32
      %dma_start3A_241 = tpu.memref_slice %arg7[%dma_start3A] : memref<1024xi32, #tpu.memory_space<vmem>> -> memref<512xi32, #tpu.memory_space<vmem>>
      %dma_start3A_242 = tpu.memref_slice %arg3[%mul3A_2] : memref<16384xi32, #tpu.memory_space<hbm>> -> memref<512xi32, #tpu.memory_space<hbm>>
      %dma_start3A_243 = arith.constant 0 : i32
      %dma_start3A_244 = tpu.memref_slice %arg7[%dma_start3A_243] : memref<1024xi32, #tpu.memory_space<vmem>> -> memref<512xi32, #tpu.memory_space<vmem>>
      %dma_start3A_245 = tpu.memref_slice %arg3[%mul3A_2] : memref<16384xi32, #tpu.memory_space<hbm>> -> memref<512xi32, #tpu.memory_space<hbm>>
      tpu.enqueue_dma source(%dma_start3A_245 : memref<512xi32, #tpu.memory_space<hbm>>) target(%dma_start3A_244 : memref<512xi32, #tpu.memory_space<vmem>>) target_semaphore(%run_scoped3A : memref<!tpu.dma_semaphore, #tpu.memory_space<semaphore_mem>>)
      %dma_wait3A_246 = arith.constant 0 : i32
      %dma_wait3A_247 = tpu.memref_slice %arg7[%dma_wait3A_246] : memref<1024xi32, #tpu.memory_space<vmem>> -> memref<512xi32, #tpu.memory_space<vmem>>
      %dma_wait3A_248 = tpu.memref_slice %arg3[%mul3A_2] : memref<16384xi32, #tpu.memory_space<hbm>> -> memref<512xi32, #tpu.memory_space<hbm>>
      %dma_wait3A_249 = arith.constant 0 : i32
      %dma_wait3A_250 = tpu.memref_slice %arg7[%dma_wait3A_249] : memref<1024xi32, #tpu.memory_space<vmem>> -> memref<512xi32, #tpu.memory_space<vmem>>
      %dma_wait3A_251 = tpu.memref_slice %arg3[%mul3A_2] : memref<16384xi32, #tpu.memory_space<hbm>> -> memref<512xi32, #tpu.memory_space<hbm>>
      tpu.wait_dma2 semaphore(%run_scoped3A : memref<!tpu.dma_semaphore, #tpu.memory_space<semaphore_mem>>) src(%dma_wait3A_251 : memref<512xi32, #tpu.memory_space<hbm>>) dst(%dma_wait3A_250 : memref<512xi32, #tpu.memory_space<vmem>>)
      tpu.yield
    }) : () -> ()
    "tpu.region"() ({
      %run_scoped3A = tpu.sem_alloc : memref<!tpu.dma_semaphore, #tpu.memory_space<semaphore_mem>>
      %dma_start3A = arith.constant 512 : i32
      %dma_start3A_241 = tpu.memref_slice %arg7[%dma_start3A] : memref<1024xi32, #tpu.memory_space<vmem>> -> memref<512xi32, #tpu.memory_space<vmem>>
      %dma_start3A_242 = tpu.memref_slice %arg4[%mul3A_2] : memref<16384xi32, #tpu.memory_space<hbm>> -> memref<512xi32, #tpu.memory_space<hbm>>
      %dma_start3A_243 = arith.constant 512 : i32
      %dma_start3A_244 = tpu.memref_slice %arg7[%dma_start3A_243] : memref<1024xi32, #tpu.memory_space<vmem>> -> memref<512xi32, #tpu.memory_space<vmem>>
      %dma_start3A_245 = tpu.memref_slice %arg4[%mul3A_2] : memref<16384xi32, #tpu.memory_space<hbm>> -> memref<512xi32, #tpu.memory_space<hbm>>
      tpu.enqueue_dma source(%dma_start3A_245 : memref<512xi32, #tpu.memory_space<hbm>>) target(%dma_start3A_244 : memref<512xi32, #tpu.memory_space<vmem>>) target_semaphore(%run_scoped3A : memref<!tpu.dma_semaphore, #tpu.memory_space<semaphore_mem>>)
      %dma_wait3A_246 = arith.constant 512 : i32
      %dma_wait3A_247 = tpu.memref_slice %arg7[%dma_wait3A_246] : memref<1024xi32, #tpu.memory_space<vmem>> -> memref<512xi32, #tpu.memory_space<vmem>>
      %dma_wait3A_248 = tpu.memref_slice %arg4[%mul3A_2] : memref<16384xi32, #tpu.memory_space<hbm>> -> memref<512xi32, #tpu.memory_space<hbm>>
      %dma_wait3A_249 = arith.constant 512 : i32
      %dma_wait3A_250 = tpu.memref_slice %arg7[%dma_wait3A_249] : memref<1024xi32, #tpu.memory_space<vmem>> -> memref<512xi32, #tpu.memory_space<vmem>>
      %dma_wait3A_251 = tpu.memref_slice %arg4[%mul3A_2] : memref<16384xi32, #tpu.memory_space<hbm>> -> memref<512xi32, #tpu.memory_space<hbm>>
      tpu.wait_dma2 semaphore(%run_scoped3A : memref<!tpu.dma_semaphore, #tpu.memory_space<semaphore_mem>>) src(%dma_wait3A_251 : memref<512xi32, #tpu.memory_space<hbm>>) dst(%dma_wait3A_250 : memref<512xi32, #tpu.memory_space<vmem>>)
      tpu.yield
    }) : () -> ()
    %scan3A = arith.constant 0 : i32
    %scan3A_3 = arith.constant 0 : i32
    %scan3A_4 = arith.constant 8 : i32
    %scan3A_5 = arith.addi %scan3A_3, %scan3A_4 : i32
    %scan3A_6 = arith.constant 1 : i32
    %scan3A_7 = scf.for %scan3A_241 = %scan3A_3 to %scan3A_5 step %scan3A_6 iter_args(%scan3A_242 = %scan3A) -> (i32)  : i32 {
      %mul3A_243 = arith.constant 16 : i32
      %mul3A_244 = arith.muli %scan3A_241, %mul3A_243 : i32
      %add3A_245 = arith.constant 0 : i32
      %add3A_246 = arith.addi %add3A_245, %mul3A_244 : i32
      %get3A = arith.index_cast %add3A_246 : i32 to index
      %get3A_247 = tpu.vector_load %arg7[%get3A] {strides = array<i32>} : memref<1024xi32, #tpu.memory_space<vmem>>, vector<16xi32>,
      %slice3A = vector.extract_strided_slice %get3A_247 {offsets = [0], sizes = [1], strides = [1]} : vector<16xi32> to vector<1xi32>
      %squeeze3A = vector.extract %slice3A[0] : i32 from vector<1xi32>
      %shift_right_arithmetic3A = arith.constant 3 : i32
      %shift_right_arithmetic3A_248 = arith.shrsi %squeeze3A, %shift_right_arithmetic3A : i32
      %slice3A_249 = vector.extract_strided_slice %get3A_247 {offsets = [0], sizes = [1], strides = [1]} : vector<16xi32> to vector<1xi32>
      %squeeze3A_250 = vector.extract %slice3A_249[0] : i32 from vector<1xi32>
      %and3A = arith.constant 7 : i32
      %and3A_251 = arith.andi %squeeze3A_250, %and3A : i32
      %mul3A_252 = arith.constant 2 : i32
      %mul3A_253 = arith.muli %scan3A_241, %mul3A_252 : i32
      %add3A_254 = arith.constant 0 : i32
      %add3A_255 = arith.addi %mul3A_253, %add3A_254 : i32
      %dma_start3A = arith.constant 0 : i32
      %dma_start3A_256 = arith.constant 0 : i32
      %dma_start3A_257 = tpu.memref_slice %arg8[%add3A_255, %dma_start3A, %dma_start3A_256] : memref<16x8x32xf32, #tpu.memory_space<vmem>> -> memref<1x1x32xf32, #tpu.memory_space<vmem>>
      %dma_start3A_258 = arith.constant 0 : i32
      %dma_start3A_259 = tpu.memref_slice %arg2[%shift_right_arithmetic3A_248, %and3A_251, %dma_start3A_258] : memref<125000x8x32xf32, #tpu.memory_space<hbm>> -> memref<1x1x32xf32, #tpu.memory_space<hbm>>
      %dma_start3A_260 = arith.constant 0 : i32
      %dma_start3A_261 = arith.constant 0 : i32
      %dma_start3A_262 = tpu.memref_slice %arg8[%add3A_255, %dma_start3A_260, %dma_start3A_261] : memref<16x8x32xf32, #tpu.memory_space<vmem>> -> memref<1x1x32xf32, #tpu.memory_space<vmem>>
      %dma_start3A_263 = arith.constant 0 : i32
      %dma_start3A_264 = tpu.memref_slice %arg2[%shift_right_arithmetic3A_248, %and3A_251, %dma_start3A_263] : memref<125000x8x32xf32, #tpu.memory_space<hbm>> -> memref<1x1x32xf32, #tpu.memory_space<hbm>>
      tpu.enqueue_dma source(%dma_start3A_264 : memref<1x1x32xf32, #tpu.memory_space<hbm>>) target(%dma_start3A_262 : memref<1x1x32xf32, #tpu.memory_space<vmem>>) target_semaphore(%arg12 : memref<!tpu.dma_semaphore, #tpu.memory_space<semaphore_mem>>)
      %slice3A_265 = vector.extract_strided_slice %get3A_247 {offsets = [1], sizes = [1], strides = [1]} : vector<16xi32> to vector<1xi32>
      %squeeze3A_266 = vector.extract %slice3A_265[0] : i32 from vector<1xi32>
      %shift_right_arithmetic3A_267 = arith.constant 3 : i32
      %shift_right_arithmetic3A_268 = arith.shrsi %squeeze3A_266, %shift_right_arithmetic3A_267 : i32
      %slice3A_269 = vector.extract_strided_slice %get3A_247 {offsets = [1], sizes = [1], strides = [1]} : vector<16xi32> to vector<1xi32>
      %squeeze3A_270 = vector.extract %slice3A_269[0] : i32 from vector<1xi32>
      %and3A_271 = arith.constant 7 : i32
      %and3A_272 = arith.andi %squeeze3A_270, %and3A_271 : i32
      %mul3A_273 = arith.constant 2 : i32
      %mul3A_274 = arith.muli %scan3A_241, %mul3A_273 : i32
      %add3A_275 = arith.constant 0 : i32
      %add3A_276 = arith.addi %mul3A_274, %add3A_275 : i32
      %dma_start3A_277 = arith.constant 1 : i32
      %dma_start3A_278 = arith.constant 0 : i32
      %dma_start3A_279 = tpu.memref_slice %arg8[%add3A_276, %dma_start3A_277, %dma_start3A_278] : memref<16x8x32xf32, #tpu.memory_space<vmem>> -> memref<1x1x32xf32, #tpu.memory_space<vmem>>
      %dma_start3A_280 = arith.constant 0 : i32
      %dma_start3A_281 = tpu.memref_slice %arg2[%shift_right_arithmetic3A_268, %and3A_272, %dma_start3A_280] : memref<125000x8x32xf32, #tpu.memory_space<hbm>> -> memref<1x1x32xf32, #tpu.memory_space<hbm>>
      %dma_start3A_282 = arith.constant 1 : i32
      %dma_start3A_283 = arith.constant 0 : i32
      %dma_start3A_284 = tpu.memref_slice %arg8[%add3A_276, %dma_start3A_282, %dma_start3A_283] : memref<16x8x32xf32, #tpu.memory_space<vmem>> -> memref<1x1x32xf32, #tpu.memory_space<vmem>>
      %dma_start3A_285 = arith.constant 0 : i32
      %dma_start3A_286 = tpu.memref_slice %arg2[%shift_right_arithmetic3A_268, %and3A_272, %dma_start3A_285] : memref<125000x8x32xf32, #tpu.memory_space<hbm>> -> memref<1x1x32xf32, #tpu.memory_space<hbm>>
      tpu.enqueue_dma source(%dma_start3A_286 : memref<1x1x32xf32, #tpu.memory_space<hbm>>) target(%dma_start3A_284 : memref<1x1x32xf32, #tpu.memory_space<vmem>>) target_semaphore(%arg12 : memref<!tpu.dma_semaphore, #tpu.memory_space<semaphore_mem>>)
      %slice3A_287 = vector.extract_strided_slice %get3A_247 {offsets = [2], sizes = [1], strides = [1]} : vector<16xi32> to vector<1xi32>
      %squeeze3A_288 = vector.extract %slice3A_287[0] : i32 from vector<1xi32>
      %shift_right_arithmetic3A_289 = arith.constant 3 : i32
      %shift_right_arithmetic3A_290 = arith.shrsi %squeeze3A_288, %shift_right_arithmetic3A_289 : i32
      %slice3A_291 = vector.extract_strided_slice %get3A_247 {offsets = [2], sizes = [1], strides = [1]} : vector<16xi32> to vector<1xi32>
      %squeeze3A_292 = vector.extract %slice3A_291[0] : i32 from vector<1xi32>
      %and3A_293 = arith.constant 7 : i32
      %and3A_294 = arith.andi %squeeze3A_292, %and3A_293 : i32
      %mul3A_295 = arith.constant 2 : i32
      %mul3A_296 = arith.muli %scan3A_241, %mul3A_295 : i32
      %add3A_297 = arith.constant 0 : i32
      %add3A_298 = arith.addi %mul3A_296, %add3A_297 : i32
      %dma_start3A_299 = arith.constant 2 : i32
      %dma_start3A_300 = arith.constant 0 : i32
      %dma_start3A_301 = tpu.memref_slice %arg8[%add3A_298, %dma_start3A_299, %dma_start3A_300] : memref<16x8x32xf32, #tpu.memory_space<vmem>> -> memref<1x1x32xf32, #tpu.memory_space<vmem>>
      %dma_start3A_302 = arith.constant 0 : i32
      %dma_start3A_303 = tpu.memref_slice %arg2[%shift_right_arithmetic3A_290, %and3A_294, %dma_start3A_302] : memref<125000x8x32xf32, #tpu.memory_space<hbm>> -> memref<1x1x32xf32, #tpu.memory_space<hbm>>
      %dma_start3A_304 = arith.constant 2 : i32
      %dma_start3A_305 = arith.constant 0 : i32
      %dma_start3A_306 = tpu.memref_slice %arg8[%add3A_298, %dma_start3A_304, %dma_start3A_305] : memref<16x8x32xf32, #tpu.memory_space<vmem>> -> memref<1x1x32xf32, #tpu.memory_space<vmem>>
      %dma_start3A_307 = arith.constant 0 : i32
      %dma_start3A_308 = tpu.memref_slice %arg2[%shift_right_arithmetic3A_290, %and3A_294, %dma_start3A_307] : memref<125000x8x32xf32, #tpu.memory_space<hbm>> -> memref<1x1x32xf32, #tpu.memory_space<hbm>>
      tpu.enqueue_dma source(%dma_start3A_308 : memref<1x1x32xf32, #tpu.memory_space<hbm>>) target(%dma_start3A_306 : memref<1x1x32xf32, #tpu.memory_space<vmem>>) target_semaphore(%arg12 : memref<!tpu.dma_semaphore, #tpu.memory_space<semaphore_mem>>)
      %slice3A_309 = vector.extract_strided_slice %get3A_247 {offsets = [3], sizes = [1], strides = [1]} : vector<16xi32> to vector<1xi32>
      %squeeze3A_310 = vector.extract %slice3A_309[0] : i32 from vector<1xi32>
      %shift_right_arithmetic3A_311 = arith.constant 3 : i32
      %shift_right_arithmetic3A_312 = arith.shrsi %squeeze3A_310, %shift_right_arithmetic3A_311 : i32
      %slice3A_313 = vector.extract_strided_slice %get3A_247 {offsets = [3], sizes = [1], strides = [1]} : vector<16xi32> to vector<1xi32>
      %squeeze3A_314 = vector.extract %slice3A_313[0] : i32 from vector<1xi32>
      %and3A_315 = arith.constant 7 : i32
      %and3A_316 = arith.andi %squeeze3A_314, %and3A_315 : i32
      %mul3A_317 = arith.constant 2 : i32
      %mul3A_318 = arith.muli %scan3A_241, %mul3A_317 : i32
      %add3A_319 = arith.constant 0 : i32
      %add3A_320 = arith.addi %mul3A_318, %add3A_319 : i32
      %dma_start3A_321 = arith.constant 3 : i32
      %dma_start3A_322 = arith.constant 0 : i32
      %dma_start3A_323 = tpu.memref_slice %arg8[%add3A_320, %dma_start3A_321, %dma_start3A_322] : memref<16x8x32xf32, #tpu.memory_space<vmem>> -> memref<1x1x32xf32, #tpu.memory_space<vmem>>
      %dma_start3A_324 = arith.constant 0 : i32
      %dma_start3A_325 = tpu.memref_slice %arg2[%shift_right_arithmetic3A_312, %and3A_316, %dma_start3A_324] : memref<125000x8x32xf32, #tpu.memory_space<hbm>> -> memref<1x1x32xf32, #tpu.memory_space<hbm>>
      %dma_start3A_326 = arith.constant 3 : i32
      %dma_start3A_327 = arith.constant 0 : i32
      %dma_start3A_328 = tpu.memref_slice %arg8[%add3A_320, %dma_start3A_326, %dma_start3A_327] : memref<16x8x32xf32, #tpu.memory_space<vmem>> -> memref<1x1x32xf32, #tpu.memory_space<vmem>>
      %dma_start3A_329 = arith.constant 0 : i32
      %dma_start3A_330 = tpu.memref_slice %arg2[%shift_right_arithmetic3A_312, %and3A_316, %dma_start3A_329] : memref<125000x8x32xf32, #tpu.memory_space<hbm>> -> memref<1x1x32xf32, #tpu.memory_space<hbm>>
      tpu.enqueue_dma source(%dma_start3A_330 : memref<1x1x32xf32, #tpu.memory_space<hbm>>) target(%dma_start3A_328 : memref<1x1x32xf32, #tpu.memory_space<vmem>>) target_semaphore(%arg12 : memref<!tpu.dma_semaphore, #tpu.memory_space<semaphore_mem>>)
      %slice3A_331 = vector.extract_strided_slice %get3A_247 {offsets = [4], sizes = [1], strides = [1]} : vector<16xi32> to vector<1xi32>
      %squeeze3A_332 = vector.extract %slice3A_331[0] : i32 from vector<1xi32>
      %shift_right_arithmetic3A_333 = arith.constant 3 : i32
      %shift_right_arithmetic3A_334 = arith.shrsi %squeeze3A_332, %shift_right_arithmetic3A_333 : i32
      %slice3A_335 = vector.extract_strided_slice %get3A_247 {offsets = [4], sizes = [1], strides = [1]} : vector<16xi32> to vector<1xi32>
      %squeeze3A_336 = vector.extract %slice3A_335[0] : i32 from vector<1xi32>
      %and3A_337 = arith.constant 7 : i32
      %and3A_338 = arith.andi %squeeze3A_336, %and3A_337 : i32
      %mul3A_339 = arith.constant 2 : i32
      %mul3A_340 = arith.muli %scan3A_241, %mul3A_339 : i32
      %add3A_341 = arith.constant 0 : i32
      %add3A_342 = arith.addi %mul3A_340, %add3A_341 : i32
      %dma_start3A_343 = arith.constant 4 : i32
      %dma_start3A_344 = arith.constant 0 : i32
      %dma_start3A_345 = tpu.memref_slice %arg8[%add3A_342, %dma_start3A_343, %dma_start3A_344] : memref<16x8x32xf32, #tpu.memory_space<vmem>> -> memref<1x1x32xf32, #tpu.memory_space<vmem>>
      %dma_start3A_346 = arith.constant 0 : i32
      %dma_start3A_347 = tpu.memref_slice %arg2[%shift_right_arithmetic3A_334, %and3A_338, %dma_start3A_346] : memref<125000x8x32xf32, #tpu.memory_space<hbm>> -> memref<1x1x32xf32, #tpu.memory_space<hbm>>
      %dma_start3A_348 = arith.constant 4 : i32
      %dma_start3A_349 = arith.constant 0 : i32
      %dma_start3A_350 = tpu.memref_slice %arg8[%add3A_342, %dma_start3A_348, %dma_start3A_349] : memref<16x8x32xf32, #tpu.memory_space<vmem>> -> memref<1x1x32xf32, #tpu.memory_space<vmem>>
      %dma_start3A_351 = arith.constant 0 : i32
      %dma_start3A_352 = tpu.memref_slice %arg2[%shift_right_arithmetic3A_334, %and3A_338, %dma_start3A_351] : memref<125000x8x32xf32, #tpu.memory_space<hbm>> -> memref<1x1x32xf32, #tpu.memory_space<hbm>>
      tpu.enqueue_dma source(%dma_start3A_352 : memref<1x1x32xf32, #tpu.memory_space<hbm>>) target(%dma_start3A_350 : memref<1x1x32xf32, #tpu.memory_space<vmem>>) target_semaphore(%arg12 : memref<!tpu.dma_semaphore, #tpu.memory_space<semaphore_mem>>)
      %slice3A_353 = vector.extract_strided_slice %get3A_247 {offsets = [5], sizes = [1], strides = [1]} : vector<16xi32> to vector<1xi32>
      %squeeze3A_354 = vector.extract %slice3A_353[0] : i32 from vector<1xi32>
      %shift_right_arithmetic3A_355 = arith.constant 3 : i32
      %shift_right_arithmetic3A_356 = arith.shrsi %squeeze3A_354, %shift_right_arithmetic3A_355 : i32
      %slice3A_357 = vector.extract_strided_slice %get3A_247 {offsets = [5], sizes = [1], strides = [1]} : vector<16xi32> to vector<1xi32>
      %squeeze3A_358 = vector.extract %slice3A_357[0] : i32 from vector<1xi32>
      %and3A_359 = arith.constant 7 : i32
      %and3A_360 = arith.andi %squeeze3A_358, %and3A_359 : i32
      %mul3A_361 = arith.constant 2 : i32
      %mul3A_362 = arith.muli %scan3A_241, %mul3A_361 : i32
      %add3A_363 = arith.constant 0 : i32
      %add3A_364 = arith.addi %mul3A_362, %add3A_363 : i32
      %dma_start3A_365 = arith.constant 5 : i32
      %dma_start3A_366 = arith.constant 0 : i32
      %dma_start3A_367 = tpu.memref_slice %arg8[%add3A_364, %dma_start3A_365, %dma_start3A_366] : memref<16x8x32xf32, #tpu.memory_space<vmem>> -> memref<1x1x32xf32, #tpu.memory_space<vmem>>
      %dma_start3A_368 = arith.constant 0 : i32
      %dma_start3A_369 = tpu.memref_slice %arg2[%shift_right_arithmetic3A_356, %and3A_360, %dma_start3A_368] : memref<125000x8x32xf32, #tpu.memory_space<hbm>> -> memref<1x1x32xf32, #tpu.memory_space<hbm>>
      %dma_start3A_370 = arith.constant 5 : i32
      %dma_start3A_371 = arith.constant 0 : i32
      %dma_start3A_372 = tpu.memref_slice %arg8[%add3A_364, %dma_start3A_370, %dma_start3A_371] : memref<16x8x32xf32, #tpu.memory_space<vmem>> -> memref<1x1x32xf32, #tpu.memory_space<vmem>>
      %dma_start3A_373 = arith.constant 0 : i32
      %dma_start3A_374 = tpu.memref_slice %arg2[%shift_right_arithmetic3A_356, %and3A_360, %dma_start3A_373] : memref<125000x8x32xf32, #tpu.memory_space<hbm>> -> memref<1x1x32xf32, #tpu.memory_space<hbm>>
      tpu.enqueue_dma source(%dma_start3A_374 : memref<1x1x32xf32, #tpu.memory_space<hbm>>) target(%dma_start3A_372 : memref<1x1x32xf32, #tpu.memory_space<vmem>>) target_semaphore(%arg12 : memref<!tpu.dma_semaphore, #tpu.memory_space<semaphore_mem>>)
      %slice3A_375 = vector.extract_strided_slice %get3A_247 {offsets = [6], sizes = [1], strides = [1]} : vector<16xi32> to vector<1xi32>
      %squeeze3A_376 = vector.extract %slice3A_375[0] : i32 from vector<1xi32>
      %shift_right_arithmetic3A_377 = arith.constant 3 : i32
      %shift_right_arithmetic3A_378 = arith.shrsi %squeeze3A_376, %shift_right_arithmetic3A_377 : i32
      %slice3A_379 = vector.extract_strided_slice %get3A_247 {offsets = [6], sizes = [1], strides = [1]} : vector<16xi32> to vector<1xi32>
      %squeeze3A_380 = vector.extract %slice3A_379[0] : i32 from vector<1xi32>
      %and3A_381 = arith.constant 7 : i32
      %and3A_382 = arith.andi %squeeze3A_380, %and3A_381 : i32
      %mul3A_383 = arith.constant 2 : i32
      %mul3A_384 = arith.muli %scan3A_241, %mul3A_383 : i32
      %add3A_385 = arith.constant 0 : i32
      %add3A_386 = arith.addi %mul3A_384, %add3A_385 : i32
      %dma_start3A_387 = arith.constant 6 : i32
      %dma_start3A_388 = arith.constant 0 : i32
      %dma_start3A_389 = tpu.memref_slice %arg8[%add3A_386, %dma_start3A_387, %dma_start3A_388] : memref<16x8x32xf32, #tpu.memory_space<vmem>> -> memref<1x1x32xf32, #tpu.memory_space<vmem>>
      %dma_start3A_390 = arith.constant 0 : i32
      %dma_start3A_391 = tpu.memref_slice %arg2[%shift_right_arithmetic3A_378, %and3A_382, %dma_start3A_390] : memref<125000x8x32xf32, #tpu.memory_space<hbm>> -> memref<1x1x32xf32, #tpu.memory_space<hbm>>
      %dma_start3A_392 = arith.constant 6 : i32
      %dma_start3A_393 = arith.constant 0 : i32
      %dma_start3A_394 = tpu.memref_slice %arg8[%add3A_386, %dma_start3A_392, %dma_start3A_393] : memref<16x8x32xf32, #tpu.memory_space<vmem>> -> memref<1x1x32xf32, #tpu.memory_space<vmem>>
      %dma_start3A_395 = arith.constant 0 : i32
      %dma_start3A_396 = tpu.memref_slice %arg2[%shift_right_arithmetic3A_378, %and3A_382, %dma_start3A_395] : memref<125000x8x32xf32, #tpu.memory_space<hbm>> -> memref<1x1x32xf32, #tpu.memory_space<hbm>>
      tpu.enqueue_dma source(%dma_start3A_396 : memref<1x1x32xf32, #tpu.memory_space<hbm>>) target(%dma_start3A_394 : memref<1x1x32xf32, #tpu.memory_space<vmem>>) target_semaphore(%arg12 : memref<!tpu.dma_semaphore, #tpu.memory_space<semaphore_mem>>)
      %slice3A_397 = vector.extract_strided_slice %get3A_247 {offsets = [7], sizes = [1], strides = [1]} : vector<16xi32> to vector<1xi32>
      %squeeze3A_398 = vector.extract %slice3A_397[0] : i32 from vector<1xi32>
      %shift_right_arithmetic3A_399 = arith.constant 3 : i32
      %shift_right_arithmetic3A_400 = arith.shrsi %squeeze3A_398, %shift_right_arithmetic3A_399 : i32
      %slice3A_401 = vector.extract_strided_slice %get3A_247 {offsets = [7], sizes = [1], strides = [1]} : vector<16xi32> to vector<1xi32>
      %squeeze3A_402 = vector.extract %slice3A_401[0] : i32 from vector<1xi32>
      %and3A_403 = arith.constant 7 : i32
      %and3A_404 = arith.andi %squeeze3A_402, %and3A_403 : i32
      %mul3A_405 = arith.constant 2 : i32
      %mul3A_406 = arith.muli %scan3A_241, %mul3A_405 : i32
      %add3A_407 = arith.constant 0 : i32
      %add3A_408 = arith.addi %mul3A_406, %add3A_407 : i32
      %dma_start3A_409 = arith.constant 7 : i32
      %dma_start3A_410 = arith.constant 0 : i32
      %dma_start3A_411 = tpu.memref_slice %arg8[%add3A_408, %dma_start3A_409, %dma_start3A_410] : memref<16x8x32xf32, #tpu.memory_space<vmem>> -> memref<1x1x32xf32, #tpu.memory_space<vmem>>
      %dma_start3A_412 = arith.constant 0 : i32
      %dma_start3A_413 = tpu.memref_slice %arg2[%shift_right_arithmetic3A_400, %and3A_404, %dma_start3A_412] : memref<125000x8x32xf32, #tpu.memory_space<hbm>> -> memref<1x1x32xf32, #tpu.memory_space<hbm>>
      %dma_start3A_414 = arith.constant 7 : i32
      %dma_start3A_415 = arith.constant 0 : i32
      %dma_start3A_416 = tpu.memref_slice %arg8[%add3A_408, %dma_start3A_414, %dma_start3A_415] : memref<16x8x32xf32, #tpu.memory_space<vmem>> -> memref<1x1x32xf32, #tpu.memory_space<vmem>>
      %dma_start3A_417 = arith.constant 0 : i32
      %dma_start3A_418 = tpu.memref_slice %arg2[%shift_right_arithmetic3A_400, %and3A_404, %dma_start3A_417] : memref<125000x8x32xf32, #tpu.memory_space<hbm>> -> memref<1x1x32xf32, #tpu.memory_space<hbm>>
      tpu.enqueue_dma source(%dma_start3A_418 : memref<1x1x32xf32, #tpu.memory_space<hbm>>) target(%dma_start3A_416 : memref<1x1x32xf32, #tpu.memory_space<vmem>>) target_semaphore(%arg12 : memref<!tpu.dma_semaphore, #tpu.memory_space<semaphore_mem>>)
      %slice3A_419 = vector.extract_strided_slice %get3A_247 {offsets = [8], sizes = [1], strides = [1]} : vector<16xi32> to vector<1xi32>
      %squeeze3A_420 = vector.extract %slice3A_419[0] : i32 from vector<1xi32>
      %shift_right_arithmetic3A_421 = arith.constant 3 : i32
      %shift_right_arithmetic3A_422 = arith.shrsi %squeeze3A_420, %shift_right_arithmetic3A_421 : i32
      %slice3A_423 = vector.extract_strided_slice %get3A_247 {offsets = [8], sizes = [1], strides = [1]} : vector<16xi32> to vector<1xi32>
      %squeeze3A_424 = vector.extract %slice3A_423[0] : i32 from vector<1xi32>
      %and3A_425 = arith.constant 7 : i32
      %and3A_426 = arith.andi %squeeze3A_424, %and3A_425 : i32
      %mul3A_427 = arith.constant 2 : i32
      %mul3A_428 = arith.muli %scan3A_241, %mul3A_427 : i32
      %add3A_429 = arith.constant 1 : i32
      %add3A_430 = arith.addi %mul3A_428, %add3A_429 : i32
      %dma_start3A_431 = arith.constant 0 : i32
      %dma_start3A_432 = arith.constant 0 : i32
      %dma_start3A_433 = tpu.memref_slice %arg8[%add3A_430, %dma_start3A_431, %dma_start3A_432] : memref<16x8x32xf32, #tpu.memory_space<vmem>> -> memref<1x1x32xf32, #tpu.memory_space<vmem>>
      %dma_start3A_434 = arith.constant 0 : i32
      %dma_start3A_435 = tpu.memref_slice %arg2[%shift_right_arithmetic3A_422, %and3A_426, %dma_start3A_434] : memref<125000x8x32xf32, #tpu.memory_space<hbm>> -> memref<1x1x32xf32, #tpu.memory_space<hbm>>
      %dma_start3A_436 = arith.constant 0 : i32
      %dma_start3A_437 = arith.constant 0 : i32
      %dma_start3A_438 = tpu.memref_slice %arg8[%add3A_430, %dma_start3A_436, %dma_start3A_437] : memref<16x8x32xf32, #tpu.memory_space<vmem>> -> memref<1x1x32xf32, #tpu.memory_space<vmem>>
      %dma_start3A_439 = arith.constant 0 : i32
      %dma_start3A_440 = tpu.memref_slice %arg2[%shift_right_arithmetic3A_422, %and3A_426, %dma_start3A_439] : memref<125000x8x32xf32, #tpu.memory_space<hbm>> -> memref<1x1x32xf32, #tpu.memory_space<hbm>>
      tpu.enqueue_dma source(%dma_start3A_440 : memref<1x1x32xf32, #tpu.memory_space<hbm>>) target(%dma_start3A_438 : memref<1x1x32xf32, #tpu.memory_space<vmem>>) target_semaphore(%arg12 : memref<!tpu.dma_semaphore, #tpu.memory_space<semaphore_mem>>)
      %slice3A_441 = vector.extract_strided_slice %get3A_247 {offsets = [9], sizes = [1], strides = [1]} : vector<16xi32> to vector<1xi32>
      %squeeze3A_442 = vector.extract %slice3A_441[0] : i32 from vector<1xi32>
      %shift_right_arithmetic3A_443 = arith.constant 3 : i32
      %shift_right_arithmetic3A_444 = arith.shrsi %squeeze3A_442, %shift_right_arithmetic3A_443 : i32
      %slice3A_445 = vector.extract_strided_slice %get3A_247 {offsets = [9], sizes = [1], strides = [1]} : vector<16xi32> to vector<1xi32>
      %squeeze3A_446 = vector.extract %slice3A_445[0] : i32 from vector<1xi32>
      %and3A_447 = arith.constant 7 : i32
      %and3A_448 = arith.andi %squeeze3A_446, %and3A_447 : i32
      %mul3A_449 = arith.constant 2 : i32
      %mul3A_450 = arith.muli %scan3A_241, %mul3A_449 : i32
      %add3A_451 = arith.constant 1 : i32
      %add3A_452 = arith.addi %mul3A_450, %add3A_451 : i32
      %dma_start3A_453 = arith.constant 1 : i32
      %dma_start3A_454 = arith.constant 0 : i32
      %dma_start3A_455 = tpu.memref_slice %arg8[%add3A_452, %dma_start3A_453, %dma_start3A_454] : memref<16x8x32xf32, #tpu.memory_space<vmem>> -> memref<1x1x32xf32, #tpu.memory_space<vmem>>
      %dma_start3A_456 = arith.constant 0 : i32
      %dma_start3A_457 = tpu.memref_slice %arg2[%shift_right_arithmetic3A_444, %and3A_448, %dma_start3A_456] : memref<125000x8x32xf32, #tpu.memory_space<hbm>> -> memref<1x1x32xf32, #tpu.memory_space<hbm>>
      %dma_start3A_458 = arith.constant 1 : i32
      %dma_start3A_459 = arith.constant 0 : i32
      %dma_start3A_460 = tpu.memref_slice %arg8[%add3A_452, %dma_start3A_458, %dma_start3A_459] : memref<16x8x32xf32, #tpu.memory_space<vmem>> -> memref<1x1x32xf32, #tpu.memory_space<vmem>>
      %dma_start3A_461 = arith.constant 0 : i32
      %dma_start3A_462 = tpu.memref_slice %arg2[%shift_right_arithmetic3A_444, %and3A_448, %dma_start3A_461] : memref<125000x8x32xf32, #tpu.memory_space<hbm>> -> memref<1x1x32xf32, #tpu.memory_space<hbm>>
      tpu.enqueue_dma source(%dma_start3A_462 : memref<1x1x32xf32, #tpu.memory_space<hbm>>) target(%dma_start3A_460 : memref<1x1x32xf32, #tpu.memory_space<vmem>>) target_semaphore(%arg12 : memref<!tpu.dma_semaphore, #tpu.memory_space<semaphore_mem>>)
      %slice3A_463 = vector.extract_strided_slice %get3A_247 {offsets = [10], sizes = [1], strides = [1]} : vector<16xi32> to vector<1xi32>
      %squeeze3A_464 = vector.extract %slice3A_463[0] : i32 from vector<1xi32>
      %shift_right_arithmetic3A_465 = arith.constant 3 : i32
      %shift_right_arithmetic3A_466 = arith.shrsi %squeeze3A_464, %shift_right_arithmetic3A_465 : i32
      %slice3A_467 = vector.extract_strided_slice %get3A_247 {offsets = [10], sizes = [1], strides = [1]} : vector<16xi32> to vector<1xi32>
      %squeeze3A_468 = vector.extract %slice3A_467[0] : i32 from vector<1xi32>
      %and3A_469 = arith.constant 7 : i32
      %and3A_470 = arith.andi %squeeze3A_468, %and3A_469 : i32
      %mul3A_471 = arith.constant 2 : i32
      %mul3A_472 = arith.muli %scan3A_241, %mul3A_471 : i32
      %add3A_473 = arith.constant 1 : i32
      %add3A_474 = arith.addi %mul3A_472, %add3A_473 : i32
      %dma_start3A_475 = arith.constant 2 : i32
      %dma_start3A_476 = arith.constant 0 : i32
      %dma_start3A_477 = tpu.memref_slice %arg8[%add3A_474, %dma_start3A_475, %dma_start3A_476] : memref<16x8x32xf32, #tpu.memory_space<vmem>> -> memref<1x1x32xf32, #tpu.memory_space<vmem>>
      %dma_start3A_478 = arith.constant 0 : i32
      %dma_start3A_479 = tpu.memref_slice %arg2[%shift_right_arithmetic3A_466, %and3A_470, %dma_start3A_478] : memref<125000x8x32xf32, #tpu.memory_space<hbm>> -> memref<1x1x32xf32, #tpu.memory_space<hbm>>
      %dma_start3A_480 = arith.constant 2 : i32
      %dma_start3A_481 = arith.constant 0 : i32
      %dma_start3A_482 = tpu.memref_slice %arg8[%add3A_474, %dma_start3A_480, %dma_start3A_481] : memref<16x8x32xf32, #tpu.memory_space<vmem>> -> memref<1x1x32xf32, #tpu.memory_space<vmem>>
      %dma_start3A_483 = arith.constant 0 : i32
      %dma_start3A_484 = tpu.memref_slice %arg2[%shift_right_arithmetic3A_466, %and3A_470, %dma_start3A_483] : memref<125000x8x32xf32, #tpu.memory_space<hbm>> -> memref<1x1x32xf32, #tpu.memory_space<hbm>>
      tpu.enqueue_dma source(%dma_start3A_484 : memref<1x1x32xf32, #tpu.memory_space<hbm>>) target(%dma_start3A_482 : memref<1x1x32xf32, #tpu.memory_space<vmem>>) target_semaphore(%arg12 : memref<!tpu.dma_semaphore, #tpu.memory_space<semaphore_mem>>)
      %slice3A_485 = vector.extract_strided_slice %get3A_247 {offsets = [11], sizes = [1], strides = [1]} : vector<16xi32> to vector<1xi32>
      %squeeze3A_486 = vector.extract %slice3A_485[0] : i32 from vector<1xi32>
      %shift_right_arithmetic3A_487 = arith.constant 3 : i32
      %shift_right_arithmetic3A_488 = arith.shrsi %squeeze3A_486, %shift_right_arithmetic3A_487 : i32
      %slice3A_489 = vector.extract_strided_slice %get3A_247 {offsets = [11], sizes = [1], strides = [1]} : vector<16xi32> to vector<1xi32>
      %squeeze3A_490 = vector.extract %slice3A_489[0] : i32 from vector<1xi32>
      %and3A_491 = arith.constant 7 : i32
      %and3A_492 = arith.andi %squeeze3A_490, %and3A_491 : i32
      %mul3A_493 = arith.constant 2 : i32
      %mul3A_494 = arith.muli %scan3A_241, %mul3A_493 : i32
      %add3A_495 = arith.constant 1 : i32
      %add3A_496 = arith.addi %mul3A_494, %add3A_495 : i32
      %dma_start3A_497 = arith.constant 3 : i32
      %dma_start3A_498 = arith.constant 0 : i32
      %dma_start3A_499 = tpu.memref_slice %arg8[%add3A_496, %dma_start3A_497, %dma_start3A_498] : memref<16x8x32xf32, #tpu.memory_space<vmem>> -> memref<1x1x32xf32, #tpu.memory_space<vmem>>
      %dma_start3A_500 = arith.constant 0 : i32
      %dma_start3A_501 = tpu.memref_slice %arg2[%shift_right_arithmetic3A_488, %and3A_492, %dma_start3A_500] : memref<125000x8x32xf32, #tpu.memory_space<hbm>> -> memref<1x1x32xf32, #tpu.memory_space<hbm>>
      %dma_start3A_502 = arith.constant 3 : i32
      %dma_start3A_503 = arith.constant 0 : i32
      %dma_start3A_504 = tpu.memref_slice %arg8[%add3A_496, %dma_start3A_502, %dma_start3A_503] : memref<16x8x32xf32, #tpu.memory_space<vmem>> -> memref<1x1x32xf32, #tpu.memory_space<vmem>>
      %dma_start3A_505 = arith.constant 0 : i32
      %dma_start3A_506 = tpu.memref_slice %arg2[%shift_right_arithmetic3A_488, %and3A_492, %dma_start3A_505] : memref<125000x8x32xf32, #tpu.memory_space<hbm>> -> memref<1x1x32xf32, #tpu.memory_space<hbm>>
      tpu.enqueue_dma source(%dma_start3A_506 : memref<1x1x32xf32, #tpu.memory_space<hbm>>) target(%dma_start3A_504 : memref<1x1x32xf32, #tpu.memory_space<vmem>>) target_semaphore(%arg12 : memref<!tpu.dma_semaphore, #tpu.memory_space<semaphore_mem>>)
      %slice3A_507 = vector.extract_strided_slice %get3A_247 {offsets = [12], sizes = [1], strides = [1]} : vector<16xi32> to vector<1xi32>
      %squeeze3A_508 = vector.extract %slice3A_507[0] : i32 from vector<1xi32>
      %shift_right_arithmetic3A_509 = arith.constant 3 : i32
      %shift_right_arithmetic3A_510 = arith.shrsi %squeeze3A_508, %shift_right_arithmetic3A_509 : i32
      %slice3A_511 = vector.extract_strided_slice %get3A_247 {offsets = [12], sizes = [1], strides = [1]} : vector<16xi32> to vector<1xi32>
      %squeeze3A_512 = vector.extract %slice3A_511[0] : i32 from vector<1xi32>
      %and3A_513 = arith.constant 7 : i32
      %and3A_514 = arith.andi %squeeze3A_512, %and3A_513 : i32
      %mul3A_515 = arith.constant 2 : i32
      %mul3A_516 = arith.muli %scan3A_241, %mul3A_515 : i32
      %add3A_517 = arith.constant 1 : i32
      %add3A_518 = arith.addi %mul3A_516, %add3A_517 : i32
      %dma_start3A_519 = arith.constant 4 : i32
      %dma_start3A_520 = arith.constant 0 : i32
      %dma_start3A_521 = tpu.memref_slice %arg8[%add3A_518, %dma_start3A_519, %dma_start3A_520] : memref<16x8x32xf32, #tpu.memory_space<vmem>> -> memref<1x1x32xf32, #tpu.memory_space<vmem>>
      %dma_start3A_522 = arith.constant 0 : i32
      %dma_start3A_523 = tpu.memref_slice %arg2[%shift_right_arithmetic3A_510, %and3A_514, %dma_start3A_522] : memref<125000x8x32xf32, #tpu.memory_space<hbm>> -> memref<1x1x32xf32, #tpu.memory_space<hbm>>
      %dma_start3A_524 = arith.constant 4 : i32
      %dma_start3A_525 = arith.constant 0 : i32
      %dma_start3A_526 = tpu.memref_slice %arg8[%add3A_518, %dma_start3A_524, %dma_start3A_525] : memref<16x8x32xf32, #tpu.memory_space<vmem>> -> memref<1x1x32xf32, #tpu.memory_space<vmem>>
      %dma_start3A_527 = arith.constant 0 : i32
      %dma_start3A_528 = tpu.memref_slice %arg2[%shift_right_arithmetic3A_510, %and3A_514, %dma_start3A_527] : memref<125000x8x32xf32, #tpu.memory_space<hbm>> -> memref<1x1x32xf32, #tpu.memory_space<hbm>>
      tpu.enqueue_dma source(%dma_start3A_528 : memref<1x1x32xf32, #tpu.memory_space<hbm>>) target(%dma_start3A_526 : memref<1x1x32xf32, #tpu.memory_space<vmem>>) target_semaphore(%arg12 : memref<!tpu.dma_semaphore, #tpu.memory_space<semaphore_mem>>)
      %slice3A_529 = vector.extract_strided_slice %get3A_247 {offsets = [13], sizes = [1], strides = [1]} : vector<16xi32> to vector<1xi32>
      %squeeze3A_530 = vector.extract %slice3A_529[0] : i32 from vector<1xi32>
      %shift_right_arithmetic3A_531 = arith.constant 3 : i32
      %shift_right_arithmetic3A_532 = arith.shrsi %squeeze3A_530, %shift_right_arithmetic3A_531 : i32
      %slice3A_533 = vector.extract_strided_slice %get3A_247 {offsets = [13], sizes = [1], strides = [1]} : vector<16xi32> to vector<1xi32>
      %squeeze3A_534 = vector.extract %slice3A_533[0] : i32 from vector<1xi32>
      %and3A_535 = arith.constant 7 : i32
      %and3A_536 = arith.andi %squeeze3A_534, %and3A_535 : i32
      %mul3A_537 = arith.constant 2 : i32
      %mul3A_538 = arith.muli %scan3A_241, %mul3A_537 : i32
      %add3A_539 = arith.constant 1 : i32
      %add3A_540 = arith.addi %mul3A_538, %add3A_539 : i32
      %dma_start3A_541 = arith.constant 5 : i32
      %dma_start3A_542 = arith.constant 0 : i32
      %dma_start3A_543 = tpu.memref_slice %arg8[%add3A_540, %dma_start3A_541, %dma_start3A_542] : memref<16x8x32xf32, #tpu.memory_space<vmem>> -> memref<1x1x32xf32, #tpu.memory_space<vmem>>
      %dma_start3A_544 = arith.constant 0 : i32
      %dma_start3A_545 = tpu.memref_slice %arg2[%shift_right_arithmetic3A_532, %and3A_536, %dma_start3A_544] : memref<125000x8x32xf32, #tpu.memory_space<hbm>> -> memref<1x1x32xf32, #tpu.memory_space<hbm>>
      %dma_start3A_546 = arith.constant 5 : i32
      %dma_start3A_547 = arith.constant 0 : i32
      %dma_start3A_548 = tpu.memref_slice %arg8[%add3A_540, %dma_start3A_546, %dma_start3A_547] : memref<16x8x32xf32, #tpu.memory_space<vmem>> -> memref<1x1x32xf32, #tpu.memory_space<vmem>>
      %dma_start3A_549 = arith.constant 0 : i32
      %dma_start3A_550 = tpu.memref_slice %arg2[%shift_right_arithmetic3A_532, %and3A_536, %dma_start3A_549] : memref<125000x8x32xf32, #tpu.memory_space<hbm>> -> memref<1x1x32xf32, #tpu.memory_space<hbm>>
      tpu.enqueue_dma source(%dma_start3A_550 : memref<1x1x32xf32, #tpu.memory_space<hbm>>) target(%dma_start3A_548 : memref<1x1x32xf32, #tpu.memory_space<vmem>>) target_semaphore(%arg12 : memref<!tpu.dma_semaphore, #tpu.memory_space<semaphore_mem>>)
      %slice3A_551 = vector.extract_strided_slice %get3A_247 {offsets = [14], sizes = [1], strides = [1]} : vector<16xi32> to vector<1xi32>
      %squeeze3A_552 = vector.extract %slice3A_551[0] : i32 from vector<1xi32>
      %shift_right_arithmetic3A_553 = arith.constant 3 : i32
      %shift_right_arithmetic3A_554 = arith.shrsi %squeeze3A_552, %shift_right_arithmetic3A_553 : i32
      %slice3A_555 = vector.extract_strided_slice %get3A_247 {offsets = [14], sizes = [1], strides = [1]} : vector<16xi32> to vector<1xi32>
      %squeeze3A_556 = vector.extract %slice3A_555[0] : i32 from vector<1xi32>
      %and3A_557 = arith.constant 7 : i32
      %and3A_558 = arith.andi %squeeze3A_556, %and3A_557 : i32
      %mul3A_559 = arith.constant 2 : i32
      %mul3A_560 = arith.muli %scan3A_241, %mul3A_559 : i32
      %add3A_561 = arith.constant 1 : i32
      %add3A_562 = arith.addi %mul3A_560, %add3A_561 : i32
      %dma_start3A_563 = arith.constant 6 : i32
      %dma_start3A_564 = arith.constant 0 : i32
      %dma_start3A_565 = tpu.memref_slice %arg8[%add3A_562, %dma_start3A_563, %dma_start3A_564] : memref<16x8x32xf32, #tpu.memory_space<vmem>> -> memref<1x1x32xf32, #tpu.memory_space<vmem>>
      %dma_start3A_566 = arith.constant 0 : i32
      %dma_start3A_567 = tpu.memref_slice %arg2[%shift_right_arithmetic3A_554, %and3A_558, %dma_start3A_566] : memref<125000x8x32xf32, #tpu.memory_space<hbm>> -> memref<1x1x32xf32, #tpu.memory_space<hbm>>
      %dma_start3A_568 = arith.constant 6 : i32
      %dma_start3A_569 = arith.constant 0 : i32
      %dma_start3A_570 = tpu.memref_slice %arg8[%add3A_562, %dma_start3A_568, %dma_start3A_569] : memref<16x8x32xf32, #tpu.memory_space<vmem>> -> memref<1x1x32xf32, #tpu.memory_space<vmem>>
      %dma_start3A_571 = arith.constant 0 : i32
      %dma_start3A_572 = tpu.memref_slice %arg2[%shift_right_arithmetic3A_554, %and3A_558, %dma_start3A_571] : memref<125000x8x32xf32, #tpu.memory_space<hbm>> -> memref<1x1x32xf32, #tpu.memory_space<hbm>>
      tpu.enqueue_dma source(%dma_start3A_572 : memref<1x1x32xf32, #tpu.memory_space<hbm>>) target(%dma_start3A_570 : memref<1x1x32xf32, #tpu.memory_space<vmem>>) target_semaphore(%arg12 : memref<!tpu.dma_semaphore, #tpu.memory_space<semaphore_mem>>)
      %slice3A_573 = vector.extract_strided_slice %get3A_247 {offsets = [15], sizes = [1], strides = [1]} : vector<16xi32> to vector<1xi32>
      %squeeze3A_574 = vector.extract %slice3A_573[0] : i32 from vector<1xi32>
      %shift_right_arithmetic3A_575 = arith.constant 3 : i32
      %shift_right_arithmetic3A_576 = arith.shrsi %squeeze3A_574, %shift_right_arithmetic3A_575 : i32
      %slice3A_577 = vector.extract_strided_slice %get3A_247 {offsets = [15], sizes = [1], strides = [1]} : vector<16xi32> to vector<1xi32>
      %squeeze3A_578 = vector.extract %slice3A_577[0] : i32 from vector<1xi32>
      %and3A_579 = arith.constant 7 : i32
      %and3A_580 = arith.andi %squeeze3A_578, %and3A_579 : i32
      %mul3A_581 = arith.constant 2 : i32
      %mul3A_582 = arith.muli %scan3A_241, %mul3A_581 : i32
      %add3A_583 = arith.constant 1 : i32
      %add3A_584 = arith.addi %mul3A_582, %add3A_583 : i32
      %dma_start3A_585 = arith.constant 7 : i32
      %dma_start3A_586 = arith.constant 0 : i32
      %dma_start3A_587 = tpu.memref_slice %arg8[%add3A_584, %dma_start3A_585, %dma_start3A_586] : memref<16x8x32xf32, #tpu.memory_space<vmem>> -> memref<1x1x32xf32, #tpu.memory_space<vmem>>
      %dma_start3A_588 = arith.constant 0 : i32
      %dma_start3A_589 = tpu.memref_slice %arg2[%shift_right_arithmetic3A_576, %and3A_580, %dma_start3A_588] : memref<125000x8x32xf32, #tpu.memory_space<hbm>> -> memref<1x1x32xf32, #tpu.memory_space<hbm>>
      %dma_start3A_590 = arith.constant 7 : i32
      %dma_start3A_591 = arith.constant 0 : i32
      %dma_start3A_592 = tpu.memref_slice %arg8[%add3A_584, %dma_start3A_590, %dma_start3A_591] : memref<16x8x32xf32, #tpu.memory_space<vmem>> -> memref<1x1x32xf32, #tpu.memory_space<vmem>>
      %dma_start3A_593 = arith.constant 0 : i32
      %dma_start3A_594 = tpu.memref_slice %arg2[%shift_right_arithmetic3A_576, %and3A_580, %dma_start3A_593] : memref<125000x8x32xf32, #tpu.memory_space<hbm>> -> memref<1x1x32xf32, #tpu.memory_space<hbm>>
      tpu.enqueue_dma source(%dma_start3A_594 : memref<1x1x32xf32, #tpu.memory_space<hbm>>) target(%dma_start3A_592 : memref<1x1x32xf32, #tpu.memory_space<vmem>>) target_semaphore(%arg12 : memref<!tpu.dma_semaphore, #tpu.memory_space<semaphore_mem>>)
      %scan3A_595 = arith.constant 0 : i32
      scf.yield %scan3A_595 : i32
    }
    %scan3A_8 = arith.constant 8 : i32
    %scan3A_9 = arith.constant 0 : i32
    %scan3A_10 = arith.constant 0 : i32
    %scan3A_11 = arith.constant 8 : i32
    %scan3A_12 = arith.addi %scan3A_10, %scan3A_11 : i32
    %scan3A_13 = arith.constant 1 : i32
    %scan3A_14 = scf.for %scan3A_241 = %scan3A_10 to %scan3A_12 step %scan3A_13 iter_args(%scan3A_242 = %scan3A_9) -> (i32)  : i32 {
      %mul3A_243 = arith.constant 16 : i32
      %mul3A_244 = arith.muli %scan3A_241, %mul3A_243 : i32
      %add3A_245 = arith.constant 128 : i32
      %add3A_246 = arith.addi %add3A_245, %mul3A_244 : i32
      %get3A = arith.index_cast %add3A_246 : i32 to index
      %get3A_247 = tpu.vector_load %arg7[%get3A] {strides = array<i32>} : memref<1024xi32, #tpu.memory_space<vmem>>, vector<16xi32>,
      %slice3A = vector.extract_strided_slice %get3A_247 {offsets = [0], sizes = [1], strides = [1]} : vector<16xi32> to vector<1xi32>
      %squeeze3A = vector.extract %slice3A[0] : i32 from vector<1xi32>
      %shift_right_arithmetic3A = arith.constant 3 : i32
      %shift_right_arithmetic3A_248 = arith.shrsi %squeeze3A, %shift_right_arithmetic3A : i32
      %slice3A_249 = vector.extract_strided_slice %get3A_247 {offsets = [0], sizes = [1], strides = [1]} : vector<16xi32> to vector<1xi32>
      %squeeze3A_250 = vector.extract %slice3A_249[0] : i32 from vector<1xi32>
      %and3A = arith.constant 7 : i32
      %and3A_251 = arith.andi %squeeze3A_250, %and3A : i32
      %mul3A_252 = arith.constant 2 : i32
      %mul3A_253 = arith.muli %scan3A_241, %mul3A_252 : i32
      %add3A_254 = arith.constant 0 : i32
      %add3A_255 = arith.addi %mul3A_253, %add3A_254 : i32
      %dma_start3A = arith.constant 0 : i32
      %dma_start3A_256 = arith.constant 0 : i32
      %dma_start3A_257 = tpu.memref_slice %arg9[%add3A_255, %dma_start3A, %dma_start3A_256] : memref<16x8x32xf32, #tpu.memory_space<vmem>> -> memref<1x1x32xf32, #tpu.memory_space<vmem>>
      %dma_start3A_258 = arith.constant 0 : i32
      %dma_start3A_259 = tpu.memref_slice %arg2[%shift_right_arithmetic3A_248, %and3A_251, %dma_start3A_258] : memref<125000x8x32xf32, #tpu.memory_space<hbm>> -> memref<1x1x32xf32, #tpu.memory_space<hbm>>
      %dma_start3A_260 = arith.constant 0 : i32
      %dma_start3A_261 = arith.constant 0 : i32
      %dma_start3A_262 = tpu.memref_slice %arg9[%add3A_255, %dma_start3A_260, %dma_start3A_261] : memref<16x8x32xf32, #tpu.memory_space<vmem>> -> memref<1x1x32xf32, #tpu.memory_space<vmem>>
      %dma_start3A_263 = arith.constant 0 : i32
      %dma_start3A_264 = tpu.memref_slice %arg2[%shift_right_arithmetic3A_248, %and3A_251, %dma_start3A_263] : memref<125000x8x32xf32, #tpu.memory_space<hbm>> -> memref<1x1x32xf32, #tpu.memory_space<hbm>>
      tpu.enqueue_dma source(%dma_start3A_264 : memref<1x1x32xf32, #tpu.memory_space<hbm>>) target(%dma_start3A_262 : memref<1x1x32xf32, #tpu.memory_space<vmem>>) target_semaphore(%arg13 : memref<!tpu.dma_semaphore, #tpu.memory_space<semaphore_mem>>)
      %slice3A_265 = vector.extract_strided_slice %get3A_247 {offsets = [1], sizes = [1], strides = [1]} : vector<16xi32> to vector<1xi32>
      %squeeze3A_266 = vector.extract %slice3A_265[0] : i32 from vector<1xi32>
      %shift_right_arithmetic3A_267 = arith.constant 3 : i32
      %shift_right_arithmetic3A_268 = arith.shrsi %squeeze3A_266, %shift_right_arithmetic3A_267 : i32
      %slice3A_269 = vector.extract_strided_slice %get3A_247 {offsets = [1], sizes = [1], strides = [1]} : vector<16xi32> to vector<1xi32>
      %squeeze3A_270 = vector.extract %slice3A_269[0] : i32 from vector<1xi32>
      %and3A_271 = arith.constant 7 : i32
      %and3A_272 = arith.andi %squeeze3A_270, %and3A_271 : i32
      %mul3A_273 = arith.constant 2 : i32
      %mul3A_274 = arith.muli %scan3A_241, %mul3A_273 : i32
      %add3A_275 = arith.constant 0 : i32
      %add3A_276 = arith.addi %mul3A_274, %add3A_275 : i32
      %dma_start3A_277 = arith.constant 1 : i32
      %dma_start3A_278 = arith.constant 0 : i32
      %dma_start3A_279 = tpu.memref_slice %arg9[%add3A_276, %dma_start3A_277, %dma_start3A_278] : memref<16x8x32xf32, #tpu.memory_space<vmem>> -> memref<1x1x32xf32, #tpu.memory_space<vmem>>
      %dma_start3A_280 = arith.constant 0 : i32
      %dma_start3A_281 = tpu.memref_slice %arg2[%shift_right_arithmetic3A_268, %and3A_272, %dma_start3A_280] : memref<125000x8x32xf32, #tpu.memory_space<hbm>> -> memref<1x1x32xf32, #tpu.memory_space<hbm>>
      %dma_start3A_282 = arith.constant 1 : i32
      %dma_start3A_283 = arith.constant 0 : i32
      %dma_start3A_284 = tpu.memref_slice %arg9[%add3A_276, %dma_start3A_282, %dma_start3A_283] : memref<16x8x32xf32, #tpu.memory_space<vmem>> -> memref<1x1x32xf32, #tpu.memory_space<vmem>>
      %dma_start3A_285 = arith.constant 0 : i32
      %dma_start3A_286 = tpu.memref_slice %arg2[%shift_right_arithmetic3A_268, %and3A_272, %dma_start3A_285] : memref<125000x8x32xf32, #tpu.memory_space<hbm>> -> memref<1x1x32xf32, #tpu.memory_space<hbm>>
      tpu.enqueue_dma source(%dma_start3A_286 : memref<1x1x32xf32, #tpu.memory_space<hbm>>) target(%dma_start3A_284 : memref<1x1x32xf32, #tpu.memory_space<vmem>>) target_semaphore(%arg13 : memref<!tpu.dma_semaphore, #tpu.memory_space<semaphore_mem>>)
      %slice3A_287 = vector.extract_strided_slice %get3A_247 {offsets = [2], sizes = [1], strides = [1]} : vector<16xi32> to vector<1xi32>
      %squeeze3A_288 = vector.extract %slice3A_287[0] : i32 from vector<1xi32>
      %shift_right_arithmetic3A_289 = arith.constant 3 : i32
      %shift_right_arithmetic3A_290 = arith.shrsi %squeeze3A_288, %shift_right_arithmetic3A_289 : i32
      %slice3A_291 = vector.extract_strided_slice %get3A_247 {offsets = [2], sizes = [1], strides = [1]} : vector<16xi32> to vector<1xi32>
      %squeeze3A_292 = vector.extract %slice3A_291[0] : i32 from vector<1xi32>
      %and3A_293 = arith.constant 7 : i32
      %and3A_294 = arith.andi %squeeze3A_292, %and3A_293 : i32
      %mul3A_295 = arith.constant 2 : i32
      %mul3A_296 = arith.muli %scan3A_241, %mul3A_295 : i32
      %add3A_297 = arith.constant 0 : i32
      %add3A_298 = arith.addi %mul3A_296, %add3A_297 : i32
      %dma_start3A_299 = arith.constant 2 : i32
      %dma_start3A_300 = arith.constant 0 : i32
      %dma_start3A_301 = tpu.memref_slice %arg9[%add3A_298, %dma_start3A_299, %dma_start3A_300] : memref<16x8x32xf32, #tpu.memory_space<vmem>> -> memref<1x1x32xf32, #tpu.memory_space<vmem>>
      %dma_start3A_302 = arith.constant 0 : i32
      %dma_start3A_303 = tpu.memref_slice %arg2[%shift_right_arithmetic3A_290, %and3A_294, %dma_start3A_302] : memref<125000x8x32xf32, #tpu.memory_space<hbm>> -> memref<1x1x32xf32, #tpu.memory_space<hbm>>
      %dma_start3A_304 = arith.constant 2 : i32
      %dma_start3A_305 = arith.constant 0 : i32
      %dma_start3A_306 = tpu.memref_slice %arg9[%add3A_298, %dma_start3A_304, %dma_start3A_305] : memref<16x8x32xf32, #tpu.memory_space<vmem>> -> memref<1x1x32xf32, #tpu.memory_space<vmem>>
      %dma_start3A_307 = arith.constant 0 : i32
      %dma_start3A_308 = tpu.memref_slice %arg2[%shift_right_arithmetic3A_290, %and3A_294, %dma_start3A_307] : memref<125000x8x32xf32, #tpu.memory_space<hbm>> -> memref<1x1x32xf32, #tpu.memory_space<hbm>>
      tpu.enqueue_dma source(%dma_start3A_308 : memref<1x1x32xf32, #tpu.memory_space<hbm>>) target(%dma_start3A_306 : memref<1x1x32xf32, #tpu.memory_space<vmem>>) target_semaphore(%arg13 : memref<!tpu.dma_semaphore, #tpu.memory_space<semaphore_mem>>)
      %slice3A_309 = vector.extract_strided_slice %get3A_247 {offsets = [3], sizes = [1], strides = [1]} : vector<16xi32> to vector<1xi32>
      %squeeze3A_310 = vector.extract %slice3A_309[0] : i32 from vector<1xi32>
      %shift_right_arithmetic3A_311 = arith.constant 3 : i32
      %shift_right_arithmetic3A_312 = arith.shrsi %squeeze3A_310, %shift_right_arithmetic3A_311 : i32
      %slice3A_313 = vector.extract_strided_slice %get3A_247 {offsets = [3], sizes = [1], strides = [1]} : vector<16xi32> to vector<1xi32>
      %squeeze3A_314 = vector.extract %slice3A_313[0] : i32 from vector<1xi32>
      %and3A_315 = arith.constant 7 : i32
      %and3A_316 = arith.andi %squeeze3A_314, %and3A_315 : i32
      %mul3A_317 = arith.constant 2 : i32
      %mul3A_318 = arith.muli %scan3A_241, %mul3A_317 : i32
      %add3A_319 = arith.constant 0 : i32
      %add3A_320 = arith.addi %mul3A_318, %add3A_319 : i32
      %dma_start3A_321 = arith.constant 3 : i32
      %dma_start3A_322 = arith.constant 0 : i32
      %dma_start3A_323 = tpu.memref_slice %arg9[%add3A_320, %dma_start3A_321, %dma_start3A_322] : memref<16x8x32xf32, #tpu.memory_space<vmem>> -> memref<1x1x32xf32, #tpu.memory_space<vmem>>
      %dma_start3A_324 = arith.constant 0 : i32
      %dma_start3A_325 = tpu.memref_slice %arg2[%shift_right_arithmetic3A_312, %and3A_316, %dma_start3A_324] : memref<125000x8x32xf32, #tpu.memory_space<hbm>> -> memref<1x1x32xf32, #tpu.memory_space<hbm>>
      %dma_start3A_326 = arith.constant 3 : i32
      %dma_start3A_327 = arith.constant 0 : i32
      %dma_start3A_328 = tpu.memref_slice %arg9[%add3A_320, %dma_start3A_326, %dma_start3A_327] : memref<16x8x32xf32, #tpu.memory_space<vmem>> -> memref<1x1x32xf32, #tpu.memory_space<vmem>>
      %dma_start3A_329 = arith.constant 0 : i32
      %dma_start3A_330 = tpu.memref_slice %arg2[%shift_right_arithmetic3A_312, %and3A_316, %dma_start3A_329] : memref<125000x8x32xf32, #tpu.memory_space<hbm>> -> memref<1x1x32xf32, #tpu.memory_space<hbm>>
      tpu.enqueue_dma source(%dma_start3A_330 : memref<1x1x32xf32, #tpu.memory_space<hbm>>) target(%dma_start3A_328 : memref<1x1x32xf32, #tpu.memory_space<vmem>>) target_semaphore(%arg13 : memref<!tpu.dma_semaphore, #tpu.memory_space<semaphore_mem>>)
      %slice3A_331 = vector.extract_strided_slice %get3A_247 {offsets = [4], sizes = [1], strides = [1]} : vector<16xi32> to vector<1xi32>
      %squeeze3A_332 = vector.extract %slice3A_331[0] : i32 from vector<1xi32>
      %shift_right_arithmetic3A_333 = arith.constant 3 : i32
      %shift_right_arithmetic3A_334 = arith.shrsi %squeeze3A_332, %shift_right_arithmetic3A_333 : i32
      %slice3A_335 = vector.extract_strided_slice %get3A_247 {offsets = [4], sizes = [1], strides = [1]} : vector<16xi32> to vector<1xi32>
      %squeeze3A_336 = vector.extract %slice3A_335[0] : i32 from vector<1xi32>
      %and3A_337 = arith.constant 7 : i32
      %and3A_338 = arith.andi %squeeze3A_336, %and3A_337 : i32
      %mul3A_339 = arith.constant 2 : i32
      %mul3A_340 = arith.muli %scan3A_241, %mul3A_339 : i32
      %add3A_341 = arith.constant 0 : i32
      %add3A_342 = arith.addi %mul3A_340, %add3A_341 : i32
      %dma_start3A_343 = arith.constant 4 : i32
      %dma_start3A_344 = arith.constant 0 : i32
      %dma_start3A_345 = tpu.memref_slice %arg9[%add3A_342, %dma_start3A_343, %dma_start3A_344] : memref<16x8x32xf32, #tpu.memory_space<vmem>> -> memref<1x1x32xf32, #tpu.memory_space<vmem>>
      %dma_start3A_346 = arith.constant 0 : i32
      %dma_start3A_347 = tpu.memref_slice %arg2[%shift_right_arithmetic3A_334, %and3A_338, %dma_start3A_346] : memref<125000x8x32xf32, #tpu.memory_space<hbm>> -> memref<1x1x32xf32, #tpu.memory_space<hbm>>
      %dma_start3A_348 = arith.constant 4 : i32
      %dma_start3A_349 = arith.constant 0 : i32
      %dma_start3A_350 = tpu.memref_slice %arg9[%add3A_342, %dma_start3A_348, %dma_start3A_349] : memref<16x8x32xf32, #tpu.memory_space<vmem>> -> memref<1x1x32xf32, #tpu.memory_space<vmem>>
      %dma_start3A_351 = arith.constant 0 : i32
      %dma_start3A_352 = tpu.memref_slice %arg2[%shift_right_arithmetic3A_334, %and3A_338, %dma_start3A_351] : memref<125000x8x32xf32, #tpu.memory_space<hbm>> -> memref<1x1x32xf32, #tpu.memory_space<hbm>>
      tpu.enqueue_dma source(%dma_start3A_352 : memref<1x1x32xf32, #tpu.memory_space<hbm>>) target(%dma_start3A_350 : memref<1x1x32xf32, #tpu.memory_space<vmem>>) target_semaphore(%arg13 : memref<!tpu.dma_semaphore, #tpu.memory_space<semaphore_mem>>)
      %slice3A_353 = vector.extract_strided_slice %get3A_247 {offsets = [5], sizes = [1], strides = [1]} : vector<16xi32> to vector<1xi32>
      %squeeze3A_354 = vector.extract %slice3A_353[0] : i32 from vector<1xi32>
      %shift_right_arithmetic3A_355 = arith.constant 3 : i32
      %shift_right_arithmetic3A_356 = arith.shrsi %squeeze3A_354, %shift_right_arithmetic3A_355 : i32
      %slice3A_357 = vector.extract_strided_slice %get3A_247 {offsets = [5], sizes = [1], strides = [1]} : vector<16xi32> to vector<1xi32>
      %squeeze3A_358 = vector.extract %slice3A_357[0] : i32 from vector<1xi32>
      %and3A_359 = arith.constant 7 : i32
      %and3A_360 = arith.andi %squeeze3A_358, %and3A_359 : i32
      %mul3A_361 = arith.constant 2 : i32
      %mul3A_362 = arith.muli %scan3A_241, %mul3A_361 : i32
      %add3A_363 = arith.constant 0 : i32
      %add3A_364 = arith.addi %mul3A_362, %add3A_363 : i32
      %dma_start3A_365 = arith.constant 5 : i32
      %dma_start3A_366 = arith.constant 0 : i32
      %dma_start3A_367 = tpu.memref_slice %arg9[%add3A_364, %dma_start3A_365, %dma_start3A_366] : memref<16x8x32xf32, #tpu.memory_space<vmem>> -> memref<1x1x32xf32, #tpu.memory_space<vmem>>
      %dma_start3A_368 = arith.constant 0 : i32
      %dma_start3A_369 = tpu.memref_slice %arg2[%shift_right_arithmetic3A_356, %and3A_360, %dma_start3A_368] : memref<125000x8x32xf32, #tpu.memory_space<hbm>> -> memref<1x1x32xf32, #tpu.memory_space<hbm>>
      %dma_start3A_370 = arith.constant 5 : i32
      %dma_start3A_371 = arith.constant 0 : i32
      %dma_start3A_372 = tpu.memref_slice %arg9[%add3A_364, %dma_start3A_370, %dma_start3A_371] : memref<16x8x32xf32, #tpu.memory_space<vmem>> -> memref<1x1x32xf32, #tpu.memory_space<vmem>>
      %dma_start3A_373 = arith.constant 0 : i32
      %dma_start3A_374 = tpu.memref_slice %arg2[%shift_right_arithmetic3A_356, %and3A_360, %dma_start3A_373] : memref<125000x8x32xf32, #tpu.memory_space<hbm>> -> memref<1x1x32xf32, #tpu.memory_space<hbm>>
      tpu.enqueue_dma source(%dma_start3A_374 : memref<1x1x32xf32, #tpu.memory_space<hbm>>) target(%dma_start3A_372 : memref<1x1x32xf32, #tpu.memory_space<vmem>>) target_semaphore(%arg13 : memref<!tpu.dma_semaphore, #tpu.memory_space<semaphore_mem>>)
      %slice3A_375 = vector.extract_strided_slice %get3A_247 {offsets = [6], sizes = [1], strides = [1]} : vector<16xi32> to vector<1xi32>
      %squeeze3A_376 = vector.extract %slice3A_375[0] : i32 from vector<1xi32>
      %shift_right_arithmetic3A_377 = arith.constant 3 : i32
      %shift_right_arithmetic3A_378 = arith.shrsi %squeeze3A_376, %shift_right_arithmetic3A_377 : i32
      %slice3A_379 = vector.extract_strided_slice %get3A_247 {offsets = [6], sizes = [1], strides = [1]} : vector<16xi32> to vector<1xi32>
      %squeeze3A_380 = vector.extract %slice3A_379[0] : i32 from vector<1xi32>
      %and3A_381 = arith.constant 7 : i32
      %and3A_382 = arith.andi %squeeze3A_380, %and3A_381 : i32
      %mul3A_383 = arith.constant 2 : i32
      %mul3A_384 = arith.muli %scan3A_241, %mul3A_383 : i32
      %add3A_385 = arith.constant 0 : i32
      %add3A_386 = arith.addi %mul3A_384, %add3A_385 : i32
      %dma_start3A_387 = arith.constant 6 : i32
      %dma_start3A_388 = arith.constant 0 : i32
      %dma_start3A_389 = tpu.memref_slice %arg9[%add3A_386, %dma_start3A_387, %dma_start3A_388] : memref<16x8x32xf32, #tpu.memory_space<vmem>> -> memref<1x1x32xf32, #tpu.memory_space<vmem>>
      %dma_start3A_390 = arith.constant 0 : i32
      %dma_start3A_391 = tpu.memref_slice %arg2[%shift_right_arithmetic3A_378, %and3A_382, %dma_start3A_390] : memref<125000x8x32xf32, #tpu.memory_space<hbm>> -> memref<1x1x32xf32, #tpu.memory_space<hbm>>
      %dma_start3A_392 = arith.constant 6 : i32
      %dma_start3A_393 = arith.constant 0 : i32
      %dma_start3A_394 = tpu.memref_slice %arg9[%add3A_386, %dma_start3A_392, %dma_start3A_393] : memref<16x8x32xf32, #tpu.memory_space<vmem>> -> memref<1x1x32xf32, #tpu.memory_space<vmem>>
      %dma_start3A_395 = arith.constant 0 : i32
      %dma_start3A_396 = tpu.memref_slice %arg2[%shift_right_arithmetic3A_378, %and3A_382, %dma_start3A_395] : memref<125000x8x32xf32, #tpu.memory_space<hbm>> -> memref<1x1x32xf32, #tpu.memory_space<hbm>>
      tpu.enqueue_dma source(%dma_start3A_396 : memref<1x1x32xf32, #tpu.memory_space<hbm>>) target(%dma_start3A_394 : memref<1x1x32xf32, #tpu.memory_space<vmem>>) target_semaphore(%arg13 : memref<!tpu.dma_semaphore, #tpu.memory_space<semaphore_mem>>)
      %slice3A_397 = vector.extract_strided_slice %get3A_247 {offsets = [7], sizes = [1], strides = [1]} : vector<16xi32> to vector<1xi32>
      %squeeze3A_398 = vector.extract %slice3A_397[0] : i32 from vector<1xi32>
      %shift_right_arithmetic3A_399 = arith.constant 3 : i32
      %shift_right_arithmetic3A_400 = arith.shrsi %squeeze3A_398, %shift_right_arithmetic3A_399 : i32
      %slice3A_401 = vector.extract_strided_slice %get3A_247 {offsets = [7], sizes = [1], strides = [1]} : vector<16xi32> to vector<1xi32>
      %squeeze3A_402 = vector.extract %slice3A_401[0] : i32 from vector<1xi32>
      %and3A_403 = arith.constant 7 : i32
      %and3A_404 = arith.andi %squeeze3A_402, %and3A_403 : i32
      %mul3A_405 = arith.constant 2 : i32
      %mul3A_406 = arith.muli %scan3A_241, %mul3A_405 : i32
      %add3A_407 = arith.constant 0 : i32
      %add3A_408 = arith.addi %mul3A_406, %add3A_407 : i32
      %dma_start3A_409 = arith.constant 7 : i32
      %dma_start3A_410 = arith.constant 0 : i32
      %dma_start3A_411 = tpu.memref_slice %arg9[%add3A_408, %dma_start3A_409, %dma_start3A_410] : memref<16x8x32xf32, #tpu.memory_space<vmem>> -> memref<1x1x32xf32, #tpu.memory_space<vmem>>
      %dma_start3A_412 = arith.constant 0 : i32
      %dma_start3A_413 = tpu.memref_slice %arg2[%shift_right_arithmetic3A_400, %and3A_404, %dma_start3A_412] : memref<125000x8x32xf32, #tpu.memory_space<hbm>> -> memref<1x1x32xf32, #tpu.memory_space<hbm>>
      %dma_start3A_414 = arith.constant 7 : i32
      %dma_start3A_415 = arith.constant 0 : i32
      %dma_start3A_416 = tpu.memref_slice %arg9[%add3A_408, %dma_start3A_414, %dma_start3A_415] : memref<16x8x32xf32, #tpu.memory_space<vmem>> -> memref<1x1x32xf32, #tpu.memory_space<vmem>>
      %dma_start3A_417 = arith.constant 0 : i32
      %dma_start3A_418 = tpu.memref_slice %arg2[%shift_right_arithmetic3A_400, %and3A_404, %dma_start3A_417] : memref<125000x8x32xf32, #tpu.memory_space<hbm>> -> memref<1x1x32xf32, #tpu.memory_space<hbm>>
      tpu.enqueue_dma source(%dma_start3A_418 : memref<1x1x32xf32, #tpu.memory_space<hbm>>) target(%dma_start3A_416 : memref<1x1x32xf32, #tpu.memory_space<vmem>>) target_semaphore(%arg13 : memref<!tpu.dma_semaphore, #tpu.memory_space<semaphore_mem>>)
      %slice3A_419 = vector.extract_strided_slice %get3A_247 {offsets = [8], sizes = [1], strides = [1]} : vector<16xi32> to vector<1xi32>
      %squeeze3A_420 = vector.extract %slice3A_419[0] : i32 from vector<1xi32>
      %shift_right_arithmetic3A_421 = arith.constant 3 : i32
      %shift_right_arithmetic3A_422 = arith.shrsi %squeeze3A_420, %shift_right_arithmetic3A_421 : i32
      %slice3A_423 = vector.extract_strided_slice %get3A_247 {offsets = [8], sizes = [1], strides = [1]} : vector<16xi32> to vector<1xi32>
      %squeeze3A_424 = vector.extract %slice3A_423[0] : i32 from vector<1xi32>
      %and3A_425 = arith.constant 7 : i32
      %and3A_426 = arith.andi %squeeze3A_424, %and3A_425 : i32
      %mul3A_427 = arith.constant 2 : i32
      %mul3A_428 = arith.muli %scan3A_241, %mul3A_427 : i32
      %add3A_429 = arith.constant 1 : i32
      %add3A_430 = arith.addi %mul3A_428, %add3A_429 : i32
      %dma_start3A_431 = arith.constant 0 : i32
      %dma_start3A_432 = arith.constant 0 : i32
      %dma_start3A_433 = tpu.memref_slice %arg9[%add3A_430, %dma_start3A_431, %dma_start3A_432] : memref<16x8x32xf32, #tpu.memory_space<vmem>> -> memref<1x1x32xf32, #tpu.memory_space<vmem>>
      %dma_start3A_434 = arith.constant 0 : i32
      %dma_start3A_435 = tpu.memref_slice %arg2[%shift_right_arithmetic3A_422, %and3A_426, %dma_start3A_434] : memref<125000x8x32xf32, #tpu.memory_space<hbm>> -> memref<1x1x32xf32, #tpu.memory_space<hbm>>
      %dma_start3A_436 = arith.constant 0 : i32
      %dma_start3A_437 = arith.constant 0 : i32
      %dma_start3A_438 = tpu.memref_slice %arg9[%add3A_430, %dma_start3A_436, %dma_start3A_437] : memref<16x8x32xf32, #tpu.memory_space<vmem>> -> memref<1x1x32xf32, #tpu.memory_space<vmem>>
      %dma_start3A_439 = arith.constant 0 : i32
      %dma_start3A_440 = tpu.memref_slice %arg2[%shift_right_arithmetic3A_422, %and3A_426, %dma_start3A_439] : memref<125000x8x32xf32, #tpu.memory_space<hbm>> -> memref<1x1x32xf32, #tpu.memory_space<hbm>>
      tpu.enqueue_dma source(%dma_start3A_440 : memref<1x1x32xf32, #tpu.memory_space<hbm>>) target(%dma_start3A_438 : memref<1x1x32xf32, #tpu.memory_space<vmem>>) target_semaphore(%arg13 : memref<!tpu.dma_semaphore, #tpu.memory_space<semaphore_mem>>)
      %slice3A_441 = vector.extract_strided_slice %get3A_247 {offsets = [9], sizes = [1], strides = [1]} : vector<16xi32> to vector<1xi32>
      %squeeze3A_442 = vector.extract %slice3A_441[0] : i32 from vector<1xi32>
      %shift_right_arithmetic3A_443 = arith.constant 3 : i32
      %shift_right_arithmetic3A_444 = arith.shrsi %squeeze3A_442, %shift_right_arithmetic3A_443 : i32
      %slice3A_445 = vector.extract_strided_slice %get3A_247 {offsets = [9], sizes = [1], strides = [1]} : vector<16xi32> to vector<1xi32>
      %squeeze3A_446 = vector.extract %slice3A_445[0] : i32 from vector<1xi32>
      %and3A_447 = arith.constant 7 : i32
      %and3A_448 = arith.andi %squeeze3A_446, %and3A_447 : i32
      %mul3A_449 = arith.constant 2 : i32
      %mul3A_450 = arith.muli %scan3A_241, %mul3A_449 : i32
      %add3A_451 = arith.constant 1 : i32
      %add3A_452 = arith.addi %mul3A_450, %add3A_451 : i32
      %dma_start3A_453 = arith.constant 1 : i32
      %dma_start3A_454 = arith.constant 0 : i32
      %dma_start3A_455 = tpu.memref_slice %arg9[%add3A_452, %dma_start3A_453, %dma_start3A_454] : memref<16x8x32xf32, #tpu.memory_space<vmem>> -> memref<1x1x32xf32, #tpu.memory_space<vmem>>
      %dma_start3A_456 = arith.constant 0 : i32
      %dma_start3A_457 = tpu.memref_slice %arg2[%shift_right_arithmetic3A_444, %and3A_448, %dma_start3A_456] : memref<125000x8x32xf32, #tpu.memory_space<hbm>> -> memref<1x1x32xf32, #tpu.memory_space<hbm>>
      %dma_start3A_458 = arith.constant 1 : i32
      %dma_start3A_459 = arith.constant 0 : i32
      %dma_start3A_460 = tpu.memref_slice %arg9[%add3A_452, %dma_start3A_458, %dma_start3A_459] : memref<16x8x32xf32, #tpu.memory_space<vmem>> -> memref<1x1x32xf32, #tpu.memory_space<vmem>>
      %dma_start3A_461 = arith.constant 0 : i32
      %dma_start3A_462 = tpu.memref_slice %arg2[%shift_right_arithmetic3A_444, %and3A_448, %dma_start3A_461] : memref<125000x8x32xf32, #tpu.memory_space<hbm>> -> memref<1x1x32xf32, #tpu.memory_space<hbm>>
      tpu.enqueue_dma source(%dma_start3A_462 : memref<1x1x32xf32, #tpu.memory_space<hbm>>) target(%dma_start3A_460 : memref<1x1x32xf32, #tpu.memory_space<vmem>>) target_semaphore(%arg13 : memref<!tpu.dma_semaphore, #tpu.memory_space<semaphore_mem>>)
      %slice3A_463 = vector.extract_strided_slice %get3A_247 {offsets = [10], sizes = [1], strides = [1]} : vector<16xi32> to vector<1xi32>
      %squeeze3A_464 = vector.extract %slice3A_463[0] : i32 from vector<1xi32>
      %shift_right_arithmetic3A_465 = arith.constant 3 : i32
      %shift_right_arithmetic3A_466 = arith.shrsi %squeeze3A_464, %shift_right_arithmetic3A_465 : i32
      %slice3A_467 = vector.extract_strided_slice %get3A_247 {offsets = [10], sizes = [1], strides = [1]} : vector<16xi32> to vector<1xi32>
      %squeeze3A_468 = vector.extract %slice3A_467[0] : i32 from vector<1xi32>
      %and3A_469 = arith.constant 7 : i32
      %and3A_470 = arith.andi %squeeze3A_468, %and3A_469 : i32
      %mul3A_471 = arith.constant 2 : i32
      %mul3A_472 = arith.muli %scan3A_241, %mul3A_471 : i32
      %add3A_473 = arith.constant 1 : i32
      %add3A_474 = arith.addi %mul3A_472, %add3A_473 : i32
      %dma_start3A_475 = arith.constant 2 : i32
      %dma_start3A_476 = arith.constant 0 : i32
      %dma_start3A_477 = tpu.memref_slice %arg9[%add3A_474, %dma_start3A_475, %dma_start3A_476] : memref<16x8x32xf32, #tpu.memory_space<vmem>> -> memref<1x1x32xf32, #tpu.memory_space<vmem>>
      %dma_start3A_478 = arith.constant 0 : i32
      %dma_start3A_479 = tpu.memref_slice %arg2[%shift_right_arithmetic3A_466, %and3A_470, %dma_start3A_478] : memref<125000x8x32xf32, #tpu.memory_space<hbm>> -> memref<1x1x32xf32, #tpu.memory_space<hbm>>
      %dma_start3A_480 = arith.constant 2 : i32
      %dma_start3A_481 = arith.constant 0 : i32
      %dma_start3A_482 = tpu.memref_slice %arg9[%add3A_474, %dma_start3A_480, %dma_start3A_481] : memref<16x8x32xf32, #tpu.memory_space<vmem>> -> memref<1x1x32xf32, #tpu.memory_space<vmem>>
      %dma_start3A_483 = arith.constant 0 : i32
      %dma_start3A_484 = tpu.memref_slice %arg2[%shift_right_arithmetic3A_466, %and3A_470, %dma_start3A_483] : memref<125000x8x32xf32, #tpu.memory_space<hbm>> -> memref<1x1x32xf32, #tpu.memory_space<hbm>>
      tpu.enqueue_dma source(%dma_start3A_484 : memref<1x1x32xf32, #tpu.memory_space<hbm>>) target(%dma_start3A_482 : memref<1x1x32xf32, #tpu.memory_space<vmem>>) target_semaphore(%arg13 : memref<!tpu.dma_semaphore, #tpu.memory_space<semaphore_mem>>)
      %slice3A_485 = vector.extract_strided_slice %get3A_247 {offsets = [11], sizes = [1], strides = [1]} : vector<16xi32> to vector<1xi32>
      %squeeze3A_486 = vector.extract %slice3A_485[0] : i32 from vector<1xi32>
      %shift_right_arithmetic3A_487 = arith.constant 3 : i32
      %shift_right_arithmetic3A_488 = arith.shrsi %squeeze3A_486, %shift_right_arithmetic3A_487 : i32
      %slice3A_489 = vector.extract_strided_slice %get3A_247 {offsets = [11], sizes = [1], strides = [1]} : vector<16xi32> to vector<1xi32>
      %squeeze3A_490 = vector.extract %slice3A_489[0] : i32 from vector<1xi32>
      %and3A_491 = arith.constant 7 : i32
      %and3A_492 = arith.andi %squeeze3A_490, %and3A_491 : i32
      %mul3A_493 = arith.constant 2 : i32
      %mul3A_494 = arith.muli %scan3A_241, %mul3A_493 : i32
      %add3A_495 = arith.constant 1 : i32
      %add3A_496 = arith.addi %mul3A_494, %add3A_495 : i32
      %dma_start3A_497 = arith.constant 3 : i32
      %dma_start3A_498 = arith.constant 0 : i32
      %dma_start3A_499 = tpu.memref_slice %arg9[%add3A_496, %dma_start3A_497, %dma_start3A_498] : memref<16x8x32xf32, #tpu.memory_space<vmem>> -> memref<1x1x32xf32, #tpu.memory_space<vmem>>
      %dma_start3A_500 = arith.constant 0 : i32
      %dma_start3A_501 = tpu.memref_slice %arg2[%shift_right_arithmetic3A_488, %and3A_492, %dma_start3A_500] : memref<125000x8x32xf32, #tpu.memory_space<hbm>> -> memref<1x1x32xf32, #tpu.memory_space<hbm>>
      %dma_start3A_502 = arith.constant 3 : i32
      %dma_start3A_503 = arith.constant 0 : i32
      %dma_start3A_504 = tpu.memref_slice %arg9[%add3A_496, %dma_start3A_502, %dma_start3A_503] : memref<16x8x32xf32, #tpu.memory_space<vmem>> -> memref<1x1x32xf32, #tpu.memory_space<vmem>>
      %dma_start3A_505 = arith.constant 0 : i32
      %dma_start3A_506 = tpu.memref_slice %arg2[%shift_right_arithmetic3A_488, %and3A_492, %dma_start3A_505] : memref<125000x8x32xf32, #tpu.memory_space<hbm>> -> memref<1x1x32xf32, #tpu.memory_space<hbm>>
      tpu.enqueue_dma source(%dma_start3A_506 : memref<1x1x32xf32, #tpu.memory_space<hbm>>) target(%dma_start3A_504 : memref<1x1x32xf32, #tpu.memory_space<vmem>>) target_semaphore(%arg13 : memref<!tpu.dma_semaphore, #tpu.memory_space<semaphore_mem>>)
      %slice3A_507 = vector.extract_strided_slice %get3A_247 {offsets = [12], sizes = [1], strides = [1]} : vector<16xi32> to vector<1xi32>
      %squeeze3A_508 = vector.extract %slice3A_507[0] : i32 from vector<1xi32>
      %shift_right_arithmetic3A_509 = arith.constant 3 : i32
      %shift_right_arithmetic3A_510 = arith.shrsi %squeeze3A_508, %shift_right_arithmetic3A_509 : i32
      %slice3A_511 = vector.extract_strided_slice %get3A_247 {offsets = [12], sizes = [1], strides = [1]} : vector<16xi32> to vector<1xi32>
      %squeeze3A_512 = vector.extract %slice3A_511[0] : i32 from vector<1xi32>
      %and3A_513 = arith.constant 7 : i32
      %and3A_514 = arith.andi %squeeze3A_512, %and3A_513 : i32
      %mul3A_515 = arith.constant 2 : i32
      %mul3A_516 = arith.muli %scan3A_241, %mul3A_515 : i32
      %add3A_517 = arith.constant 1 : i32
      %add3A_518 = arith.addi %mul3A_516, %add3A_517 : i32
      %dma_start3A_519 = arith.constant 4 : i32
      %dma_start3A_520 = arith.constant 0 : i32
      %dma_start3A_521 = tpu.memref_slice %arg9[%add3A_518, %dma_start3A_519, %dma_start3A_520] : memref<16x8x32xf32, #tpu.memory_space<vmem>> -> memref<1x1x32xf32, #tpu.memory_space<vmem>>
      %dma_start3A_522 = arith.constant 0 : i32
      %dma_start3A_523 = tpu.memref_slice %arg2[%shift_right_arithmetic3A_510, %and3A_514, %dma_start3A_522] : memref<125000x8x32xf32, #tpu.memory_space<hbm>> -> memref<1x1x32xf32, #tpu.memory_space<hbm>>
      %dma_start3A_524 = arith.constant 4 : i32
      %dma_start3A_525 = arith.constant 0 : i32
      %dma_start3A_526 = tpu.memref_slice %arg9[%add3A_518, %dma_start3A_524, %dma_start3A_525] : memref<16x8x32xf32, #tpu.memory_space<vmem>> -> memref<1x1x32xf32, #tpu.memory_space<vmem>>
      %dma_start3A_527 = arith.constant 0 : i32
      %dma_start3A_528 = tpu.memref_slice %arg2[%shift_right_arithmetic3A_510, %and3A_514, %dma_start3A_527] : memref<125000x8x32xf32, #tpu.memory_space<hbm>> -> memref<1x1x32xf32, #tpu.memory_space<hbm>>
      tpu.enqueue_dma source(%dma_start3A_528 : memref<1x1x32xf32, #tpu.memory_space<hbm>>) target(%dma_start3A_526 : memref<1x1x32xf32, #tpu.memory_space<vmem>>) target_semaphore(%arg13 : memref<!tpu.dma_semaphore, #tpu.memory_space<semaphore_mem>>)
      %slice3A_529 = vector.extract_strided_slice %get3A_247 {offsets = [13], sizes = [1], strides = [1]} : vector<16xi32> to vector<1xi32>
      %squeeze3A_530 = vector.extract %slice3A_529[0] : i32 from vector<1xi32>
      %shift_right_arithmetic3A_531 = arith.constant 3 : i32
      %shift_right_arithmetic3A_532 = arith.shrsi %squeeze3A_530, %shift_right_arithmetic3A_531 : i32
      %slice3A_533 = vector.extract_strided_slice %get3A_247 {offsets = [13], sizes = [1], strides = [1]} : vector<16xi32> to vector<1xi32>
      %squeeze3A_534 = vector.extract %slice3A_533[0] : i32 from vector<1xi32>
      %and3A_535 = arith.constant 7 : i32
      %and3A_536 = arith.andi %squeeze3A_534, %and3A_535 : i32
      %mul3A_537 = arith.constant 2 : i32
      %mul3A_538 = arith.muli %scan3A_241, %mul3A_537 : i32
      %add3A_539 = arith.constant 1 : i32
      %add3A_540 = arith.addi %mul3A_538, %add3A_539 : i32
      %dma_start3A_541 = arith.constant 5 : i32
      %dma_start3A_542 = arith.constant 0 : i32
      %dma_start3A_543 = tpu.memref_slice %arg9[%add3A_540, %dma_start3A_541, %dma_start3A_542] : memref<16x8x32xf32, #tpu.memory_space<vmem>> -> memref<1x1x32xf32, #tpu.memory_space<vmem>>
      %dma_start3A_544 = arith.constant 0 : i32
      %dma_start3A_545 = tpu.memref_slice %arg2[%shift_right_arithmetic3A_532, %and3A_536, %dma_start3A_544] : memref<125000x8x32xf32, #tpu.memory_space<hbm>> -> memref<1x1x32xf32, #tpu.memory_space<hbm>>
      %dma_start3A_546 = arith.constant 5 : i32
      %dma_start3A_547 = arith.constant 0 : i32
      %dma_start3A_548 = tpu.memref_slice %arg9[%add3A_540, %dma_start3A_546, %dma_start3A_547] : memref<16x8x32xf32, #tpu.memory_space<vmem>> -> memref<1x1x32xf32, #tpu.memory_space<vmem>>
      %dma_start3A_549 = arith.constant 0 : i32
      %dma_start3A_550 = tpu.memref_slice %arg2[%shift_right_arithmetic3A_532, %and3A_536, %dma_start3A_549] : memref<125000x8x32xf32, #tpu.memory_space<hbm>> -> memref<1x1x32xf32, #tpu.memory_space<hbm>>
      tpu.enqueue_dma source(%dma_start3A_550 : memref<1x1x32xf32, #tpu.memory_space<hbm>>) target(%dma_start3A_548 : memref<1x1x32xf32, #tpu.memory_space<vmem>>) target_semaphore(%arg13 : memref<!tpu.dma_semaphore, #tpu.memory_space<semaphore_mem>>)
      %slice3A_551 = vector.extract_strided_slice %get3A_247 {offsets = [14], sizes = [1], strides = [1]} : vector<16xi32> to vector<1xi32>
      %squeeze3A_552 = vector.extract %slice3A_551[0] : i32 from vector<1xi32>
      %shift_right_arithmetic3A_553 = arith.constant 3 : i32
      %shift_right_arithmetic3A_554 = arith.shrsi %squeeze3A_552, %shift_right_arithmetic3A_553 : i32
      %slice3A_555 = vector.extract_strided_slice %get3A_247 {offsets = [14], sizes = [1], strides = [1]} : vector<16xi32> to vector<1xi32>
      %squeeze3A_556 = vector.extract %slice3A_555[0] : i32 from vector<1xi32>
      %and3A_557 = arith.constant 7 : i32
      %and3A_558 = arith.andi %squeeze3A_556, %and3A_557 : i32
      %mul3A_559 = arith.constant 2 : i32
      %mul3A_560 = arith.muli %scan3A_241, %mul3A_559 : i32
      %add3A_561 = arith.constant 1 : i32
      %add3A_562 = arith.addi %mul3A_560, %add3A_561 : i32
      %dma_start3A_563 = arith.constant 6 : i32
      %dma_start3A_564 = arith.constant 0 : i32
      %dma_start3A_565 = tpu.memref_slice %arg9[%add3A_562, %dma_start3A_563, %dma_start3A_564] : memref<16x8x32xf32, #tpu.memory_space<vmem>> -> memref<1x1x32xf32, #tpu.memory_space<vmem>>
      %dma_start3A_566 = arith.constant 0 : i32
      %dma_start3A_567 = tpu.memref_slice %arg2[%shift_right_arithmetic3A_554, %and3A_558, %dma_start3A_566] : memref<125000x8x32xf32, #tpu.memory_space<hbm>> -> memref<1x1x32xf32, #tpu.memory_space<hbm>>
      %dma_start3A_568 = arith.constant 6 : i32
      %dma_start3A_569 = arith.constant 0 : i32
      %dma_start3A_570 = tpu.memref_slice %arg9[%add3A_562, %dma_start3A_568, %dma_start3A_569] : memref<16x8x32xf32, #tpu.memory_space<vmem>> -> memref<1x1x32xf32, #tpu.memory_space<vmem>>
      %dma_start3A_571 = arith.constant 0 : i32
      %dma_start3A_572 = tpu.memref_slice %arg2[%shift_right_arithmetic3A_554, %and3A_558, %dma_start3A_571] : memref<125000x8x32xf32, #tpu.memory_space<hbm>> -> memref<1x1x32xf32, #tpu.memory_space<hbm>>
      tpu.enqueue_dma source(%dma_start3A_572 : memref<1x1x32xf32, #tpu.memory_space<hbm>>) target(%dma_start3A_570 : memref<1x1x32xf32, #tpu.memory_space<vmem>>) target_semaphore(%arg13 : memref<!tpu.dma_semaphore, #tpu.memory_space<semaphore_mem>>)
      %slice3A_573 = vector.extract_strided_slice %get3A_247 {offsets = [15], sizes = [1], strides = [1]} : vector<16xi32> to vector<1xi32>
      %squeeze3A_574 = vector.extract %slice3A_573[0] : i32 from vector<1xi32>
      %shift_right_arithmetic3A_575 = arith.constant 3 : i32
      %shift_right_arithmetic3A_576 = arith.shrsi %squeeze3A_574, %shift_right_arithmetic3A_575 : i32
      %slice3A_577 = vector.extract_strided_slice %get3A_247 {offsets = [15], sizes = [1], strides = [1]} : vector<16xi32> to vector<1xi32>
      %squeeze3A_578 = vector.extract %slice3A_577[0] : i32 from vector<1xi32>
      %and3A_579 = arith.constant 7 : i32
      %and3A_580 = arith.andi %squeeze3A_578, %and3A_579 : i32
      %mul3A_581 = arith.constant 2 : i32
      %mul3A_582 = arith.muli %scan3A_241, %mul3A_581 : i32
      %add3A_583 = arith.constant 1 : i32
      %add3A_584 = arith.addi %mul3A_582, %add3A_583 : i32
      %dma_start3A_585 = arith.constant 7 : i32
      %dma_start3A_586 = arith.constant 0 : i32
      %dma_start3A_587 = tpu.memref_slice %arg9[%add3A_584, %dma_start3A_585, %dma_start3A_586] : memref<16x8x32xf32, #tpu.memory_space<vmem>> -> memref<1x1x32xf32, #tpu.memory_space<vmem>>
      %dma_start3A_588 = arith.constant 0 : i32
      %dma_start3A_589 = tpu.memref_slice %arg2[%shift_right_arithmetic3A_576, %and3A_580, %dma_start3A_588] : memref<125000x8x32xf32, #tpu.memory_space<hbm>> -> memref<1x1x32xf32, #tpu.memory_space<hbm>>
      %dma_start3A_590 = arith.constant 7 : i32
      %dma_start3A_591 = arith.constant 0 : i32
      %dma_start3A_592 = tpu.memref_slice %arg9[%add3A_584, %dma_start3A_590, %dma_start3A_591] : memref<16x8x32xf32, #tpu.memory_space<vmem>> -> memref<1x1x32xf32, #tpu.memory_space<vmem>>
      %dma_start3A_593 = arith.constant 0 : i32
      %dma_start3A_594 = tpu.memref_slice %arg2[%shift_right_arithmetic3A_576, %and3A_580, %dma_start3A_593] : memref<125000x8x32xf32, #tpu.memory_space<hbm>> -> memref<1x1x32xf32, #tpu.memory_space<hbm>>
      tpu.enqueue_dma source(%dma_start3A_594 : memref<1x1x32xf32, #tpu.memory_space<hbm>>) target(%dma_start3A_592 : memref<1x1x32xf32, #tpu.memory_space<vmem>>) target_semaphore(%arg13 : memref<!tpu.dma_semaphore, #tpu.memory_space<semaphore_mem>>)
      %scan3A_595 = arith.constant 0 : i32
      scf.yield %scan3A_595 : i32
    }
    %scan3A_15 = arith.constant 8 : i32
    %scan3A_16 = arith.constant 0 : i32
    %scan3A_17 = arith.constant 0 : i32
    %scan3A_18 = arith.constant 8 : i32
    %scan3A_19 = arith.addi %scan3A_17, %scan3A_18 : i32
    %scan3A_20 = arith.constant 1 : i32
    %scan3A_21 = scf.for %scan3A_241 = %scan3A_17 to %scan3A_19 step %scan3A_20 iter_args(%scan3A_242 = %scan3A_16) -> (i32)  : i32 {
      %mul3A_243 = arith.constant 16 : i32
      %mul3A_244 = arith.muli %scan3A_241, %mul3A_243 : i32
      %add3A_245 = arith.constant 256 : i32
      %add3A_246 = arith.addi %add3A_245, %mul3A_244 : i32
      %get3A = arith.index_cast %add3A_246 : i32 to index
      %get3A_247 = tpu.vector_load %arg7[%get3A] {strides = array<i32>} : memref<1024xi32, #tpu.memory_space<vmem>>, vector<16xi32>,
      %slice3A = vector.extract_strided_slice %get3A_247 {offsets = [0], sizes = [1], strides = [1]} : vector<16xi32> to vector<1xi32>
      %squeeze3A = vector.extract %slice3A[0] : i32 from vector<1xi32>
      %shift_right_arithmetic3A = arith.constant 3 : i32
      %shift_right_arithmetic3A_248 = arith.shrsi %squeeze3A, %shift_right_arithmetic3A : i32
      %slice3A_249 = vector.extract_strided_slice %get3A_247 {offsets = [0], sizes = [1], strides = [1]} : vector<16xi32> to vector<1xi32>
      %squeeze3A_250 = vector.extract %slice3A_249[0] : i32 from vector<1xi32>
      %and3A = arith.constant 7 : i32
      %and3A_251 = arith.andi %squeeze3A_250, %and3A : i32
      %mul3A_252 = arith.constant 2 : i32
      %mul3A_253 = arith.muli %scan3A_241, %mul3A_252 : i32
      %add3A_254 = arith.constant 0 : i32
      %add3A_255 = arith.addi %mul3A_253, %add3A_254 : i32
      %dma_start3A = arith.constant 0 : i32
      %dma_start3A_256 = arith.constant 0 : i32
      %dma_start3A_257 = tpu.memref_slice %arg10[%add3A_255, %dma_start3A, %dma_start3A_256] : memref<16x8x32xf32, #tpu.memory_space<vmem>> -> memref<1x1x32xf32, #tpu.memory_space<vmem>>
      %dma_start3A_258 = arith.constant 0 : i32
      %dma_start3A_259 = tpu.memref_slice %arg2[%shift_right_arithmetic3A_248, %and3A_251, %dma_start3A_258] : memref<125000x8x32xf32, #tpu.memory_space<hbm>> -> memref<1x1x32xf32, #tpu.memory_space<hbm>>
      %dma_start3A_260 = arith.constant 0 : i32
      %dma_start3A_261 = arith.constant 0 : i32
      %dma_start3A_262 = tpu.memref_slice %arg10[%add3A_255, %dma_start3A_260, %dma_start3A_261] : memref<16x8x32xf32, #tpu.memory_space<vmem>> -> memref<1x1x32xf32, #tpu.memory_space<vmem>>
      %dma_start3A_263 = arith.constant 0 : i32
      %dma_start3A_264 = tpu.memref_slice %arg2[%shift_right_arithmetic3A_248, %and3A_251, %dma_start3A_263] : memref<125000x8x32xf32, #tpu.memory_space<hbm>> -> memref<1x1x32xf32, #tpu.memory_space<hbm>>
      tpu.enqueue_dma source(%dma_start3A_264 : memref<1x1x32xf32, #tpu.memory_space<hbm>>) target(%dma_start3A_262 : memref<1x1x32xf32, #tpu.memory_space<vmem>>) target_semaphore(%arg14 : memref<!tpu.dma_semaphore, #tpu.memory_space<semaphore_mem>>)
      %slice3A_265 = vector.extract_strided_slice %get3A_247 {offsets = [1], sizes = [1], strides = [1]} : vector<16xi32> to vector<1xi32>
      %squeeze3A_266 = vector.extract %slice3A_265[0] : i32 from vector<1xi32>
      %shift_right_arithmetic3A_267 = arith.constant 3 : i32
      %shift_right_arithmetic3A_268 = arith.shrsi %squeeze3A_266, %shift_right_arithmetic3A_267 : i32
      %slice3A_269 = vector.extract_strided_slice %get3A_247 {offsets = [1], sizes = [1], strides = [1]} : vector<16xi32> to vector<1xi32>
      %squeeze3A_270 = vector.extract %slice3A_269[0] : i32 from vector<1xi32>
      %and3A_271 = arith.constant 7 : i32
      %and3A_272 = arith.andi %squeeze3A_270, %and3A_271 : i32
      %mul3A_273 = arith.constant 2 : i32
      %mul3A_274 = arith.muli %scan3A_241, %mul3A_273 : i32
      %add3A_275 = arith.constant 0 : i32
      %add3A_276 = arith.addi %mul3A_274, %add3A_275 : i32
      %dma_start3A_277 = arith.constant 1 : i32
      %dma_start3A_278 = arith.constant 0 : i32
      %dma_start3A_279 = tpu.memref_slice %arg10[%add3A_276, %dma_start3A_277, %dma_start3A_278] : memref<16x8x32xf32, #tpu.memory_space<vmem>> -> memref<1x1x32xf32, #tpu.memory_space<vmem>>
      %dma_start3A_280 = arith.constant 0 : i32
      %dma_start3A_281 = tpu.memref_slice %arg2[%shift_right_arithmetic3A_268, %and3A_272, %dma_start3A_280] : memref<125000x8x32xf32, #tpu.memory_space<hbm>> -> memref<1x1x32xf32, #tpu.memory_space<hbm>>
      %dma_start3A_282 = arith.constant 1 : i32
      %dma_start3A_283 = arith.constant 0 : i32
      %dma_start3A_284 = tpu.memref_slice %arg10[%add3A_276, %dma_start3A_282, %dma_start3A_283] : memref<16x8x32xf32, #tpu.memory_space<vmem>> -> memref<1x1x32xf32, #tpu.memory_space<vmem>>
      %dma_start3A_285 = arith.constant 0 : i32
      %dma_start3A_286 = tpu.memref_slice %arg2[%shift_right_arithmetic3A_268, %and3A_272, %dma_start3A_285] : memref<125000x8x32xf32, #tpu.memory_space<hbm>> -> memref<1x1x32xf32, #tpu.memory_space<hbm>>
      tpu.enqueue_dma source(%dma_start3A_286 : memref<1x1x32xf32, #tpu.memory_space<hbm>>) target(%dma_start3A_284 : memref<1x1x32xf32, #tpu.memory_space<vmem>>) target_semaphore(%arg14 : memref<!tpu.dma_semaphore, #tpu.memory_space<semaphore_mem>>)
      %slice3A_287 = vector.extract_strided_slice %get3A_247 {offsets = [2], sizes = [1], strides = [1]} : vector<16xi32> to vector<1xi32>
      %squeeze3A_288 = vector.extract %slice3A_287[0] : i32 from vector<1xi32>
      %shift_right_arithmetic3A_289 = arith.constant 3 : i32
      %shift_right_arithmetic3A_290 = arith.shrsi %squeeze3A_288, %shift_right_arithmetic3A_289 : i32
      %slice3A_291 = vector.extract_strided_slice %get3A_247 {offsets = [2], sizes = [1], strides = [1]} : vector<16xi32> to vector<1xi32>
      %squeeze3A_292 = vector.extract %slice3A_291[0] : i32 from vector<1xi32>
      %and3A_293 = arith.constant 7 : i32
      %and3A_294 = arith.andi %squeeze3A_292, %and3A_293 : i32
      %mul3A_295 = arith.constant 2 : i32
      %mul3A_296 = arith.muli %scan3A_241, %mul3A_295 : i32
      %add3A_297 = arith.constant 0 : i32
      %add3A_298 = arith.addi %mul3A_296, %add3A_297 : i32
      %dma_start3A_299 = arith.constant 2 : i32
      %dma_start3A_300 = arith.constant 0 : i32
      %dma_start3A_301 = tpu.memref_slice %arg10[%add3A_298, %dma_start3A_299, %dma_start3A_300] : memref<16x8x32xf32, #tpu.memory_space<vmem>> -> memref<1x1x32xf32, #tpu.memory_space<vmem>>
      %dma_start3A_302 = arith.constant 0 : i32
      %dma_start3A_303 = tpu.memref_slice %arg2[%shift_right_arithmetic3A_290, %and3A_294, %dma_start3A_302] : memref<125000x8x32xf32, #tpu.memory_space<hbm>> -> memref<1x1x32xf32, #tpu.memory_space<hbm>>
      %dma_start3A_304 = arith.constant 2 : i32
      %dma_start3A_305 = arith.constant 0 : i32
      %dma_start3A_306 = tpu.memref_slice %arg10[%add3A_298, %dma_start3A_304, %dma_start3A_305] : memref<16x8x32xf32, #tpu.memory_space<vmem>> -> memref<1x1x32xf32, #tpu.memory_space<vmem>>
      %dma_start3A_307 = arith.constant 0 : i32
      %dma_start3A_308 = tpu.memref_slice %arg2[%shift_right_arithmetic3A_290, %and3A_294, %dma_start3A_307] : memref<125000x8x32xf32, #tpu.memory_space<hbm>> -> memref<1x1x32xf32, #tpu.memory_space<hbm>>
      tpu.enqueue_dma source(%dma_start3A_308 : memref<1x1x32xf32, #tpu.memory_space<hbm>>) target(%dma_start3A_306 : memref<1x1x32xf32, #tpu.memory_space<vmem>>) target_semaphore(%arg14 : memref<!tpu.dma_semaphore, #tpu.memory_space<semaphore_mem>>)
      %slice3A_309 = vector.extract_strided_slice %get3A_247 {offsets = [3], sizes = [1], strides = [1]} : vector<16xi32> to vector<1xi32>
      %squeeze3A_310 = vector.extract %slice3A_309[0] : i32 from vector<1xi32>
      %shift_right_arithmetic3A_311 = arith.constant 3 : i32
      %shift_right_arithmetic3A_312 = arith.shrsi %squeeze3A_310, %shift_right_arithmetic3A_311 : i32
      %slice3A_313 = vector.extract_strided_slice %get3A_247 {offsets = [3], sizes = [1], strides = [1]} : vector<16xi32> to vector<1xi32>
      %squeeze3A_314 = vector.extract %slice3A_313[0] : i32 from vector<1xi32>
      %and3A_315 = arith.constant 7 : i32
      %and3A_316 = arith.andi %squeeze3A_314, %and3A_315 : i32
      %mul3A_317 = arith.constant 2 : i32
      %mul3A_318 = arith.muli %scan3A_241, %mul3A_317 : i32
      %add3A_319 = arith.constant 0 : i32
      %add3A_320 = arith.addi %mul3A_318, %add3A_319 : i32
      %dma_start3A_321 = arith.constant 3 : i32
      %dma_start3A_322 = arith.constant 0 : i32
      %dma_start3A_323 = tpu.memref_slice %arg10[%add3A_320, %dma_start3A_321, %dma_start3A_322] : memref<16x8x32xf32, #tpu.memory_space<vmem>> -> memref<1x1x32xf32, #tpu.memory_space<vmem>>
      %dma_start3A_324 = arith.constant 0 : i32
      %dma_start3A_325 = tpu.memref_slice %arg2[%shift_right_arithmetic3A_312, %and3A_316, %dma_start3A_324] : memref<125000x8x32xf32, #tpu.memory_space<hbm>> -> memref<1x1x32xf32, #tpu.memory_space<hbm>>
      %dma_start3A_326 = arith.constant 3 : i32
      %dma_start3A_327 = arith.constant 0 : i32
      %dma_start3A_328 = tpu.memref_slice %arg10[%add3A_320, %dma_start3A_326, %dma_start3A_327] : memref<16x8x32xf32, #tpu.memory_space<vmem>> -> memref<1x1x32xf32, #tpu.memory_space<vmem>>
      %dma_start3A_329 = arith.constant 0 : i32
      %dma_start3A_330 = tpu.memref_slice %arg2[%shift_right_arithmetic3A_312, %and3A_316, %dma_start3A_329] : memref<125000x8x32xf32, #tpu.memory_space<hbm>> -> memref<1x1x32xf32, #tpu.memory_space<hbm>>
      tpu.enqueue_dma source(%dma_start3A_330 : memref<1x1x32xf32, #tpu.memory_space<hbm>>) target(%dma_start3A_328 : memref<1x1x32xf32, #tpu.memory_space<vmem>>) target_semaphore(%arg14 : memref<!tpu.dma_semaphore, #tpu.memory_space<semaphore_mem>>)
      %slice3A_331 = vector.extract_strided_slice %get3A_247 {offsets = [4], sizes = [1], strides = [1]} : vector<16xi32> to vector<1xi32>
      %squeeze3A_332 = vector.extract %slice3A_331[0] : i32 from vector<1xi32>
      %shift_right_arithmetic3A_333 = arith.constant 3 : i32
      %shift_right_arithmetic3A_334 = arith.shrsi %squeeze3A_332, %shift_right_arithmetic3A_333 : i32
      %slice3A_335 = vector.extract_strided_slice %get3A_247 {offsets = [4], sizes = [1], strides = [1]} : vector<16xi32> to vector<1xi32>
      %squeeze3A_336 = vector.extract %slice3A_335[0] : i32 from vector<1xi32>
      %and3A_337 = arith.constant 7 : i32
      %and3A_338 = arith.andi %squeeze3A_336, %and3A_337 : i32
      %mul3A_339 = arith.constant 2 : i32
      %mul3A_340 = arith.muli %scan3A_241, %mul3A_339 : i32
      %add3A_341 = arith.constant 0 : i32
      %add3A_342 = arith.addi %mul3A_340, %add3A_341 : i32
      %dma_start3A_343 = arith.constant 4 : i32
      %dma_start3A_344 = arith.constant 0 : i32
      %dma_start3A_345 = tpu.memref_slice %arg10[%add3A_342, %dma_start3A_343, %dma_start3A_344] : memref<16x8x32xf32, #tpu.memory_space<vmem>> -> memref<1x1x32xf32, #tpu.memory_space<vmem>>
      %dma_start3A_346 = arith.constant 0 : i32
      %dma_start3A_347 = tpu.memref_slice %arg2[%shift_right_arithmetic3A_334, %and3A_338, %dma_start3A_346] : memref<125000x8x32xf32, #tpu.memory_space<hbm>> -> memref<1x1x32xf32, #tpu.memory_space<hbm>>
      %dma_start3A_348 = arith.constant 4 : i32
      %dma_start3A_349 = arith.constant 0 : i32
      %dma_start3A_350 = tpu.memref_slice %arg10[%add3A_342, %dma_start3A_348, %dma_start3A_349] : memref<16x8x32xf32, #tpu.memory_space<vmem>> -> memref<1x1x32xf32, #tpu.memory_space<vmem>>
      %dma_start3A_351 = arith.constant 0 : i32
      %dma_start3A_352 = tpu.memref_slice %arg2[%shift_right_arithmetic3A_334, %and3A_338, %dma_start3A_351] : memref<125000x8x32xf32, #tpu.memory_space<hbm>> -> memref<1x1x32xf32, #tpu.memory_space<hbm>>
      tpu.enqueue_dma source(%dma_start3A_352 : memref<1x1x32xf32, #tpu.memory_space<hbm>>) target(%dma_start3A_350 : memref<1x1x32xf32, #tpu.memory_space<vmem>>) target_semaphore(%arg14 : memref<!tpu.dma_semaphore, #tpu.memory_space<semaphore_mem>>)
      %slice3A_353 = vector.extract_strided_slice %get3A_247 {offsets = [5], sizes = [1], strides = [1]} : vector<16xi32> to vector<1xi32>
      %squeeze3A_354 = vector.extract %slice3A_353[0] : i32 from vector<1xi32>
      %shift_right_arithmetic3A_355 = arith.constant 3 : i32
      %shift_right_arithmetic3A_356 = arith.shrsi %squeeze3A_354, %shift_right_arithmetic3A_355 : i32
      %slice3A_357 = vector.extract_strided_slice %get3A_247 {offsets = [5], sizes = [1], strides = [1]} : vector<16xi32> to vector<1xi32>
      %squeeze3A_358 = vector.extract %slice3A_357[0] : i32 from vector<1xi32>
      %and3A_359 = arith.constant 7 : i32
      %and3A_360 = arith.andi %squeeze3A_358, %and3A_359 : i32
      %mul3A_361 = arith.constant 2 : i32
      %mul3A_362 = arith.muli %scan3A_241, %mul3A_361 : i32
      %add3A_363 = arith.constant 0 : i32
      %add3A_364 = arith.addi %mul3A_362, %add3A_363 : i32
      %dma_start3A_365 = arith.constant 5 : i32
      %dma_start3A_366 = arith.constant 0 : i32
      %dma_start3A_367 = tpu.memref_slice %arg10[%add3A_364, %dma_start3A_365, %dma_start3A_366] : memref<16x8x32xf32, #tpu.memory_space<vmem>> -> memref<1x1x32xf32, #tpu.memory_space<vmem>>
      %dma_start3A_368 = arith.constant 0 : i32
      %dma_start3A_369 = tpu.memref_slice %arg2[%shift_right_arithmetic3A_356, %and3A_360, %dma_start3A_368] : memref<125000x8x32xf32, #tpu.memory_space<hbm>> -> memref<1x1x32xf32, #tpu.memory_space<hbm>>
      %dma_start3A_370 = arith.constant 5 : i32
      %dma_start3A_371 = arith.constant 0 : i32
      %dma_start3A_372 = tpu.memref_slice %arg10[%add3A_364, %dma_start3A_370, %dma_start3A_371] : memref<16x8x32xf32, #tpu.memory_space<vmem>> -> memref<1x1x32xf32, #tpu.memory_space<vmem>>
      %dma_start3A_373 = arith.constant 0 : i32
      %dma_start3A_374 = tpu.memref_slice %arg2[%shift_right_arithmetic3A_356, %and3A_360, %dma_start3A_373] : memref<125000x8x32xf32, #tpu.memory_space<hbm>> -> memref<1x1x32xf32, #tpu.memory_space<hbm>>
      tpu.enqueue_dma source(%dma_start3A_374 : memref<1x1x32xf32, #tpu.memory_space<hbm>>) target(%dma_start3A_372 : memref<1x1x32xf32, #tpu.memory_space<vmem>>) target_semaphore(%arg14 : memref<!tpu.dma_semaphore, #tpu.memory_space<semaphore_mem>>)
      %slice3A_375 = vector.extract_strided_slice %get3A_247 {offsets = [6], sizes = [1], strides = [1]} : vector<16xi32> to vector<1xi32>
      %squeeze3A_376 = vector.extract %slice3A_375[0] : i32 from vector<1xi32>
      %shift_right_arithmetic3A_377 = arith.constant 3 : i32
      %shift_right_arithmetic3A_378 = arith.shrsi %squeeze3A_376, %shift_right_arithmetic3A_377 : i32
      %slice3A_379 = vector.extract_strided_slice %get3A_247 {offsets = [6], sizes = [1], strides = [1]} : vector<16xi32> to vector<1xi32>
      %squeeze3A_380 = vector.extract %slice3A_379[0] : i32 from vector<1xi32>
      %and3A_381 = arith.constant 7 : i32
      %and3A_382 = arith.andi %squeeze3A_380, %and3A_381 : i32
      %mul3A_383 = arith.constant 2 : i32
      %mul3A_384 = arith.muli %scan3A_241, %mul3A_383 : i32
      %add3A_385 = arith.constant 0 : i32
      %add3A_386 = arith.addi %mul3A_384, %add3A_385 : i32
      %dma_start3A_387 = arith.constant 6 : i32
      %dma_start3A_388 = arith.constant 0 : i32
      %dma_start3A_389 = tpu.memref_slice %arg10[%add3A_386, %dma_start3A_387, %dma_start3A_388] : memref<16x8x32xf32, #tpu.memory_space<vmem>> -> memref<1x1x32xf32, #tpu.memory_space<vmem>>
      %dma_start3A_390 = arith.constant 0 : i32
      %dma_start3A_391 = tpu.memref_slice %arg2[%shift_right_arithmetic3A_378, %and3A_382, %dma_start3A_390] : memref<125000x8x32xf32, #tpu.memory_space<hbm>> -> memref<1x1x32xf32, #tpu.memory_space<hbm>>
      %dma_start3A_392 = arith.constant 6 : i32
      %dma_start3A_393 = arith.constant 0 : i32
      %dma_start3A_394 = tpu.memref_slice %arg10[%add3A_386, %dma_start3A_392, %dma_start3A_393] : memref<16x8x32xf32, #tpu.memory_space<vmem>> -> memref<1x1x32xf32, #tpu.memory_space<vmem>>
      %dma_start3A_395 = arith.constant 0 : i32
      %dma_start3A_396 = tpu.memref_slice %arg2[%shift_right_arithmetic3A_378, %and3A_382, %dma_start3A_395] : memref<125000x8x32xf32, #tpu.memory_space<hbm>> -> memref<1x1x32xf32, #tpu.memory_space<hbm>>
      tpu.enqueue_dma source(%dma_start3A_396 : memref<1x1x32xf32, #tpu.memory_space<hbm>>) target(%dma_start3A_394 : memref<1x1x32xf32, #tpu.memory_space<vmem>>) target_semaphore(%arg14 : memref<!tpu.dma_semaphore, #tpu.memory_space<semaphore_mem>>)
      %slice3A_397 = vector.extract_strided_slice %get3A_247 {offsets = [7], sizes = [1], strides = [1]} : vector<16xi32> to vector<1xi32>
      %squeeze3A_398 = vector.extract %slice3A_397[0] : i32 from vector<1xi32>
      %shift_right_arithmetic3A_399 = arith.constant 3 : i32
      %shift_right_arithmetic3A_400 = arith.shrsi %squeeze3A_398, %shift_right_arithmetic3A_399 : i32
      %slice3A_401 = vector.extract_strided_slice %get3A_247 {offsets = [7], sizes = [1], strides = [1]} : vector<16xi32> to vector<1xi32>
      %squeeze3A_402 = vector.extract %slice3A_401[0] : i32 from vector<1xi32>
      %and3A_403 = arith.constant 7 : i32
      %and3A_404 = arith.andi %squeeze3A_402, %and3A_403 : i32
      %mul3A_405 = arith.constant 2 : i32
      %mul3A_406 = arith.muli %scan3A_241, %mul3A_405 : i32
      %add3A_407 = arith.constant 0 : i32
      %add3A_408 = arith.addi %mul3A_406, %add3A_407 : i32
      %dma_start3A_409 = arith.constant 7 : i32
      %dma_start3A_410 = arith.constant 0 : i32
      %dma_start3A_411 = tpu.memref_slice %arg10[%add3A_408, %dma_start3A_409, %dma_start3A_410] : memref<16x8x32xf32, #tpu.memory_space<vmem>> -> memref<1x1x32xf32, #tpu.memory_space<vmem>>
      %dma_start3A_412 = arith.constant 0 : i32
      %dma_start3A_413 = tpu.memref_slice %arg2[%shift_right_arithmetic3A_400, %and3A_404, %dma_start3A_412] : memref<125000x8x32xf32, #tpu.memory_space<hbm>> -> memref<1x1x32xf32, #tpu.memory_space<hbm>>
      %dma_start3A_414 = arith.constant 7 : i32
      %dma_start3A_415 = arith.constant 0 : i32
      %dma_start3A_416 = tpu.memref_slice %arg10[%add3A_408, %dma_start3A_414, %dma_start3A_415] : memref<16x8x32xf32, #tpu.memory_space<vmem>> -> memref<1x1x32xf32, #tpu.memory_space<vmem>>
      %dma_start3A_417 = arith.constant 0 : i32
      %dma_start3A_418 = tpu.memref_slice %arg2[%shift_right_arithmetic3A_400, %and3A_404, %dma_start3A_417] : memref<125000x8x32xf32, #tpu.memory_space<hbm>> -> memref<1x1x32xf32, #tpu.memory_space<hbm>>
      tpu.enqueue_dma source(%dma_start3A_418 : memref<1x1x32xf32, #tpu.memory_space<hbm>>) target(%dma_start3A_416 : memref<1x1x32xf32, #tpu.memory_space<vmem>>) target_semaphore(%arg14 : memref<!tpu.dma_semaphore, #tpu.memory_space<semaphore_mem>>)
      %slice3A_419 = vector.extract_strided_slice %get3A_247 {offsets = [8], sizes = [1], strides = [1]} : vector<16xi32> to vector<1xi32>
      %squeeze3A_420 = vector.extract %slice3A_419[0] : i32 from vector<1xi32>
      %shift_right_arithmetic3A_421 = arith.constant 3 : i32
      %shift_right_arithmetic3A_422 = arith.shrsi %squeeze3A_420, %shift_right_arithmetic3A_421 : i32
      %slice3A_423 = vector.extract_strided_slice %get3A_247 {offsets = [8], sizes = [1], strides = [1]} : vector<16xi32> to vector<1xi32>
      %squeeze3A_424 = vector.extract %slice3A_423[0] : i32 from vector<1xi32>
      %and3A_425 = arith.constant 7 : i32
      %and3A_426 = arith.andi %squeeze3A_424, %and3A_425 : i32
      %mul3A_427 = arith.constant 2 : i32
      %mul3A_428 = arith.muli %scan3A_241, %mul3A_427 : i32
      %add3A_429 = arith.constant 1 : i32
      %add3A_430 = arith.addi %mul3A_428, %add3A_429 : i32
      %dma_start3A_431 = arith.constant 0 : i32
      %dma_start3A_432 = arith.constant 0 : i32
      %dma_start3A_433 = tpu.memref_slice %arg10[%add3A_430, %dma_start3A_431, %dma_start3A_432] : memref<16x8x32xf32, #tpu.memory_space<vmem>> -> memref<1x1x32xf32, #tpu.memory_space<vmem>>
      %dma_start3A_434 = arith.constant 0 : i32
      %dma_start3A_435 = tpu.memref_slice %arg2[%shift_right_arithmetic3A_422, %and3A_426, %dma_start3A_434] : memref<125000x8x32xf32, #tpu.memory_space<hbm>> -> memref<1x1x32xf32, #tpu.memory_space<hbm>>
      %dma_start3A_436 = arith.constant 0 : i32
      %dma_start3A_437 = arith.constant 0 : i32
      %dma_start3A_438 = tpu.memref_slice %arg10[%add3A_430, %dma_start3A_436, %dma_start3A_437] : memref<16x8x32xf32, #tpu.memory_space<vmem>> -> memref<1x1x32xf32, #tpu.memory_space<vmem>>
      %dma_start3A_439 = arith.constant 0 : i32
      %dma_start3A_440 = tpu.memref_slice %arg2[%shift_right_arithmetic3A_422, %and3A_426, %dma_start3A_439] : memref<125000x8x32xf32, #tpu.memory_space<hbm>> -> memref<1x1x32xf32, #tpu.memory_space<hbm>>
      tpu.enqueue_dma source(%dma_start3A_440 : memref<1x1x32xf32, #tpu.memory_space<hbm>>) target(%dma_start3A_438 : memref<1x1x32xf32, #tpu.memory_space<vmem>>) target_semaphore(%arg14 : memref<!tpu.dma_semaphore, #tpu.memory_space<semaphore_mem>>)
      %slice3A_441 = vector.extract_strided_slice %get3A_247 {offsets = [9], sizes = [1], strides = [1]} : vector<16xi32> to vector<1xi32>
      %squeeze3A_442 = vector.extract %slice3A_441[0] : i32 from vector<1xi32>
      %shift_right_arithmetic3A_443 = arith.constant 3 : i32
      %shift_right_arithmetic3A_444 = arith.shrsi %squeeze3A_442, %shift_right_arithmetic3A_443 : i32
      %slice3A_445 = vector.extract_strided_slice %get3A_247 {offsets = [9], sizes = [1], strides = [1]} : vector<16xi32> to vector<1xi32>
      %squeeze3A_446 = vector.extract %slice3A_445[0] : i32 from vector<1xi32>
      %and3A_447 = arith.constant 7 : i32
      %and3A_448 = arith.andi %squeeze3A_446, %and3A_447 : i32
      %mul3A_449 = arith.constant 2 : i32
      %mul3A_450 = arith.muli %scan3A_241, %mul3A_449 : i32
      %add3A_451 = arith.constant 1 : i32
      %add3A_452 = arith.addi %mul3A_450, %add3A_451 : i32
      %dma_start3A_453 = arith.constant 1 : i32
      %dma_start3A_454 = arith.constant 0 : i32
      %dma_start3A_455 = tpu.memref_slice %arg10[%add3A_452, %dma_start3A_453, %dma_start3A_454] : memref<16x8x32xf32, #tpu.memory_space<vmem>> -> memref<1x1x32xf32, #tpu.memory_space<vmem>>
      %dma_start3A_456 = arith.constant 0 : i32
      %dma_start3A_457 = tpu.memref_slice %arg2[%shift_right_arithmetic3A_444, %and3A_448, %dma_start3A_456] : memref<125000x8x32xf32, #tpu.memory_space<hbm>> -> memref<1x1x32xf32, #tpu.memory_space<hbm>>
      %dma_start3A_458 = arith.constant 1 : i32
      %dma_start3A_459 = arith.constant 0 : i32
      %dma_start3A_460 = tpu.memref_slice %arg10[%add3A_452, %dma_start3A_458, %dma_start3A_459] : memref<16x8x32xf32, #tpu.memory_space<vmem>> -> memref<1x1x32xf32, #tpu.memory_space<vmem>>
      %dma_start3A_461 = arith.constant 0 : i32
      %dma_start3A_462 = tpu.memref_slice %arg2[%shift_right_arithmetic3A_444, %and3A_448, %dma_start3A_461] : memref<125000x8x32xf32, #tpu.memory_space<hbm>> -> memref<1x1x32xf32, #tpu.memory_space<hbm>>
      tpu.enqueue_dma source(%dma_start3A_462 : memref<1x1x32xf32, #tpu.memory_space<hbm>>) target(%dma_start3A_460 : memref<1x1x32xf32, #tpu.memory_space<vmem>>) target_semaphore(%arg14 : memref<!tpu.dma_semaphore, #tpu.memory_space<semaphore_mem>>)
      %slice3A_463 = vector.extract_strided_slice %get3A_247 {offsets = [10], sizes = [1], strides = [1]} : vector<16xi32> to vector<1xi32>
      %squeeze3A_464 = vector.extract %slice3A_463[0] : i32 from vector<1xi32>
      %shift_right_arithmetic3A_465 = arith.constant 3 : i32
      %shift_right_arithmetic3A_466 = arith.shrsi %squeeze3A_464, %shift_right_arithmetic3A_465 : i32
      %slice3A_467 = vector.extract_strided_slice %get3A_247 {offsets = [10], sizes = [1], strides = [1]} : vector<16xi32> to vector<1xi32>
      %squeeze3A_468 = vector.extract %slice3A_467[0] : i32 from vector<1xi32>
      %and3A_469 = arith.constant 7 : i32
      %and3A_470 = arith.andi %squeeze3A_468, %and3A_469 : i32
      %mul3A_471 = arith.constant 2 : i32
      %mul3A_472 = arith.muli %scan3A_241, %mul3A_471 : i32
      %add3A_473 = arith.constant 1 : i32
      %add3A_474 = arith.addi %mul3A_472, %add3A_473 : i32
      %dma_start3A_475 = arith.constant 2 : i32
      %dma_start3A_476 = arith.constant 0 : i32
      %dma_start3A_477 = tpu.memref_slice %arg10[%add3A_474, %dma_start3A_475, %dma_start3A_476] : memref<16x8x32xf32, #tpu.memory_space<vmem>> -> memref<1x1x32xf32, #tpu.memory_space<vmem>>
      %dma_start3A_478 = arith.constant 0 : i32
      %dma_start3A_479 = tpu.memref_slice %arg2[%shift_right_arithmetic3A_466, %and3A_470, %dma_start3A_478] : memref<125000x8x32xf32, #tpu.memory_space<hbm>> -> memref<1x1x32xf32, #tpu.memory_space<hbm>>
      %dma_start3A_480 = arith.constant 2 : i32
      %dma_start3A_481 = arith.constant 0 : i32
      %dma_start3A_482 = tpu.memref_slice %arg10[%add3A_474, %dma_start3A_480, %dma_start3A_481] : memref<16x8x32xf32, #tpu.memory_space<vmem>> -> memref<1x1x32xf32, #tpu.memory_space<vmem>>
      %dma_start3A_483 = arith.constant 0 : i32
      %dma_start3A_484 = tpu.memref_slice %arg2[%shift_right_arithmetic3A_466, %and3A_470, %dma_start3A_483] : memref<125000x8x32xf32, #tpu.memory_space<hbm>> -> memref<1x1x32xf32, #tpu.memory_space<hbm>>
      tpu.enqueue_dma source(%dma_start3A_484 : memref<1x1x32xf32, #tpu.memory_space<hbm>>) target(%dma_start3A_482 : memref<1x1x32xf32, #tpu.memory_space<vmem>>) target_semaphore(%arg14 : memref<!tpu.dma_semaphore, #tpu.memory_space<semaphore_mem>>)
      %slice3A_485 = vector.extract_strided_slice %get3A_247 {offsets = [11], sizes = [1], strides = [1]} : vector<16xi32> to vector<1xi32>
      %squeeze3A_486 = vector.extract %slice3A_485[0] : i32 from vector<1xi32>
      %shift_right_arithmetic3A_487 = arith.constant 3 : i32
      %shift_right_arithmetic3A_488 = arith.shrsi %squeeze3A_486, %shift_right_arithmetic3A_487 : i32
      %slice3A_489 = vector.extract_strided_slice %get3A_247 {offsets = [11], sizes = [1], strides = [1]} : vector<16xi32> to vector<1xi32>
      %squeeze3A_490 = vector.extract %slice3A_489[0] : i32 from vector<1xi32>
      %and3A_491 = arith.constant 7 : i32
      %and3A_492 = arith.andi %squeeze3A_490, %and3A_491 : i32
      %mul3A_493 = arith.constant 2 : i32
      %mul3A_494 = arith.muli %scan3A_241, %mul3A_493 : i32
      %add3A_495 = arith.constant 1 : i32
      %add3A_496 = arith.addi %mul3A_494, %add3A_495 : i32
      %dma_start3A_497 = arith.constant 3 : i32
      %dma_start3A_498 = arith.constant 0 : i32
      %dma_start3A_499 = tpu.memref_slice %arg10[%add3A_496, %dma_start3A_497, %dma_start3A_498] : memref<16x8x32xf32, #tpu.memory_space<vmem>> -> memref<1x1x32xf32, #tpu.memory_space<vmem>>
      %dma_start3A_500 = arith.constant 0 : i32
      %dma_start3A_501 = tpu.memref_slice %arg2[%shift_right_arithmetic3A_488, %and3A_492, %dma_start3A_500] : memref<125000x8x32xf32, #tpu.memory_space<hbm>> -> memref<1x1x32xf32, #tpu.memory_space<hbm>>
      %dma_start3A_502 = arith.constant 3 : i32
      %dma_start3A_503 = arith.constant 0 : i32
      %dma_start3A_504 = tpu.memref_slice %arg10[%add3A_496, %dma_start3A_502, %dma_start3A_503] : memref<16x8x32xf32, #tpu.memory_space<vmem>> -> memref<1x1x32xf32, #tpu.memory_space<vmem>>
      %dma_start3A_505 = arith.constant 0 : i32
      %dma_start3A_506 = tpu.memref_slice %arg2[%shift_right_arithmetic3A_488, %and3A_492, %dma_start3A_505] : memref<125000x8x32xf32, #tpu.memory_space<hbm>> -> memref<1x1x32xf32, #tpu.memory_space<hbm>>
      tpu.enqueue_dma source(%dma_start3A_506 : memref<1x1x32xf32, #tpu.memory_space<hbm>>) target(%dma_start3A_504 : memref<1x1x32xf32, #tpu.memory_space<vmem>>) target_semaphore(%arg14 : memref<!tpu.dma_semaphore, #tpu.memory_space<semaphore_mem>>)
      %slice3A_507 = vector.extract_strided_slice %get3A_247 {offsets = [12], sizes = [1], strides = [1]} : vector<16xi32> to vector<1xi32>
      %squeeze3A_508 = vector.extract %slice3A_507[0] : i32 from vector<1xi32>
      %shift_right_arithmetic3A_509 = arith.constant 3 : i32
      %shift_right_arithmetic3A_510 = arith.shrsi %squeeze3A_508, %shift_right_arithmetic3A_509 : i32
      %slice3A_511 = vector.extract_strided_slice %get3A_247 {offsets = [12], sizes = [1], strides = [1]} : vector<16xi32> to vector<1xi32>
      %squeeze3A_512 = vector.extract %slice3A_511[0] : i32 from vector<1xi32>
      %and3A_513 = arith.constant 7 : i32
      %and3A_514 = arith.andi %squeeze3A_512, %and3A_513 : i32
      %mul3A_515 = arith.constant 2 : i32
      %mul3A_516 = arith.muli %scan3A_241, %mul3A_515 : i32
      %add3A_517 = arith.constant 1 : i32
      %add3A_518 = arith.addi %mul3A_516, %add3A_517 : i32
      %dma_start3A_519 = arith.constant 4 : i32
      %dma_start3A_520 = arith.constant 0 : i32
      %dma_start3A_521 = tpu.memref_slice %arg10[%add3A_518, %dma_start3A_519, %dma_start3A_520] : memref<16x8x32xf32, #tpu.memory_space<vmem>> -> memref<1x1x32xf32, #tpu.memory_space<vmem>>
      %dma_start3A_522 = arith.constant 0 : i32
      %dma_start3A_523 = tpu.memref_slice %arg2[%shift_right_arithmetic3A_510, %and3A_514, %dma_start3A_522] : memref<125000x8x32xf32, #tpu.memory_space<hbm>> -> memref<1x1x32xf32, #tpu.memory_space<hbm>>
      %dma_start3A_524 = arith.constant 4 : i32
      %dma_start3A_525 = arith.constant 0 : i32
      %dma_start3A_526 = tpu.memref_slice %arg10[%add3A_518, %dma_start3A_524, %dma_start3A_525] : memref<16x8x32xf32, #tpu.memory_space<vmem>> -> memref<1x1x32xf32, #tpu.memory_space<vmem>>
      %dma_start3A_527 = arith.constant 0 : i32
      %dma_start3A_528 = tpu.memref_slice %arg2[%shift_right_arithmetic3A_510, %and3A_514, %dma_start3A_527] : memref<125000x8x32xf32, #tpu.memory_space<hbm>> -> memref<1x1x32xf32, #tpu.memory_space<hbm>>
      tpu.enqueue_dma source(%dma_start3A_528 : memref<1x1x32xf32, #tpu.memory_space<hbm>>) target(%dma_start3A_526 : memref<1x1x32xf32, #tpu.memory_space<vmem>>) target_semaphore(%arg14 : memref<!tpu.dma_semaphore, #tpu.memory_space<semaphore_mem>>)
      %slice3A_529 = vector.extract_strided_slice %get3A_247 {offsets = [13], sizes = [1], strides = [1]} : vector<16xi32> to vector<1xi32>
      %squeeze3A_530 = vector.extract %slice3A_529[0] : i32 from vector<1xi32>
      %shift_right_arithmetic3A_531 = arith.constant 3 : i32
      %shift_right_arithmetic3A_532 = arith.shrsi %squeeze3A_530, %shift_right_arithmetic3A_531 : i32
      %slice3A_533 = vector.extract_strided_slice %get3A_247 {offsets = [13], sizes = [1], strides = [1]} : vector<16xi32> to vector<1xi32>
      %squeeze3A_534 = vector.extract %slice3A_533[0] : i32 from vector<1xi32>
      %and3A_535 = arith.constant 7 : i32
      %and3A_536 = arith.andi %squeeze3A_534, %and3A_535 : i32
      %mul3A_537 = arith.constant 2 : i32
      %mul3A_538 = arith.muli %scan3A_241, %mul3A_537 : i32
      %add3A_539 = arith.constant 1 : i32
      %add3A_540 = arith.addi %mul3A_538, %add3A_539 : i32
      %dma_start3A_541 = arith.constant 5 : i32
      %dma_start3A_542 = arith.constant 0 : i32
      %dma_start3A_543 = tpu.memref_slice %arg10[%add3A_540, %dma_start3A_541, %dma_start3A_542] : memref<16x8x32xf32, #tpu.memory_space<vmem>> -> memref<1x1x32xf32, #tpu.memory_space<vmem>>
      %dma_start3A_544 = arith.constant 0 : i32
      %dma_start3A_545 = tpu.memref_slice %arg2[%shift_right_arithmetic3A_532, %and3A_536, %dma_start3A_544] : memref<125000x8x32xf32, #tpu.memory_space<hbm>> -> memref<1x1x32xf32, #tpu.memory_space<hbm>>
      %dma_start3A_546 = arith.constant 5 : i32
      %dma_start3A_547 = arith.constant 0 : i32
      %dma_start3A_548 = tpu.memref_slice %arg10[%add3A_540, %dma_start3A_546, %dma_start3A_547] : memref<16x8x32xf32, #tpu.memory_space<vmem>> -> memref<1x1x32xf32, #tpu.memory_space<vmem>>
      %dma_start3A_549 = arith.constant 0 : i32
      %dma_start3A_550 = tpu.memref_slice %arg2[%shift_right_arithmetic3A_532, %and3A_536, %dma_start3A_549] : memref<125000x8x32xf32, #tpu.memory_space<hbm>> -> memref<1x1x32xf32, #tpu.memory_space<hbm>>
      tpu.enqueue_dma source(%dma_start3A_550 : memref<1x1x32xf32, #tpu.memory_space<hbm>>) target(%dma_start3A_548 : memref<1x1x32xf32, #tpu.memory_space<vmem>>) target_semaphore(%arg14 : memref<!tpu.dma_semaphore, #tpu.memory_space<semaphore_mem>>)
      %slice3A_551 = vector.extract_strided_slice %get3A_247 {offsets = [14], sizes = [1], strides = [1]} : vector<16xi32> to vector<1xi32>
      %squeeze3A_552 = vector.extract %slice3A_551[0] : i32 from vector<1xi32>
      %shift_right_arithmetic3A_553 = arith.constant 3 : i32
      %shift_right_arithmetic3A_554 = arith.shrsi %squeeze3A_552, %shift_right_arithmetic3A_553 : i32
      %slice3A_555 = vector.extract_strided_slice %get3A_247 {offsets = [14], sizes = [1], strides = [1]} : vector<16xi32> to vector<1xi32>
      %squeeze3A_556 = vector.extract %slice3A_555[0] : i32 from vector<1xi32>
      %and3A_557 = arith.constant 7 : i32
      %and3A_558 = arith.andi %squeeze3A_556, %and3A_557 : i32
      %mul3A_559 = arith.constant 2 : i32
      %mul3A_560 = arith.muli %scan3A_241, %mul3A_559 : i32
      %add3A_561 = arith.constant 1 : i32
      %add3A_562 = arith.addi %mul3A_560, %add3A_561 : i32
      %dma_start3A_563 = arith.constant 6 : i32
      %dma_start3A_564 = arith.constant 0 : i32
      %dma_start3A_565 = tpu.memref_slice %arg10[%add3A_562, %dma_start3A_563, %dma_start3A_564] : memref<16x8x32xf32, #tpu.memory_space<vmem>> -> memref<1x1x32xf32, #tpu.memory_space<vmem>>
      %dma_start3A_566 = arith.constant 0 : i32
      %dma_start3A_567 = tpu.memref_slice %arg2[%shift_right_arithmetic3A_554, %and3A_558, %dma_start3A_566] : memref<125000x8x32xf32, #tpu.memory_space<hbm>> -> memref<1x1x32xf32, #tpu.memory_space<hbm>>
      %dma_start3A_568 = arith.constant 6 : i32
      %dma_start3A_569 = arith.constant 0 : i32
      %dma_start3A_570 = tpu.memref_slice %arg10[%add3A_562, %dma_start3A_568, %dma_start3A_569] : memref<16x8x32xf32, #tpu.memory_space<vmem>> -> memref<1x1x32xf32, #tpu.memory_space<vmem>>
      %dma_start3A_571 = arith.constant 0 : i32
      %dma_start3A_572 = tpu.memref_slice %arg2[%shift_right_arithmetic3A_554, %and3A_558, %dma_start3A_571] : memref<125000x8x32xf32, #tpu.memory_space<hbm>> -> memref<1x1x32xf32, #tpu.memory_space<hbm>>
      tpu.enqueue_dma source(%dma_start3A_572 : memref<1x1x32xf32, #tpu.memory_space<hbm>>) target(%dma_start3A_570 : memref<1x1x32xf32, #tpu.memory_space<vmem>>) target_semaphore(%arg14 : memref<!tpu.dma_semaphore, #tpu.memory_space<semaphore_mem>>)
      %slice3A_573 = vector.extract_strided_slice %get3A_247 {offsets = [15], sizes = [1], strides = [1]} : vector<16xi32> to vector<1xi32>
      %squeeze3A_574 = vector.extract %slice3A_573[0] : i32 from vector<1xi32>
      %shift_right_arithmetic3A_575 = arith.constant 3 : i32
      %shift_right_arithmetic3A_576 = arith.shrsi %squeeze3A_574, %shift_right_arithmetic3A_575 : i32
      %slice3A_577 = vector.extract_strided_slice %get3A_247 {offsets = [15], sizes = [1], strides = [1]} : vector<16xi32> to vector<1xi32>
      %squeeze3A_578 = vector.extract %slice3A_577[0] : i32 from vector<1xi32>
      %and3A_579 = arith.constant 7 : i32
      %and3A_580 = arith.andi %squeeze3A_578, %and3A_579 : i32
      %mul3A_581 = arith.constant 2 : i32
      %mul3A_582 = arith.muli %scan3A_241, %mul3A_581 : i32
      %add3A_583 = arith.constant 1 : i32
      %add3A_584 = arith.addi %mul3A_582, %add3A_583 : i32
      %dma_start3A_585 = arith.constant 7 : i32
      %dma_start3A_586 = arith.constant 0 : i32
      %dma_start3A_587 = tpu.memref_slice %arg10[%add3A_584, %dma_start3A_585, %dma_start3A_586] : memref<16x8x32xf32, #tpu.memory_space<vmem>> -> memref<1x1x32xf32, #tpu.memory_space<vmem>>
      %dma_start3A_588 = arith.constant 0 : i32
      %dma_start3A_589 = tpu.memref_slice %arg2[%shift_right_arithmetic3A_576, %and3A_580, %dma_start3A_588] : memref<125000x8x32xf32, #tpu.memory_space<hbm>> -> memref<1x1x32xf32, #tpu.memory_space<hbm>>
      %dma_start3A_590 = arith.constant 7 : i32
      %dma_start3A_591 = arith.constant 0 : i32
      %dma_start3A_592 = tpu.memref_slice %arg10[%add3A_584, %dma_start3A_590, %dma_start3A_591] : memref<16x8x32xf32, #tpu.memory_space<vmem>> -> memref<1x1x32xf32, #tpu.memory_space<vmem>>
      %dma_start3A_593 = arith.constant 0 : i32
      %dma_start3A_594 = tpu.memref_slice %arg2[%shift_right_arithmetic3A_576, %and3A_580, %dma_start3A_593] : memref<125000x8x32xf32, #tpu.memory_space<hbm>> -> memref<1x1x32xf32, #tpu.memory_space<hbm>>
      tpu.enqueue_dma source(%dma_start3A_594 : memref<1x1x32xf32, #tpu.memory_space<hbm>>) target(%dma_start3A_592 : memref<1x1x32xf32, #tpu.memory_space<vmem>>) target_semaphore(%arg14 : memref<!tpu.dma_semaphore, #tpu.memory_space<semaphore_mem>>)
      %scan3A_595 = arith.constant 0 : i32
      scf.yield %scan3A_595 : i32
    }
    %scan3A_22 = arith.constant 8 : i32
    %scan3A_23 = arith.constant 0 : i32
    %scan3A_24 = arith.constant 0 : i32
    %scan3A_25 = arith.constant 8 : i32
    %scan3A_26 = arith.addi %scan3A_24, %scan3A_25 : i32
    %scan3A_27 = arith.constant 1 : i32
    %scan3A_28 = scf.for %scan3A_241 = %scan3A_24 to %scan3A_26 step %scan3A_27 iter_args(%scan3A_242 = %scan3A_23) -> (i32)  : i32 {
      %mul3A_243 = arith.constant 16 : i32
      %mul3A_244 = arith.muli %scan3A_241, %mul3A_243 : i32
      %add3A_245 = arith.constant 384 : i32
      %add3A_246 = arith.addi %add3A_245, %mul3A_244 : i32
      %get3A = arith.index_cast %add3A_246 : i32 to index
      %get3A_247 = tpu.vector_load %arg7[%get3A] {strides = array<i32>} : memref<1024xi32, #tpu.memory_space<vmem>>, vector<16xi32>,
      %slice3A = vector.extract_strided_slice %get3A_247 {offsets = [0], sizes = [1], strides = [1]} : vector<16xi32> to vector<1xi32>
      %squeeze3A = vector.extract %slice3A[0] : i32 from vector<1xi32>
      %shift_right_arithmetic3A = arith.constant 3 : i32
      %shift_right_arithmetic3A_248 = arith.shrsi %squeeze3A, %shift_right_arithmetic3A : i32
      %slice3A_249 = vector.extract_strided_slice %get3A_247 {offsets = [0], sizes = [1], strides = [1]} : vector<16xi32> to vector<1xi32>
      %squeeze3A_250 = vector.extract %slice3A_249[0] : i32 from vector<1xi32>
      %and3A = arith.constant 7 : i32
      %and3A_251 = arith.andi %squeeze3A_250, %and3A : i32
      %mul3A_252 = arith.constant 2 : i32
      %mul3A_253 = arith.muli %scan3A_241, %mul3A_252 : i32
      %add3A_254 = arith.constant 0 : i32
      %add3A_255 = arith.addi %mul3A_253, %add3A_254 : i32
      %dma_start3A = arith.constant 0 : i32
      %dma_start3A_256 = arith.constant 0 : i32
      %dma_start3A_257 = tpu.memref_slice %arg11[%add3A_255, %dma_start3A, %dma_start3A_256] : memref<16x8x32xf32, #tpu.memory_space<vmem>> -> memref<1x1x32xf32, #tpu.memory_space<vmem>>
      %dma_start3A_258 = arith.constant 0 : i32
      %dma_start3A_259 = tpu.memref_slice %arg2[%shift_right_arithmetic3A_248, %and3A_251, %dma_start3A_258] : memref<125000x8x32xf32, #tpu.memory_space<hbm>> -> memref<1x1x32xf32, #tpu.memory_space<hbm>>
      %dma_start3A_260 = arith.constant 0 : i32
      %dma_start3A_261 = arith.constant 0 : i32
      %dma_start3A_262 = tpu.memref_slice %arg11[%add3A_255, %dma_start3A_260, %dma_start3A_261] : memref<16x8x32xf32, #tpu.memory_space<vmem>> -> memref<1x1x32xf32, #tpu.memory_space<vmem>>
      %dma_start3A_263 = arith.constant 0 : i32
      %dma_start3A_264 = tpu.memref_slice %arg2[%shift_right_arithmetic3A_248, %and3A_251, %dma_start3A_263] : memref<125000x8x32xf32, #tpu.memory_space<hbm>> -> memref<1x1x32xf32, #tpu.memory_space<hbm>>
      tpu.enqueue_dma source(%dma_start3A_264 : memref<1x1x32xf32, #tpu.memory_space<hbm>>) target(%dma_start3A_262 : memref<1x1x32xf32, #tpu.memory_space<vmem>>) target_semaphore(%arg15 : memref<!tpu.dma_semaphore, #tpu.memory_space<semaphore_mem>>)
      %slice3A_265 = vector.extract_strided_slice %get3A_247 {offsets = [1], sizes = [1], strides = [1]} : vector<16xi32> to vector<1xi32>
      %squeeze3A_266 = vector.extract %slice3A_265[0] : i32 from vector<1xi32>
      %shift_right_arithmetic3A_267 = arith.constant 3 : i32
      %shift_right_arithmetic3A_268 = arith.shrsi %squeeze3A_266, %shift_right_arithmetic3A_267 : i32
      %slice3A_269 = vector.extract_strided_slice %get3A_247 {offsets = [1], sizes = [1], strides = [1]} : vector<16xi32> to vector<1xi32>
      %squeeze3A_270 = vector.extract %slice3A_269[0] : i32 from vector<1xi32>
      %and3A_271 = arith.constant 7 : i32
      %and3A_272 = arith.andi %squeeze3A_270, %and3A_271 : i32
      %mul3A_273 = arith.constant 2 : i32
      %mul3A_274 = arith.muli %scan3A_241, %mul3A_273 : i32
      %add3A_275 = arith.constant 0 : i32
      %add3A_276 = arith.addi %mul3A_274, %add3A_275 : i32
      %dma_start3A_277 = arith.constant 1 : i32
      %dma_start3A_278 = arith.constant 0 : i32
      %dma_start3A_279 = tpu.memref_slice %arg11[%add3A_276, %dma_start3A_277, %dma_start3A_278] : memref<16x8x32xf32, #tpu.memory_space<vmem>> -> memref<1x1x32xf32, #tpu.memory_space<vmem>>
      %dma_start3A_280 = arith.constant 0 : i32
      %dma_start3A_281 = tpu.memref_slice %arg2[%shift_right_arithmetic3A_268, %and3A_272, %dma_start3A_280] : memref<125000x8x32xf32, #tpu.memory_space<hbm>> -> memref<1x1x32xf32, #tpu.memory_space<hbm>>
      %dma_start3A_282 = arith.constant 1 : i32
      %dma_start3A_283 = arith.constant 0 : i32
      %dma_start3A_284 = tpu.memref_slice %arg11[%add3A_276, %dma_start3A_282, %dma_start3A_283] : memref<16x8x32xf32, #tpu.memory_space<vmem>> -> memref<1x1x32xf32, #tpu.memory_space<vmem>>
      %dma_start3A_285 = arith.constant 0 : i32
      %dma_start3A_286 = tpu.memref_slice %arg2[%shift_right_arithmetic3A_268, %and3A_272, %dma_start3A_285] : memref<125000x8x32xf32, #tpu.memory_space<hbm>> -> memref<1x1x32xf32, #tpu.memory_space<hbm>>
      tpu.enqueue_dma source(%dma_start3A_286 : memref<1x1x32xf32, #tpu.memory_space<hbm>>) target(%dma_start3A_284 : memref<1x1x32xf32, #tpu.memory_space<vmem>>) target_semaphore(%arg15 : memref<!tpu.dma_semaphore, #tpu.memory_space<semaphore_mem>>)
      %slice3A_287 = vector.extract_strided_slice %get3A_247 {offsets = [2], sizes = [1], strides = [1]} : vector<16xi32> to vector<1xi32>
      %squeeze3A_288 = vector.extract %slice3A_287[0] : i32 from vector<1xi32>
      %shift_right_arithmetic3A_289 = arith.constant 3 : i32
      %shift_right_arithmetic3A_290 = arith.shrsi %squeeze3A_288, %shift_right_arithmetic3A_289 : i32
      %slice3A_291 = vector.extract_strided_slice %get3A_247 {offsets = [2], sizes = [1], strides = [1]} : vector<16xi32> to vector<1xi32>
      %squeeze3A_292 = vector.extract %slice3A_291[0] : i32 from vector<1xi32>
      %and3A_293 = arith.constant 7 : i32
      %and3A_294 = arith.andi %squeeze3A_292, %and3A_293 : i32
      %mul3A_295 = arith.constant 2 : i32
      %mul3A_296 = arith.muli %scan3A_241, %mul3A_295 : i32
      %add3A_297 = arith.constant 0 : i32
      %add3A_298 = arith.addi %mul3A_296, %add3A_297 : i32
      %dma_start3A_299 = arith.constant 2 : i32
      %dma_start3A_300 = arith.constant 0 : i32
      %dma_start3A_301 = tpu.memref_slice %arg11[%add3A_298, %dma_start3A_299, %dma_start3A_300] : memref<16x8x32xf32, #tpu.memory_space<vmem>> -> memref<1x1x32xf32, #tpu.memory_space<vmem>>
      %dma_start3A_302 = arith.constant 0 : i32
      %dma_start3A_303 = tpu.memref_slice %arg2[%shift_right_arithmetic3A_290, %and3A_294, %dma_start3A_302] : memref<125000x8x32xf32, #tpu.memory_space<hbm>> -> memref<1x1x32xf32, #tpu.memory_space<hbm>>
      %dma_start3A_304 = arith.constant 2 : i32
      %dma_start3A_305 = arith.constant 0 : i32
      %dma_start3A_306 = tpu.memref_slice %arg11[%add3A_298, %dma_start3A_304, %dma_start3A_305] : memref<16x8x32xf32, #tpu.memory_space<vmem>> -> memref<1x1x32xf32, #tpu.memory_space<vmem>>
      %dma_start3A_307 = arith.constant 0 : i32
      %dma_start3A_308 = tpu.memref_slice %arg2[%shift_right_arithmetic3A_290, %and3A_294, %dma_start3A_307] : memref<125000x8x32xf32, #tpu.memory_space<hbm>> -> memref<1x1x32xf32, #tpu.memory_space<hbm>>
      tpu.enqueue_dma source(%dma_start3A_308 : memref<1x1x32xf32, #tpu.memory_space<hbm>>) target(%dma_start3A_306 : memref<1x1x32xf32, #tpu.memory_space<vmem>>) target_semaphore(%arg15 : memref<!tpu.dma_semaphore, #tpu.memory_space<semaphore_mem>>)
      %slice3A_309 = vector.extract_strided_slice %get3A_247 {offsets = [3], sizes = [1], strides = [1]} : vector<16xi32> to vector<1xi32>
      %squeeze3A_310 = vector.extract %slice3A_309[0] : i32 from vector<1xi32>
      %shift_right_arithmetic3A_311 = arith.constant 3 : i32
      %shift_right_arithmetic3A_312 = arith.shrsi %squeeze3A_310, %shift_right_arithmetic3A_311 : i32
      %slice3A_313 = vector.extract_strided_slice %get3A_247 {offsets = [3], sizes = [1], strides = [1]} : vector<16xi32> to vector<1xi32>
      %squeeze3A_314 = vector.extract %slice3A_313[0] : i32 from vector<1xi32>
      %and3A_315 = arith.constant 7 : i32
      %and3A_316 = arith.andi %squeeze3A_314, %and3A_315 : i32
      %mul3A_317 = arith.constant 2 : i32
      %mul3A_318 = arith.muli %scan3A_241, %mul3A_317 : i32
      %add3A_319 = arith.constant 0 : i32
      %add3A_320 = arith.addi %mul3A_318, %add3A_319 : i32
      %dma_start3A_321 = arith.constant 3 : i32
      %dma_start3A_322 = arith.constant 0 : i32
      %dma_start3A_323 = tpu.memref_slice %arg11[%add3A_320, %dma_start3A_321, %dma_start3A_322] : memref<16x8x32xf32, #tpu.memory_space<vmem>> -> memref<1x1x32xf32, #tpu.memory_space<vmem>>
      %dma_start3A_324 = arith.constant 0 : i32
      %dma_start3A_325 = tpu.memref_slice %arg2[%shift_right_arithmetic3A_312, %and3A_316, %dma_start3A_324] : memref<125000x8x32xf32, #tpu.memory_space<hbm>> -> memref<1x1x32xf32, #tpu.memory_space<hbm>>
      %dma_start3A_326 = arith.constant 3 : i32
      %dma_start3A_327 = arith.constant 0 : i32
      %dma_start3A_328 = tpu.memref_slice %arg11[%add3A_320, %dma_start3A_326, %dma_start3A_327] : memref<16x8x32xf32, #tpu.memory_space<vmem>> -> memref<1x1x32xf32, #tpu.memory_space<vmem>>
      %dma_start3A_329 = arith.constant 0 : i32
      %dma_start3A_330 = tpu.memref_slice %arg2[%shift_right_arithmetic3A_312, %and3A_316, %dma_start3A_329] : memref<125000x8x32xf32, #tpu.memory_space<hbm>> -> memref<1x1x32xf32, #tpu.memory_space<hbm>>
      tpu.enqueue_dma source(%dma_start3A_330 : memref<1x1x32xf32, #tpu.memory_space<hbm>>) target(%dma_start3A_328 : memref<1x1x32xf32, #tpu.memory_space<vmem>>) target_semaphore(%arg15 : memref<!tpu.dma_semaphore, #tpu.memory_space<semaphore_mem>>)
      %slice3A_331 = vector.extract_strided_slice %get3A_247 {offsets = [4], sizes = [1], strides = [1]} : vector<16xi32> to vector<1xi32>
      %squeeze3A_332 = vector.extract %slice3A_331[0] : i32 from vector<1xi32>
      %shift_right_arithmetic3A_333 = arith.constant 3 : i32
      %shift_right_arithmetic3A_334 = arith.shrsi %squeeze3A_332, %shift_right_arithmetic3A_333 : i32
      %slice3A_335 = vector.extract_strided_slice %get3A_247 {offsets = [4], sizes = [1], strides = [1]} : vector<16xi32> to vector<1xi32>
      %squeeze3A_336 = vector.extract %slice3A_335[0] : i32 from vector<1xi32>
      %and3A_337 = arith.constant 7 : i32
      %and3A_338 = arith.andi %squeeze3A_336, %and3A_337 : i32
      %mul3A_339 = arith.constant 2 : i32
      %mul3A_340 = arith.muli %scan3A_241, %mul3A_339 : i32
      %add3A_341 = arith.constant 0 : i32
      %add3A_342 = arith.addi %mul3A_340, %add3A_341 : i32
      %dma_start3A_343 = arith.constant 4 : i32
      %dma_start3A_344 = arith.constant 0 : i32
      %dma_start3A_345 = tpu.memref_slice %arg11[%add3A_342, %dma_start3A_343, %dma_start3A_344] : memref<16x8x32xf32, #tpu.memory_space<vmem>> -> memref<1x1x32xf32, #tpu.memory_space<vmem>>
      %dma_start3A_346 = arith.constant 0 : i32
      %dma_start3A_347 = tpu.memref_slice %arg2[%shift_right_arithmetic3A_334, %and3A_338, %dma_start3A_346] : memref<125000x8x32xf32, #tpu.memory_space<hbm>> -> memref<1x1x32xf32, #tpu.memory_space<hbm>>
      %dma_start3A_348 = arith.constant 4 : i32
      %dma_start3A_349 = arith.constant 0 : i32
      %dma_start3A_350 = tpu.memref_slice %arg11[%add3A_342, %dma_start3A_348, %dma_start3A_349] : memref<16x8x32xf32, #tpu.memory_space<vmem>> -> memref<1x1x32xf32, #tpu.memory_space<vmem>>
      %dma_start3A_351 = arith.constant 0 : i32
      %dma_start3A_352 = tpu.memref_slice %arg2[%shift_right_arithmetic3A_334, %and3A_338, %dma_start3A_351] : memref<125000x8x32xf32, #tpu.memory_space<hbm>> -> memref<1x1x32xf32, #tpu.memory_space<hbm>>
      tpu.enqueue_dma source(%dma_start3A_352 : memref<1x1x32xf32, #tpu.memory_space<hbm>>) target(%dma_start3A_350 : memref<1x1x32xf32, #tpu.memory_space<vmem>>) target_semaphore(%arg15 : memref<!tpu.dma_semaphore, #tpu.memory_space<semaphore_mem>>)
      %slice3A_353 = vector.extract_strided_slice %get3A_247 {offsets = [5], sizes = [1], strides = [1]} : vector<16xi32> to vector<1xi32>
      %squeeze3A_354 = vector.extract %slice3A_353[0] : i32 from vector<1xi32>
      %shift_right_arithmetic3A_355 = arith.constant 3 : i32
      %shift_right_arithmetic3A_356 = arith.shrsi %squeeze3A_354, %shift_right_arithmetic3A_355 : i32
      %slice3A_357 = vector.extract_strided_slice %get3A_247 {offsets = [5], sizes = [1], strides = [1]} : vector<16xi32> to vector<1xi32>
      %squeeze3A_358 = vector.extract %slice3A_357[0] : i32 from vector<1xi32>
      %and3A_359 = arith.constant 7 : i32
      %and3A_360 = arith.andi %squeeze3A_358, %and3A_359 : i32
      %mul3A_361 = arith.constant 2 : i32
      %mul3A_362 = arith.muli %scan3A_241, %mul3A_361 : i32
      %add3A_363 = arith.constant 0 : i32
      %add3A_364 = arith.addi %mul3A_362, %add3A_363 : i32
      %dma_start3A_365 = arith.constant 5 : i32
      %dma_start3A_366 = arith.constant 0 : i32
      %dma_start3A_367 = tpu.memref_slice %arg11[%add3A_364, %dma_start3A_365, %dma_start3A_366] : memref<16x8x32xf32, #tpu.memory_space<vmem>> -> memref<1x1x32xf32, #tpu.memory_space<vmem>>
      %dma_start3A_368 = arith.constant 0 : i32
      %dma_start3A_369 = tpu.memref_slice %arg2[%shift_right_arithmetic3A_356, %and3A_360, %dma_start3A_368] : memref<125000x8x32xf32, #tpu.memory_space<hbm>> -> memref<1x1x32xf32, #tpu.memory_space<hbm>>
      %dma_start3A_370 = arith.constant 5 : i32
      %dma_start3A_371 = arith.constant 0 : i32
      %dma_start3A_372 = tpu.memref_slice %arg11[%add3A_364, %dma_start3A_370, %dma_start3A_371] : memref<16x8x32xf32, #tpu.memory_space<vmem>> -> memref<1x1x32xf32, #tpu.memory_space<vmem>>
      %dma_start3A_373 = arith.constant 0 : i32
      %dma_start3A_374 = tpu.memref_slice %arg2[%shift_right_arithmetic3A_356, %and3A_360, %dma_start3A_373] : memref<125000x8x32xf32, #tpu.memory_space<hbm>> -> memref<1x1x32xf32, #tpu.memory_space<hbm>>
      tpu.enqueue_dma source(%dma_start3A_374 : memref<1x1x32xf32, #tpu.memory_space<hbm>>) target(%dma_start3A_372 : memref<1x1x32xf32, #tpu.memory_space<vmem>>) target_semaphore(%arg15 : memref<!tpu.dma_semaphore, #tpu.memory_space<semaphore_mem>>)
      %slice3A_375 = vector.extract_strided_slice %get3A_247 {offsets = [6], sizes = [1], strides = [1]} : vector<16xi32> to vector<1xi32>
      %squeeze3A_376 = vector.extract %slice3A_375[0] : i32 from vector<1xi32>
      %shift_right_arithmetic3A_377 = arith.constant 3 : i32
      %shift_right_arithmetic3A_378 = arith.shrsi %squeeze3A_376, %shift_right_arithmetic3A_377 : i32
      %slice3A_379 = vector.extract_strided_slice %get3A_247 {offsets = [6], sizes = [1], strides = [1]} : vector<16xi32> to vector<1xi32>
      %squeeze3A_380 = vector.extract %slice3A_379[0] : i32 from vector<1xi32>
      %and3A_381 = arith.constant 7 : i32
      %and3A_382 = arith.andi %squeeze3A_380, %and3A_381 : i32
      %mul3A_383 = arith.constant 2 : i32
      %mul3A_384 = arith.muli %scan3A_241, %mul3A_383 : i32
      %add3A_385 = arith.constant 0 : i32
      %add3A_386 = arith.addi %mul3A_384, %add3A_385 : i32
      %dma_start3A_387 = arith.constant 6 : i32
      %dma_start3A_388 = arith.constant 0 : i32
      %dma_start3A_389 = tpu.memref_slice %arg11[%add3A_386, %dma_start3A_387, %dma_start3A_388] : memref<16x8x32xf32, #tpu.memory_space<vmem>> -> memref<1x1x32xf32, #tpu.memory_space<vmem>>
      %dma_start3A_390 = arith.constant 0 : i32
      %dma_start3A_391 = tpu.memref_slice %arg2[%shift_right_arithmetic3A_378, %and3A_382, %dma_start3A_390] : memref<125000x8x32xf32, #tpu.memory_space<hbm>> -> memref<1x1x32xf32, #tpu.memory_space<hbm>>
      %dma_start3A_392 = arith.constant 6 : i32
      %dma_start3A_393 = arith.constant 0 : i32
      %dma_start3A_394 = tpu.memref_slice %arg11[%add3A_386, %dma_start3A_392, %dma_start3A_393] : memref<16x8x32xf32, #tpu.memory_space<vmem>> -> memref<1x1x32xf32, #tpu.memory_space<vmem>>
      %dma_start3A_395 = arith.constant 0 : i32
      %dma_start3A_396 = tpu.memref_slice %arg2[%shift_right_arithmetic3A_378, %and3A_382, %dma_start3A_395] : memref<125000x8x32xf32, #tpu.memory_space<hbm>> -> memref<1x1x32xf32, #tpu.memory_space<hbm>>
      tpu.enqueue_dma source(%dma_start3A_396 : memref<1x1x32xf32, #tpu.memory_space<hbm>>) target(%dma_start3A_394 : memref<1x1x32xf32, #tpu.memory_space<vmem>>) target_semaphore(%arg15 : memref<!tpu.dma_semaphore, #tpu.memory_space<semaphore_mem>>)
      %slice3A_397 = vector.extract_strided_slice %get3A_247 {offsets = [7], sizes = [1], strides = [1]} : vector<16xi32> to vector<1xi32>
      %squeeze3A_398 = vector.extract %slice3A_397[0] : i32 from vector<1xi32>
      %shift_right_arithmetic3A_399 = arith.constant 3 : i32
      %shift_right_arithmetic3A_400 = arith.shrsi %squeeze3A_398, %shift_right_arithmetic3A_399 : i32
      %slice3A_401 = vector.extract_strided_slice %get3A_247 {offsets = [7], sizes = [1], strides = [1]} : vector<16xi32> to vector<1xi32>
      %squeeze3A_402 = vector.extract %slice3A_401[0] : i32 from vector<1xi32>
      %and3A_403 = arith.constant 7 : i32
      %and3A_404 = arith.andi %squeeze3A_402, %and3A_403 : i32
      %mul3A_405 = arith.constant 2 : i32
      %mul3A_406 = arith.muli %scan3A_241, %mul3A_405 : i32
      %add3A_407 = arith.constant 0 : i32
      %add3A_408 = arith.addi %mul3A_406, %add3A_407 : i32
      %dma_start3A_409 = arith.constant 7 : i32
      %dma_start3A_410 = arith.constant 0 : i32
      %dma_start3A_411 = tpu.memref_slice %arg11[%add3A_408, %dma_start3A_409, %dma_start3A_410] : memref<16x8x32xf32, #tpu.memory_space<vmem>> -> memref<1x1x32xf32, #tpu.memory_space<vmem>>
      %dma_start3A_412 = arith.constant 0 : i32
      %dma_start3A_413 = tpu.memref_slice %arg2[%shift_right_arithmetic3A_400, %and3A_404, %dma_start3A_412] : memref<125000x8x32xf32, #tpu.memory_space<hbm>> -> memref<1x1x32xf32, #tpu.memory_space<hbm>>
      %dma_start3A_414 = arith.constant 7 : i32
      %dma_start3A_415 = arith.constant 0 : i32
      %dma_start3A_416 = tpu.memref_slice %arg11[%add3A_408, %dma_start3A_414, %dma_start3A_415] : memref<16x8x32xf32, #tpu.memory_space<vmem>> -> memref<1x1x32xf32, #tpu.memory_space<vmem>>
      %dma_start3A_417 = arith.constant 0 : i32
      %dma_start3A_418 = tpu.memref_slice %arg2[%shift_right_arithmetic3A_400, %and3A_404, %dma_start3A_417] : memref<125000x8x32xf32, #tpu.memory_space<hbm>> -> memref<1x1x32xf32, #tpu.memory_space<hbm>>
      tpu.enqueue_dma source(%dma_start3A_418 : memref<1x1x32xf32, #tpu.memory_space<hbm>>) target(%dma_start3A_416 : memref<1x1x32xf32, #tpu.memory_space<vmem>>) target_semaphore(%arg15 : memref<!tpu.dma_semaphore, #tpu.memory_space<semaphore_mem>>)
      %slice3A_419 = vector.extract_strided_slice %get3A_247 {offsets = [8], sizes = [1], strides = [1]} : vector<16xi32> to vector<1xi32>
      %squeeze3A_420 = vector.extract %slice3A_419[0] : i32 from vector<1xi32>
      %shift_right_arithmetic3A_421 = arith.constant 3 : i32
      %shift_right_arithmetic3A_422 = arith.shrsi %squeeze3A_420, %shift_right_arithmetic3A_421 : i32
      %slice3A_423 = vector.extract_strided_slice %get3A_247 {offsets = [8], sizes = [1], strides = [1]} : vector<16xi32> to vector<1xi32>
      %squeeze3A_424 = vector.extract %slice3A_423[0] : i32 from vector<1xi32>
      %and3A_425 = arith.constant 7 : i32
      %and3A_426 = arith.andi %squeeze3A_424, %and3A_425 : i32
      %mul3A_427 = arith.constant 2 : i32
      %mul3A_428 = arith.muli %scan3A_241, %mul3A_427 : i32
      %add3A_429 = arith.constant 1 : i32
      %add3A_430 = arith.addi %mul3A_428, %add3A_429 : i32
      %dma_start3A_431 = arith.constant 0 : i32
      %dma_start3A_432 = arith.constant 0 : i32
      %dma_start3A_433 = tpu.memref_slice %arg11[%add3A_430, %dma_start3A_431, %dma_start3A_432] : memref<16x8x32xf32, #tpu.memory_space<vmem>> -> memref<1x1x32xf32, #tpu.memory_space<vmem>>
      %dma_start3A_434 = arith.constant 0 : i32
      %dma_start3A_435 = tpu.memref_slice %arg2[%shift_right_arithmetic3A_422, %and3A_426, %dma_start3A_434] : memref<125000x8x32xf32, #tpu.memory_space<hbm>> -> memref<1x1x32xf32, #tpu.memory_space<hbm>>
      %dma_start3A_436 = arith.constant 0 : i32
      %dma_start3A_437 = arith.constant 0 : i32
      %dma_start3A_438 = tpu.memref_slice %arg11[%add3A_430, %dma_start3A_436, %dma_start3A_437] : memref<16x8x32xf32, #tpu.memory_space<vmem>> -> memref<1x1x32xf32, #tpu.memory_space<vmem>>
      %dma_start3A_439 = arith.constant 0 : i32
      %dma_start3A_440 = tpu.memref_slice %arg2[%shift_right_arithmetic3A_422, %and3A_426, %dma_start3A_439] : memref<125000x8x32xf32, #tpu.memory_space<hbm>> -> memref<1x1x32xf32, #tpu.memory_space<hbm>>
      tpu.enqueue_dma source(%dma_start3A_440 : memref<1x1x32xf32, #tpu.memory_space<hbm>>) target(%dma_start3A_438 : memref<1x1x32xf32, #tpu.memory_space<vmem>>) target_semaphore(%arg15 : memref<!tpu.dma_semaphore, #tpu.memory_space<semaphore_mem>>)
      %slice3A_441 = vector.extract_strided_slice %get3A_247 {offsets = [9], sizes = [1], strides = [1]} : vector<16xi32> to vector<1xi32>
      %squeeze3A_442 = vector.extract %slice3A_441[0] : i32 from vector<1xi32>
      %shift_right_arithmetic3A_443 = arith.constant 3 : i32
      %shift_right_arithmetic3A_444 = arith.shrsi %squeeze3A_442, %shift_right_arithmetic3A_443 : i32
      %slice3A_445 = vector.extract_strided_slice %get3A_247 {offsets = [9], sizes = [1], strides = [1]} : vector<16xi32> to vector<1xi32>
      %squeeze3A_446 = vector.extract %slice3A_445[0] : i32 from vector<1xi32>
      %and3A_447 = arith.constant 7 : i32
      %and3A_448 = arith.andi %squeeze3A_446, %and3A_447 : i32
      %mul3A_449 = arith.constant 2 : i32
      %mul3A_450 = arith.muli %scan3A_241, %mul3A_449 : i32
      %add3A_451 = arith.constant 1 : i32
      %add3A_452 = arith.addi %mul3A_450, %add3A_451 : i32
      %dma_start3A_453 = arith.constant 1 : i32
      %dma_start3A_454 = arith.constant 0 : i32
      %dma_start3A_455 = tpu.memref_slice %arg11[%add3A_452, %dma_start3A_453, %dma_start3A_454] : memref<16x8x32xf32, #tpu.memory_space<vmem>> -> memref<1x1x32xf32, #tpu.memory_space<vmem>>
      %dma_start3A_456 = arith.constant 0 : i32
      %dma_start3A_457 = tpu.memref_slice %arg2[%shift_right_arithmetic3A_444, %and3A_448, %dma_start3A_456] : memref<125000x8x32xf32, #tpu.memory_space<hbm>> -> memref<1x1x32xf32, #tpu.memory_space<hbm>>
      %dma_start3A_458 = arith.constant 1 : i32
      %dma_start3A_459 = arith.constant 0 : i32
      %dma_start3A_460 = tpu.memref_slice %arg11[%add3A_452, %dma_start3A_458, %dma_start3A_459] : memref<16x8x32xf32, #tpu.memory_space<vmem>> -> memref<1x1x32xf32, #tpu.memory_space<vmem>>
      %dma_start3A_461 = arith.constant 0 : i32
      %dma_start3A_462 = tpu.memref_slice %arg2[%shift_right_arithmetic3A_444, %and3A_448, %dma_start3A_461] : memref<125000x8x32xf32, #tpu.memory_space<hbm>> -> memref<1x1x32xf32, #tpu.memory_space<hbm>>
      tpu.enqueue_dma source(%dma_start3A_462 : memref<1x1x32xf32, #tpu.memory_space<hbm>>) target(%dma_start3A_460 : memref<1x1x32xf32, #tpu.memory_space<vmem>>) target_semaphore(%arg15 : memref<!tpu.dma_semaphore, #tpu.memory_space<semaphore_mem>>)
      %slice3A_463 = vector.extract_strided_slice %get3A_247 {offsets = [10], sizes = [1], strides = [1]} : vector<16xi32> to vector<1xi32>
      %squeeze3A_464 = vector.extract %slice3A_463[0] : i32 from vector<1xi32>
      %shift_right_arithmetic3A_465 = arith.constant 3 : i32
      %shift_right_arithmetic3A_466 = arith.shrsi %squeeze3A_464, %shift_right_arithmetic3A_465 : i32
      %slice3A_467 = vector.extract_strided_slice %get3A_247 {offsets = [10], sizes = [1], strides = [1]} : vector<16xi32> to vector<1xi32>
      %squeeze3A_468 = vector.extract %slice3A_467[0] : i32 from vector<1xi32>
      %and3A_469 = arith.constant 7 : i32
      %and3A_470 = arith.andi %squeeze3A_468, %and3A_469 : i32
      %mul3A_471 = arith.constant 2 : i32
      %mul3A_472 = arith.muli %scan3A_241, %mul3A_471 : i32
      %add3A_473 = arith.constant 1 : i32
      %add3A_474 = arith.addi %mul3A_472, %add3A_473 : i32
      %dma_start3A_475 = arith.constant 2 : i32
      %dma_start3A_476 = arith.constant 0 : i32
      %dma_start3A_477 = tpu.memref_slice %arg11[%add3A_474, %dma_start3A_475, %dma_start3A_476] : memref<16x8x32xf32, #tpu.memory_space<vmem>> -> memref<1x1x32xf32, #tpu.memory_space<vmem>>
      %dma_start3A_478 = arith.constant 0 : i32
      %dma_start3A_479 = tpu.memref_slice %arg2[%shift_right_arithmetic3A_466, %and3A_470, %dma_start3A_478] : memref<125000x8x32xf32, #tpu.memory_space<hbm>> -> memref<1x1x32xf32, #tpu.memory_space<hbm>>
      %dma_start3A_480 = arith.constant 2 : i32
      %dma_start3A_481 = arith.constant 0 : i32
      %dma_start3A_482 = tpu.memref_slice %arg11[%add3A_474, %dma_start3A_480, %dma_start3A_481] : memref<16x8x32xf32, #tpu.memory_space<vmem>> -> memref<1x1x32xf32, #tpu.memory_space<vmem>>
      %dma_start3A_483 = arith.constant 0 : i32
      %dma_start3A_484 = tpu.memref_slice %arg2[%shift_right_arithmetic3A_466, %and3A_470, %dma_start3A_483] : memref<125000x8x32xf32, #tpu.memory_space<hbm>> -> memref<1x1x32xf32, #tpu.memory_space<hbm>>
      tpu.enqueue_dma source(%dma_start3A_484 : memref<1x1x32xf32, #tpu.memory_space<hbm>>) target(%dma_start3A_482 : memref<1x1x32xf32, #tpu.memory_space<vmem>>) target_semaphore(%arg15 : memref<!tpu.dma_semaphore, #tpu.memory_space<semaphore_mem>>)
      %slice3A_485 = vector.extract_strided_slice %get3A_247 {offsets = [11], sizes = [1], strides = [1]} : vector<16xi32> to vector<1xi32>
      %squeeze3A_486 = vector.extract %slice3A_485[0] : i32 from vector<1xi32>
      %shift_right_arithmetic3A_487 = arith.constant 3 : i32
      %shift_right_arithmetic3A_488 = arith.shrsi %squeeze3A_486, %shift_right_arithmetic3A_487 : i32
      %slice3A_489 = vector.extract_strided_slice %get3A_247 {offsets = [11], sizes = [1], strides = [1]} : vector<16xi32> to vector<1xi32>
      %squeeze3A_490 = vector.extract %slice3A_489[0] : i32 from vector<1xi32>
      %and3A_491 = arith.constant 7 : i32
      %and3A_492 = arith.andi %squeeze3A_490, %and3A_491 : i32
      %mul3A_493 = arith.constant 2 : i32
      %mul3A_494 = arith.muli %scan3A_241, %mul3A_493 : i32
      %add3A_495 = arith.constant 1 : i32
      %add3A_496 = arith.addi %mul3A_494, %add3A_495 : i32
      %dma_start3A_497 = arith.constant 3 : i32
      %dma_start3A_498 = arith.constant 0 : i32
      %dma_start3A_499 = tpu.memref_slice %arg11[%add3A_496, %dma_start3A_497, %dma_start3A_498] : memref<16x8x32xf32, #tpu.memory_space<vmem>> -> memref<1x1x32xf32, #tpu.memory_space<vmem>>
      %dma_start3A_500 = arith.constant 0 : i32
      %dma_start3A_501 = tpu.memref_slice %arg2[%shift_right_arithmetic3A_488, %and3A_492, %dma_start3A_500] : memref<125000x8x32xf32, #tpu.memory_space<hbm>> -> memref<1x1x32xf32, #tpu.memory_space<hbm>>
      %dma_start3A_502 = arith.constant 3 : i32
      %dma_start3A_503 = arith.constant 0 : i32
      %dma_start3A_504 = tpu.memref_slice %arg11[%add3A_496, %dma_start3A_502, %dma_start3A_503] : memref<16x8x32xf32, #tpu.memory_space<vmem>> -> memref<1x1x32xf32, #tpu.memory_space<vmem>>
      %dma_start3A_505 = arith.constant 0 : i32
      %dma_start3A_506 = tpu.memref_slice %arg2[%shift_right_arithmetic3A_488, %and3A_492, %dma_start3A_505] : memref<125000x8x32xf32, #tpu.memory_space<hbm>> -> memref<1x1x32xf32, #tpu.memory_space<hbm>>
      tpu.enqueue_dma source(%dma_start3A_506 : memref<1x1x32xf32, #tpu.memory_space<hbm>>) target(%dma_start3A_504 : memref<1x1x32xf32, #tpu.memory_space<vmem>>) target_semaphore(%arg15 : memref<!tpu.dma_semaphore, #tpu.memory_space<semaphore_mem>>)
      %slice3A_507 = vector.extract_strided_slice %get3A_247 {offsets = [12], sizes = [1], strides = [1]} : vector<16xi32> to vector<1xi32>
      %squeeze3A_508 = vector.extract %slice3A_507[0] : i32 from vector<1xi32>
      %shift_right_arithmetic3A_509 = arith.constant 3 : i32
      %shift_right_arithmetic3A_510 = arith.shrsi %squeeze3A_508, %shift_right_arithmetic3A_509 : i32
      %slice3A_511 = vector.extract_strided_slice %get3A_247 {offsets = [12], sizes = [1], strides = [1]} : vector<16xi32> to vector<1xi32>
      %squeeze3A_512 = vector.extract %slice3A_511[0] : i32 from vector<1xi32>
      %and3A_513 = arith.constant 7 : i32
      %and3A_514 = arith.andi %squeeze3A_512, %and3A_513 : i32
      %mul3A_515 = arith.constant 2 : i32
      %mul3A_516 = arith.muli %scan3A_241, %mul3A_515 : i32
      %add3A_517 = arith.constant 1 : i32
      %add3A_518 = arith.addi %mul3A_516, %add3A_517 : i32
      %dma_start3A_519 = arith.constant 4 : i32
      %dma_start3A_520 = arith.constant 0 : i32
      %dma_start3A_521 = tpu.memref_slice %arg11[%add3A_518, %dma_start3A_519, %dma_start3A_520] : memref<16x8x32xf32, #tpu.memory_space<vmem>> -> memref<1x1x32xf32, #tpu.memory_space<vmem>>
      %dma_start3A_522 = arith.constant 0 : i32
      %dma_start3A_523 = tpu.memref_slice %arg2[%shift_right_arithmetic3A_510, %and3A_514, %dma_start3A_522] : memref<125000x8x32xf32, #tpu.memory_space<hbm>> -> memref<1x1x32xf32, #tpu.memory_space<hbm>>
      %dma_start3A_524 = arith.constant 4 : i32
      %dma_start3A_525 = arith.constant 0 : i32
      %dma_start3A_526 = tpu.memref_slice %arg11[%add3A_518, %dma_start3A_524, %dma_start3A_525] : memref<16x8x32xf32, #tpu.memory_space<vmem>> -> memref<1x1x32xf32, #tpu.memory_space<vmem>>
      %dma_start3A_527 = arith.constant 0 : i32
      %dma_start3A_528 = tpu.memref_slice %arg2[%shift_right_arithmetic3A_510, %and3A_514, %dma_start3A_527] : memref<125000x8x32xf32, #tpu.memory_space<hbm>> -> memref<1x1x32xf32, #tpu.memory_space<hbm>>
      tpu.enqueue_dma source(%dma_start3A_528 : memref<1x1x32xf32, #tpu.memory_space<hbm>>) target(%dma_start3A_526 : memref<1x1x32xf32, #tpu.memory_space<vmem>>) target_semaphore(%arg15 : memref<!tpu.dma_semaphore, #tpu.memory_space<semaphore_mem>>)
      %slice3A_529 = vector.extract_strided_slice %get3A_247 {offsets = [13], sizes = [1], strides = [1]} : vector<16xi32> to vector<1xi32>
      %squeeze3A_530 = vector.extract %slice3A_529[0] : i32 from vector<1xi32>
      %shift_right_arithmetic3A_531 = arith.constant 3 : i32
      %shift_right_arithmetic3A_532 = arith.shrsi %squeeze3A_530, %shift_right_arithmetic3A_531 : i32
      %slice3A_533 = vector.extract_strided_slice %get3A_247 {offsets = [13], sizes = [1], strides = [1]} : vector<16xi32> to vector<1xi32>
      %squeeze3A_534 = vector.extract %slice3A_533[0] : i32 from vector<1xi32>
      %and3A_535 = arith.constant 7 : i32
      %and3A_536 = arith.andi %squeeze3A_534, %and3A_535 : i32
      %mul3A_537 = arith.constant 2 : i32
      %mul3A_538 = arith.muli %scan3A_241, %mul3A_537 : i32
      %add3A_539 = arith.constant 1 : i32
      %add3A_540 = arith.addi %mul3A_538, %add3A_539 : i32
      %dma_start3A_541 = arith.constant 5 : i32
      %dma_start3A_542 = arith.constant 0 : i32
      %dma_start3A_543 = tpu.memref_slice %arg11[%add3A_540, %dma_start3A_541, %dma_start3A_542] : memref<16x8x32xf32, #tpu.memory_space<vmem>> -> memref<1x1x32xf32, #tpu.memory_space<vmem>>
      %dma_start3A_544 = arith.constant 0 : i32
      %dma_start3A_545 = tpu.memref_slice %arg2[%shift_right_arithmetic3A_532, %and3A_536, %dma_start3A_544] : memref<125000x8x32xf32, #tpu.memory_space<hbm>> -> memref<1x1x32xf32, #tpu.memory_space<hbm>>
      %dma_start3A_546 = arith.constant 5 : i32
      %dma_start3A_547 = arith.constant 0 : i32
      %dma_start3A_548 = tpu.memref_slice %arg11[%add3A_540, %dma_start3A_546, %dma_start3A_547] : memref<16x8x32xf32, #tpu.memory_space<vmem>> -> memref<1x1x32xf32, #tpu.memory_space<vmem>>
      %dma_start3A_549 = arith.constant 0 : i32
      %dma_start3A_550 = tpu.memref_slice %arg2[%shift_right_arithmetic3A_532, %and3A_536, %dma_start3A_549] : memref<125000x8x32xf32, #tpu.memory_space<hbm>> -> memref<1x1x32xf32, #tpu.memory_space<hbm>>
      tpu.enqueue_dma source(%dma_start3A_550 : memref<1x1x32xf32, #tpu.memory_space<hbm>>) target(%dma_start3A_548 : memref<1x1x32xf32, #tpu.memory_space<vmem>>) target_semaphore(%arg15 : memref<!tpu.dma_semaphore, #tpu.memory_space<semaphore_mem>>)
      %slice3A_551 = vector.extract_strided_slice %get3A_247 {offsets = [14], sizes = [1], strides = [1]} : vector<16xi32> to vector<1xi32>
      %squeeze3A_552 = vector.extract %slice3A_551[0] : i32 from vector<1xi32>
      %shift_right_arithmetic3A_553 = arith.constant 3 : i32
      %shift_right_arithmetic3A_554 = arith.shrsi %squeeze3A_552, %shift_right_arithmetic3A_553 : i32
      %slice3A_555 = vector.extract_strided_slice %get3A_247 {offsets = [14], sizes = [1], strides = [1]} : vector<16xi32> to vector<1xi32>
      %squeeze3A_556 = vector.extract %slice3A_555[0] : i32 from vector<1xi32>
      %and3A_557 = arith.constant 7 : i32
      %and3A_558 = arith.andi %squeeze3A_556, %and3A_557 : i32
      %mul3A_559 = arith.constant 2 : i32
      %mul3A_560 = arith.muli %scan3A_241, %mul3A_559 : i32
      %add3A_561 = arith.constant 1 : i32
      %add3A_562 = arith.addi %mul3A_560, %add3A_561 : i32
      %dma_start3A_563 = arith.constant 6 : i32
      %dma_start3A_564 = arith.constant 0 : i32
      %dma_start3A_565 = tpu.memref_slice %arg11[%add3A_562, %dma_start3A_563, %dma_start3A_564] : memref<16x8x32xf32, #tpu.memory_space<vmem>> -> memref<1x1x32xf32, #tpu.memory_space<vmem>>
      %dma_start3A_566 = arith.constant 0 : i32
      %dma_start3A_567 = tpu.memref_slice %arg2[%shift_right_arithmetic3A_554, %and3A_558, %dma_start3A_566] : memref<125000x8x32xf32, #tpu.memory_space<hbm>> -> memref<1x1x32xf32, #tpu.memory_space<hbm>>
      %dma_start3A_568 = arith.constant 6 : i32
      %dma_start3A_569 = arith.constant 0 : i32
      %dma_start3A_570 = tpu.memref_slice %arg11[%add3A_562, %dma_start3A_568, %dma_start3A_569] : memref<16x8x32xf32, #tpu.memory_space<vmem>> -> memref<1x1x32xf32, #tpu.memory_space<vmem>>
      %dma_start3A_571 = arith.constant 0 : i32
      %dma_start3A_572 = tpu.memref_slice %arg2[%shift_right_arithmetic3A_554, %and3A_558, %dma_start3A_571] : memref<125000x8x32xf32, #tpu.memory_space<hbm>> -> memref<1x1x32xf32, #tpu.memory_space<hbm>>
      tpu.enqueue_dma source(%dma_start3A_572 : memref<1x1x32xf32, #tpu.memory_space<hbm>>) target(%dma_start3A_570 : memref<1x1x32xf32, #tpu.memory_space<vmem>>) target_semaphore(%arg15 : memref<!tpu.dma_semaphore, #tpu.memory_space<semaphore_mem>>)
      %slice3A_573 = vector.extract_strided_slice %get3A_247 {offsets = [15], sizes = [1], strides = [1]} : vector<16xi32> to vector<1xi32>
      %squeeze3A_574 = vector.extract %slice3A_573[0] : i32 from vector<1xi32>
      %shift_right_arithmetic3A_575 = arith.constant 3 : i32
      %shift_right_arithmetic3A_576 = arith.shrsi %squeeze3A_574, %shift_right_arithmetic3A_575 : i32
      %slice3A_577 = vector.extract_strided_slice %get3A_247 {offsets = [15], sizes = [1], strides = [1]} : vector<16xi32> to vector<1xi32>
      %squeeze3A_578 = vector.extract %slice3A_577[0] : i32 from vector<1xi32>
      %and3A_579 = arith.constant 7 : i32
      %and3A_580 = arith.andi %squeeze3A_578, %and3A_579 : i32
      %mul3A_581 = arith.constant 2 : i32
      %mul3A_582 = arith.muli %scan3A_241, %mul3A_581 : i32
      %add3A_583 = arith.constant 1 : i32
      %add3A_584 = arith.addi %mul3A_582, %add3A_583 : i32
      %dma_start3A_585 = arith.constant 7 : i32
      %dma_start3A_586 = arith.constant 0 : i32
      %dma_start3A_587 = tpu.memref_slice %arg11[%add3A_584, %dma_start3A_585, %dma_start3A_586] : memref<16x8x32xf32, #tpu.memory_space<vmem>> -> memref<1x1x32xf32, #tpu.memory_space<vmem>>
      %dma_start3A_588 = arith.constant 0 : i32
      %dma_start3A_589 = tpu.memref_slice %arg2[%shift_right_arithmetic3A_576, %and3A_580, %dma_start3A_588] : memref<125000x8x32xf32, #tpu.memory_space<hbm>> -> memref<1x1x32xf32, #tpu.memory_space<hbm>>
      %dma_start3A_590 = arith.constant 7 : i32
      %dma_start3A_591 = arith.constant 0 : i32
      %dma_start3A_592 = tpu.memref_slice %arg11[%add3A_584, %dma_start3A_590, %dma_start3A_591] : memref<16x8x32xf32, #tpu.memory_space<vmem>> -> memref<1x1x32xf32, #tpu.memory_space<vmem>>
      %dma_start3A_593 = arith.constant 0 : i32
      %dma_start3A_594 = tpu.memref_slice %arg2[%shift_right_arithmetic3A_576, %and3A_580, %dma_start3A_593] : memref<125000x8x32xf32, #tpu.memory_space<hbm>> -> memref<1x1x32xf32, #tpu.memory_space<hbm>>
      tpu.enqueue_dma source(%dma_start3A_594 : memref<1x1x32xf32, #tpu.memory_space<hbm>>) target(%dma_start3A_592 : memref<1x1x32xf32, #tpu.memory_space<vmem>>) target_semaphore(%arg15 : memref<!tpu.dma_semaphore, #tpu.memory_space<semaphore_mem>>)
      %scan3A_595 = arith.constant 0 : i32
      scf.yield %scan3A_595 : i32
    }
    %scan3A_29 = arith.constant 8 : i32
    %dma_wait3A = arith.constant 0 : i32
    %dma_wait3A_30 = arith.constant 0 : i32
    %dma_wait3A_31 = arith.constant 0 : i32
    %dma_wait3A_32 = tpu.memref_slice %arg2[%dma_wait3A, %dma_wait3A_30, %dma_wait3A_31] : memref<125000x8x32xf32, #tpu.memory_space<hbm>> -> memref<16x8x32xf32, #tpu.memory_space<hbm>>
    %dma_wait3A_33 = arith.constant 0 : i32
    %dma_wait3A_34 = arith.constant 0 : i32
    %dma_wait3A_35 = arith.constant 0 : i32
    %dma_wait3A_36 = tpu.memref_slice %arg2[%dma_wait3A_33, %dma_wait3A_34, %dma_wait3A_35] : memref<125000x8x32xf32, #tpu.memory_space<hbm>> -> memref<16x8x32xf32, #tpu.memory_space<hbm>>
    tpu.wait_dma2 semaphore(%arg12 : memref<!tpu.dma_semaphore, #tpu.memory_space<semaphore_mem>>) src(%dma_wait3A_36 : memref<16x8x32xf32, #tpu.memory_space<hbm>>) dst(%arg8 : memref<16x8x32xf32, #tpu.memory_space<vmem>>)
    %add3A_37 = arith.constant 0 : i32
    %add3A_38 = arith.addi %mul3A_2, %add3A_37 : i32
    %scan3A_39 = arith.constant 0 : i32
    %scan3A_40 = arith.constant 0 : i32
    %scan3A_41 = arith.constant 128 : i32
    %scan3A_42 = arith.addi %scan3A_40, %scan3A_41 : i32
    %scan3A_43 = arith.constant 1 : i32
    %scan3A_44 = scf.for %scan3A_241 = %scan3A_40 to %scan3A_42 step %scan3A_43 iter_args(%scan3A_242 = %scan3A_39) -> (i32)  : i32 {
      %jit3A = arith.constant 8 : i32
      %div3A = arith.divsi %scan3A_241, %jit3A : i32
      %sign3A = arith.constant 0 : i32
      %sign3A_243 = arith.cmpi sgt, %scan3A_241, %sign3A : i32
      %sign3A_244 = arith.extui %sign3A_243 : i1 to i32
      %sign3A_245 = arith.constant 0 : i32
      %sign3A_246 = arith.cmpi slt, %scan3A_241, %sign3A_245 : i32
      %sign3A_247 = arith.extui %sign3A_246 : i1 to i32
      %sign3A_248 = arith.subi %sign3A_244, %sign3A_247 : i32
      %sign3A_249 = arith.constant 0 : i32
      %sign3A_250 = arith.cmpi sgt, %jit3A, %sign3A_249 : i32
      %sign3A_251 = arith.extui %sign3A_250 : i1 to i32
      %sign3A_252 = arith.constant 0 : i32
      %sign3A_253 = arith.cmpi slt, %jit3A, %sign3A_252 : i32
      %sign3A_254 = arith.extui %sign3A_253 : i1 to i32
      %sign3A_255 = arith.subi %sign3A_251, %sign3A_254 : i32
      %ne3A = arith.cmpi ne, %sign3A_248, %sign3A_255 : i32
      %rem3A = arith.remsi %scan3A_241, %jit3A : i32
      %ne3A_256 = arith.constant 0 : i32
      %ne3A_257 = arith.cmpi ne, %rem3A, %ne3A_256 : i32
      %and3A = arith.andi %ne3A, %ne3A_257 : i1
      %sub3A = arith.constant 1 : i32
      %sub3A_258 = arith.subi %div3A, %sub3A : i32
      %select_n3A = arith.select %and3A, %sub3A_258, %div3A : i32
      %jit3A_259 = arith.constant 8 : i32
      %eq3A = arith.constant 0 : i32
      %eq3A_260 = arith.cmpi eq, %jit3A_259, %eq3A : i32
      %jit3A_261 = arith.constant 1 : i32
      %select_n3A_262 = arith.select %eq3A_260, %jit3A_261, %jit3A_259 : i32
      %rem3A_263 = arith.remsi %scan3A_241, %select_n3A_262 : i32
      %ne3A_264 = arith.constant 0 : i32
      %ne3A_265 = arith.cmpi ne, %rem3A_263, %ne3A_264 : i32
      %lt3A = arith.constant 0 : i32
      %lt3A_266 = arith.cmpi slt, %rem3A_263, %lt3A : i32
      %lt3A_267 = arith.constant 0 : i32
      %lt3A_268 = arith.cmpi slt, %select_n3A_262, %lt3A_267 : i32
      %ne3A_269 = arith.xori %lt3A_266, %lt3A_268 : i1
      %and3A_270 = arith.andi %ne3A_269, %ne3A_265 : i1
      %add3A_271 = arith.addi %rem3A_263, %select_n3A_262 : i32
      %select_n3A_272 = arith.select %and3A_270, %add3A_271, %rem3A_263 : i32
      %add3A_273 = arith.addi %add3A_38, %scan3A_241 : i32
      %dma_start3A = arith.constant 0 : i32
      %dma_start3A_274 = tpu.memref_slice %arg8[%select_n3A, %select_n3A_272, %dma_start3A] : memref<16x8x32xf32, #tpu.memory_space<vmem>> -> memref<1x1x32xf32, #tpu.memory_space<vmem>>
      %dma_start3A_275 = tpu.memref_squeeze %dma_start3A_274 : memref<1x1x32xf32, #tpu.memory_space<vmem>> -> memref<32xf32, #tpu.memory_space<vmem>>
      %dma_start3A_276 = arith.constant 0 : i32
      %dma_start3A_277 = tpu.memref_slice %arg5[%add3A_273, %dma_start3A_276] : memref<16384x32xf32, #tpu.memory_space<hbm>> -> memref<1x32xf32, #tpu.memory_space<hbm>>
      %dma_start3A_278 = tpu.memref_squeeze %dma_start3A_277 : memref<1x32xf32, #tpu.memory_space<hbm>> -> memref<32xf32, #tpu.memory_space<hbm>>
      %dma_start3A_279 = arith.constant 0 : i32
      %dma_start3A_280 = tpu.memref_slice %arg5[%add3A_273, %dma_start3A_279] : memref<16384x32xf32, #tpu.memory_space<hbm>> -> memref<1x32xf32, #tpu.memory_space<hbm>>
      %dma_start3A_281 = tpu.memref_squeeze %dma_start3A_280 : memref<1x32xf32, #tpu.memory_space<hbm>> -> memref<32xf32, #tpu.memory_space<hbm>>
      %dma_start3A_282 = arith.constant 0 : i32
      %dma_start3A_283 = tpu.memref_slice %arg8[%select_n3A, %select_n3A_272, %dma_start3A_282] : memref<16x8x32xf32, #tpu.memory_space<vmem>> -> memref<1x1x32xf32, #tpu.memory_space<vmem>>
      %dma_start3A_284 = tpu.memref_squeeze %dma_start3A_283 : memref<1x1x32xf32, #tpu.memory_space<vmem>> -> memref<32xf32, #tpu.memory_space<vmem>>
      tpu.enqueue_dma source(%dma_start3A_284 : memref<32xf32, #tpu.memory_space<vmem>>) target(%dma_start3A_281 : memref<32xf32, #tpu.memory_space<hbm>>) target_semaphore(%arg16 : memref<!tpu.dma_semaphore, #tpu.memory_space<semaphore_mem>>)
      %scan3A_285 = arith.constant 0 : i32
      scf.yield %scan3A_285 : i32
    }
    %scan3A_45 = arith.constant 128 : i32
    %add3A_46 = arith.constant 0 : i32
    %add3A_47 = arith.addi %mul3A_2, %add3A_46 : i32
    %dma_wait3A_48 = arith.constant 0 : i32
    %dma_wait3A_49 = tpu.memref_slice %arg5[%add3A_47, %dma_wait3A_48] : memref<16384x32xf32, #tpu.memory_space<hbm>> -> memref<128x32xf32, #tpu.memory_space<hbm>>
    %dma_wait3A_50 = arith.constant 0 : i32
    %dma_wait3A_51 = tpu.memref_slice %arg5[%add3A_47, %dma_wait3A_50] : memref<16384x32xf32, #tpu.memory_space<hbm>> -> memref<128x32xf32, #tpu.memory_space<hbm>>
    tpu.wait_dma2 semaphore(%arg16 : memref<!tpu.dma_semaphore, #tpu.memory_space<semaphore_mem>>) src(%arg8 : memref<16x8x32xf32, #tpu.memory_space<vmem>>) dst(%dma_wait3A_51 : memref<128x32xf32, #tpu.memory_space<hbm>>)
    %scan3A_52 = arith.constant 0 : i32
    %scan3A_53 = arith.constant 0 : i32
    %scan3A_54 = arith.constant 8 : i32
    %scan3A_55 = arith.addi %scan3A_53, %scan3A_54 : i32
    %scan3A_56 = arith.constant 1 : i32
    %scan3A_57 = scf.for %scan3A_241 = %scan3A_53 to %scan3A_55 step %scan3A_56 iter_args(%scan3A_242 = %scan3A_52) -> (i32)  : i32 {
      %mul3A_243 = arith.constant 16 : i32
      %mul3A_244 = arith.muli %scan3A_241, %mul3A_243 : i32
      %add3A_245 = arith.constant 512 : i32
      %add3A_246 = arith.addi %add3A_245, %mul3A_244 : i32
      %get3A = arith.index_cast %add3A_246 : i32 to index
      %get3A_247 = tpu.vector_load %arg7[%get3A] {strides = array<i32>} : memref<1024xi32, #tpu.memory_space<vmem>>, vector<16xi32>,
      %slice3A = vector.extract_strided_slice %get3A_247 {offsets = [0], sizes = [1], strides = [1]} : vector<16xi32> to vector<1xi32>
      %squeeze3A = vector.extract %slice3A[0] : i32 from vector<1xi32>
      %shift_right_arithmetic3A = arith.constant 3 : i32
      %shift_right_arithmetic3A_248 = arith.shrsi %squeeze3A, %shift_right_arithmetic3A : i32
      %slice3A_249 = vector.extract_strided_slice %get3A_247 {offsets = [0], sizes = [1], strides = [1]} : vector<16xi32> to vector<1xi32>
      %squeeze3A_250 = vector.extract %slice3A_249[0] : i32 from vector<1xi32>
      %and3A = arith.constant 7 : i32
      %and3A_251 = arith.andi %squeeze3A_250, %and3A : i32
      %mul3A_252 = arith.constant 2 : i32
      %mul3A_253 = arith.muli %scan3A_241, %mul3A_252 : i32
      %add3A_254 = arith.constant 0 : i32
      %add3A_255 = arith.addi %mul3A_253, %add3A_254 : i32
      %dma_start3A = arith.constant 0 : i32
      %dma_start3A_256 = arith.constant 0 : i32
      %dma_start3A_257 = tpu.memref_slice %arg8[%add3A_255, %dma_start3A, %dma_start3A_256] : memref<16x8x32xf32, #tpu.memory_space<vmem>> -> memref<1x1x32xf32, #tpu.memory_space<vmem>>
      %dma_start3A_258 = arith.constant 0 : i32
      %dma_start3A_259 = tpu.memref_slice %arg2[%shift_right_arithmetic3A_248, %and3A_251, %dma_start3A_258] : memref<125000x8x32xf32, #tpu.memory_space<hbm>> -> memref<1x1x32xf32, #tpu.memory_space<hbm>>
      %dma_start3A_260 = arith.constant 0 : i32
      %dma_start3A_261 = arith.constant 0 : i32
      %dma_start3A_262 = tpu.memref_slice %arg8[%add3A_255, %dma_start3A_260, %dma_start3A_261] : memref<16x8x32xf32, #tpu.memory_space<vmem>> -> memref<1x1x32xf32, #tpu.memory_space<vmem>>
      %dma_start3A_263 = arith.constant 0 : i32
      %dma_start3A_264 = tpu.memref_slice %arg2[%shift_right_arithmetic3A_248, %and3A_251, %dma_start3A_263] : memref<125000x8x32xf32, #tpu.memory_space<hbm>> -> memref<1x1x32xf32, #tpu.memory_space<hbm>>
      tpu.enqueue_dma source(%dma_start3A_264 : memref<1x1x32xf32, #tpu.memory_space<hbm>>) target(%dma_start3A_262 : memref<1x1x32xf32, #tpu.memory_space<vmem>>) target_semaphore(%arg12 : memref<!tpu.dma_semaphore, #tpu.memory_space<semaphore_mem>>)
      %slice3A_265 = vector.extract_strided_slice %get3A_247 {offsets = [1], sizes = [1], strides = [1]} : vector<16xi32> to vector<1xi32>
      %squeeze3A_266 = vector.extract %slice3A_265[0] : i32 from vector<1xi32>
      %shift_right_arithmetic3A_267 = arith.constant 3 : i32
      %shift_right_arithmetic3A_268 = arith.shrsi %squeeze3A_266, %shift_right_arithmetic3A_267 : i32
      %slice3A_269 = vector.extract_strided_slice %get3A_247 {offsets = [1], sizes = [1], strides = [1]} : vector<16xi32> to vector<1xi32>
      %squeeze3A_270 = vector.extract %slice3A_269[0] : i32 from vector<1xi32>
      %and3A_271 = arith.constant 7 : i32
      %and3A_272 = arith.andi %squeeze3A_270, %and3A_271 : i32
      %mul3A_273 = arith.constant 2 : i32
      %mul3A_274 = arith.muli %scan3A_241, %mul3A_273 : i32
      %add3A_275 = arith.constant 0 : i32
      %add3A_276 = arith.addi %mul3A_274, %add3A_275 : i32
      %dma_start3A_277 = arith.constant 1 : i32
      %dma_start3A_278 = arith.constant 0 : i32
      %dma_start3A_279 = tpu.memref_slice %arg8[%add3A_276, %dma_start3A_277, %dma_start3A_278] : memref<16x8x32xf32, #tpu.memory_space<vmem>> -> memref<1x1x32xf32, #tpu.memory_space<vmem>>
      %dma_start3A_280 = arith.constant 0 : i32
      %dma_start3A_281 = tpu.memref_slice %arg2[%shift_right_arithmetic3A_268, %and3A_272, %dma_start3A_280] : memref<125000x8x32xf32, #tpu.memory_space<hbm>> -> memref<1x1x32xf32, #tpu.memory_space<hbm>>
      %dma_start3A_282 = arith.constant 1 : i32
      %dma_start3A_283 = arith.constant 0 : i32
      %dma_start3A_284 = tpu.memref_slice %arg8[%add3A_276, %dma_start3A_282, %dma_start3A_283] : memref<16x8x32xf32, #tpu.memory_space<vmem>> -> memref<1x1x32xf32, #tpu.memory_space<vmem>>
      %dma_start3A_285 = arith.constant 0 : i32
      %dma_start3A_286 = tpu.memref_slice %arg2[%shift_right_arithmetic3A_268, %and3A_272, %dma_start3A_285] : memref<125000x8x32xf32, #tpu.memory_space<hbm>> -> memref<1x1x32xf32, #tpu.memory_space<hbm>>
      tpu.enqueue_dma source(%dma_start3A_286 : memref<1x1x32xf32, #tpu.memory_space<hbm>>) target(%dma_start3A_284 : memref<1x1x32xf32, #tpu.memory_space<vmem>>) target_semaphore(%arg12 : memref<!tpu.dma_semaphore, #tpu.memory_space<semaphore_mem>>)
      %slice3A_287 = vector.extract_strided_slice %get3A_247 {offsets = [2], sizes = [1], strides = [1]} : vector<16xi32> to vector<1xi32>
      %squeeze3A_288 = vector.extract %slice3A_287[0] : i32 from vector<1xi32>
      %shift_right_arithmetic3A_289 = arith.constant 3 : i32
      %shift_right_arithmetic3A_290 = arith.shrsi %squeeze3A_288, %shift_right_arithmetic3A_289 : i32
      %slice3A_291 = vector.extract_strided_slice %get3A_247 {offsets = [2], sizes = [1], strides = [1]} : vector<16xi32> to vector<1xi32>
      %squeeze3A_292 = vector.extract %slice3A_291[0] : i32 from vector<1xi32>
      %and3A_293 = arith.constant 7 : i32
      %and3A_294 = arith.andi %squeeze3A_292, %and3A_293 : i32
      %mul3A_295 = arith.constant 2 : i32
      %mul3A_296 = arith.muli %scan3A_241, %mul3A_295 : i32
      %add3A_297 = arith.constant 0 : i32
      %add3A_298 = arith.addi %mul3A_296, %add3A_297 : i32
      %dma_start3A_299 = arith.constant 2 : i32
      %dma_start3A_300 = arith.constant 0 : i32
      %dma_start3A_301 = tpu.memref_slice %arg8[%add3A_298, %dma_start3A_299, %dma_start3A_300] : memref<16x8x32xf32, #tpu.memory_space<vmem>> -> memref<1x1x32xf32, #tpu.memory_space<vmem>>
      %dma_start3A_302 = arith.constant 0 : i32
      %dma_start3A_303 = tpu.memref_slice %arg2[%shift_right_arithmetic3A_290, %and3A_294, %dma_start3A_302] : memref<125000x8x32xf32, #tpu.memory_space<hbm>> -> memref<1x1x32xf32, #tpu.memory_space<hbm>>
      %dma_start3A_304 = arith.constant 2 : i32
      %dma_start3A_305 = arith.constant 0 : i32
      %dma_start3A_306 = tpu.memref_slice %arg8[%add3A_298, %dma_start3A_304, %dma_start3A_305] : memref<16x8x32xf32, #tpu.memory_space<vmem>> -> memref<1x1x32xf32, #tpu.memory_space<vmem>>
      %dma_start3A_307 = arith.constant 0 : i32
      %dma_start3A_308 = tpu.memref_slice %arg2[%shift_right_arithmetic3A_290, %and3A_294, %dma_start3A_307] : memref<125000x8x32xf32, #tpu.memory_space<hbm>> -> memref<1x1x32xf32, #tpu.memory_space<hbm>>
      tpu.enqueue_dma source(%dma_start3A_308 : memref<1x1x32xf32, #tpu.memory_space<hbm>>) target(%dma_start3A_306 : memref<1x1x32xf32, #tpu.memory_space<vmem>>) target_semaphore(%arg12 : memref<!tpu.dma_semaphore, #tpu.memory_space<semaphore_mem>>)
      %slice3A_309 = vector.extract_strided_slice %get3A_247 {offsets = [3], sizes = [1], strides = [1]} : vector<16xi32> to vector<1xi32>
      %squeeze3A_310 = vector.extract %slice3A_309[0] : i32 from vector<1xi32>
      %shift_right_arithmetic3A_311 = arith.constant 3 : i32
      %shift_right_arithmetic3A_312 = arith.shrsi %squeeze3A_310, %shift_right_arithmetic3A_311 : i32
      %slice3A_313 = vector.extract_strided_slice %get3A_247 {offsets = [3], sizes = [1], strides = [1]} : vector<16xi32> to vector<1xi32>
      %squeeze3A_314 = vector.extract %slice3A_313[0] : i32 from vector<1xi32>
      %and3A_315 = arith.constant 7 : i32
      %and3A_316 = arith.andi %squeeze3A_314, %and3A_315 : i32
      %mul3A_317 = arith.constant 2 : i32
      %mul3A_318 = arith.muli %scan3A_241, %mul3A_317 : i32
      %add3A_319 = arith.constant 0 : i32
      %add3A_320 = arith.addi %mul3A_318, %add3A_319 : i32
      %dma_start3A_321 = arith.constant 3 : i32
      %dma_start3A_322 = arith.constant 0 : i32
      %dma_start3A_323 = tpu.memref_slice %arg8[%add3A_320, %dma_start3A_321, %dma_start3A_322] : memref<16x8x32xf32, #tpu.memory_space<vmem>> -> memref<1x1x32xf32, #tpu.memory_space<vmem>>
      %dma_start3A_324 = arith.constant 0 : i32
      %dma_start3A_325 = tpu.memref_slice %arg2[%shift_right_arithmetic3A_312, %and3A_316, %dma_start3A_324] : memref<125000x8x32xf32, #tpu.memory_space<hbm>> -> memref<1x1x32xf32, #tpu.memory_space<hbm>>
      %dma_start3A_326 = arith.constant 3 : i32
      %dma_start3A_327 = arith.constant 0 : i32
      %dma_start3A_328 = tpu.memref_slice %arg8[%add3A_320, %dma_start3A_326, %dma_start3A_327] : memref<16x8x32xf32, #tpu.memory_space<vmem>> -> memref<1x1x32xf32, #tpu.memory_space<vmem>>
      %dma_start3A_329 = arith.constant 0 : i32
      %dma_start3A_330 = tpu.memref_slice %arg2[%shift_right_arithmetic3A_312, %and3A_316, %dma_start3A_329] : memref<125000x8x32xf32, #tpu.memory_space<hbm>> -> memref<1x1x32xf32, #tpu.memory_space<hbm>>
      tpu.enqueue_dma source(%dma_start3A_330 : memref<1x1x32xf32, #tpu.memory_space<hbm>>) target(%dma_start3A_328 : memref<1x1x32xf32, #tpu.memory_space<vmem>>) target_semaphore(%arg12 : memref<!tpu.dma_semaphore, #tpu.memory_space<semaphore_mem>>)
      %slice3A_331 = vector.extract_strided_slice %get3A_247 {offsets = [4], sizes = [1], strides = [1]} : vector<16xi32> to vector<1xi32>
      %squeeze3A_332 = vector.extract %slice3A_331[0] : i32 from vector<1xi32>
      %shift_right_arithmetic3A_333 = arith.constant 3 : i32
      %shift_right_arithmetic3A_334 = arith.shrsi %squeeze3A_332, %shift_right_arithmetic3A_333 : i32
      %slice3A_335 = vector.extract_strided_slice %get3A_247 {offsets = [4], sizes = [1], strides = [1]} : vector<16xi32> to vector<1xi32>
      %squeeze3A_336 = vector.extract %slice3A_335[0] : i32 from vector<1xi32>
      %and3A_337 = arith.constant 7 : i32
      %and3A_338 = arith.andi %squeeze3A_336, %and3A_337 : i32
      %mul3A_339 = arith.constant 2 : i32
      %mul3A_340 = arith.muli %scan3A_241, %mul3A_339 : i32
      %add3A_341 = arith.constant 0 : i32
      %add3A_342 = arith.addi %mul3A_340, %add3A_341 : i32
      %dma_start3A_343 = arith.constant 4 : i32
      %dma_start3A_344 = arith.constant 0 : i32
      %dma_start3A_345 = tpu.memref_slice %arg8[%add3A_342, %dma_start3A_343, %dma_start3A_344] : memref<16x8x32xf32, #tpu.memory_space<vmem>> -> memref<1x1x32xf32, #tpu.memory_space<vmem>>
      %dma_start3A_346 = arith.constant 0 : i32
      %dma_start3A_347 = tpu.memref_slice %arg2[%shift_right_arithmetic3A_334, %and3A_338, %dma_start3A_346] : memref<125000x8x32xf32, #tpu.memory_space<hbm>> -> memref<1x1x32xf32, #tpu.memory_space<hbm>>
      %dma_start3A_348 = arith.constant 4 : i32
      %dma_start3A_349 = arith.constant 0 : i32
      %dma_start3A_350 = tpu.memref_slice %arg8[%add3A_342, %dma_start3A_348, %dma_start3A_349] : memref<16x8x32xf32, #tpu.memory_space<vmem>> -> memref<1x1x32xf32, #tpu.memory_space<vmem>>
      %dma_start3A_351 = arith.constant 0 : i32
      %dma_start3A_352 = tpu.memref_slice %arg2[%shift_right_arithmetic3A_334, %and3A_338, %dma_start3A_351] : memref<125000x8x32xf32, #tpu.memory_space<hbm>> -> memref<1x1x32xf32, #tpu.memory_space<hbm>>
      tpu.enqueue_dma source(%dma_start3A_352 : memref<1x1x32xf32, #tpu.memory_space<hbm>>) target(%dma_start3A_350 : memref<1x1x32xf32, #tpu.memory_space<vmem>>) target_semaphore(%arg12 : memref<!tpu.dma_semaphore, #tpu.memory_space<semaphore_mem>>)
      %slice3A_353 = vector.extract_strided_slice %get3A_247 {offsets = [5], sizes = [1], strides = [1]} : vector<16xi32> to vector<1xi32>
      %squeeze3A_354 = vector.extract %slice3A_353[0] : i32 from vector<1xi32>
      %shift_right_arithmetic3A_355 = arith.constant 3 : i32
      %shift_right_arithmetic3A_356 = arith.shrsi %squeeze3A_354, %shift_right_arithmetic3A_355 : i32
      %slice3A_357 = vector.extract_strided_slice %get3A_247 {offsets = [5], sizes = [1], strides = [1]} : vector<16xi32> to vector<1xi32>
      %squeeze3A_358 = vector.extract %slice3A_357[0] : i32 from vector<1xi32>
      %and3A_359 = arith.constant 7 : i32
      %and3A_360 = arith.andi %squeeze3A_358, %and3A_359 : i32
      %mul3A_361 = arith.constant 2 : i32
      %mul3A_362 = arith.muli %scan3A_241, %mul3A_361 : i32
      %add3A_363 = arith.constant 0 : i32
      %add3A_364 = arith.addi %mul3A_362, %add3A_363 : i32
      %dma_start3A_365 = arith.constant 5 : i32
      %dma_start3A_366 = arith.constant 0 : i32
      %dma_start3A_367 = tpu.memref_slice %arg8[%add3A_364, %dma_start3A_365, %dma_start3A_366] : memref<16x8x32xf32, #tpu.memory_space<vmem>> -> memref<1x1x32xf32, #tpu.memory_space<vmem>>
      %dma_start3A_368 = arith.constant 0 : i32
      %dma_start3A_369 = tpu.memref_slice %arg2[%shift_right_arithmetic3A_356, %and3A_360, %dma_start3A_368] : memref<125000x8x32xf32, #tpu.memory_space<hbm>> -> memref<1x1x32xf32, #tpu.memory_space<hbm>>
      %dma_start3A_370 = arith.constant 5 : i32
      %dma_start3A_371 = arith.constant 0 : i32
      %dma_start3A_372 = tpu.memref_slice %arg8[%add3A_364, %dma_start3A_370, %dma_start3A_371] : memref<16x8x32xf32, #tpu.memory_space<vmem>> -> memref<1x1x32xf32, #tpu.memory_space<vmem>>
      %dma_start3A_373 = arith.constant 0 : i32
      %dma_start3A_374 = tpu.memref_slice %arg2[%shift_right_arithmetic3A_356, %and3A_360, %dma_start3A_373] : memref<125000x8x32xf32, #tpu.memory_space<hbm>> -> memref<1x1x32xf32, #tpu.memory_space<hbm>>
      tpu.enqueue_dma source(%dma_start3A_374 : memref<1x1x32xf32, #tpu.memory_space<hbm>>) target(%dma_start3A_372 : memref<1x1x32xf32, #tpu.memory_space<vmem>>) target_semaphore(%arg12 : memref<!tpu.dma_semaphore, #tpu.memory_space<semaphore_mem>>)
      %slice3A_375 = vector.extract_strided_slice %get3A_247 {offsets = [6], sizes = [1], strides = [1]} : vector<16xi32> to vector<1xi32>
      %squeeze3A_376 = vector.extract %slice3A_375[0] : i32 from vector<1xi32>
      %shift_right_arithmetic3A_377 = arith.constant 3 : i32
      %shift_right_arithmetic3A_378 = arith.shrsi %squeeze3A_376, %shift_right_arithmetic3A_377 : i32
      %slice3A_379 = vector.extract_strided_slice %get3A_247 {offsets = [6], sizes = [1], strides = [1]} : vector<16xi32> to vector<1xi32>
      %squeeze3A_380 = vector.extract %slice3A_379[0] : i32 from vector<1xi32>
      %and3A_381 = arith.constant 7 : i32
      %and3A_382 = arith.andi %squeeze3A_380, %and3A_381 : i32
      %mul3A_383 = arith.constant 2 : i32
      %mul3A_384 = arith.muli %scan3A_241, %mul3A_383 : i32
      %add3A_385 = arith.constant 0 : i32
      %add3A_386 = arith.addi %mul3A_384, %add3A_385 : i32
      %dma_start3A_387 = arith.constant 6 : i32
      %dma_start3A_388 = arith.constant 0 : i32
      %dma_start3A_389 = tpu.memref_slice %arg8[%add3A_386, %dma_start3A_387, %dma_start3A_388] : memref<16x8x32xf32, #tpu.memory_space<vmem>> -> memref<1x1x32xf32, #tpu.memory_space<vmem>>
      %dma_start3A_390 = arith.constant 0 : i32
      %dma_start3A_391 = tpu.memref_slice %arg2[%shift_right_arithmetic3A_378, %and3A_382, %dma_start3A_390] : memref<125000x8x32xf32, #tpu.memory_space<hbm>> -> memref<1x1x32xf32, #tpu.memory_space<hbm>>
      %dma_start3A_392 = arith.constant 6 : i32
      %dma_start3A_393 = arith.constant 0 : i32
      %dma_start3A_394 = tpu.memref_slice %arg8[%add3A_386, %dma_start3A_392, %dma_start3A_393] : memref<16x8x32xf32, #tpu.memory_space<vmem>> -> memref<1x1x32xf32, #tpu.memory_space<vmem>>
      %dma_start3A_395 = arith.constant 0 : i32
      %dma_start3A_396 = tpu.memref_slice %arg2[%shift_right_arithmetic3A_378, %and3A_382, %dma_start3A_395] : memref<125000x8x32xf32, #tpu.memory_space<hbm>> -> memref<1x1x32xf32, #tpu.memory_space<hbm>>
      tpu.enqueue_dma source(%dma_start3A_396 : memref<1x1x32xf32, #tpu.memory_space<hbm>>) target(%dma_start3A_394 : memref<1x1x32xf32, #tpu.memory_space<vmem>>) target_semaphore(%arg12 : memref<!tpu.dma_semaphore, #tpu.memory_space<semaphore_mem>>)
      %slice3A_397 = vector.extract_strided_slice %get3A_247 {offsets = [7], sizes = [1], strides = [1]} : vector<16xi32> to vector<1xi32>
      %squeeze3A_398 = vector.extract %slice3A_397[0] : i32 from vector<1xi32>
      %shift_right_arithmetic3A_399 = arith.constant 3 : i32
      %shift_right_arithmetic3A_400 = arith.shrsi %squeeze3A_398, %shift_right_arithmetic3A_399 : i32
      %slice3A_401 = vector.extract_strided_slice %get3A_247 {offsets = [7], sizes = [1], strides = [1]} : vector<16xi32> to vector<1xi32>
      %squeeze3A_402 = vector.extract %slice3A_401[0] : i32 from vector<1xi32>
      %and3A_403 = arith.constant 7 : i32
      %and3A_404 = arith.andi %squeeze3A_402, %and3A_403 : i32
      %mul3A_405 = arith.constant 2 : i32
      %mul3A_406 = arith.muli %scan3A_241, %mul3A_405 : i32
      %add3A_407 = arith.constant 0 : i32
      %add3A_408 = arith.addi %mul3A_406, %add3A_407 : i32
      %dma_start3A_409 = arith.constant 7 : i32
      %dma_start3A_410 = arith.constant 0 : i32
      %dma_start3A_411 = tpu.memref_slice %arg8[%add3A_408, %dma_start3A_409, %dma_start3A_410] : memref<16x8x32xf32, #tpu.memory_space<vmem>> -> memref<1x1x32xf32, #tpu.memory_space<vmem>>
      %dma_start3A_412 = arith.constant 0 : i32
      %dma_start3A_413 = tpu.memref_slice %arg2[%shift_right_arithmetic3A_400, %and3A_404, %dma_start3A_412] : memref<125000x8x32xf32, #tpu.memory_space<hbm>> -> memref<1x1x32xf32, #tpu.memory_space<hbm>>
      %dma_start3A_414 = arith.constant 7 : i32
      %dma_start3A_415 = arith.constant 0 : i32
      %dma_start3A_416 = tpu.memref_slice %arg8[%add3A_408, %dma_start3A_414, %dma_start3A_415] : memref<16x8x32xf32, #tpu.memory_space<vmem>> -> memref<1x1x32xf32, #tpu.memory_space<vmem>>
      %dma_start3A_417 = arith.constant 0 : i32
      %dma_start3A_418 = tpu.memref_slice %arg2[%shift_right_arithmetic3A_400, %and3A_404, %dma_start3A_417] : memref<125000x8x32xf32, #tpu.memory_space<hbm>> -> memref<1x1x32xf32, #tpu.memory_space<hbm>>
      tpu.enqueue_dma source(%dma_start3A_418 : memref<1x1x32xf32, #tpu.memory_space<hbm>>) target(%dma_start3A_416 : memref<1x1x32xf32, #tpu.memory_space<vmem>>) target_semaphore(%arg12 : memref<!tpu.dma_semaphore, #tpu.memory_space<semaphore_mem>>)
      %slice3A_419 = vector.extract_strided_slice %get3A_247 {offsets = [8], sizes = [1], strides = [1]} : vector<16xi32> to vector<1xi32>
      %squeeze3A_420 = vector.extract %slice3A_419[0] : i32 from vector<1xi32>
      %shift_right_arithmetic3A_421 = arith.constant 3 : i32
      %shift_right_arithmetic3A_422 = arith.shrsi %squeeze3A_420, %shift_right_arithmetic3A_421 : i32
      %slice3A_423 = vector.extract_strided_slice %get3A_247 {offsets = [8], sizes = [1], strides = [1]} : vector<16xi32> to vector<1xi32>
      %squeeze3A_424 = vector.extract %slice3A_423[0] : i32 from vector<1xi32>
      %and3A_425 = arith.constant 7 : i32
      %and3A_426 = arith.andi %squeeze3A_424, %and3A_425 : i32
      %mul3A_427 = arith.constant 2 : i32
      %mul3A_428 = arith.muli %scan3A_241, %mul3A_427 : i32
      %add3A_429 = arith.constant 1 : i32
      %add3A_430 = arith.addi %mul3A_428, %add3A_429 : i32
      %dma_start3A_431 = arith.constant 0 : i32
      %dma_start3A_432 = arith.constant 0 : i32
      %dma_start3A_433 = tpu.memref_slice %arg8[%add3A_430, %dma_start3A_431, %dma_start3A_432] : memref<16x8x32xf32, #tpu.memory_space<vmem>> -> memref<1x1x32xf32, #tpu.memory_space<vmem>>
      %dma_start3A_434 = arith.constant 0 : i32
      %dma_start3A_435 = tpu.memref_slice %arg2[%shift_right_arithmetic3A_422, %and3A_426, %dma_start3A_434] : memref<125000x8x32xf32, #tpu.memory_space<hbm>> -> memref<1x1x32xf32, #tpu.memory_space<hbm>>
      %dma_start3A_436 = arith.constant 0 : i32
      %dma_start3A_437 = arith.constant 0 : i32
      %dma_start3A_438 = tpu.memref_slice %arg8[%add3A_430, %dma_start3A_436, %dma_start3A_437] : memref<16x8x32xf32, #tpu.memory_space<vmem>> -> memref<1x1x32xf32, #tpu.memory_space<vmem>>
      %dma_start3A_439 = arith.constant 0 : i32
      %dma_start3A_440 = tpu.memref_slice %arg2[%shift_right_arithmetic3A_422, %and3A_426, %dma_start3A_439] : memref<125000x8x32xf32, #tpu.memory_space<hbm>> -> memref<1x1x32xf32, #tpu.memory_space<hbm>>
      tpu.enqueue_dma source(%dma_start3A_440 : memref<1x1x32xf32, #tpu.memory_space<hbm>>) target(%dma_start3A_438 : memref<1x1x32xf32, #tpu.memory_space<vmem>>) target_semaphore(%arg12 : memref<!tpu.dma_semaphore, #tpu.memory_space<semaphore_mem>>)
      %slice3A_441 = vector.extract_strided_slice %get3A_247 {offsets = [9], sizes = [1], strides = [1]} : vector<16xi32> to vector<1xi32>
      %squeeze3A_442 = vector.extract %slice3A_441[0] : i32 from vector<1xi32>
      %shift_right_arithmetic3A_443 = arith.constant 3 : i32
      %shift_right_arithmetic3A_444 = arith.shrsi %squeeze3A_442, %shift_right_arithmetic3A_443 : i32
      %slice3A_445 = vector.extract_strided_slice %get3A_247 {offsets = [9], sizes = [1], strides = [1]} : vector<16xi32> to vector<1xi32>
      %squeeze3A_446 = vector.extract %slice3A_445[0] : i32 from vector<1xi32>
      %and3A_447 = arith.constant 7 : i32
      %and3A_448 = arith.andi %squeeze3A_446, %and3A_447 : i32
      %mul3A_449 = arith.constant 2 : i32
      %mul3A_450 = arith.muli %scan3A_241, %mul3A_449 : i32
      %add3A_451 = arith.constant 1 : i32
      %add3A_452 = arith.addi %mul3A_450, %add3A_451 : i32
      %dma_start3A_453 = arith.constant 1 : i32
      %dma_start3A_454 = arith.constant 0 : i32
      %dma_start3A_455 = tpu.memref_slice %arg8[%add3A_452, %dma_start3A_453, %dma_start3A_454] : memref<16x8x32xf32, #tpu.memory_space<vmem>> -> memref<1x1x32xf32, #tpu.memory_space<vmem>>
      %dma_start3A_456 = arith.constant 0 : i32
      %dma_start3A_457 = tpu.memref_slice %arg2[%shift_right_arithmetic3A_444, %and3A_448, %dma_start3A_456] : memref<125000x8x32xf32, #tpu.memory_space<hbm>> -> memref<1x1x32xf32, #tpu.memory_space<hbm>>
      %dma_start3A_458 = arith.constant 1 : i32
      %dma_start3A_459 = arith.constant 0 : i32
      %dma_start3A_460 = tpu.memref_slice %arg8[%add3A_452, %dma_start3A_458, %dma_start3A_459] : memref<16x8x32xf32, #tpu.memory_space<vmem>> -> memref<1x1x32xf32, #tpu.memory_space<vmem>>
      %dma_start3A_461 = arith.constant 0 : i32
      %dma_start3A_462 = tpu.memref_slice %arg2[%shift_right_arithmetic3A_444, %and3A_448, %dma_start3A_461] : memref<125000x8x32xf32, #tpu.memory_space<hbm>> -> memref<1x1x32xf32, #tpu.memory_space<hbm>>
      tpu.enqueue_dma source(%dma_start3A_462 : memref<1x1x32xf32, #tpu.memory_space<hbm>>) target(%dma_start3A_460 : memref<1x1x32xf32, #tpu.memory_space<vmem>>) target_semaphore(%arg12 : memref<!tpu.dma_semaphore, #tpu.memory_space<semaphore_mem>>)
      %slice3A_463 = vector.extract_strided_slice %get3A_247 {offsets = [10], sizes = [1], strides = [1]} : vector<16xi32> to vector<1xi32>
      %squeeze3A_464 = vector.extract %slice3A_463[0] : i32 from vector<1xi32>
      %shift_right_arithmetic3A_465 = arith.constant 3 : i32
      %shift_right_arithmetic3A_466 = arith.shrsi %squeeze3A_464, %shift_right_arithmetic3A_465 : i32
      %slice3A_467 = vector.extract_strided_slice %get3A_247 {offsets = [10], sizes = [1], strides = [1]} : vector<16xi32> to vector<1xi32>
      %squeeze3A_468 = vector.extract %slice3A_467[0] : i32 from vector<1xi32>
      %and3A_469 = arith.constant 7 : i32
      %and3A_470 = arith.andi %squeeze3A_468, %and3A_469 : i32
      %mul3A_471 = arith.constant 2 : i32
      %mul3A_472 = arith.muli %scan3A_241, %mul3A_471 : i32
      %add3A_473 = arith.constant 1 : i32
      %add3A_474 = arith.addi %mul3A_472, %add3A_473 : i32
      %dma_start3A_475 = arith.constant 2 : i32
      %dma_start3A_476 = arith.constant 0 : i32
      %dma_start3A_477 = tpu.memref_slice %arg8[%add3A_474, %dma_start3A_475, %dma_start3A_476] : memref<16x8x32xf32, #tpu.memory_space<vmem>> -> memref<1x1x32xf32, #tpu.memory_space<vmem>>
      %dma_start3A_478 = arith.constant 0 : i32
      %dma_start3A_479 = tpu.memref_slice %arg2[%shift_right_arithmetic3A_466, %and3A_470, %dma_start3A_478] : memref<125000x8x32xf32, #tpu.memory_space<hbm>> -> memref<1x1x32xf32, #tpu.memory_space<hbm>>
      %dma_start3A_480 = arith.constant 2 : i32
      %dma_start3A_481 = arith.constant 0 : i32
      %dma_start3A_482 = tpu.memref_slice %arg8[%add3A_474, %dma_start3A_480, %dma_start3A_481] : memref<16x8x32xf32, #tpu.memory_space<vmem>> -> memref<1x1x32xf32, #tpu.memory_space<vmem>>
      %dma_start3A_483 = arith.constant 0 : i32
      %dma_start3A_484 = tpu.memref_slice %arg2[%shift_right_arithmetic3A_466, %and3A_470, %dma_start3A_483] : memref<125000x8x32xf32, #tpu.memory_space<hbm>> -> memref<1x1x32xf32, #tpu.memory_space<hbm>>
      tpu.enqueue_dma source(%dma_start3A_484 : memref<1x1x32xf32, #tpu.memory_space<hbm>>) target(%dma_start3A_482 : memref<1x1x32xf32, #tpu.memory_space<vmem>>) target_semaphore(%arg12 : memref<!tpu.dma_semaphore, #tpu.memory_space<semaphore_mem>>)
      %slice3A_485 = vector.extract_strided_slice %get3A_247 {offsets = [11], sizes = [1], strides = [1]} : vector<16xi32> to vector<1xi32>
      %squeeze3A_486 = vector.extract %slice3A_485[0] : i32 from vector<1xi32>
      %shift_right_arithmetic3A_487 = arith.constant 3 : i32
      %shift_right_arithmetic3A_488 = arith.shrsi %squeeze3A_486, %shift_right_arithmetic3A_487 : i32
      %slice3A_489 = vector.extract_strided_slice %get3A_247 {offsets = [11], sizes = [1], strides = [1]} : vector<16xi32> to vector<1xi32>
      %squeeze3A_490 = vector.extract %slice3A_489[0] : i32 from vector<1xi32>
      %and3A_491 = arith.constant 7 : i32
      %and3A_492 = arith.andi %squeeze3A_490, %and3A_491 : i32
      %mul3A_493 = arith.constant 2 : i32
      %mul3A_494 = arith.muli %scan3A_241, %mul3A_493 : i32
      %add3A_495 = arith.constant 1 : i32
      %add3A_496 = arith.addi %mul3A_494, %add3A_495 : i32
      %dma_start3A_497 = arith.constant 3 : i32
      %dma_start3A_498 = arith.constant 0 : i32
      %dma_start3A_499 = tpu.memref_slice %arg8[%add3A_496, %dma_start3A_497, %dma_start3A_498] : memref<16x8x32xf32, #tpu.memory_space<vmem>> -> memref<1x1x32xf32, #tpu.memory_space<vmem>>
      %dma_start3A_500 = arith.constant 0 : i32
      %dma_start3A_501 = tpu.memref_slice %arg2[%shift_right_arithmetic3A_488, %and3A_492, %dma_start3A_500] : memref<125000x8x32xf32, #tpu.memory_space<hbm>> -> memref<1x1x32xf32, #tpu.memory_space<hbm>>
      %dma_start3A_502 = arith.constant 3 : i32
      %dma_start3A_503 = arith.constant 0 : i32
      %dma_start3A_504 = tpu.memref_slice %arg8[%add3A_496, %dma_start3A_502, %dma_start3A_503] : memref<16x8x32xf32, #tpu.memory_space<vmem>> -> memref<1x1x32xf32, #tpu.memory_space<vmem>>
      %dma_start3A_505 = arith.constant 0 : i32
      %dma_start3A_506 = tpu.memref_slice %arg2[%shift_right_arithmetic3A_488, %and3A_492, %dma_start3A_505] : memref<125000x8x32xf32, #tpu.memory_space<hbm>> -> memref<1x1x32xf32, #tpu.memory_space<hbm>>
      tpu.enqueue_dma source(%dma_start3A_506 : memref<1x1x32xf32, #tpu.memory_space<hbm>>) target(%dma_start3A_504 : memref<1x1x32xf32, #tpu.memory_space<vmem>>) target_semaphore(%arg12 : memref<!tpu.dma_semaphore, #tpu.memory_space<semaphore_mem>>)
      %slice3A_507 = vector.extract_strided_slice %get3A_247 {offsets = [12], sizes = [1], strides = [1]} : vector<16xi32> to vector<1xi32>
      %squeeze3A_508 = vector.extract %slice3A_507[0] : i32 from vector<1xi32>
      %shift_right_arithmetic3A_509 = arith.constant 3 : i32
      %shift_right_arithmetic3A_510 = arith.shrsi %squeeze3A_508, %shift_right_arithmetic3A_509 : i32
      %slice3A_511 = vector.extract_strided_slice %get3A_247 {offsets = [12], sizes = [1], strides = [1]} : vector<16xi32> to vector<1xi32>
      %squeeze3A_512 = vector.extract %slice3A_511[0] : i32 from vector<1xi32>
      %and3A_513 = arith.constant 7 : i32
      %and3A_514 = arith.andi %squeeze3A_512, %and3A_513 : i32
      %mul3A_515 = arith.constant 2 : i32
      %mul3A_516 = arith.muli %scan3A_241, %mul3A_515 : i32
      %add3A_517 = arith.constant 1 : i32
      %add3A_518 = arith.addi %mul3A_516, %add3A_517 : i32
      %dma_start3A_519 = arith.constant 4 : i32
      %dma_start3A_520 = arith.constant 0 : i32
      %dma_start3A_521 = tpu.memref_slice %arg8[%add3A_518, %dma_start3A_519, %dma_start3A_520] : memref<16x8x32xf32, #tpu.memory_space<vmem>> -> memref<1x1x32xf32, #tpu.memory_space<vmem>>
      %dma_start3A_522 = arith.constant 0 : i32
      %dma_start3A_523 = tpu.memref_slice %arg2[%shift_right_arithmetic3A_510, %and3A_514, %dma_start3A_522] : memref<125000x8x32xf32, #tpu.memory_space<hbm>> -> memref<1x1x32xf32, #tpu.memory_space<hbm>>
      %dma_start3A_524 = arith.constant 4 : i32
      %dma_start3A_525 = arith.constant 0 : i32
      %dma_start3A_526 = tpu.memref_slice %arg8[%add3A_518, %dma_start3A_524, %dma_start3A_525] : memref<16x8x32xf32, #tpu.memory_space<vmem>> -> memref<1x1x32xf32, #tpu.memory_space<vmem>>
      %dma_start3A_527 = arith.constant 0 : i32
      %dma_start3A_528 = tpu.memref_slice %arg2[%shift_right_arithmetic3A_510, %and3A_514, %dma_start3A_527] : memref<125000x8x32xf32, #tpu.memory_space<hbm>> -> memref<1x1x32xf32, #tpu.memory_space<hbm>>
      tpu.enqueue_dma source(%dma_start3A_528 : memref<1x1x32xf32, #tpu.memory_space<hbm>>) target(%dma_start3A_526 : memref<1x1x32xf32, #tpu.memory_space<vmem>>) target_semaphore(%arg12 : memref<!tpu.dma_semaphore, #tpu.memory_space<semaphore_mem>>)
      %slice3A_529 = vector.extract_strided_slice %get3A_247 {offsets = [13], sizes = [1], strides = [1]} : vector<16xi32> to vector<1xi32>
      %squeeze3A_530 = vector.extract %slice3A_529[0] : i32 from vector<1xi32>
      %shift_right_arithmetic3A_531 = arith.constant 3 : i32
      %shift_right_arithmetic3A_532 = arith.shrsi %squeeze3A_530, %shift_right_arithmetic3A_531 : i32
      %slice3A_533 = vector.extract_strided_slice %get3A_247 {offsets = [13], sizes = [1], strides = [1]} : vector<16xi32> to vector<1xi32>
      %squeeze3A_534 = vector.extract %slice3A_533[0] : i32 from vector<1xi32>
      %and3A_535 = arith.constant 7 : i32
      %and3A_536 = arith.andi %squeeze3A_534, %and3A_535 : i32
      %mul3A_537 = arith.constant 2 : i32
      %mul3A_538 = arith.muli %scan3A_241, %mul3A_537 : i32
      %add3A_539 = arith.constant 1 : i32
      %add3A_540 = arith.addi %mul3A_538, %add3A_539 : i32
      %dma_start3A_541 = arith.constant 5 : i32
      %dma_start3A_542 = arith.constant 0 : i32
      %dma_start3A_543 = tpu.memref_slice %arg8[%add3A_540, %dma_start3A_541, %dma_start3A_542] : memref<16x8x32xf32, #tpu.memory_space<vmem>> -> memref<1x1x32xf32, #tpu.memory_space<vmem>>
      %dma_start3A_544 = arith.constant 0 : i32
      %dma_start3A_545 = tpu.memref_slice %arg2[%shift_right_arithmetic3A_532, %and3A_536, %dma_start3A_544] : memref<125000x8x32xf32, #tpu.memory_space<hbm>> -> memref<1x1x32xf32, #tpu.memory_space<hbm>>
      %dma_start3A_546 = arith.constant 5 : i32
      %dma_start3A_547 = arith.constant 0 : i32
      %dma_start3A_548 = tpu.memref_slice %arg8[%add3A_540, %dma_start3A_546, %dma_start3A_547] : memref<16x8x32xf32, #tpu.memory_space<vmem>> -> memref<1x1x32xf32, #tpu.memory_space<vmem>>
      %dma_start3A_549 = arith.constant 0 : i32
      %dma_start3A_550 = tpu.memref_slice %arg2[%shift_right_arithmetic3A_532, %and3A_536, %dma_start3A_549] : memref<125000x8x32xf32, #tpu.memory_space<hbm>> -> memref<1x1x32xf32, #tpu.memory_space<hbm>>
      tpu.enqueue_dma source(%dma_start3A_550 : memref<1x1x32xf32, #tpu.memory_space<hbm>>) target(%dma_start3A_548 : memref<1x1x32xf32, #tpu.memory_space<vmem>>) target_semaphore(%arg12 : memref<!tpu.dma_semaphore, #tpu.memory_space<semaphore_mem>>)
      %slice3A_551 = vector.extract_strided_slice %get3A_247 {offsets = [14], sizes = [1], strides = [1]} : vector<16xi32> to vector<1xi32>
      %squeeze3A_552 = vector.extract %slice3A_551[0] : i32 from vector<1xi32>
      %shift_right_arithmetic3A_553 = arith.constant 3 : i32
      %shift_right_arithmetic3A_554 = arith.shrsi %squeeze3A_552, %shift_right_arithmetic3A_553 : i32
      %slice3A_555 = vector.extract_strided_slice %get3A_247 {offsets = [14], sizes = [1], strides = [1]} : vector<16xi32> to vector<1xi32>
      %squeeze3A_556 = vector.extract %slice3A_555[0] : i32 from vector<1xi32>
      %and3A_557 = arith.constant 7 : i32
      %and3A_558 = arith.andi %squeeze3A_556, %and3A_557 : i32
      %mul3A_559 = arith.constant 2 : i32
      %mul3A_560 = arith.muli %scan3A_241, %mul3A_559 : i32
      %add3A_561 = arith.constant 1 : i32
      %add3A_562 = arith.addi %mul3A_560, %add3A_561 : i32
      %dma_start3A_563 = arith.constant 6 : i32
      %dma_start3A_564 = arith.constant 0 : i32
      %dma_start3A_565 = tpu.memref_slice %arg8[%add3A_562, %dma_start3A_563, %dma_start3A_564] : memref<16x8x32xf32, #tpu.memory_space<vmem>> -> memref<1x1x32xf32, #tpu.memory_space<vmem>>
      %dma_start3A_566 = arith.constant 0 : i32
      %dma_start3A_567 = tpu.memref_slice %arg2[%shift_right_arithmetic3A_554, %and3A_558, %dma_start3A_566] : memref<125000x8x32xf32, #tpu.memory_space<hbm>> -> memref<1x1x32xf32, #tpu.memory_space<hbm>>
      %dma_start3A_568 = arith.constant 6 : i32
      %dma_start3A_569 = arith.constant 0 : i32
      %dma_start3A_570 = tpu.memref_slice %arg8[%add3A_562, %dma_start3A_568, %dma_start3A_569] : memref<16x8x32xf32, #tpu.memory_space<vmem>> -> memref<1x1x32xf32, #tpu.memory_space<vmem>>
      %dma_start3A_571 = arith.constant 0 : i32
      %dma_start3A_572 = tpu.memref_slice %arg2[%shift_right_arithmetic3A_554, %and3A_558, %dma_start3A_571] : memref<125000x8x32xf32, #tpu.memory_space<hbm>> -> memref<1x1x32xf32, #tpu.memory_space<hbm>>
      tpu.enqueue_dma source(%dma_start3A_572 : memref<1x1x32xf32, #tpu.memory_space<hbm>>) target(%dma_start3A_570 : memref<1x1x32xf32, #tpu.memory_space<vmem>>) target_semaphore(%arg12 : memref<!tpu.dma_semaphore, #tpu.memory_space<semaphore_mem>>)
      %slice3A_573 = vector.extract_strided_slice %get3A_247 {offsets = [15], sizes = [1], strides = [1]} : vector<16xi32> to vector<1xi32>
      %squeeze3A_574 = vector.extract %slice3A_573[0] : i32 from vector<1xi32>
      %shift_right_arithmetic3A_575 = arith.constant 3 : i32
      %shift_right_arithmetic3A_576 = arith.shrsi %squeeze3A_574, %shift_right_arithmetic3A_575 : i32
      %slice3A_577 = vector.extract_strided_slice %get3A_247 {offsets = [15], sizes = [1], strides = [1]} : vector<16xi32> to vector<1xi32>
      %squeeze3A_578 = vector.extract %slice3A_577[0] : i32 from vector<1xi32>
      %and3A_579 = arith.constant 7 : i32
      %and3A_580 = arith.andi %squeeze3A_578, %and3A_579 : i32
      %mul3A_581 = arith.constant 2 : i32
      %mul3A_582 = arith.muli %scan3A_241, %mul3A_581 : i32
      %add3A_583 = arith.constant 1 : i32
      %add3A_584 = arith.addi %mul3A_582, %add3A_583 : i32
      %dma_start3A_585 = arith.constant 7 : i32
      %dma_start3A_586 = arith.constant 0 : i32
      %dma_start3A_587 = tpu.memref_slice %arg8[%add3A_584, %dma_start3A_585, %dma_start3A_586] : memref<16x8x32xf32, #tpu.memory_space<vmem>> -> memref<1x1x32xf32, #tpu.memory_space<vmem>>
      %dma_start3A_588 = arith.constant 0 : i32
      %dma_start3A_589 = tpu.memref_slice %arg2[%shift_right_arithmetic3A_576, %and3A_580, %dma_start3A_588] : memref<125000x8x32xf32, #tpu.memory_space<hbm>> -> memref<1x1x32xf32, #tpu.memory_space<hbm>>
      %dma_start3A_590 = arith.constant 7 : i32
      %dma_start3A_591 = arith.constant 0 : i32
      %dma_start3A_592 = tpu.memref_slice %arg8[%add3A_584, %dma_start3A_590, %dma_start3A_591] : memref<16x8x32xf32, #tpu.memory_space<vmem>> -> memref<1x1x32xf32, #tpu.memory_space<vmem>>
      %dma_start3A_593 = arith.constant 0 : i32
      %dma_start3A_594 = tpu.memref_slice %arg2[%shift_right_arithmetic3A_576, %and3A_580, %dma_start3A_593] : memref<125000x8x32xf32, #tpu.memory_space<hbm>> -> memref<1x1x32xf32, #tpu.memory_space<hbm>>
      tpu.enqueue_dma source(%dma_start3A_594 : memref<1x1x32xf32, #tpu.memory_space<hbm>>) target(%dma_start3A_592 : memref<1x1x32xf32, #tpu.memory_space<vmem>>) target_semaphore(%arg12 : memref<!tpu.dma_semaphore, #tpu.memory_space<semaphore_mem>>)
      %scan3A_595 = arith.constant 0 : i32
      scf.yield %scan3A_595 : i32
    }
    %scan3A_58 = arith.constant 8 : i32
    %dma_wait3A_59 = arith.constant 0 : i32
    %dma_wait3A_60 = arith.constant 0 : i32
    %dma_wait3A_61 = arith.constant 0 : i32
    %dma_wait3A_62 = tpu.memref_slice %arg2[%dma_wait3A_59, %dma_wait3A_60, %dma_wait3A_61] : memref<125000x8x32xf32, #tpu.memory_space<hbm>> -> memref<16x8x32xf32, #tpu.memory_space<hbm>>
    %dma_wait3A_63 = arith.constant 0 : i32
    %dma_wait3A_64 = arith.constant 0 : i32
    %dma_wait3A_65 = arith.constant 0 : i32
    %dma_wait3A_66 = tpu.memref_slice %arg2[%dma_wait3A_63, %dma_wait3A_64, %dma_wait3A_65] : memref<125000x8x32xf32, #tpu.memory_space<hbm>> -> memref<16x8x32xf32, #tpu.memory_space<hbm>>
    tpu.wait_dma2 semaphore(%arg13 : memref<!tpu.dma_semaphore, #tpu.memory_space<semaphore_mem>>) src(%dma_wait3A_66 : memref<16x8x32xf32, #tpu.memory_space<hbm>>) dst(%arg9 : memref<16x8x32xf32, #tpu.memory_space<vmem>>)
    %add3A_67 = arith.constant 128 : i32
    %add3A_68 = arith.addi %mul3A_2, %add3A_67 : i32
    %scan3A_69 = arith.constant 0 : i32
    %scan3A_70 = arith.constant 0 : i32
    %scan3A_71 = arith.constant 128 : i32
    %scan3A_72 = arith.addi %scan3A_70, %scan3A_71 : i32
    %scan3A_73 = arith.constant 1 : i32
    %scan3A_74 = scf.for %scan3A_241 = %scan3A_70 to %scan3A_72 step %scan3A_73 iter_args(%scan3A_242 = %scan3A_69) -> (i32)  : i32 {
      %jit3A = arith.constant 8 : i32
      %div3A = arith.divsi %scan3A_241, %jit3A : i32
      %sign3A = arith.constant 0 : i32
      %sign3A_243 = arith.cmpi sgt, %scan3A_241, %sign3A : i32
      %sign3A_244 = arith.extui %sign3A_243 : i1 to i32
      %sign3A_245 = arith.constant 0 : i32
      %sign3A_246 = arith.cmpi slt, %scan3A_241, %sign3A_245 : i32
      %sign3A_247 = arith.extui %sign3A_246 : i1 to i32
      %sign3A_248 = arith.subi %sign3A_244, %sign3A_247 : i32
      %sign3A_249 = arith.constant 0 : i32
      %sign3A_250 = arith.cmpi sgt, %jit3A, %sign3A_249 : i32
      %sign3A_251 = arith.extui %sign3A_250 : i1 to i32
      %sign3A_252 = arith.constant 0 : i32
      %sign3A_253 = arith.cmpi slt, %jit3A, %sign3A_252 : i32
      %sign3A_254 = arith.extui %sign3A_253 : i1 to i32
      %sign3A_255 = arith.subi %sign3A_251, %sign3A_254 : i32
      %ne3A = arith.cmpi ne, %sign3A_248, %sign3A_255 : i32
      %rem3A = arith.remsi %scan3A_241, %jit3A : i32
      %ne3A_256 = arith.constant 0 : i32
      %ne3A_257 = arith.cmpi ne, %rem3A, %ne3A_256 : i32
      %and3A = arith.andi %ne3A, %ne3A_257 : i1
      %sub3A = arith.constant 1 : i32
      %sub3A_258 = arith.subi %div3A, %sub3A : i32
      %select_n3A = arith.select %and3A, %sub3A_258, %div3A : i32
      %jit3A_259 = arith.constant 8 : i32
      %eq3A = arith.constant 0 : i32
      %eq3A_260 = arith.cmpi eq, %jit3A_259, %eq3A : i32
      %jit3A_261 = arith.constant 1 : i32
      %select_n3A_262 = arith.select %eq3A_260, %jit3A_261, %jit3A_259 : i32
      %rem3A_263 = arith.remsi %scan3A_241, %select_n3A_262 : i32
      %ne3A_264 = arith.constant 0 : i32
      %ne3A_265 = arith.cmpi ne, %rem3A_263, %ne3A_264 : i32
      %lt3A = arith.constant 0 : i32
      %lt3A_266 = arith.cmpi slt, %rem3A_263, %lt3A : i32
      %lt3A_267 = arith.constant 0 : i32
      %lt3A_268 = arith.cmpi slt, %select_n3A_262, %lt3A_267 : i32
      %ne3A_269 = arith.xori %lt3A_266, %lt3A_268 : i1
      %and3A_270 = arith.andi %ne3A_269, %ne3A_265 : i1
      %add3A_271 = arith.addi %rem3A_263, %select_n3A_262 : i32
      %select_n3A_272 = arith.select %and3A_270, %add3A_271, %rem3A_263 : i32
      %add3A_273 = arith.addi %add3A_68, %scan3A_241 : i32
      %dma_start3A = arith.constant 0 : i32
      %dma_start3A_274 = tpu.memref_slice %arg9[%select_n3A, %select_n3A_272, %dma_start3A] : memref<16x8x32xf32, #tpu.memory_space<vmem>> -> memref<1x1x32xf32, #tpu.memory_space<vmem>>
      %dma_start3A_275 = tpu.memref_squeeze %dma_start3A_274 : memref<1x1x32xf32, #tpu.memory_space<vmem>> -> memref<32xf32, #tpu.memory_space<vmem>>
      %dma_start3A_276 = arith.constant 0 : i32
      %dma_start3A_277 = tpu.memref_slice %arg5[%add3A_273, %dma_start3A_276] : memref<16384x32xf32, #tpu.memory_space<hbm>> -> memref<1x32xf32, #tpu.memory_space<hbm>>
      %dma_start3A_278 = tpu.memref_squeeze %dma_start3A_277 : memref<1x32xf32, #tpu.memory_space<hbm>> -> memref<32xf32, #tpu.memory_space<hbm>>
      %dma_start3A_279 = arith.constant 0 : i32
      %dma_start3A_280 = tpu.memref_slice %arg5[%add3A_273, %dma_start3A_279] : memref<16384x32xf32, #tpu.memory_space<hbm>> -> memref<1x32xf32, #tpu.memory_space<hbm>>
      %dma_start3A_281 = tpu.memref_squeeze %dma_start3A_280 : memref<1x32xf32, #tpu.memory_space<hbm>> -> memref<32xf32, #tpu.memory_space<hbm>>
      %dma_start3A_282 = arith.constant 0 : i32
      %dma_start3A_283 = tpu.memref_slice %arg9[%select_n3A, %select_n3A_272, %dma_start3A_282] : memref<16x8x32xf32, #tpu.memory_space<vmem>> -> memref<1x1x32xf32, #tpu.memory_space<vmem>>
      %dma_start3A_284 = tpu.memref_squeeze %dma_start3A_283 : memref<1x1x32xf32, #tpu.memory_space<vmem>> -> memref<32xf32, #tpu.memory_space<vmem>>
      tpu.enqueue_dma source(%dma_start3A_284 : memref<32xf32, #tpu.memory_space<vmem>>) target(%dma_start3A_281 : memref<32xf32, #tpu.memory_space<hbm>>) target_semaphore(%arg17 : memref<!tpu.dma_semaphore, #tpu.memory_space<semaphore_mem>>)
      %scan3A_285 = arith.constant 0 : i32
      scf.yield %scan3A_285 : i32
    }
    %scan3A_75 = arith.constant 128 : i32
    %add3A_76 = arith.constant 128 : i32
    %add3A_77 = arith.addi %mul3A_2, %add3A_76 : i32
    %dma_wait3A_78 = arith.constant 0 : i32
    %dma_wait3A_79 = tpu.memref_slice %arg5[%add3A_77, %dma_wait3A_78] : memref<16384x32xf32, #tpu.memory_space<hbm>> -> memref<128x32xf32, #tpu.memory_space<hbm>>
    %dma_wait3A_80 = arith.constant 0 : i32
    %dma_wait3A_81 = tpu.memref_slice %arg5[%add3A_77, %dma_wait3A_80] : memref<16384x32xf32, #tpu.memory_space<hbm>> -> memref<128x32xf32, #tpu.memory_space<hbm>>
    tpu.wait_dma2 semaphore(%arg17 : memref<!tpu.dma_semaphore, #tpu.memory_space<semaphore_mem>>) src(%arg9 : memref<16x8x32xf32, #tpu.memory_space<vmem>>) dst(%dma_wait3A_81 : memref<128x32xf32, #tpu.memory_space<hbm>>)
    %scan3A_82 = arith.constant 0 : i32
    %scan3A_83 = arith.constant 0 : i32
    %scan3A_84 = arith.constant 8 : i32
    %scan3A_85 = arith.addi %scan3A_83, %scan3A_84 : i32
    %scan3A_86 = arith.constant 1 : i32
    %scan3A_87 = scf.for %scan3A_241 = %scan3A_83 to %scan3A_85 step %scan3A_86 iter_args(%scan3A_242 = %scan3A_82) -> (i32)  : i32 {
      %mul3A_243 = arith.constant 16 : i32
      %mul3A_244 = arith.muli %scan3A_241, %mul3A_243 : i32
      %add3A_245 = arith.constant 640 : i32
      %add3A_246 = arith.addi %add3A_245, %mul3A_244 : i32
      %get3A = arith.index_cast %add3A_246 : i32 to index
      %get3A_247 = tpu.vector_load %arg7[%get3A] {strides = array<i32>} : memref<1024xi32, #tpu.memory_space<vmem>>, vector<16xi32>,
      %slice3A = vector.extract_strided_slice %get3A_247 {offsets = [0], sizes = [1], strides = [1]} : vector<16xi32> to vector<1xi32>
      %squeeze3A = vector.extract %slice3A[0] : i32 from vector<1xi32>
      %shift_right_arithmetic3A = arith.constant 3 : i32
      %shift_right_arithmetic3A_248 = arith.shrsi %squeeze3A, %shift_right_arithmetic3A : i32
      %slice3A_249 = vector.extract_strided_slice %get3A_247 {offsets = [0], sizes = [1], strides = [1]} : vector<16xi32> to vector<1xi32>
      %squeeze3A_250 = vector.extract %slice3A_249[0] : i32 from vector<1xi32>
      %and3A = arith.constant 7 : i32
      %and3A_251 = arith.andi %squeeze3A_250, %and3A : i32
      %mul3A_252 = arith.constant 2 : i32
      %mul3A_253 = arith.muli %scan3A_241, %mul3A_252 : i32
      %add3A_254 = arith.constant 0 : i32
      %add3A_255 = arith.addi %mul3A_253, %add3A_254 : i32
      %dma_start3A = arith.constant 0 : i32
      %dma_start3A_256 = arith.constant 0 : i32
      %dma_start3A_257 = tpu.memref_slice %arg9[%add3A_255, %dma_start3A, %dma_start3A_256] : memref<16x8x32xf32, #tpu.memory_space<vmem>> -> memref<1x1x32xf32, #tpu.memory_space<vmem>>
      %dma_start3A_258 = arith.constant 0 : i32
      %dma_start3A_259 = tpu.memref_slice %arg2[%shift_right_arithmetic3A_248, %and3A_251, %dma_start3A_258] : memref<125000x8x32xf32, #tpu.memory_space<hbm>> -> memref<1x1x32xf32, #tpu.memory_space<hbm>>
      %dma_start3A_260 = arith.constant 0 : i32
      %dma_start3A_261 = arith.constant 0 : i32
      %dma_start3A_262 = tpu.memref_slice %arg9[%add3A_255, %dma_start3A_260, %dma_start3A_261] : memref<16x8x32xf32, #tpu.memory_space<vmem>> -> memref<1x1x32xf32, #tpu.memory_space<vmem>>
      %dma_start3A_263 = arith.constant 0 : i32
      %dma_start3A_264 = tpu.memref_slice %arg2[%shift_right_arithmetic3A_248, %and3A_251, %dma_start3A_263] : memref<125000x8x32xf32, #tpu.memory_space<hbm>> -> memref<1x1x32xf32, #tpu.memory_space<hbm>>
      tpu.enqueue_dma source(%dma_start3A_264 : memref<1x1x32xf32, #tpu.memory_space<hbm>>) target(%dma_start3A_262 : memref<1x1x32xf32, #tpu.memory_space<vmem>>) target_semaphore(%arg13 : memref<!tpu.dma_semaphore, #tpu.memory_space<semaphore_mem>>)
      %slice3A_265 = vector.extract_strided_slice %get3A_247 {offsets = [1], sizes = [1], strides = [1]} : vector<16xi32> to vector<1xi32>
      %squeeze3A_266 = vector.extract %slice3A_265[0] : i32 from vector<1xi32>
      %shift_right_arithmetic3A_267 = arith.constant 3 : i32
      %shift_right_arithmetic3A_268 = arith.shrsi %squeeze3A_266, %shift_right_arithmetic3A_267 : i32
      %slice3A_269 = vector.extract_strided_slice %get3A_247 {offsets = [1], sizes = [1], strides = [1]} : vector<16xi32> to vector<1xi32>
      %squeeze3A_270 = vector.extract %slice3A_269[0] : i32 from vector<1xi32>
      %and3A_271 = arith.constant 7 : i32
      %and3A_272 = arith.andi %squeeze3A_270, %and3A_271 : i32
      %mul3A_273 = arith.constant 2 : i32
      %mul3A_274 = arith.muli %scan3A_241, %mul3A_273 : i32
      %add3A_275 = arith.constant 0 : i32
      %add3A_276 = arith.addi %mul3A_274, %add3A_275 : i32
      %dma_start3A_277 = arith.constant 1 : i32
      %dma_start3A_278 = arith.constant 0 : i32
      %dma_start3A_279 = tpu.memref_slice %arg9[%add3A_276, %dma_start3A_277, %dma_start3A_278] : memref<16x8x32xf32, #tpu.memory_space<vmem>> -> memref<1x1x32xf32, #tpu.memory_space<vmem>>
      %dma_start3A_280 = arith.constant 0 : i32
      %dma_start3A_281 = tpu.memref_slice %arg2[%shift_right_arithmetic3A_268, %and3A_272, %dma_start3A_280] : memref<125000x8x32xf32, #tpu.memory_space<hbm>> -> memref<1x1x32xf32, #tpu.memory_space<hbm>>
      %dma_start3A_282 = arith.constant 1 : i32
      %dma_start3A_283 = arith.constant 0 : i32
      %dma_start3A_284 = tpu.memref_slice %arg9[%add3A_276, %dma_start3A_282, %dma_start3A_283] : memref<16x8x32xf32, #tpu.memory_space<vmem>> -> memref<1x1x32xf32, #tpu.memory_space<vmem>>
      %dma_start3A_285 = arith.constant 0 : i32
      %dma_start3A_286 = tpu.memref_slice %arg2[%shift_right_arithmetic3A_268, %and3A_272, %dma_start3A_285] : memref<125000x8x32xf32, #tpu.memory_space<hbm>> -> memref<1x1x32xf32, #tpu.memory_space<hbm>>
      tpu.enqueue_dma source(%dma_start3A_286 : memref<1x1x32xf32, #tpu.memory_space<hbm>>) target(%dma_start3A_284 : memref<1x1x32xf32, #tpu.memory_space<vmem>>) target_semaphore(%arg13 : memref<!tpu.dma_semaphore, #tpu.memory_space<semaphore_mem>>)
      %slice3A_287 = vector.extract_strided_slice %get3A_247 {offsets = [2], sizes = [1], strides = [1]} : vector<16xi32> to vector<1xi32>
      %squeeze3A_288 = vector.extract %slice3A_287[0] : i32 from vector<1xi32>
      %shift_right_arithmetic3A_289 = arith.constant 3 : i32
      %shift_right_arithmetic3A_290 = arith.shrsi %squeeze3A_288, %shift_right_arithmetic3A_289 : i32
      %slice3A_291 = vector.extract_strided_slice %get3A_247 {offsets = [2], sizes = [1], strides = [1]} : vector<16xi32> to vector<1xi32>
      %squeeze3A_292 = vector.extract %slice3A_291[0] : i32 from vector<1xi32>
      %and3A_293 = arith.constant 7 : i32
      %and3A_294 = arith.andi %squeeze3A_292, %and3A_293 : i32
      %mul3A_295 = arith.constant 2 : i32
      %mul3A_296 = arith.muli %scan3A_241, %mul3A_295 : i32
      %add3A_297 = arith.constant 0 : i32
      %add3A_298 = arith.addi %mul3A_296, %add3A_297 : i32
      %dma_start3A_299 = arith.constant 2 : i32
      %dma_start3A_300 = arith.constant 0 : i32
      %dma_start3A_301 = tpu.memref_slice %arg9[%add3A_298, %dma_start3A_299, %dma_start3A_300] : memref<16x8x32xf32, #tpu.memory_space<vmem>> -> memref<1x1x32xf32, #tpu.memory_space<vmem>>
      %dma_start3A_302 = arith.constant 0 : i32
      %dma_start3A_303 = tpu.memref_slice %arg2[%shift_right_arithmetic3A_290, %and3A_294, %dma_start3A_302] : memref<125000x8x32xf32, #tpu.memory_space<hbm>> -> memref<1x1x32xf32, #tpu.memory_space<hbm>>
      %dma_start3A_304 = arith.constant 2 : i32
      %dma_start3A_305 = arith.constant 0 : i32
      %dma_start3A_306 = tpu.memref_slice %arg9[%add3A_298, %dma_start3A_304, %dma_start3A_305] : memref<16x8x32xf32, #tpu.memory_space<vmem>> -> memref<1x1x32xf32, #tpu.memory_space<vmem>>
      %dma_start3A_307 = arith.constant 0 : i32
      %dma_start3A_308 = tpu.memref_slice %arg2[%shift_right_arithmetic3A_290, %and3A_294, %dma_start3A_307] : memref<125000x8x32xf32, #tpu.memory_space<hbm>> -> memref<1x1x32xf32, #tpu.memory_space<hbm>>
      tpu.enqueue_dma source(%dma_start3A_308 : memref<1x1x32xf32, #tpu.memory_space<hbm>>) target(%dma_start3A_306 : memref<1x1x32xf32, #tpu.memory_space<vmem>>) target_semaphore(%arg13 : memref<!tpu.dma_semaphore, #tpu.memory_space<semaphore_mem>>)
      %slice3A_309 = vector.extract_strided_slice %get3A_247 {offsets = [3], sizes = [1], strides = [1]} : vector<16xi32> to vector<1xi32>
      %squeeze3A_310 = vector.extract %slice3A_309[0] : i32 from vector<1xi32>
      %shift_right_arithmetic3A_311 = arith.constant 3 : i32
      %shift_right_arithmetic3A_312 = arith.shrsi %squeeze3A_310, %shift_right_arithmetic3A_311 : i32
      %slice3A_313 = vector.extract_strided_slice %get3A_247 {offsets = [3], sizes = [1], strides = [1]} : vector<16xi32> to vector<1xi32>
      %squeeze3A_314 = vector.extract %slice3A_313[0] : i32 from vector<1xi32>
      %and3A_315 = arith.constant 7 : i32
      %and3A_316 = arith.andi %squeeze3A_314, %and3A_315 : i32
      %mul3A_317 = arith.constant 2 : i32
      %mul3A_318 = arith.muli %scan3A_241, %mul3A_317 : i32
      %add3A_319 = arith.constant 0 : i32
      %add3A_320 = arith.addi %mul3A_318, %add3A_319 : i32
      %dma_start3A_321 = arith.constant 3 : i32
      %dma_start3A_322 = arith.constant 0 : i32
      %dma_start3A_323 = tpu.memref_slice %arg9[%add3A_320, %dma_start3A_321, %dma_start3A_322] : memref<16x8x32xf32, #tpu.memory_space<vmem>> -> memref<1x1x32xf32, #tpu.memory_space<vmem>>
      %dma_start3A_324 = arith.constant 0 : i32
      %dma_start3A_325 = tpu.memref_slice %arg2[%shift_right_arithmetic3A_312, %and3A_316, %dma_start3A_324] : memref<125000x8x32xf32, #tpu.memory_space<hbm>> -> memref<1x1x32xf32, #tpu.memory_space<hbm>>
      %dma_start3A_326 = arith.constant 3 : i32
      %dma_start3A_327 = arith.constant 0 : i32
      %dma_start3A_328 = tpu.memref_slice %arg9[%add3A_320, %dma_start3A_326, %dma_start3A_327] : memref<16x8x32xf32, #tpu.memory_space<vmem>> -> memref<1x1x32xf32, #tpu.memory_space<vmem>>
      %dma_start3A_329 = arith.constant 0 : i32
      %dma_start3A_330 = tpu.memref_slice %arg2[%shift_right_arithmetic3A_312, %and3A_316, %dma_start3A_329] : memref<125000x8x32xf32, #tpu.memory_space<hbm>> -> memref<1x1x32xf32, #tpu.memory_space<hbm>>
      tpu.enqueue_dma source(%dma_start3A_330 : memref<1x1x32xf32, #tpu.memory_space<hbm>>) target(%dma_start3A_328 : memref<1x1x32xf32, #tpu.memory_space<vmem>>) target_semaphore(%arg13 : memref<!tpu.dma_semaphore, #tpu.memory_space<semaphore_mem>>)
      %slice3A_331 = vector.extract_strided_slice %get3A_247 {offsets = [4], sizes = [1], strides = [1]} : vector<16xi32> to vector<1xi32>
      %squeeze3A_332 = vector.extract %slice3A_331[0] : i32 from vector<1xi32>
      %shift_right_arithmetic3A_333 = arith.constant 3 : i32
      %shift_right_arithmetic3A_334 = arith.shrsi %squeeze3A_332, %shift_right_arithmetic3A_333 : i32
      %slice3A_335 = vector.extract_strided_slice %get3A_247 {offsets = [4], sizes = [1], strides = [1]} : vector<16xi32> to vector<1xi32>
      %squeeze3A_336 = vector.extract %slice3A_335[0] : i32 from vector<1xi32>
      %and3A_337 = arith.constant 7 : i32
      %and3A_338 = arith.andi %squeeze3A_336, %and3A_337 : i32
      %mul3A_339 = arith.constant 2 : i32
      %mul3A_340 = arith.muli %scan3A_241, %mul3A_339 : i32
      %add3A_341 = arith.constant 0 : i32
      %add3A_342 = arith.addi %mul3A_340, %add3A_341 : i32
      %dma_start3A_343 = arith.constant 4 : i32
      %dma_start3A_344 = arith.constant 0 : i32
      %dma_start3A_345 = tpu.memref_slice %arg9[%add3A_342, %dma_start3A_343, %dma_start3A_344] : memref<16x8x32xf32, #tpu.memory_space<vmem>> -> memref<1x1x32xf32, #tpu.memory_space<vmem>>
      %dma_start3A_346 = arith.constant 0 : i32
      %dma_start3A_347 = tpu.memref_slice %arg2[%shift_right_arithmetic3A_334, %and3A_338, %dma_start3A_346] : memref<125000x8x32xf32, #tpu.memory_space<hbm>> -> memref<1x1x32xf32, #tpu.memory_space<hbm>>
      %dma_start3A_348 = arith.constant 4 : i32
      %dma_start3A_349 = arith.constant 0 : i32
      %dma_start3A_350 = tpu.memref_slice %arg9[%add3A_342, %dma_start3A_348, %dma_start3A_349] : memref<16x8x32xf32, #tpu.memory_space<vmem>> -> memref<1x1x32xf32, #tpu.memory_space<vmem>>
      %dma_start3A_351 = arith.constant 0 : i32
      %dma_start3A_352 = tpu.memref_slice %arg2[%shift_right_arithmetic3A_334, %and3A_338, %dma_start3A_351] : memref<125000x8x32xf32, #tpu.memory_space<hbm>> -> memref<1x1x32xf32, #tpu.memory_space<hbm>>
      tpu.enqueue_dma source(%dma_start3A_352 : memref<1x1x32xf32, #tpu.memory_space<hbm>>) target(%dma_start3A_350 : memref<1x1x32xf32, #tpu.memory_space<vmem>>) target_semaphore(%arg13 : memref<!tpu.dma_semaphore, #tpu.memory_space<semaphore_mem>>)
      %slice3A_353 = vector.extract_strided_slice %get3A_247 {offsets = [5], sizes = [1], strides = [1]} : vector<16xi32> to vector<1xi32>
      %squeeze3A_354 = vector.extract %slice3A_353[0] : i32 from vector<1xi32>
      %shift_right_arithmetic3A_355 = arith.constant 3 : i32
      %shift_right_arithmetic3A_356 = arith.shrsi %squeeze3A_354, %shift_right_arithmetic3A_355 : i32
      %slice3A_357 = vector.extract_strided_slice %get3A_247 {offsets = [5], sizes = [1], strides = [1]} : vector<16xi32> to vector<1xi32>
      %squeeze3A_358 = vector.extract %slice3A_357[0] : i32 from vector<1xi32>
      %and3A_359 = arith.constant 7 : i32
      %and3A_360 = arith.andi %squeeze3A_358, %and3A_359 : i32
      %mul3A_361 = arith.constant 2 : i32
      %mul3A_362 = arith.muli %scan3A_241, %mul3A_361 : i32
      %add3A_363 = arith.constant 0 : i32
      %add3A_364 = arith.addi %mul3A_362, %add3A_363 : i32
      %dma_start3A_365 = arith.constant 5 : i32
      %dma_start3A_366 = arith.constant 0 : i32
      %dma_start3A_367 = tpu.memref_slice %arg9[%add3A_364, %dma_start3A_365, %dma_start3A_366] : memref<16x8x32xf32, #tpu.memory_space<vmem>> -> memref<1x1x32xf32, #tpu.memory_space<vmem>>
      %dma_start3A_368 = arith.constant 0 : i32
      %dma_start3A_369 = tpu.memref_slice %arg2[%shift_right_arithmetic3A_356, %and3A_360, %dma_start3A_368] : memref<125000x8x32xf32, #tpu.memory_space<hbm>> -> memref<1x1x32xf32, #tpu.memory_space<hbm>>
      %dma_start3A_370 = arith.constant 5 : i32
      %dma_start3A_371 = arith.constant 0 : i32
      %dma_start3A_372 = tpu.memref_slice %arg9[%add3A_364, %dma_start3A_370, %dma_start3A_371] : memref<16x8x32xf32, #tpu.memory_space<vmem>> -> memref<1x1x32xf32, #tpu.memory_space<vmem>>
      %dma_start3A_373 = arith.constant 0 : i32
      %dma_start3A_374 = tpu.memref_slice %arg2[%shift_right_arithmetic3A_356, %and3A_360, %dma_start3A_373] : memref<125000x8x32xf32, #tpu.memory_space<hbm>> -> memref<1x1x32xf32, #tpu.memory_space<hbm>>
      tpu.enqueue_dma source(%dma_start3A_374 : memref<1x1x32xf32, #tpu.memory_space<hbm>>) target(%dma_start3A_372 : memref<1x1x32xf32, #tpu.memory_space<vmem>>) target_semaphore(%arg13 : memref<!tpu.dma_semaphore, #tpu.memory_space<semaphore_mem>>)
      %slice3A_375 = vector.extract_strided_slice %get3A_247 {offsets = [6], sizes = [1], strides = [1]} : vector<16xi32> to vector<1xi32>
      %squeeze3A_376 = vector.extract %slice3A_375[0] : i32 from vector<1xi32>
      %shift_right_arithmetic3A_377 = arith.constant 3 : i32
      %shift_right_arithmetic3A_378 = arith.shrsi %squeeze3A_376, %shift_right_arithmetic3A_377 : i32
      %slice3A_379 = vector.extract_strided_slice %get3A_247 {offsets = [6], sizes = [1], strides = [1]} : vector<16xi32> to vector<1xi32>
      %squeeze3A_380 = vector.extract %slice3A_379[0] : i32 from vector<1xi32>
      %and3A_381 = arith.constant 7 : i32
      %and3A_382 = arith.andi %squeeze3A_380, %and3A_381 : i32
      %mul3A_383 = arith.constant 2 : i32
      %mul3A_384 = arith.muli %scan3A_241, %mul3A_383 : i32
      %add3A_385 = arith.constant 0 : i32
      %add3A_386 = arith.addi %mul3A_384, %add3A_385 : i32
      %dma_start3A_387 = arith.constant 6 : i32
      %dma_start3A_388 = arith.constant 0 : i32
      %dma_start3A_389 = tpu.memref_slice %arg9[%add3A_386, %dma_start3A_387, %dma_start3A_388] : memref<16x8x32xf32, #tpu.memory_space<vmem>> -> memref<1x1x32xf32, #tpu.memory_space<vmem>>
      %dma_start3A_390 = arith.constant 0 : i32
      %dma_start3A_391 = tpu.memref_slice %arg2[%shift_right_arithmetic3A_378, %and3A_382, %dma_start3A_390] : memref<125000x8x32xf32, #tpu.memory_space<hbm>> -> memref<1x1x32xf32, #tpu.memory_space<hbm>>
      %dma_start3A_392 = arith.constant 6 : i32
      %dma_start3A_393 = arith.constant 0 : i32
      %dma_start3A_394 = tpu.memref_slice %arg9[%add3A_386, %dma_start3A_392, %dma_start3A_393] : memref<16x8x32xf32, #tpu.memory_space<vmem>> -> memref<1x1x32xf32, #tpu.memory_space<vmem>>
      %dma_start3A_395 = arith.constant 0 : i32
      %dma_start3A_396 = tpu.memref_slice %arg2[%shift_right_arithmetic3A_378, %and3A_382, %dma_start3A_395] : memref<125000x8x32xf32, #tpu.memory_space<hbm>> -> memref<1x1x32xf32, #tpu.memory_space<hbm>>
      tpu.enqueue_dma source(%dma_start3A_396 : memref<1x1x32xf32, #tpu.memory_space<hbm>>) target(%dma_start3A_394 : memref<1x1x32xf32, #tpu.memory_space<vmem>>) target_semaphore(%arg13 : memref<!tpu.dma_semaphore, #tpu.memory_space<semaphore_mem>>)
      %slice3A_397 = vector.extract_strided_slice %get3A_247 {offsets = [7], sizes = [1], strides = [1]} : vector<16xi32> to vector<1xi32>
      %squeeze3A_398 = vector.extract %slice3A_397[0] : i32 from vector<1xi32>
      %shift_right_arithmetic3A_399 = arith.constant 3 : i32
      %shift_right_arithmetic3A_400 = arith.shrsi %squeeze3A_398, %shift_right_arithmetic3A_399 : i32
      %slice3A_401 = vector.extract_strided_slice %get3A_247 {offsets = [7], sizes = [1], strides = [1]} : vector<16xi32> to vector<1xi32>
      %squeeze3A_402 = vector.extract %slice3A_401[0] : i32 from vector<1xi32>
      %and3A_403 = arith.constant 7 : i32
      %and3A_404 = arith.andi %squeeze3A_402, %and3A_403 : i32
      %mul3A_405 = arith.constant 2 : i32
      %mul3A_406 = arith.muli %scan3A_241, %mul3A_405 : i32
      %add3A_407 = arith.constant 0 : i32
      %add3A_408 = arith.addi %mul3A_406, %add3A_407 : i32
      %dma_start3A_409 = arith.constant 7 : i32
      %dma_start3A_410 = arith.constant 0 : i32
      %dma_start3A_411 = tpu.memref_slice %arg9[%add3A_408, %dma_start3A_409, %dma_start3A_410] : memref<16x8x32xf32, #tpu.memory_space<vmem>> -> memref<1x1x32xf32, #tpu.memory_space<vmem>>
      %dma_start3A_412 = arith.constant 0 : i32
      %dma_start3A_413 = tpu.memref_slice %arg2[%shift_right_arithmetic3A_400, %and3A_404, %dma_start3A_412] : memref<125000x8x32xf32, #tpu.memory_space<hbm>> -> memref<1x1x32xf32, #tpu.memory_space<hbm>>
      %dma_start3A_414 = arith.constant 7 : i32
      %dma_start3A_415 = arith.constant 0 : i32
      %dma_start3A_416 = tpu.memref_slice %arg9[%add3A_408, %dma_start3A_414, %dma_start3A_415] : memref<16x8x32xf32, #tpu.memory_space<vmem>> -> memref<1x1x32xf32, #tpu.memory_space<vmem>>
      %dma_start3A_417 = arith.constant 0 : i32
      %dma_start3A_418 = tpu.memref_slice %arg2[%shift_right_arithmetic3A_400, %and3A_404, %dma_start3A_417] : memref<125000x8x32xf32, #tpu.memory_space<hbm>> -> memref<1x1x32xf32, #tpu.memory_space<hbm>>
      tpu.enqueue_dma source(%dma_start3A_418 : memref<1x1x32xf32, #tpu.memory_space<hbm>>) target(%dma_start3A_416 : memref<1x1x32xf32, #tpu.memory_space<vmem>>) target_semaphore(%arg13 : memref<!tpu.dma_semaphore, #tpu.memory_space<semaphore_mem>>)
      %slice3A_419 = vector.extract_strided_slice %get3A_247 {offsets = [8], sizes = [1], strides = [1]} : vector<16xi32> to vector<1xi32>
      %squeeze3A_420 = vector.extract %slice3A_419[0] : i32 from vector<1xi32>
      %shift_right_arithmetic3A_421 = arith.constant 3 : i32
      %shift_right_arithmetic3A_422 = arith.shrsi %squeeze3A_420, %shift_right_arithmetic3A_421 : i32
      %slice3A_423 = vector.extract_strided_slice %get3A_247 {offsets = [8], sizes = [1], strides = [1]} : vector<16xi32> to vector<1xi32>
      %squeeze3A_424 = vector.extract %slice3A_423[0] : i32 from vector<1xi32>
      %and3A_425 = arith.constant 7 : i32
      %and3A_426 = arith.andi %squeeze3A_424, %and3A_425 : i32
      %mul3A_427 = arith.constant 2 : i32
      %mul3A_428 = arith.muli %scan3A_241, %mul3A_427 : i32
      %add3A_429 = arith.constant 1 : i32
      %add3A_430 = arith.addi %mul3A_428, %add3A_429 : i32
      %dma_start3A_431 = arith.constant 0 : i32
      %dma_start3A_432 = arith.constant 0 : i32
      %dma_start3A_433 = tpu.memref_slice %arg9[%add3A_430, %dma_start3A_431, %dma_start3A_432] : memref<16x8x32xf32, #tpu.memory_space<vmem>> -> memref<1x1x32xf32, #tpu.memory_space<vmem>>
      %dma_start3A_434 = arith.constant 0 : i32
      %dma_start3A_435 = tpu.memref_slice %arg2[%shift_right_arithmetic3A_422, %and3A_426, %dma_start3A_434] : memref<125000x8x32xf32, #tpu.memory_space<hbm>> -> memref<1x1x32xf32, #tpu.memory_space<hbm>>
      %dma_start3A_436 = arith.constant 0 : i32
      %dma_start3A_437 = arith.constant 0 : i32
      %dma_start3A_438 = tpu.memref_slice %arg9[%add3A_430, %dma_start3A_436, %dma_start3A_437] : memref<16x8x32xf32, #tpu.memory_space<vmem>> -> memref<1x1x32xf32, #tpu.memory_space<vmem>>
      %dma_start3A_439 = arith.constant 0 : i32
      %dma_start3A_440 = tpu.memref_slice %arg2[%shift_right_arithmetic3A_422, %and3A_426, %dma_start3A_439] : memref<125000x8x32xf32, #tpu.memory_space<hbm>> -> memref<1x1x32xf32, #tpu.memory_space<hbm>>
      tpu.enqueue_dma source(%dma_start3A_440 : memref<1x1x32xf32, #tpu.memory_space<hbm>>) target(%dma_start3A_438 : memref<1x1x32xf32, #tpu.memory_space<vmem>>) target_semaphore(%arg13 : memref<!tpu.dma_semaphore, #tpu.memory_space<semaphore_mem>>)
      %slice3A_441 = vector.extract_strided_slice %get3A_247 {offsets = [9], sizes = [1], strides = [1]} : vector<16xi32> to vector<1xi32>
      %squeeze3A_442 = vector.extract %slice3A_441[0] : i32 from vector<1xi32>
      %shift_right_arithmetic3A_443 = arith.constant 3 : i32
      %shift_right_arithmetic3A_444 = arith.shrsi %squeeze3A_442, %shift_right_arithmetic3A_443 : i32
      %slice3A_445 = vector.extract_strided_slice %get3A_247 {offsets = [9], sizes = [1], strides = [1]} : vector<16xi32> to vector<1xi32>
      %squeeze3A_446 = vector.extract %slice3A_445[0] : i32 from vector<1xi32>
      %and3A_447 = arith.constant 7 : i32
      %and3A_448 = arith.andi %squeeze3A_446, %and3A_447 : i32
      %mul3A_449 = arith.constant 2 : i32
      %mul3A_450 = arith.muli %scan3A_241, %mul3A_449 : i32
      %add3A_451 = arith.constant 1 : i32
      %add3A_452 = arith.addi %mul3A_450, %add3A_451 : i32
      %dma_start3A_453 = arith.constant 1 : i32
      %dma_start3A_454 = arith.constant 0 : i32
      %dma_start3A_455 = tpu.memref_slice %arg9[%add3A_452, %dma_start3A_453, %dma_start3A_454] : memref<16x8x32xf32, #tpu.memory_space<vmem>> -> memref<1x1x32xf32, #tpu.memory_space<vmem>>
      %dma_start3A_456 = arith.constant 0 : i32
      %dma_start3A_457 = tpu.memref_slice %arg2[%shift_right_arithmetic3A_444, %and3A_448, %dma_start3A_456] : memref<125000x8x32xf32, #tpu.memory_space<hbm>> -> memref<1x1x32xf32, #tpu.memory_space<hbm>>
      %dma_start3A_458 = arith.constant 1 : i32
      %dma_start3A_459 = arith.constant 0 : i32
      %dma_start3A_460 = tpu.memref_slice %arg9[%add3A_452, %dma_start3A_458, %dma_start3A_459] : memref<16x8x32xf32, #tpu.memory_space<vmem>> -> memref<1x1x32xf32, #tpu.memory_space<vmem>>
      %dma_start3A_461 = arith.constant 0 : i32
      %dma_start3A_462 = tpu.memref_slice %arg2[%shift_right_arithmetic3A_444, %and3A_448, %dma_start3A_461] : memref<125000x8x32xf32, #tpu.memory_space<hbm>> -> memref<1x1x32xf32, #tpu.memory_space<hbm>>
      tpu.enqueue_dma source(%dma_start3A_462 : memref<1x1x32xf32, #tpu.memory_space<hbm>>) target(%dma_start3A_460 : memref<1x1x32xf32, #tpu.memory_space<vmem>>) target_semaphore(%arg13 : memref<!tpu.dma_semaphore, #tpu.memory_space<semaphore_mem>>)
      %slice3A_463 = vector.extract_strided_slice %get3A_247 {offsets = [10], sizes = [1], strides = [1]} : vector<16xi32> to vector<1xi32>
      %squeeze3A_464 = vector.extract %slice3A_463[0] : i32 from vector<1xi32>
      %shift_right_arithmetic3A_465 = arith.constant 3 : i32
      %shift_right_arithmetic3A_466 = arith.shrsi %squeeze3A_464, %shift_right_arithmetic3A_465 : i32
      %slice3A_467 = vector.extract_strided_slice %get3A_247 {offsets = [10], sizes = [1], strides = [1]} : vector<16xi32> to vector<1xi32>
      %squeeze3A_468 = vector.extract %slice3A_467[0] : i32 from vector<1xi32>
      %and3A_469 = arith.constant 7 : i32
      %and3A_470 = arith.andi %squeeze3A_468, %and3A_469 : i32
      %mul3A_471 = arith.constant 2 : i32
      %mul3A_472 = arith.muli %scan3A_241, %mul3A_471 : i32
      %add3A_473 = arith.constant 1 : i32
      %add3A_474 = arith.addi %mul3A_472, %add3A_473 : i32
      %dma_start3A_475 = arith.constant 2 : i32
      %dma_start3A_476 = arith.constant 0 : i32
      %dma_start3A_477 = tpu.memref_slice %arg9[%add3A_474, %dma_start3A_475, %dma_start3A_476] : memref<16x8x32xf32, #tpu.memory_space<vmem>> -> memref<1x1x32xf32, #tpu.memory_space<vmem>>
      %dma_start3A_478 = arith.constant 0 : i32
      %dma_start3A_479 = tpu.memref_slice %arg2[%shift_right_arithmetic3A_466, %and3A_470, %dma_start3A_478] : memref<125000x8x32xf32, #tpu.memory_space<hbm>> -> memref<1x1x32xf32, #tpu.memory_space<hbm>>
      %dma_start3A_480 = arith.constant 2 : i32
      %dma_start3A_481 = arith.constant 0 : i32
      %dma_start3A_482 = tpu.memref_slice %arg9[%add3A_474, %dma_start3A_480, %dma_start3A_481] : memref<16x8x32xf32, #tpu.memory_space<vmem>> -> memref<1x1x32xf32, #tpu.memory_space<vmem>>
      %dma_start3A_483 = arith.constant 0 : i32
      %dma_start3A_484 = tpu.memref_slice %arg2[%shift_right_arithmetic3A_466, %and3A_470, %dma_start3A_483] : memref<125000x8x32xf32, #tpu.memory_space<hbm>> -> memref<1x1x32xf32, #tpu.memory_space<hbm>>
      tpu.enqueue_dma source(%dma_start3A_484 : memref<1x1x32xf32, #tpu.memory_space<hbm>>) target(%dma_start3A_482 : memref<1x1x32xf32, #tpu.memory_space<vmem>>) target_semaphore(%arg13 : memref<!tpu.dma_semaphore, #tpu.memory_space<semaphore_mem>>)
      %slice3A_485 = vector.extract_strided_slice %get3A_247 {offsets = [11], sizes = [1], strides = [1]} : vector<16xi32> to vector<1xi32>
      %squeeze3A_486 = vector.extract %slice3A_485[0] : i32 from vector<1xi32>
      %shift_right_arithmetic3A_487 = arith.constant 3 : i32
      %shift_right_arithmetic3A_488 = arith.shrsi %squeeze3A_486, %shift_right_arithmetic3A_487 : i32
      %slice3A_489 = vector.extract_strided_slice %get3A_247 {offsets = [11], sizes = [1], strides = [1]} : vector<16xi32> to vector<1xi32>
      %squeeze3A_490 = vector.extract %slice3A_489[0] : i32 from vector<1xi32>
      %and3A_491 = arith.constant 7 : i32
      %and3A_492 = arith.andi %squeeze3A_490, %and3A_491 : i32
      %mul3A_493 = arith.constant 2 : i32
      %mul3A_494 = arith.muli %scan3A_241, %mul3A_493 : i32
      %add3A_495 = arith.constant 1 : i32
      %add3A_496 = arith.addi %mul3A_494, %add3A_495 : i32
      %dma_start3A_497 = arith.constant 3 : i32
      %dma_start3A_498 = arith.constant 0 : i32
      %dma_start3A_499 = tpu.memref_slice %arg9[%add3A_496, %dma_start3A_497, %dma_start3A_498] : memref<16x8x32xf32, #tpu.memory_space<vmem>> -> memref<1x1x32xf32, #tpu.memory_space<vmem>>
      %dma_start3A_500 = arith.constant 0 : i32
      %dma_start3A_501 = tpu.memref_slice %arg2[%shift_right_arithmetic3A_488, %and3A_492, %dma_start3A_500] : memref<125000x8x32xf32, #tpu.memory_space<hbm>> -> memref<1x1x32xf32, #tpu.memory_space<hbm>>
      %dma_start3A_502 = arith.constant 3 : i32
      %dma_start3A_503 = arith.constant 0 : i32
      %dma_start3A_504 = tpu.memref_slice %arg9[%add3A_496, %dma_start3A_502, %dma_start3A_503] : memref<16x8x32xf32, #tpu.memory_space<vmem>> -> memref<1x1x32xf32, #tpu.memory_space<vmem>>
      %dma_start3A_505 = arith.constant 0 : i32
      %dma_start3A_506 = tpu.memref_slice %arg2[%shift_right_arithmetic3A_488, %and3A_492, %dma_start3A_505] : memref<125000x8x32xf32, #tpu.memory_space<hbm>> -> memref<1x1x32xf32, #tpu.memory_space<hbm>>
      tpu.enqueue_dma source(%dma_start3A_506 : memref<1x1x32xf32, #tpu.memory_space<hbm>>) target(%dma_start3A_504 : memref<1x1x32xf32, #tpu.memory_space<vmem>>) target_semaphore(%arg13 : memref<!tpu.dma_semaphore, #tpu.memory_space<semaphore_mem>>)
      %slice3A_507 = vector.extract_strided_slice %get3A_247 {offsets = [12], sizes = [1], strides = [1]} : vector<16xi32> to vector<1xi32>
      %squeeze3A_508 = vector.extract %slice3A_507[0] : i32 from vector<1xi32>
      %shift_right_arithmetic3A_509 = arith.constant 3 : i32
      %shift_right_arithmetic3A_510 = arith.shrsi %squeeze3A_508, %shift_right_arithmetic3A_509 : i32
      %slice3A_511 = vector.extract_strided_slice %get3A_247 {offsets = [12], sizes = [1], strides = [1]} : vector<16xi32> to vector<1xi32>
      %squeeze3A_512 = vector.extract %slice3A_511[0] : i32 from vector<1xi32>
      %and3A_513 = arith.constant 7 : i32
      %and3A_514 = arith.andi %squeeze3A_512, %and3A_513 : i32
      %mul3A_515 = arith.constant 2 : i32
      %mul3A_516 = arith.muli %scan3A_241, %mul3A_515 : i32
      %add3A_517 = arith.constant 1 : i32
      %add3A_518 = arith.addi %mul3A_516, %add3A_517 : i32
      %dma_start3A_519 = arith.constant 4 : i32
      %dma_start3A_520 = arith.constant 0 : i32
      %dma_start3A_521 = tpu.memref_slice %arg9[%add3A_518, %dma_start3A_519, %dma_start3A_520] : memref<16x8x32xf32, #tpu.memory_space<vmem>> -> memref<1x1x32xf32, #tpu.memory_space<vmem>>
      %dma_start3A_522 = arith.constant 0 : i32
      %dma_start3A_523 = tpu.memref_slice %arg2[%shift_right_arithmetic3A_510, %and3A_514, %dma_start3A_522] : memref<125000x8x32xf32, #tpu.memory_space<hbm>> -> memref<1x1x32xf32, #tpu.memory_space<hbm>>
      %dma_start3A_524 = arith.constant 4 : i32
      %dma_start3A_525 = arith.constant 0 : i32
      %dma_start3A_526 = tpu.memref_slice %arg9[%add3A_518, %dma_start3A_524, %dma_start3A_525] : memref<16x8x32xf32, #tpu.memory_space<vmem>> -> memref<1x1x32xf32, #tpu.memory_space<vmem>>
      %dma_start3A_527 = arith.constant 0 : i32
      %dma_start3A_528 = tpu.memref_slice %arg2[%shift_right_arithmetic3A_510, %and3A_514, %dma_start3A_527] : memref<125000x8x32xf32, #tpu.memory_space<hbm>> -> memref<1x1x32xf32, #tpu.memory_space<hbm>>
      tpu.enqueue_dma source(%dma_start3A_528 : memref<1x1x32xf32, #tpu.memory_space<hbm>>) target(%dma_start3A_526 : memref<1x1x32xf32, #tpu.memory_space<vmem>>) target_semaphore(%arg13 : memref<!tpu.dma_semaphore, #tpu.memory_space<semaphore_mem>>)
      %slice3A_529 = vector.extract_strided_slice %get3A_247 {offsets = [13], sizes = [1], strides = [1]} : vector<16xi32> to vector<1xi32>
      %squeeze3A_530 = vector.extract %slice3A_529[0] : i32 from vector<1xi32>
      %shift_right_arithmetic3A_531 = arith.constant 3 : i32
      %shift_right_arithmetic3A_532 = arith.shrsi %squeeze3A_530, %shift_right_arithmetic3A_531 : i32
      %slice3A_533 = vector.extract_strided_slice %get3A_247 {offsets = [13], sizes = [1], strides = [1]} : vector<16xi32> to vector<1xi32>
      %squeeze3A_534 = vector.extract %slice3A_533[0] : i32 from vector<1xi32>
      %and3A_535 = arith.constant 7 : i32
      %and3A_536 = arith.andi %squeeze3A_534, %and3A_535 : i32
      %mul3A_537 = arith.constant 2 : i32
      %mul3A_538 = arith.muli %scan3A_241, %mul3A_537 : i32
      %add3A_539 = arith.constant 1 : i32
      %add3A_540 = arith.addi %mul3A_538, %add3A_539 : i32
      %dma_start3A_541 = arith.constant 5 : i32
      %dma_start3A_542 = arith.constant 0 : i32
      %dma_start3A_543 = tpu.memref_slice %arg9[%add3A_540, %dma_start3A_541, %dma_start3A_542] : memref<16x8x32xf32, #tpu.memory_space<vmem>> -> memref<1x1x32xf32, #tpu.memory_space<vmem>>
      %dma_start3A_544 = arith.constant 0 : i32
      %dma_start3A_545 = tpu.memref_slice %arg2[%shift_right_arithmetic3A_532, %and3A_536, %dma_start3A_544] : memref<125000x8x32xf32, #tpu.memory_space<hbm>> -> memref<1x1x32xf32, #tpu.memory_space<hbm>>
      %dma_start3A_546 = arith.constant 5 : i32
      %dma_start3A_547 = arith.constant 0 : i32
      %dma_start3A_548 = tpu.memref_slice %arg9[%add3A_540, %dma_start3A_546, %dma_start3A_547] : memref<16x8x32xf32, #tpu.memory_space<vmem>> -> memref<1x1x32xf32, #tpu.memory_space<vmem>>
      %dma_start3A_549 = arith.constant 0 : i32
      %dma_start3A_550 = tpu.memref_slice %arg2[%shift_right_arithmetic3A_532, %and3A_536, %dma_start3A_549] : memref<125000x8x32xf32, #tpu.memory_space<hbm>> -> memref<1x1x32xf32, #tpu.memory_space<hbm>>
      tpu.enqueue_dma source(%dma_start3A_550 : memref<1x1x32xf32, #tpu.memory_space<hbm>>) target(%dma_start3A_548 : memref<1x1x32xf32, #tpu.memory_space<vmem>>) target_semaphore(%arg13 : memref<!tpu.dma_semaphore, #tpu.memory_space<semaphore_mem>>)
      %slice3A_551 = vector.extract_strided_slice %get3A_247 {offsets = [14], sizes = [1], strides = [1]} : vector<16xi32> to vector<1xi32>
      %squeeze3A_552 = vector.extract %slice3A_551[0] : i32 from vector<1xi32>
      %shift_right_arithmetic3A_553 = arith.constant 3 : i32
      %shift_right_arithmetic3A_554 = arith.shrsi %squeeze3A_552, %shift_right_arithmetic3A_553 : i32
      %slice3A_555 = vector.extract_strided_slice %get3A_247 {offsets = [14], sizes = [1], strides = [1]} : vector<16xi32> to vector<1xi32>
      %squeeze3A_556 = vector.extract %slice3A_555[0] : i32 from vector<1xi32>
      %and3A_557 = arith.constant 7 : i32
      %and3A_558 = arith.andi %squeeze3A_556, %and3A_557 : i32
      %mul3A_559 = arith.constant 2 : i32
      %mul3A_560 = arith.muli %scan3A_241, %mul3A_559 : i32
      %add3A_561 = arith.constant 1 : i32
      %add3A_562 = arith.addi %mul3A_560, %add3A_561 : i32
      %dma_start3A_563 = arith.constant 6 : i32
      %dma_start3A_564 = arith.constant 0 : i32
      %dma_start3A_565 = tpu.memref_slice %arg9[%add3A_562, %dma_start3A_563, %dma_start3A_564] : memref<16x8x32xf32, #tpu.memory_space<vmem>> -> memref<1x1x32xf32, #tpu.memory_space<vmem>>
      %dma_start3A_566 = arith.constant 0 : i32
      %dma_start3A_567 = tpu.memref_slice %arg2[%shift_right_arithmetic3A_554, %and3A_558, %dma_start3A_566] : memref<125000x8x32xf32, #tpu.memory_space<hbm>> -> memref<1x1x32xf32, #tpu.memory_space<hbm>>
      %dma_start3A_568 = arith.constant 6 : i32
      %dma_start3A_569 = arith.constant 0 : i32
      %dma_start3A_570 = tpu.memref_slice %arg9[%add3A_562, %dma_start3A_568, %dma_start3A_569] : memref<16x8x32xf32, #tpu.memory_space<vmem>> -> memref<1x1x32xf32, #tpu.memory_space<vmem>>
      %dma_start3A_571 = arith.constant 0 : i32
      %dma_start3A_572 = tpu.memref_slice %arg2[%shift_right_arithmetic3A_554, %and3A_558, %dma_start3A_571] : memref<125000x8x32xf32, #tpu.memory_space<hbm>> -> memref<1x1x32xf32, #tpu.memory_space<hbm>>
      tpu.enqueue_dma source(%dma_start3A_572 : memref<1x1x32xf32, #tpu.memory_space<hbm>>) target(%dma_start3A_570 : memref<1x1x32xf32, #tpu.memory_space<vmem>>) target_semaphore(%arg13 : memref<!tpu.dma_semaphore, #tpu.memory_space<semaphore_mem>>)
      %slice3A_573 = vector.extract_strided_slice %get3A_247 {offsets = [15], sizes = [1], strides = [1]} : vector<16xi32> to vector<1xi32>
      %squeeze3A_574 = vector.extract %slice3A_573[0] : i32 from vector<1xi32>
      %shift_right_arithmetic3A_575 = arith.constant 3 : i32
      %shift_right_arithmetic3A_576 = arith.shrsi %squeeze3A_574, %shift_right_arithmetic3A_575 : i32
      %slice3A_577 = vector.extract_strided_slice %get3A_247 {offsets = [15], sizes = [1], strides = [1]} : vector<16xi32> to vector<1xi32>
      %squeeze3A_578 = vector.extract %slice3A_577[0] : i32 from vector<1xi32>
      %and3A_579 = arith.constant 7 : i32
      %and3A_580 = arith.andi %squeeze3A_578, %and3A_579 : i32
      %mul3A_581 = arith.constant 2 : i32
      %mul3A_582 = arith.muli %scan3A_241, %mul3A_581 : i32
      %add3A_583 = arith.constant 1 : i32
      %add3A_584 = arith.addi %mul3A_582, %add3A_583 : i32
      %dma_start3A_585 = arith.constant 7 : i32
      %dma_start3A_586 = arith.constant 0 : i32
      %dma_start3A_587 = tpu.memref_slice %arg9[%add3A_584, %dma_start3A_585, %dma_start3A_586] : memref<16x8x32xf32, #tpu.memory_space<vmem>> -> memref<1x1x32xf32, #tpu.memory_space<vmem>>
      %dma_start3A_588 = arith.constant 0 : i32
      %dma_start3A_589 = tpu.memref_slice %arg2[%shift_right_arithmetic3A_576, %and3A_580, %dma_start3A_588] : memref<125000x8x32xf32, #tpu.memory_space<hbm>> -> memref<1x1x32xf32, #tpu.memory_space<hbm>>
      %dma_start3A_590 = arith.constant 7 : i32
      %dma_start3A_591 = arith.constant 0 : i32
      %dma_start3A_592 = tpu.memref_slice %arg9[%add3A_584, %dma_start3A_590, %dma_start3A_591] : memref<16x8x32xf32, #tpu.memory_space<vmem>> -> memref<1x1x32xf32, #tpu.memory_space<vmem>>
      %dma_start3A_593 = arith.constant 0 : i32
      %dma_start3A_594 = tpu.memref_slice %arg2[%shift_right_arithmetic3A_576, %and3A_580, %dma_start3A_593] : memref<125000x8x32xf32, #tpu.memory_space<hbm>> -> memref<1x1x32xf32, #tpu.memory_space<hbm>>
      tpu.enqueue_dma source(%dma_start3A_594 : memref<1x1x32xf32, #tpu.memory_space<hbm>>) target(%dma_start3A_592 : memref<1x1x32xf32, #tpu.memory_space<vmem>>) target_semaphore(%arg13 : memref<!tpu.dma_semaphore, #tpu.memory_space<semaphore_mem>>)
      %scan3A_595 = arith.constant 0 : i32
      scf.yield %scan3A_595 : i32
    }
    %scan3A_88 = arith.constant 8 : i32
    %dma_wait3A_89 = arith.constant 0 : i32
    %dma_wait3A_90 = arith.constant 0 : i32
    %dma_wait3A_91 = arith.constant 0 : i32
    %dma_wait3A_92 = tpu.memref_slice %arg2[%dma_wait3A_89, %dma_wait3A_90, %dma_wait3A_91] : memref<125000x8x32xf32, #tpu.memory_space<hbm>> -> memref<16x8x32xf32, #tpu.memory_space<hbm>>
    %dma_wait3A_93 = arith.constant 0 : i32
    %dma_wait3A_94 = arith.constant 0 : i32
    %dma_wait3A_95 = arith.constant 0 : i32
    %dma_wait3A_96 = tpu.memref_slice %arg2[%dma_wait3A_93, %dma_wait3A_94, %dma_wait3A_95] : memref<125000x8x32xf32, #tpu.memory_space<hbm>> -> memref<16x8x32xf32, #tpu.memory_space<hbm>>
    tpu.wait_dma2 semaphore(%arg14 : memref<!tpu.dma_semaphore, #tpu.memory_space<semaphore_mem>>) src(%dma_wait3A_96 : memref<16x8x32xf32, #tpu.memory_space<hbm>>) dst(%arg10 : memref<16x8x32xf32, #tpu.memory_space<vmem>>)
    %add3A_97 = arith.constant 256 : i32
    %add3A_98 = arith.addi %mul3A_2, %add3A_97 : i32
    %scan3A_99 = arith.constant 0 : i32
    %scan3A_100 = arith.constant 0 : i32
    %scan3A_101 = arith.constant 128 : i32
    %scan3A_102 = arith.addi %scan3A_100, %scan3A_101 : i32
    %scan3A_103 = arith.constant 1 : i32
    %scan3A_104 = scf.for %scan3A_241 = %scan3A_100 to %scan3A_102 step %scan3A_103 iter_args(%scan3A_242 = %scan3A_99) -> (i32)  : i32 {
      %jit3A = arith.constant 8 : i32
      %div3A = arith.divsi %scan3A_241, %jit3A : i32
      %sign3A = arith.constant 0 : i32
      %sign3A_243 = arith.cmpi sgt, %scan3A_241, %sign3A : i32
      %sign3A_244 = arith.extui %sign3A_243 : i1 to i32
      %sign3A_245 = arith.constant 0 : i32
      %sign3A_246 = arith.cmpi slt, %scan3A_241, %sign3A_245 : i32
      %sign3A_247 = arith.extui %sign3A_246 : i1 to i32
      %sign3A_248 = arith.subi %sign3A_244, %sign3A_247 : i32
      %sign3A_249 = arith.constant 0 : i32
      %sign3A_250 = arith.cmpi sgt, %jit3A, %sign3A_249 : i32
      %sign3A_251 = arith.extui %sign3A_250 : i1 to i32
      %sign3A_252 = arith.constant 0 : i32
      %sign3A_253 = arith.cmpi slt, %jit3A, %sign3A_252 : i32
      %sign3A_254 = arith.extui %sign3A_253 : i1 to i32
      %sign3A_255 = arith.subi %sign3A_251, %sign3A_254 : i32
      %ne3A = arith.cmpi ne, %sign3A_248, %sign3A_255 : i32
      %rem3A = arith.remsi %scan3A_241, %jit3A : i32
      %ne3A_256 = arith.constant 0 : i32
      %ne3A_257 = arith.cmpi ne, %rem3A, %ne3A_256 : i32
      %and3A = arith.andi %ne3A, %ne3A_257 : i1
      %sub3A = arith.constant 1 : i32
      %sub3A_258 = arith.subi %div3A, %sub3A : i32
      %select_n3A = arith.select %and3A, %sub3A_258, %div3A : i32
      %jit3A_259 = arith.constant 8 : i32
      %eq3A = arith.constant 0 : i32
      %eq3A_260 = arith.cmpi eq, %jit3A_259, %eq3A : i32
      %jit3A_261 = arith.constant 1 : i32
      %select_n3A_262 = arith.select %eq3A_260, %jit3A_261, %jit3A_259 : i32
      %rem3A_263 = arith.remsi %scan3A_241, %select_n3A_262 : i32
      %ne3A_264 = arith.constant 0 : i32
      %ne3A_265 = arith.cmpi ne, %rem3A_263, %ne3A_264 : i32
      %lt3A = arith.constant 0 : i32
      %lt3A_266 = arith.cmpi slt, %rem3A_263, %lt3A : i32
      %lt3A_267 = arith.constant 0 : i32
      %lt3A_268 = arith.cmpi slt, %select_n3A_262, %lt3A_267 : i32
      %ne3A_269 = arith.xori %lt3A_266, %lt3A_268 : i1
      %and3A_270 = arith.andi %ne3A_269, %ne3A_265 : i1
      %add3A_271 = arith.addi %rem3A_263, %select_n3A_262 : i32
      %select_n3A_272 = arith.select %and3A_270, %add3A_271, %rem3A_263 : i32
      %add3A_273 = arith.addi %add3A_98, %scan3A_241 : i32
      %dma_start3A = arith.constant 0 : i32
      %dma_start3A_274 = tpu.memref_slice %arg10[%select_n3A, %select_n3A_272, %dma_start3A] : memref<16x8x32xf32, #tpu.memory_space<vmem>> -> memref<1x1x32xf32, #tpu.memory_space<vmem>>
      %dma_start3A_275 = tpu.memref_squeeze %dma_start3A_274 : memref<1x1x32xf32, #tpu.memory_space<vmem>> -> memref<32xf32, #tpu.memory_space<vmem>>
      %dma_start3A_276 = arith.constant 0 : i32
      %dma_start3A_277 = tpu.memref_slice %arg5[%add3A_273, %dma_start3A_276] : memref<16384x32xf32, #tpu.memory_space<hbm>> -> memref<1x32xf32, #tpu.memory_space<hbm>>
      %dma_start3A_278 = tpu.memref_squeeze %dma_start3A_277 : memref<1x32xf32, #tpu.memory_space<hbm>> -> memref<32xf32, #tpu.memory_space<hbm>>
      %dma_start3A_279 = arith.constant 0 : i32
      %dma_start3A_280 = tpu.memref_slice %arg5[%add3A_273, %dma_start3A_279] : memref<16384x32xf32, #tpu.memory_space<hbm>> -> memref<1x32xf32, #tpu.memory_space<hbm>>
      %dma_start3A_281 = tpu.memref_squeeze %dma_start3A_280 : memref<1x32xf32, #tpu.memory_space<hbm>> -> memref<32xf32, #tpu.memory_space<hbm>>
      %dma_start3A_282 = arith.constant 0 : i32
      %dma_start3A_283 = tpu.memref_slice %arg10[%select_n3A, %select_n3A_272, %dma_start3A_282] : memref<16x8x32xf32, #tpu.memory_space<vmem>> -> memref<1x1x32xf32, #tpu.memory_space<vmem>>
      %dma_start3A_284 = tpu.memref_squeeze %dma_start3A_283 : memref<1x1x32xf32, #tpu.memory_space<vmem>> -> memref<32xf32, #tpu.memory_space<vmem>>
      tpu.enqueue_dma source(%dma_start3A_284 : memref<32xf32, #tpu.memory_space<vmem>>) target(%dma_start3A_281 : memref<32xf32, #tpu.memory_space<hbm>>) target_semaphore(%arg18 : memref<!tpu.dma_semaphore, #tpu.memory_space<semaphore_mem>>)
      %scan3A_285 = arith.constant 0 : i32
      scf.yield %scan3A_285 : i32
    }
    %scan3A_105 = arith.constant 128 : i32
    %add3A_106 = arith.constant 256 : i32
    %add3A_107 = arith.addi %mul3A_2, %add3A_106 : i32
    %dma_wait3A_108 = arith.constant 0 : i32
    %dma_wait3A_109 = tpu.memref_slice %arg5[%add3A_107, %dma_wait3A_108] : memref<16384x32xf32, #tpu.memory_space<hbm>> -> memref<128x32xf32, #tpu.memory_space<hbm>>
    %dma_wait3A_110 = arith.constant 0 : i32
    %dma_wait3A_111 = tpu.memref_slice %arg5[%add3A_107, %dma_wait3A_110] : memref<16384x32xf32, #tpu.memory_space<hbm>> -> memref<128x32xf32, #tpu.memory_space<hbm>>
    tpu.wait_dma2 semaphore(%arg18 : memref<!tpu.dma_semaphore, #tpu.memory_space<semaphore_mem>>) src(%arg10 : memref<16x8x32xf32, #tpu.memory_space<vmem>>) dst(%dma_wait3A_111 : memref<128x32xf32, #tpu.memory_space<hbm>>)
    %scan3A_112 = arith.constant 0 : i32
    %scan3A_113 = arith.constant 0 : i32
    %scan3A_114 = arith.constant 8 : i32
    %scan3A_115 = arith.addi %scan3A_113, %scan3A_114 : i32
    %scan3A_116 = arith.constant 1 : i32
    %scan3A_117 = scf.for %scan3A_241 = %scan3A_113 to %scan3A_115 step %scan3A_116 iter_args(%scan3A_242 = %scan3A_112) -> (i32)  : i32 {
      %mul3A_243 = arith.constant 16 : i32
      %mul3A_244 = arith.muli %scan3A_241, %mul3A_243 : i32
      %add3A_245 = arith.constant 768 : i32
      %add3A_246 = arith.addi %add3A_245, %mul3A_244 : i32
      %get3A = arith.index_cast %add3A_246 : i32 to index
      %get3A_247 = tpu.vector_load %arg7[%get3A] {strides = array<i32>} : memref<1024xi32, #tpu.memory_space<vmem>>, vector<16xi32>,
      %slice3A = vector.extract_strided_slice %get3A_247 {offsets = [0], sizes = [1], strides = [1]} : vector<16xi32> to vector<1xi32>
      %squeeze3A = vector.extract %slice3A[0] : i32 from vector<1xi32>
      %shift_right_arithmetic3A = arith.constant 3 : i32
      %shift_right_arithmetic3A_248 = arith.shrsi %squeeze3A, %shift_right_arithmetic3A : i32
      %slice3A_249 = vector.extract_strided_slice %get3A_247 {offsets = [0], sizes = [1], strides = [1]} : vector<16xi32> to vector<1xi32>
      %squeeze3A_250 = vector.extract %slice3A_249[0] : i32 from vector<1xi32>
      %and3A = arith.constant 7 : i32
      %and3A_251 = arith.andi %squeeze3A_250, %and3A : i32
      %mul3A_252 = arith.constant 2 : i32
      %mul3A_253 = arith.muli %scan3A_241, %mul3A_252 : i32
      %add3A_254 = arith.constant 0 : i32
      %add3A_255 = arith.addi %mul3A_253, %add3A_254 : i32
      %dma_start3A = arith.constant 0 : i32
      %dma_start3A_256 = arith.constant 0 : i32
      %dma_start3A_257 = tpu.memref_slice %arg10[%add3A_255, %dma_start3A, %dma_start3A_256] : memref<16x8x32xf32, #tpu.memory_space<vmem>> -> memref<1x1x32xf32, #tpu.memory_space<vmem>>
      %dma_start3A_258 = arith.constant 0 : i32
      %dma_start3A_259 = tpu.memref_slice %arg2[%shift_right_arithmetic3A_248, %and3A_251, %dma_start3A_258] : memref<125000x8x32xf32, #tpu.memory_space<hbm>> -> memref<1x1x32xf32, #tpu.memory_space<hbm>>
      %dma_start3A_260 = arith.constant 0 : i32
      %dma_start3A_261 = arith.constant 0 : i32
      %dma_start3A_262 = tpu.memref_slice %arg10[%add3A_255, %dma_start3A_260, %dma_start3A_261] : memref<16x8x32xf32, #tpu.memory_space<vmem>> -> memref<1x1x32xf32, #tpu.memory_space<vmem>>
      %dma_start3A_263 = arith.constant 0 : i32
      %dma_start3A_264 = tpu.memref_slice %arg2[%shift_right_arithmetic3A_248, %and3A_251, %dma_start3A_263] : memref<125000x8x32xf32, #tpu.memory_space<hbm>> -> memref<1x1x32xf32, #tpu.memory_space<hbm>>
      tpu.enqueue_dma source(%dma_start3A_264 : memref<1x1x32xf32, #tpu.memory_space<hbm>>) target(%dma_start3A_262 : memref<1x1x32xf32, #tpu.memory_space<vmem>>) target_semaphore(%arg14 : memref<!tpu.dma_semaphore, #tpu.memory_space<semaphore_mem>>)
      %slice3A_265 = vector.extract_strided_slice %get3A_247 {offsets = [1], sizes = [1], strides = [1]} : vector<16xi32> to vector<1xi32>
      %squeeze3A_266 = vector.extract %slice3A_265[0] : i32 from vector<1xi32>
      %shift_right_arithmetic3A_267 = arith.constant 3 : i32
      %shift_right_arithmetic3A_268 = arith.shrsi %squeeze3A_266, %shift_right_arithmetic3A_267 : i32
      %slice3A_269 = vector.extract_strided_slice %get3A_247 {offsets = [1], sizes = [1], strides = [1]} : vector<16xi32> to vector<1xi32>
      %squeeze3A_270 = vector.extract %slice3A_269[0] : i32 from vector<1xi32>
      %and3A_271 = arith.constant 7 : i32
      %and3A_272 = arith.andi %squeeze3A_270, %and3A_271 : i32
      %mul3A_273 = arith.constant 2 : i32
      %mul3A_274 = arith.muli %scan3A_241, %mul3A_273 : i32
      %add3A_275 = arith.constant 0 : i32
      %add3A_276 = arith.addi %mul3A_274, %add3A_275 : i32
      %dma_start3A_277 = arith.constant 1 : i32
      %dma_start3A_278 = arith.constant 0 : i32
      %dma_start3A_279 = tpu.memref_slice %arg10[%add3A_276, %dma_start3A_277, %dma_start3A_278] : memref<16x8x32xf32, #tpu.memory_space<vmem>> -> memref<1x1x32xf32, #tpu.memory_space<vmem>>
      %dma_start3A_280 = arith.constant 0 : i32
      %dma_start3A_281 = tpu.memref_slice %arg2[%shift_right_arithmetic3A_268, %and3A_272, %dma_start3A_280] : memref<125000x8x32xf32, #tpu.memory_space<hbm>> -> memref<1x1x32xf32, #tpu.memory_space<hbm>>
      %dma_start3A_282 = arith.constant 1 : i32
      %dma_start3A_283 = arith.constant 0 : i32
      %dma_start3A_284 = tpu.memref_slice %arg10[%add3A_276, %dma_start3A_282, %dma_start3A_283] : memref<16x8x32xf32, #tpu.memory_space<vmem>> -> memref<1x1x32xf32, #tpu.memory_space<vmem>>
      %dma_start3A_285 = arith.constant 0 : i32
      %dma_start3A_286 = tpu.memref_slice %arg2[%shift_right_arithmetic3A_268, %and3A_272, %dma_start3A_285] : memref<125000x8x32xf32, #tpu.memory_space<hbm>> -> memref<1x1x32xf32, #tpu.memory_space<hbm>>
      tpu.enqueue_dma source(%dma_start3A_286 : memref<1x1x32xf32, #tpu.memory_space<hbm>>) target(%dma_start3A_284 : memref<1x1x32xf32, #tpu.memory_space<vmem>>) target_semaphore(%arg14 : memref<!tpu.dma_semaphore, #tpu.memory_space<semaphore_mem>>)
      %slice3A_287 = vector.extract_strided_slice %get3A_247 {offsets = [2], sizes = [1], strides = [1]} : vector<16xi32> to vector<1xi32>
      %squeeze3A_288 = vector.extract %slice3A_287[0] : i32 from vector<1xi32>
      %shift_right_arithmetic3A_289 = arith.constant 3 : i32
      %shift_right_arithmetic3A_290 = arith.shrsi %squeeze3A_288, %shift_right_arithmetic3A_289 : i32
      %slice3A_291 = vector.extract_strided_slice %get3A_247 {offsets = [2], sizes = [1], strides = [1]} : vector<16xi32> to vector<1xi32>
      %squeeze3A_292 = vector.extract %slice3A_291[0] : i32 from vector<1xi32>
      %and3A_293 = arith.constant 7 : i32
      %and3A_294 = arith.andi %squeeze3A_292, %and3A_293 : i32
      %mul3A_295 = arith.constant 2 : i32
      %mul3A_296 = arith.muli %scan3A_241, %mul3A_295 : i32
      %add3A_297 = arith.constant 0 : i32
      %add3A_298 = arith.addi %mul3A_296, %add3A_297 : i32
      %dma_start3A_299 = arith.constant 2 : i32
      %dma_start3A_300 = arith.constant 0 : i32
      %dma_start3A_301 = tpu.memref_slice %arg10[%add3A_298, %dma_start3A_299, %dma_start3A_300] : memref<16x8x32xf32, #tpu.memory_space<vmem>> -> memref<1x1x32xf32, #tpu.memory_space<vmem>>
      %dma_start3A_302 = arith.constant 0 : i32
      %dma_start3A_303 = tpu.memref_slice %arg2[%shift_right_arithmetic3A_290, %and3A_294, %dma_start3A_302] : memref<125000x8x32xf32, #tpu.memory_space<hbm>> -> memref<1x1x32xf32, #tpu.memory_space<hbm>>
      %dma_start3A_304 = arith.constant 2 : i32
      %dma_start3A_305 = arith.constant 0 : i32
      %dma_start3A_306 = tpu.memref_slice %arg10[%add3A_298, %dma_start3A_304, %dma_start3A_305] : memref<16x8x32xf32, #tpu.memory_space<vmem>> -> memref<1x1x32xf32, #tpu.memory_space<vmem>>
      %dma_start3A_307 = arith.constant 0 : i32
      %dma_start3A_308 = tpu.memref_slice %arg2[%shift_right_arithmetic3A_290, %and3A_294, %dma_start3A_307] : memref<125000x8x32xf32, #tpu.memory_space<hbm>> -> memref<1x1x32xf32, #tpu.memory_space<hbm>>
      tpu.enqueue_dma source(%dma_start3A_308 : memref<1x1x32xf32, #tpu.memory_space<hbm>>) target(%dma_start3A_306 : memref<1x1x32xf32, #tpu.memory_space<vmem>>) target_semaphore(%arg14 : memref<!tpu.dma_semaphore, #tpu.memory_space<semaphore_mem>>)
      %slice3A_309 = vector.extract_strided_slice %get3A_247 {offsets = [3], sizes = [1], strides = [1]} : vector<16xi32> to vector<1xi32>
      %squeeze3A_310 = vector.extract %slice3A_309[0] : i32 from vector<1xi32>
      %shift_right_arithmetic3A_311 = arith.constant 3 : i32
      %shift_right_arithmetic3A_312 = arith.shrsi %squeeze3A_310, %shift_right_arithmetic3A_311 : i32
      %slice3A_313 = vector.extract_strided_slice %get3A_247 {offsets = [3], sizes = [1], strides = [1]} : vector<16xi32> to vector<1xi32>
      %squeeze3A_314 = vector.extract %slice3A_313[0] : i32 from vector<1xi32>
      %and3A_315 = arith.constant 7 : i32
      %and3A_316 = arith.andi %squeeze3A_314, %and3A_315 : i32
      %mul3A_317 = arith.constant 2 : i32
      %mul3A_318 = arith.muli %scan3A_241, %mul3A_317 : i32
      %add3A_319 = arith.constant 0 : i32
      %add3A_320 = arith.addi %mul3A_318, %add3A_319 : i32
      %dma_start3A_321 = arith.constant 3 : i32
      %dma_start3A_322 = arith.constant 0 : i32
      %dma_start3A_323 = tpu.memref_slice %arg10[%add3A_320, %dma_start3A_321, %dma_start3A_322] : memref<16x8x32xf32, #tpu.memory_space<vmem>> -> memref<1x1x32xf32, #tpu.memory_space<vmem>>
      %dma_start3A_324 = arith.constant 0 : i32
      %dma_start3A_325 = tpu.memref_slice %arg2[%shift_right_arithmetic3A_312, %and3A_316, %dma_start3A_324] : memref<125000x8x32xf32, #tpu.memory_space<hbm>> -> memref<1x1x32xf32, #tpu.memory_space<hbm>>
      %dma_start3A_326 = arith.constant 3 : i32
      %dma_start3A_327 = arith.constant 0 : i32
      %dma_start3A_328 = tpu.memref_slice %arg10[%add3A_320, %dma_start3A_326, %dma_start3A_327] : memref<16x8x32xf32, #tpu.memory_space<vmem>> -> memref<1x1x32xf32, #tpu.memory_space<vmem>>
      %dma_start3A_329 = arith.constant 0 : i32
      %dma_start3A_330 = tpu.memref_slice %arg2[%shift_right_arithmetic3A_312, %and3A_316, %dma_start3A_329] : memref<125000x8x32xf32, #tpu.memory_space<hbm>> -> memref<1x1x32xf32, #tpu.memory_space<hbm>>
      tpu.enqueue_dma source(%dma_start3A_330 : memref<1x1x32xf32, #tpu.memory_space<hbm>>) target(%dma_start3A_328 : memref<1x1x32xf32, #tpu.memory_space<vmem>>) target_semaphore(%arg14 : memref<!tpu.dma_semaphore, #tpu.memory_space<semaphore_mem>>)
      %slice3A_331 = vector.extract_strided_slice %get3A_247 {offsets = [4], sizes = [1], strides = [1]} : vector<16xi32> to vector<1xi32>
      %squeeze3A_332 = vector.extract %slice3A_331[0] : i32 from vector<1xi32>
      %shift_right_arithmetic3A_333 = arith.constant 3 : i32
      %shift_right_arithmetic3A_334 = arith.shrsi %squeeze3A_332, %shift_right_arithmetic3A_333 : i32
      %slice3A_335 = vector.extract_strided_slice %get3A_247 {offsets = [4], sizes = [1], strides = [1]} : vector<16xi32> to vector<1xi32>
      %squeeze3A_336 = vector.extract %slice3A_335[0] : i32 from vector<1xi32>
      %and3A_337 = arith.constant 7 : i32
      %and3A_338 = arith.andi %squeeze3A_336, %and3A_337 : i32
      %mul3A_339 = arith.constant 2 : i32
      %mul3A_340 = arith.muli %scan3A_241, %mul3A_339 : i32
      %add3A_341 = arith.constant 0 : i32
      %add3A_342 = arith.addi %mul3A_340, %add3A_341 : i32
      %dma_start3A_343 = arith.constant 4 : i32
      %dma_start3A_344 = arith.constant 0 : i32
      %dma_start3A_345 = tpu.memref_slice %arg10[%add3A_342, %dma_start3A_343, %dma_start3A_344] : memref<16x8x32xf32, #tpu.memory_space<vmem>> -> memref<1x1x32xf32, #tpu.memory_space<vmem>>
      %dma_start3A_346 = arith.constant 0 : i32
      %dma_start3A_347 = tpu.memref_slice %arg2[%shift_right_arithmetic3A_334, %and3A_338, %dma_start3A_346] : memref<125000x8x32xf32, #tpu.memory_space<hbm>> -> memref<1x1x32xf32, #tpu.memory_space<hbm>>
      %dma_start3A_348 = arith.constant 4 : i32
      %dma_start3A_349 = arith.constant 0 : i32
      %dma_start3A_350 = tpu.memref_slice %arg10[%add3A_342, %dma_start3A_348, %dma_start3A_349] : memref<16x8x32xf32, #tpu.memory_space<vmem>> -> memref<1x1x32xf32, #tpu.memory_space<vmem>>
      %dma_start3A_351 = arith.constant 0 : i32
      %dma_start3A_352 = tpu.memref_slice %arg2[%shift_right_arithmetic3A_334, %and3A_338, %dma_start3A_351] : memref<125000x8x32xf32, #tpu.memory_space<hbm>> -> memref<1x1x32xf32, #tpu.memory_space<hbm>>
      tpu.enqueue_dma source(%dma_start3A_352 : memref<1x1x32xf32, #tpu.memory_space<hbm>>) target(%dma_start3A_350 : memref<1x1x32xf32, #tpu.memory_space<vmem>>) target_semaphore(%arg14 : memref<!tpu.dma_semaphore, #tpu.memory_space<semaphore_mem>>)
      %slice3A_353 = vector.extract_strided_slice %get3A_247 {offsets = [5], sizes = [1], strides = [1]} : vector<16xi32> to vector<1xi32>
      %squeeze3A_354 = vector.extract %slice3A_353[0] : i32 from vector<1xi32>
      %shift_right_arithmetic3A_355 = arith.constant 3 : i32
      %shift_right_arithmetic3A_356 = arith.shrsi %squeeze3A_354, %shift_right_arithmetic3A_355 : i32
      %slice3A_357 = vector.extract_strided_slice %get3A_247 {offsets = [5], sizes = [1], strides = [1]} : vector<16xi32> to vector<1xi32>
      %squeeze3A_358 = vector.extract %slice3A_357[0] : i32 from vector<1xi32>
      %and3A_359 = arith.constant 7 : i32
      %and3A_360 = arith.andi %squeeze3A_358, %and3A_359 : i32
      %mul3A_361 = arith.constant 2 : i32
      %mul3A_362 = arith.muli %scan3A_241, %mul3A_361 : i32
      %add3A_363 = arith.constant 0 : i32
      %add3A_364 = arith.addi %mul3A_362, %add3A_363 : i32
      %dma_start3A_365 = arith.constant 5 : i32
      %dma_start3A_366 = arith.constant 0 : i32
      %dma_start3A_367 = tpu.memref_slice %arg10[%add3A_364, %dma_start3A_365, %dma_start3A_366] : memref<16x8x32xf32, #tpu.memory_space<vmem>> -> memref<1x1x32xf32, #tpu.memory_space<vmem>>
      %dma_start3A_368 = arith.constant 0 : i32
      %dma_start3A_369 = tpu.memref_slice %arg2[%shift_right_arithmetic3A_356, %and3A_360, %dma_start3A_368] : memref<125000x8x32xf32, #tpu.memory_space<hbm>> -> memref<1x1x32xf32, #tpu.memory_space<hbm>>
      %dma_start3A_370 = arith.constant 5 : i32
      %dma_start3A_371 = arith.constant 0 : i32
      %dma_start3A_372 = tpu.memref_slice %arg10[%add3A_364, %dma_start3A_370, %dma_start3A_371] : memref<16x8x32xf32, #tpu.memory_space<vmem>> -> memref<1x1x32xf32, #tpu.memory_space<vmem>>
      %dma_start3A_373 = arith.constant 0 : i32
      %dma_start3A_374 = tpu.memref_slice %arg2[%shift_right_arithmetic3A_356, %and3A_360, %dma_start3A_373] : memref<125000x8x32xf32, #tpu.memory_space<hbm>> -> memref<1x1x32xf32, #tpu.memory_space<hbm>>
      tpu.enqueue_dma source(%dma_start3A_374 : memref<1x1x32xf32, #tpu.memory_space<hbm>>) target(%dma_start3A_372 : memref<1x1x32xf32, #tpu.memory_space<vmem>>) target_semaphore(%arg14 : memref<!tpu.dma_semaphore, #tpu.memory_space<semaphore_mem>>)
      %slice3A_375 = vector.extract_strided_slice %get3A_247 {offsets = [6], sizes = [1], strides = [1]} : vector<16xi32> to vector<1xi32>
      %squeeze3A_376 = vector.extract %slice3A_375[0] : i32 from vector<1xi32>
      %shift_right_arithmetic3A_377 = arith.constant 3 : i32
      %shift_right_arithmetic3A_378 = arith.shrsi %squeeze3A_376, %shift_right_arithmetic3A_377 : i32
      %slice3A_379 = vector.extract_strided_slice %get3A_247 {offsets = [6], sizes = [1], strides = [1]} : vector<16xi32> to vector<1xi32>
      %squeeze3A_380 = vector.extract %slice3A_379[0] : i32 from vector<1xi32>
      %and3A_381 = arith.constant 7 : i32
      %and3A_382 = arith.andi %squeeze3A_380, %and3A_381 : i32
      %mul3A_383 = arith.constant 2 : i32
      %mul3A_384 = arith.muli %scan3A_241, %mul3A_383 : i32
      %add3A_385 = arith.constant 0 : i32
      %add3A_386 = arith.addi %mul3A_384, %add3A_385 : i32
      %dma_start3A_387 = arith.constant 6 : i32
      %dma_start3A_388 = arith.constant 0 : i32
      %dma_start3A_389 = tpu.memref_slice %arg10[%add3A_386, %dma_start3A_387, %dma_start3A_388] : memref<16x8x32xf32, #tpu.memory_space<vmem>> -> memref<1x1x32xf32, #tpu.memory_space<vmem>>
      %dma_start3A_390 = arith.constant 0 : i32
      %dma_start3A_391 = tpu.memref_slice %arg2[%shift_right_arithmetic3A_378, %and3A_382, %dma_start3A_390] : memref<125000x8x32xf32, #tpu.memory_space<hbm>> -> memref<1x1x32xf32, #tpu.memory_space<hbm>>
      %dma_start3A_392 = arith.constant 6 : i32
      %dma_start3A_393 = arith.constant 0 : i32
      %dma_start3A_394 = tpu.memref_slice %arg10[%add3A_386, %dma_start3A_392, %dma_start3A_393] : memref<16x8x32xf32, #tpu.memory_space<vmem>> -> memref<1x1x32xf32, #tpu.memory_space<vmem>>
      %dma_start3A_395 = arith.constant 0 : i32
      %dma_start3A_396 = tpu.memref_slice %arg2[%shift_right_arithmetic3A_378, %and3A_382, %dma_start3A_395] : memref<125000x8x32xf32, #tpu.memory_space<hbm>> -> memref<1x1x32xf32, #tpu.memory_space<hbm>>
      tpu.enqueue_dma source(%dma_start3A_396 : memref<1x1x32xf32, #tpu.memory_space<hbm>>) target(%dma_start3A_394 : memref<1x1x32xf32, #tpu.memory_space<vmem>>) target_semaphore(%arg14 : memref<!tpu.dma_semaphore, #tpu.memory_space<semaphore_mem>>)
      %slice3A_397 = vector.extract_strided_slice %get3A_247 {offsets = [7], sizes = [1], strides = [1]} : vector<16xi32> to vector<1xi32>
      %squeeze3A_398 = vector.extract %slice3A_397[0] : i32 from vector<1xi32>
      %shift_right_arithmetic3A_399 = arith.constant 3 : i32
      %shift_right_arithmetic3A_400 = arith.shrsi %squeeze3A_398, %shift_right_arithmetic3A_399 : i32
      %slice3A_401 = vector.extract_strided_slice %get3A_247 {offsets = [7], sizes = [1], strides = [1]} : vector<16xi32> to vector<1xi32>
      %squeeze3A_402 = vector.extract %slice3A_401[0] : i32 from vector<1xi32>
      %and3A_403 = arith.constant 7 : i32
      %and3A_404 = arith.andi %squeeze3A_402, %and3A_403 : i32
      %mul3A_405 = arith.constant 2 : i32
      %mul3A_406 = arith.muli %scan3A_241, %mul3A_405 : i32
      %add3A_407 = arith.constant 0 : i32
      %add3A_408 = arith.addi %mul3A_406, %add3A_407 : i32
      %dma_start3A_409 = arith.constant 7 : i32
      %dma_start3A_410 = arith.constant 0 : i32
      %dma_start3A_411 = tpu.memref_slice %arg10[%add3A_408, %dma_start3A_409, %dma_start3A_410] : memref<16x8x32xf32, #tpu.memory_space<vmem>> -> memref<1x1x32xf32, #tpu.memory_space<vmem>>
      %dma_start3A_412 = arith.constant 0 : i32
      %dma_start3A_413 = tpu.memref_slice %arg2[%shift_right_arithmetic3A_400, %and3A_404, %dma_start3A_412] : memref<125000x8x32xf32, #tpu.memory_space<hbm>> -> memref<1x1x32xf32, #tpu.memory_space<hbm>>
      %dma_start3A_414 = arith.constant 7 : i32
      %dma_start3A_415 = arith.constant 0 : i32
      %dma_start3A_416 = tpu.memref_slice %arg10[%add3A_408, %dma_start3A_414, %dma_start3A_415] : memref<16x8x32xf32, #tpu.memory_space<vmem>> -> memref<1x1x32xf32, #tpu.memory_space<vmem>>
      %dma_start3A_417 = arith.constant 0 : i32
      %dma_start3A_418 = tpu.memref_slice %arg2[%shift_right_arithmetic3A_400, %and3A_404, %dma_start3A_417] : memref<125000x8x32xf32, #tpu.memory_space<hbm>> -> memref<1x1x32xf32, #tpu.memory_space<hbm>>
      tpu.enqueue_dma source(%dma_start3A_418 : memref<1x1x32xf32, #tpu.memory_space<hbm>>) target(%dma_start3A_416 : memref<1x1x32xf32, #tpu.memory_space<vmem>>) target_semaphore(%arg14 : memref<!tpu.dma_semaphore, #tpu.memory_space<semaphore_mem>>)
      %slice3A_419 = vector.extract_strided_slice %get3A_247 {offsets = [8], sizes = [1], strides = [1]} : vector<16xi32> to vector<1xi32>
      %squeeze3A_420 = vector.extract %slice3A_419[0] : i32 from vector<1xi32>
      %shift_right_arithmetic3A_421 = arith.constant 3 : i32
      %shift_right_arithmetic3A_422 = arith.shrsi %squeeze3A_420, %shift_right_arithmetic3A_421 : i32
      %slice3A_423 = vector.extract_strided_slice %get3A_247 {offsets = [8], sizes = [1], strides = [1]} : vector<16xi32> to vector<1xi32>
      %squeeze3A_424 = vector.extract %slice3A_423[0] : i32 from vector<1xi32>
      %and3A_425 = arith.constant 7 : i32
      %and3A_426 = arith.andi %squeeze3A_424, %and3A_425 : i32
      %mul3A_427 = arith.constant 2 : i32
      %mul3A_428 = arith.muli %scan3A_241, %mul3A_427 : i32
      %add3A_429 = arith.constant 1 : i32
      %add3A_430 = arith.addi %mul3A_428, %add3A_429 : i32
      %dma_start3A_431 = arith.constant 0 : i32
      %dma_start3A_432 = arith.constant 0 : i32
      %dma_start3A_433 = tpu.memref_slice %arg10[%add3A_430, %dma_start3A_431, %dma_start3A_432] : memref<16x8x32xf32, #tpu.memory_space<vmem>> -> memref<1x1x32xf32, #tpu.memory_space<vmem>>
      %dma_start3A_434 = arith.constant 0 : i32
      %dma_start3A_435 = tpu.memref_slice %arg2[%shift_right_arithmetic3A_422, %and3A_426, %dma_start3A_434] : memref<125000x8x32xf32, #tpu.memory_space<hbm>> -> memref<1x1x32xf32, #tpu.memory_space<hbm>>
      %dma_start3A_436 = arith.constant 0 : i32
      %dma_start3A_437 = arith.constant 0 : i32
      %dma_start3A_438 = tpu.memref_slice %arg10[%add3A_430, %dma_start3A_436, %dma_start3A_437] : memref<16x8x32xf32, #tpu.memory_space<vmem>> -> memref<1x1x32xf32, #tpu.memory_space<vmem>>
      %dma_start3A_439 = arith.constant 0 : i32
      %dma_start3A_440 = tpu.memref_slice %arg2[%shift_right_arithmetic3A_422, %and3A_426, %dma_start3A_439] : memref<125000x8x32xf32, #tpu.memory_space<hbm>> -> memref<1x1x32xf32, #tpu.memory_space<hbm>>
      tpu.enqueue_dma source(%dma_start3A_440 : memref<1x1x32xf32, #tpu.memory_space<hbm>>) target(%dma_start3A_438 : memref<1x1x32xf32, #tpu.memory_space<vmem>>) target_semaphore(%arg14 : memref<!tpu.dma_semaphore, #tpu.memory_space<semaphore_mem>>)
      %slice3A_441 = vector.extract_strided_slice %get3A_247 {offsets = [9], sizes = [1], strides = [1]} : vector<16xi32> to vector<1xi32>
      %squeeze3A_442 = vector.extract %slice3A_441[0] : i32 from vector<1xi32>
      %shift_right_arithmetic3A_443 = arith.constant 3 : i32
      %shift_right_arithmetic3A_444 = arith.shrsi %squeeze3A_442, %shift_right_arithmetic3A_443 : i32
      %slice3A_445 = vector.extract_strided_slice %get3A_247 {offsets = [9], sizes = [1], strides = [1]} : vector<16xi32> to vector<1xi32>
      %squeeze3A_446 = vector.extract %slice3A_445[0] : i32 from vector<1xi32>
      %and3A_447 = arith.constant 7 : i32
      %and3A_448 = arith.andi %squeeze3A_446, %and3A_447 : i32
      %mul3A_449 = arith.constant 2 : i32
      %mul3A_450 = arith.muli %scan3A_241, %mul3A_449 : i32
      %add3A_451 = arith.constant 1 : i32
      %add3A_452 = arith.addi %mul3A_450, %add3A_451 : i32
      %dma_start3A_453 = arith.constant 1 : i32
      %dma_start3A_454 = arith.constant 0 : i32
      %dma_start3A_455 = tpu.memref_slice %arg10[%add3A_452, %dma_start3A_453, %dma_start3A_454] : memref<16x8x32xf32, #tpu.memory_space<vmem>> -> memref<1x1x32xf32, #tpu.memory_space<vmem>>
      %dma_start3A_456 = arith.constant 0 : i32
      %dma_start3A_457 = tpu.memref_slice %arg2[%shift_right_arithmetic3A_444, %and3A_448, %dma_start3A_456] : memref<125000x8x32xf32, #tpu.memory_space<hbm>> -> memref<1x1x32xf32, #tpu.memory_space<hbm>>
      %dma_start3A_458 = arith.constant 1 : i32
      %dma_start3A_459 = arith.constant 0 : i32
      %dma_start3A_460 = tpu.memref_slice %arg10[%add3A_452, %dma_start3A_458, %dma_start3A_459] : memref<16x8x32xf32, #tpu.memory_space<vmem>> -> memref<1x1x32xf32, #tpu.memory_space<vmem>>
      %dma_start3A_461 = arith.constant 0 : i32
      %dma_start3A_462 = tpu.memref_slice %arg2[%shift_right_arithmetic3A_444, %and3A_448, %dma_start3A_461] : memref<125000x8x32xf32, #tpu.memory_space<hbm>> -> memref<1x1x32xf32, #tpu.memory_space<hbm>>
      tpu.enqueue_dma source(%dma_start3A_462 : memref<1x1x32xf32, #tpu.memory_space<hbm>>) target(%dma_start3A_460 : memref<1x1x32xf32, #tpu.memory_space<vmem>>) target_semaphore(%arg14 : memref<!tpu.dma_semaphore, #tpu.memory_space<semaphore_mem>>)
      %slice3A_463 = vector.extract_strided_slice %get3A_247 {offsets = [10], sizes = [1], strides = [1]} : vector<16xi32> to vector<1xi32>
      %squeeze3A_464 = vector.extract %slice3A_463[0] : i32 from vector<1xi32>
      %shift_right_arithmetic3A_465 = arith.constant 3 : i32
      %shift_right_arithmetic3A_466 = arith.shrsi %squeeze3A_464, %shift_right_arithmetic3A_465 : i32
      %slice3A_467 = vector.extract_strided_slice %get3A_247 {offsets = [10], sizes = [1], strides = [1]} : vector<16xi32> to vector<1xi32>
      %squeeze3A_468 = vector.extract %slice3A_467[0] : i32 from vector<1xi32>
      %and3A_469 = arith.constant 7 : i32
      %and3A_470 = arith.andi %squeeze3A_468, %and3A_469 : i32
      %mul3A_471 = arith.constant 2 : i32
      %mul3A_472 = arith.muli %scan3A_241, %mul3A_471 : i32
      %add3A_473 = arith.constant 1 : i32
      %add3A_474 = arith.addi %mul3A_472, %add3A_473 : i32
      %dma_start3A_475 = arith.constant 2 : i32
      %dma_start3A_476 = arith.constant 0 : i32
      %dma_start3A_477 = tpu.memref_slice %arg10[%add3A_474, %dma_start3A_475, %dma_start3A_476] : memref<16x8x32xf32, #tpu.memory_space<vmem>> -> memref<1x1x32xf32, #tpu.memory_space<vmem>>
      %dma_start3A_478 = arith.constant 0 : i32
      %dma_start3A_479 = tpu.memref_slice %arg2[%shift_right_arithmetic3A_466, %and3A_470, %dma_start3A_478] : memref<125000x8x32xf32, #tpu.memory_space<hbm>> -> memref<1x1x32xf32, #tpu.memory_space<hbm>>
      %dma_start3A_480 = arith.constant 2 : i32
      %dma_start3A_481 = arith.constant 0 : i32
      %dma_start3A_482 = tpu.memref_slice %arg10[%add3A_474, %dma_start3A_480, %dma_start3A_481] : memref<16x8x32xf32, #tpu.memory_space<vmem>> -> memref<1x1x32xf32, #tpu.memory_space<vmem>>
      %dma_start3A_483 = arith.constant 0 : i32
      %dma_start3A_484 = tpu.memref_slice %arg2[%shift_right_arithmetic3A_466, %and3A_470, %dma_start3A_483] : memref<125000x8x32xf32, #tpu.memory_space<hbm>> -> memref<1x1x32xf32, #tpu.memory_space<hbm>>
      tpu.enqueue_dma source(%dma_start3A_484 : memref<1x1x32xf32, #tpu.memory_space<hbm>>) target(%dma_start3A_482 : memref<1x1x32xf32, #tpu.memory_space<vmem>>) target_semaphore(%arg14 : memref<!tpu.dma_semaphore, #tpu.memory_space<semaphore_mem>>)
      %slice3A_485 = vector.extract_strided_slice %get3A_247 {offsets = [11], sizes = [1], strides = [1]} : vector<16xi32> to vector<1xi32>
      %squeeze3A_486 = vector.extract %slice3A_485[0] : i32 from vector<1xi32>
      %shift_right_arithmetic3A_487 = arith.constant 3 : i32
      %shift_right_arithmetic3A_488 = arith.shrsi %squeeze3A_486, %shift_right_arithmetic3A_487 : i32
      %slice3A_489 = vector.extract_strided_slice %get3A_247 {offsets = [11], sizes = [1], strides = [1]} : vector<16xi32> to vector<1xi32>
      %squeeze3A_490 = vector.extract %slice3A_489[0] : i32 from vector<1xi32>
      %and3A_491 = arith.constant 7 : i32
      %and3A_492 = arith.andi %squeeze3A_490, %and3A_491 : i32
      %mul3A_493 = arith.constant 2 : i32
      %mul3A_494 = arith.muli %scan3A_241, %mul3A_493 : i32
      %add3A_495 = arith.constant 1 : i32
      %add3A_496 = arith.addi %mul3A_494, %add3A_495 : i32
      %dma_start3A_497 = arith.constant 3 : i32
      %dma_start3A_498 = arith.constant 0 : i32
      %dma_start3A_499 = tpu.memref_slice %arg10[%add3A_496, %dma_start3A_497, %dma_start3A_498] : memref<16x8x32xf32, #tpu.memory_space<vmem>> -> memref<1x1x32xf32, #tpu.memory_space<vmem>>
      %dma_start3A_500 = arith.constant 0 : i32
      %dma_start3A_501 = tpu.memref_slice %arg2[%shift_right_arithmetic3A_488, %and3A_492, %dma_start3A_500] : memref<125000x8x32xf32, #tpu.memory_space<hbm>> -> memref<1x1x32xf32, #tpu.memory_space<hbm>>
      %dma_start3A_502 = arith.constant 3 : i32
      %dma_start3A_503 = arith.constant 0 : i32
      %dma_start3A_504 = tpu.memref_slice %arg10[%add3A_496, %dma_start3A_502, %dma_start3A_503] : memref<16x8x32xf32, #tpu.memory_space<vmem>> -> memref<1x1x32xf32, #tpu.memory_space<vmem>>
      %dma_start3A_505 = arith.constant 0 : i32
      %dma_start3A_506 = tpu.memref_slice %arg2[%shift_right_arithmetic3A_488, %and3A_492, %dma_start3A_505] : memref<125000x8x32xf32, #tpu.memory_space<hbm>> -> memref<1x1x32xf32, #tpu.memory_space<hbm>>
      tpu.enqueue_dma source(%dma_start3A_506 : memref<1x1x32xf32, #tpu.memory_space<hbm>>) target(%dma_start3A_504 : memref<1x1x32xf32, #tpu.memory_space<vmem>>) target_semaphore(%arg14 : memref<!tpu.dma_semaphore, #tpu.memory_space<semaphore_mem>>)
      %slice3A_507 = vector.extract_strided_slice %get3A_247 {offsets = [12], sizes = [1], strides = [1]} : vector<16xi32> to vector<1xi32>
      %squeeze3A_508 = vector.extract %slice3A_507[0] : i32 from vector<1xi32>
      %shift_right_arithmetic3A_509 = arith.constant 3 : i32
      %shift_right_arithmetic3A_510 = arith.shrsi %squeeze3A_508, %shift_right_arithmetic3A_509 : i32
      %slice3A_511 = vector.extract_strided_slice %get3A_247 {offsets = [12], sizes = [1], strides = [1]} : vector<16xi32> to vector<1xi32>
      %squeeze3A_512 = vector.extract %slice3A_511[0] : i32 from vector<1xi32>
      %and3A_513 = arith.constant 7 : i32
      %and3A_514 = arith.andi %squeeze3A_512, %and3A_513 : i32
      %mul3A_515 = arith.constant 2 : i32
      %mul3A_516 = arith.muli %scan3A_241, %mul3A_515 : i32
      %add3A_517 = arith.constant 1 : i32
      %add3A_518 = arith.addi %mul3A_516, %add3A_517 : i32
      %dma_start3A_519 = arith.constant 4 : i32
      %dma_start3A_520 = arith.constant 0 : i32
      %dma_start3A_521 = tpu.memref_slice %arg10[%add3A_518, %dma_start3A_519, %dma_start3A_520] : memref<16x8x32xf32, #tpu.memory_space<vmem>> -> memref<1x1x32xf32, #tpu.memory_space<vmem>>
      %dma_start3A_522 = arith.constant 0 : i32
      %dma_start3A_523 = tpu.memref_slice %arg2[%shift_right_arithmetic3A_510, %and3A_514, %dma_start3A_522] : memref<125000x8x32xf32, #tpu.memory_space<hbm>> -> memref<1x1x32xf32, #tpu.memory_space<hbm>>
      %dma_start3A_524 = arith.constant 4 : i32
      %dma_start3A_525 = arith.constant 0 : i32
      %dma_start3A_526 = tpu.memref_slice %arg10[%add3A_518, %dma_start3A_524, %dma_start3A_525] : memref<16x8x32xf32, #tpu.memory_space<vmem>> -> memref<1x1x32xf32, #tpu.memory_space<vmem>>
      %dma_start3A_527 = arith.constant 0 : i32
      %dma_start3A_528 = tpu.memref_slice %arg2[%shift_right_arithmetic3A_510, %and3A_514, %dma_start3A_527] : memref<125000x8x32xf32, #tpu.memory_space<hbm>> -> memref<1x1x32xf32, #tpu.memory_space<hbm>>
      tpu.enqueue_dma source(%dma_start3A_528 : memref<1x1x32xf32, #tpu.memory_space<hbm>>) target(%dma_start3A_526 : memref<1x1x32xf32, #tpu.memory_space<vmem>>) target_semaphore(%arg14 : memref<!tpu.dma_semaphore, #tpu.memory_space<semaphore_mem>>)
      %slice3A_529 = vector.extract_strided_slice %get3A_247 {offsets = [13], sizes = [1], strides = [1]} : vector<16xi32> to vector<1xi32>
      %squeeze3A_530 = vector.extract %slice3A_529[0] : i32 from vector<1xi32>
      %shift_right_arithmetic3A_531 = arith.constant 3 : i32
      %shift_right_arithmetic3A_532 = arith.shrsi %squeeze3A_530, %shift_right_arithmetic3A_531 : i32
      %slice3A_533 = vector.extract_strided_slice %get3A_247 {offsets = [13], sizes = [1], strides = [1]} : vector<16xi32> to vector<1xi32>
      %squeeze3A_534 = vector.extract %slice3A_533[0] : i32 from vector<1xi32>
      %and3A_535 = arith.constant 7 : i32
      %and3A_536 = arith.andi %squeeze3A_534, %and3A_535 : i32
      %mul3A_537 = arith.constant 2 : i32
      %mul3A_538 = arith.muli %scan3A_241, %mul3A_537 : i32
      %add3A_539 = arith.constant 1 : i32
      %add3A_540 = arith.addi %mul3A_538, %add3A_539 : i32
      %dma_start3A_541 = arith.constant 5 : i32
      %dma_start3A_542 = arith.constant 0 : i32
      %dma_start3A_543 = tpu.memref_slice %arg10[%add3A_540, %dma_start3A_541, %dma_start3A_542] : memref<16x8x32xf32, #tpu.memory_space<vmem>> -> memref<1x1x32xf32, #tpu.memory_space<vmem>>
      %dma_start3A_544 = arith.constant 0 : i32
      %dma_start3A_545 = tpu.memref_slice %arg2[%shift_right_arithmetic3A_532, %and3A_536, %dma_start3A_544] : memref<125000x8x32xf32, #tpu.memory_space<hbm>> -> memref<1x1x32xf32, #tpu.memory_space<hbm>>
      %dma_start3A_546 = arith.constant 5 : i32
      %dma_start3A_547 = arith.constant 0 : i32
      %dma_start3A_548 = tpu.memref_slice %arg10[%add3A_540, %dma_start3A_546, %dma_start3A_547] : memref<16x8x32xf32, #tpu.memory_space<vmem>> -> memref<1x1x32xf32, #tpu.memory_space<vmem>>
      %dma_start3A_549 = arith.constant 0 : i32
      %dma_start3A_550 = tpu.memref_slice %arg2[%shift_right_arithmetic3A_532, %and3A_536, %dma_start3A_549] : memref<125000x8x32xf32, #tpu.memory_space<hbm>> -> memref<1x1x32xf32, #tpu.memory_space<hbm>>
      tpu.enqueue_dma source(%dma_start3A_550 : memref<1x1x32xf32, #tpu.memory_space<hbm>>) target(%dma_start3A_548 : memref<1x1x32xf32, #tpu.memory_space<vmem>>) target_semaphore(%arg14 : memref<!tpu.dma_semaphore, #tpu.memory_space<semaphore_mem>>)
      %slice3A_551 = vector.extract_strided_slice %get3A_247 {offsets = [14], sizes = [1], strides = [1]} : vector<16xi32> to vector<1xi32>
      %squeeze3A_552 = vector.extract %slice3A_551[0] : i32 from vector<1xi32>
      %shift_right_arithmetic3A_553 = arith.constant 3 : i32
      %shift_right_arithmetic3A_554 = arith.shrsi %squeeze3A_552, %shift_right_arithmetic3A_553 : i32
      %slice3A_555 = vector.extract_strided_slice %get3A_247 {offsets = [14], sizes = [1], strides = [1]} : vector<16xi32> to vector<1xi32>
      %squeeze3A_556 = vector.extract %slice3A_555[0] : i32 from vector<1xi32>
      %and3A_557 = arith.constant 7 : i32
      %and3A_558 = arith.andi %squeeze3A_556, %and3A_557 : i32
      %mul3A_559 = arith.constant 2 : i32
      %mul3A_560 = arith.muli %scan3A_241, %mul3A_559 : i32
      %add3A_561 = arith.constant 1 : i32
      %add3A_562 = arith.addi %mul3A_560, %add3A_561 : i32
      %dma_start3A_563 = arith.constant 6 : i32
      %dma_start3A_564 = arith.constant 0 : i32
      %dma_start3A_565 = tpu.memref_slice %arg10[%add3A_562, %dma_start3A_563, %dma_start3A_564] : memref<16x8x32xf32, #tpu.memory_space<vmem>> -> memref<1x1x32xf32, #tpu.memory_space<vmem>>
      %dma_start3A_566 = arith.constant 0 : i32
      %dma_start3A_567 = tpu.memref_slice %arg2[%shift_right_arithmetic3A_554, %and3A_558, %dma_start3A_566] : memref<125000x8x32xf32, #tpu.memory_space<hbm>> -> memref<1x1x32xf32, #tpu.memory_space<hbm>>
      %dma_start3A_568 = arith.constant 6 : i32
      %dma_start3A_569 = arith.constant 0 : i32
      %dma_start3A_570 = tpu.memref_slice %arg10[%add3A_562, %dma_start3A_568, %dma_start3A_569] : memref<16x8x32xf32, #tpu.memory_space<vmem>> -> memref<1x1x32xf32, #tpu.memory_space<vmem>>
      %dma_start3A_571 = arith.constant 0 : i32
      %dma_start3A_572 = tpu.memref_slice %arg2[%shift_right_arithmetic3A_554, %and3A_558, %dma_start3A_571] : memref<125000x8x32xf32, #tpu.memory_space<hbm>> -> memref<1x1x32xf32, #tpu.memory_space<hbm>>
      tpu.enqueue_dma source(%dma_start3A_572 : memref<1x1x32xf32, #tpu.memory_space<hbm>>) target(%dma_start3A_570 : memref<1x1x32xf32, #tpu.memory_space<vmem>>) target_semaphore(%arg14 : memref<!tpu.dma_semaphore, #tpu.memory_space<semaphore_mem>>)
      %slice3A_573 = vector.extract_strided_slice %get3A_247 {offsets = [15], sizes = [1], strides = [1]} : vector<16xi32> to vector<1xi32>
      %squeeze3A_574 = vector.extract %slice3A_573[0] : i32 from vector<1xi32>
      %shift_right_arithmetic3A_575 = arith.constant 3 : i32
      %shift_right_arithmetic3A_576 = arith.shrsi %squeeze3A_574, %shift_right_arithmetic3A_575 : i32
      %slice3A_577 = vector.extract_strided_slice %get3A_247 {offsets = [15], sizes = [1], strides = [1]} : vector<16xi32> to vector<1xi32>
      %squeeze3A_578 = vector.extract %slice3A_577[0] : i32 from vector<1xi32>
      %and3A_579 = arith.constant 7 : i32
      %and3A_580 = arith.andi %squeeze3A_578, %and3A_579 : i32
      %mul3A_581 = arith.constant 2 : i32
      %mul3A_582 = arith.muli %scan3A_241, %mul3A_581 : i32
      %add3A_583 = arith.constant 1 : i32
      %add3A_584 = arith.addi %mul3A_582, %add3A_583 : i32
      %dma_start3A_585 = arith.constant 7 : i32
      %dma_start3A_586 = arith.constant 0 : i32
      %dma_start3A_587 = tpu.memref_slice %arg10[%add3A_584, %dma_start3A_585, %dma_start3A_586] : memref<16x8x32xf32, #tpu.memory_space<vmem>> -> memref<1x1x32xf32, #tpu.memory_space<vmem>>
      %dma_start3A_588 = arith.constant 0 : i32
      %dma_start3A_589 = tpu.memref_slice %arg2[%shift_right_arithmetic3A_576, %and3A_580, %dma_start3A_588] : memref<125000x8x32xf32, #tpu.memory_space<hbm>> -> memref<1x1x32xf32, #tpu.memory_space<hbm>>
      %dma_start3A_590 = arith.constant 7 : i32
      %dma_start3A_591 = arith.constant 0 : i32
      %dma_start3A_592 = tpu.memref_slice %arg10[%add3A_584, %dma_start3A_590, %dma_start3A_591] : memref<16x8x32xf32, #tpu.memory_space<vmem>> -> memref<1x1x32xf32, #tpu.memory_space<vmem>>
      %dma_start3A_593 = arith.constant 0 : i32
      %dma_start3A_594 = tpu.memref_slice %arg2[%shift_right_arithmetic3A_576, %and3A_580, %dma_start3A_593] : memref<125000x8x32xf32, #tpu.memory_space<hbm>> -> memref<1x1x32xf32, #tpu.memory_space<hbm>>
      tpu.enqueue_dma source(%dma_start3A_594 : memref<1x1x32xf32, #tpu.memory_space<hbm>>) target(%dma_start3A_592 : memref<1x1x32xf32, #tpu.memory_space<vmem>>) target_semaphore(%arg14 : memref<!tpu.dma_semaphore, #tpu.memory_space<semaphore_mem>>)
      %scan3A_595 = arith.constant 0 : i32
      scf.yield %scan3A_595 : i32
    }
    %scan3A_118 = arith.constant 8 : i32
    %dma_wait3A_119 = arith.constant 0 : i32
    %dma_wait3A_120 = arith.constant 0 : i32
    %dma_wait3A_121 = arith.constant 0 : i32
    %dma_wait3A_122 = tpu.memref_slice %arg2[%dma_wait3A_119, %dma_wait3A_120, %dma_wait3A_121] : memref<125000x8x32xf32, #tpu.memory_space<hbm>> -> memref<16x8x32xf32, #tpu.memory_space<hbm>>
    %dma_wait3A_123 = arith.constant 0 : i32
    %dma_wait3A_124 = arith.constant 0 : i32
    %dma_wait3A_125 = arith.constant 0 : i32
    %dma_wait3A_126 = tpu.memref_slice %arg2[%dma_wait3A_123, %dma_wait3A_124, %dma_wait3A_125] : memref<125000x8x32xf32, #tpu.memory_space<hbm>> -> memref<16x8x32xf32, #tpu.memory_space<hbm>>
    tpu.wait_dma2 semaphore(%arg15 : memref<!tpu.dma_semaphore, #tpu.memory_space<semaphore_mem>>) src(%dma_wait3A_126 : memref<16x8x32xf32, #tpu.memory_space<hbm>>) dst(%arg11 : memref<16x8x32xf32, #tpu.memory_space<vmem>>)
    %add3A_127 = arith.constant 384 : i32
    %add3A_128 = arith.addi %mul3A_2, %add3A_127 : i32
    %scan3A_129 = arith.constant 0 : i32
    %scan3A_130 = arith.constant 0 : i32
    %scan3A_131 = arith.constant 128 : i32
    %scan3A_132 = arith.addi %scan3A_130, %scan3A_131 : i32
    %scan3A_133 = arith.constant 1 : i32
    %scan3A_134 = scf.for %scan3A_241 = %scan3A_130 to %scan3A_132 step %scan3A_133 iter_args(%scan3A_242 = %scan3A_129) -> (i32)  : i32 {
      %jit3A = arith.constant 8 : i32
      %div3A = arith.divsi %scan3A_241, %jit3A : i32
      %sign3A = arith.constant 0 : i32
      %sign3A_243 = arith.cmpi sgt, %scan3A_241, %sign3A : i32
      %sign3A_244 = arith.extui %sign3A_243 : i1 to i32
      %sign3A_245 = arith.constant 0 : i32
      %sign3A_246 = arith.cmpi slt, %scan3A_241, %sign3A_245 : i32
      %sign3A_247 = arith.extui %sign3A_246 : i1 to i32
      %sign3A_248 = arith.subi %sign3A_244, %sign3A_247 : i32
      %sign3A_249 = arith.constant 0 : i32
      %sign3A_250 = arith.cmpi sgt, %jit3A, %sign3A_249 : i32
      %sign3A_251 = arith.extui %sign3A_250 : i1 to i32
      %sign3A_252 = arith.constant 0 : i32
      %sign3A_253 = arith.cmpi slt, %jit3A, %sign3A_252 : i32
      %sign3A_254 = arith.extui %sign3A_253 : i1 to i32
      %sign3A_255 = arith.subi %sign3A_251, %sign3A_254 : i32
      %ne3A = arith.cmpi ne, %sign3A_248, %sign3A_255 : i32
      %rem3A = arith.remsi %scan3A_241, %jit3A : i32
      %ne3A_256 = arith.constant 0 : i32
      %ne3A_257 = arith.cmpi ne, %rem3A, %ne3A_256 : i32
      %and3A = arith.andi %ne3A, %ne3A_257 : i1
      %sub3A = arith.constant 1 : i32
      %sub3A_258 = arith.subi %div3A, %sub3A : i32
      %select_n3A = arith.select %and3A, %sub3A_258, %div3A : i32
      %jit3A_259 = arith.constant 8 : i32
      %eq3A = arith.constant 0 : i32
      %eq3A_260 = arith.cmpi eq, %jit3A_259, %eq3A : i32
      %jit3A_261 = arith.constant 1 : i32
      %select_n3A_262 = arith.select %eq3A_260, %jit3A_261, %jit3A_259 : i32
      %rem3A_263 = arith.remsi %scan3A_241, %select_n3A_262 : i32
      %ne3A_264 = arith.constant 0 : i32
      %ne3A_265 = arith.cmpi ne, %rem3A_263, %ne3A_264 : i32
      %lt3A = arith.constant 0 : i32
      %lt3A_266 = arith.cmpi slt, %rem3A_263, %lt3A : i32
      %lt3A_267 = arith.constant 0 : i32
      %lt3A_268 = arith.cmpi slt, %select_n3A_262, %lt3A_267 : i32
      %ne3A_269 = arith.xori %lt3A_266, %lt3A_268 : i1
      %and3A_270 = arith.andi %ne3A_269, %ne3A_265 : i1
      %add3A_271 = arith.addi %rem3A_263, %select_n3A_262 : i32
      %select_n3A_272 = arith.select %and3A_270, %add3A_271, %rem3A_263 : i32
      %add3A_273 = arith.addi %add3A_128, %scan3A_241 : i32
      %dma_start3A = arith.constant 0 : i32
      %dma_start3A_274 = tpu.memref_slice %arg11[%select_n3A, %select_n3A_272, %dma_start3A] : memref<16x8x32xf32, #tpu.memory_space<vmem>> -> memref<1x1x32xf32, #tpu.memory_space<vmem>>
      %dma_start3A_275 = tpu.memref_squeeze %dma_start3A_274 : memref<1x1x32xf32, #tpu.memory_space<vmem>> -> memref<32xf32, #tpu.memory_space<vmem>>
      %dma_start3A_276 = arith.constant 0 : i32
      %dma_start3A_277 = tpu.memref_slice %arg5[%add3A_273, %dma_start3A_276] : memref<16384x32xf32, #tpu.memory_space<hbm>> -> memref<1x32xf32, #tpu.memory_space<hbm>>
      %dma_start3A_278 = tpu.memref_squeeze %dma_start3A_277 : memref<1x32xf32, #tpu.memory_space<hbm>> -> memref<32xf32, #tpu.memory_space<hbm>>
      %dma_start3A_279 = arith.constant 0 : i32
      %dma_start3A_280 = tpu.memref_slice %arg5[%add3A_273, %dma_start3A_279] : memref<16384x32xf32, #tpu.memory_space<hbm>> -> memref<1x32xf32, #tpu.memory_space<hbm>>
      %dma_start3A_281 = tpu.memref_squeeze %dma_start3A_280 : memref<1x32xf32, #tpu.memory_space<hbm>> -> memref<32xf32, #tpu.memory_space<hbm>>
      %dma_start3A_282 = arith.constant 0 : i32
      %dma_start3A_283 = tpu.memref_slice %arg11[%select_n3A, %select_n3A_272, %dma_start3A_282] : memref<16x8x32xf32, #tpu.memory_space<vmem>> -> memref<1x1x32xf32, #tpu.memory_space<vmem>>
      %dma_start3A_284 = tpu.memref_squeeze %dma_start3A_283 : memref<1x1x32xf32, #tpu.memory_space<vmem>> -> memref<32xf32, #tpu.memory_space<vmem>>
      tpu.enqueue_dma source(%dma_start3A_284 : memref<32xf32, #tpu.memory_space<vmem>>) target(%dma_start3A_281 : memref<32xf32, #tpu.memory_space<hbm>>) target_semaphore(%arg19 : memref<!tpu.dma_semaphore, #tpu.memory_space<semaphore_mem>>)
      %scan3A_285 = arith.constant 0 : i32
      scf.yield %scan3A_285 : i32
    }
    %scan3A_135 = arith.constant 128 : i32
    %add3A_136 = arith.constant 384 : i32
    %add3A_137 = arith.addi %mul3A_2, %add3A_136 : i32
    %dma_wait3A_138 = arith.constant 0 : i32
    %dma_wait3A_139 = tpu.memref_slice %arg5[%add3A_137, %dma_wait3A_138] : memref<16384x32xf32, #tpu.memory_space<hbm>> -> memref<128x32xf32, #tpu.memory_space<hbm>>
    %dma_wait3A_140 = arith.constant 0 : i32
    %dma_wait3A_141 = tpu.memref_slice %arg5[%add3A_137, %dma_wait3A_140] : memref<16384x32xf32, #tpu.memory_space<hbm>> -> memref<128x32xf32, #tpu.memory_space<hbm>>
    tpu.wait_dma2 semaphore(%arg19 : memref<!tpu.dma_semaphore, #tpu.memory_space<semaphore_mem>>) src(%arg11 : memref<16x8x32xf32, #tpu.memory_space<vmem>>) dst(%dma_wait3A_141 : memref<128x32xf32, #tpu.memory_space<hbm>>)
    %scan3A_142 = arith.constant 0 : i32
    %scan3A_143 = arith.constant 0 : i32
    %scan3A_144 = arith.constant 8 : i32
    %scan3A_145 = arith.addi %scan3A_143, %scan3A_144 : i32
    %scan3A_146 = arith.constant 1 : i32
    %scan3A_147 = scf.for %scan3A_241 = %scan3A_143 to %scan3A_145 step %scan3A_146 iter_args(%scan3A_242 = %scan3A_142) -> (i32)  : i32 {
      %mul3A_243 = arith.constant 16 : i32
      %mul3A_244 = arith.muli %scan3A_241, %mul3A_243 : i32
      %add3A_245 = arith.constant 896 : i32
      %add3A_246 = arith.addi %add3A_245, %mul3A_244 : i32
      %get3A = arith.index_cast %add3A_246 : i32 to index
      %get3A_247 = tpu.vector_load %arg7[%get3A] {strides = array<i32>} : memref<1024xi32, #tpu.memory_space<vmem>>, vector<16xi32>,
      %slice3A = vector.extract_strided_slice %get3A_247 {offsets = [0], sizes = [1], strides = [1]} : vector<16xi32> to vector<1xi32>
      %squeeze3A = vector.extract %slice3A[0] : i32 from vector<1xi32>
      %shift_right_arithmetic3A = arith.constant 3 : i32
      %shift_right_arithmetic3A_248 = arith.shrsi %squeeze3A, %shift_right_arithmetic3A : i32
      %slice3A_249 = vector.extract_strided_slice %get3A_247 {offsets = [0], sizes = [1], strides = [1]} : vector<16xi32> to vector<1xi32>
      %squeeze3A_250 = vector.extract %slice3A_249[0] : i32 from vector<1xi32>
      %and3A = arith.constant 7 : i32
      %and3A_251 = arith.andi %squeeze3A_250, %and3A : i32
      %mul3A_252 = arith.constant 2 : i32
      %mul3A_253 = arith.muli %scan3A_241, %mul3A_252 : i32
      %add3A_254 = arith.constant 0 : i32
      %add3A_255 = arith.addi %mul3A_253, %add3A_254 : i32
      %dma_start3A = arith.constant 0 : i32
      %dma_start3A_256 = arith.constant 0 : i32
      %dma_start3A_257 = tpu.memref_slice %arg11[%add3A_255, %dma_start3A, %dma_start3A_256] : memref<16x8x32xf32, #tpu.memory_space<vmem>> -> memref<1x1x32xf32, #tpu.memory_space<vmem>>
      %dma_start3A_258 = arith.constant 0 : i32
      %dma_start3A_259 = tpu.memref_slice %arg2[%shift_right_arithmetic3A_248, %and3A_251, %dma_start3A_258] : memref<125000x8x32xf32, #tpu.memory_space<hbm>> -> memref<1x1x32xf32, #tpu.memory_space<hbm>>
      %dma_start3A_260 = arith.constant 0 : i32
      %dma_start3A_261 = arith.constant 0 : i32
      %dma_start3A_262 = tpu.memref_slice %arg11[%add3A_255, %dma_start3A_260, %dma_start3A_261] : memref<16x8x32xf32, #tpu.memory_space<vmem>> -> memref<1x1x32xf32, #tpu.memory_space<vmem>>
      %dma_start3A_263 = arith.constant 0 : i32
      %dma_start3A_264 = tpu.memref_slice %arg2[%shift_right_arithmetic3A_248, %and3A_251, %dma_start3A_263] : memref<125000x8x32xf32, #tpu.memory_space<hbm>> -> memref<1x1x32xf32, #tpu.memory_space<hbm>>
      tpu.enqueue_dma source(%dma_start3A_264 : memref<1x1x32xf32, #tpu.memory_space<hbm>>) target(%dma_start3A_262 : memref<1x1x32xf32, #tpu.memory_space<vmem>>) target_semaphore(%arg15 : memref<!tpu.dma_semaphore, #tpu.memory_space<semaphore_mem>>)
      %slice3A_265 = vector.extract_strided_slice %get3A_247 {offsets = [1], sizes = [1], strides = [1]} : vector<16xi32> to vector<1xi32>
      %squeeze3A_266 = vector.extract %slice3A_265[0] : i32 from vector<1xi32>
      %shift_right_arithmetic3A_267 = arith.constant 3 : i32
      %shift_right_arithmetic3A_268 = arith.shrsi %squeeze3A_266, %shift_right_arithmetic3A_267 : i32
      %slice3A_269 = vector.extract_strided_slice %get3A_247 {offsets = [1], sizes = [1], strides = [1]} : vector<16xi32> to vector<1xi32>
      %squeeze3A_270 = vector.extract %slice3A_269[0] : i32 from vector<1xi32>
      %and3A_271 = arith.constant 7 : i32
      %and3A_272 = arith.andi %squeeze3A_270, %and3A_271 : i32
      %mul3A_273 = arith.constant 2 : i32
      %mul3A_274 = arith.muli %scan3A_241, %mul3A_273 : i32
      %add3A_275 = arith.constant 0 : i32
      %add3A_276 = arith.addi %mul3A_274, %add3A_275 : i32
      %dma_start3A_277 = arith.constant 1 : i32
      %dma_start3A_278 = arith.constant 0 : i32
      %dma_start3A_279 = tpu.memref_slice %arg11[%add3A_276, %dma_start3A_277, %dma_start3A_278] : memref<16x8x32xf32, #tpu.memory_space<vmem>> -> memref<1x1x32xf32, #tpu.memory_space<vmem>>
      %dma_start3A_280 = arith.constant 0 : i32
      %dma_start3A_281 = tpu.memref_slice %arg2[%shift_right_arithmetic3A_268, %and3A_272, %dma_start3A_280] : memref<125000x8x32xf32, #tpu.memory_space<hbm>> -> memref<1x1x32xf32, #tpu.memory_space<hbm>>
      %dma_start3A_282 = arith.constant 1 : i32
      %dma_start3A_283 = arith.constant 0 : i32
      %dma_start3A_284 = tpu.memref_slice %arg11[%add3A_276, %dma_start3A_282, %dma_start3A_283] : memref<16x8x32xf32, #tpu.memory_space<vmem>> -> memref<1x1x32xf32, #tpu.memory_space<vmem>>
      %dma_start3A_285 = arith.constant 0 : i32
      %dma_start3A_286 = tpu.memref_slice %arg2[%shift_right_arithmetic3A_268, %and3A_272, %dma_start3A_285] : memref<125000x8x32xf32, #tpu.memory_space<hbm>> -> memref<1x1x32xf32, #tpu.memory_space<hbm>>
      tpu.enqueue_dma source(%dma_start3A_286 : memref<1x1x32xf32, #tpu.memory_space<hbm>>) target(%dma_start3A_284 : memref<1x1x32xf32, #tpu.memory_space<vmem>>) target_semaphore(%arg15 : memref<!tpu.dma_semaphore, #tpu.memory_space<semaphore_mem>>)
      %slice3A_287 = vector.extract_strided_slice %get3A_247 {offsets = [2], sizes = [1], strides = [1]} : vector<16xi32> to vector<1xi32>
      %squeeze3A_288 = vector.extract %slice3A_287[0] : i32 from vector<1xi32>
      %shift_right_arithmetic3A_289 = arith.constant 3 : i32
      %shift_right_arithmetic3A_290 = arith.shrsi %squeeze3A_288, %shift_right_arithmetic3A_289 : i32
      %slice3A_291 = vector.extract_strided_slice %get3A_247 {offsets = [2], sizes = [1], strides = [1]} : vector<16xi32> to vector<1xi32>
      %squeeze3A_292 = vector.extract %slice3A_291[0] : i32 from vector<1xi32>
      %and3A_293 = arith.constant 7 : i32
      %and3A_294 = arith.andi %squeeze3A_292, %and3A_293 : i32
      %mul3A_295 = arith.constant 2 : i32
      %mul3A_296 = arith.muli %scan3A_241, %mul3A_295 : i32
      %add3A_297 = arith.constant 0 : i32
      %add3A_298 = arith.addi %mul3A_296, %add3A_297 : i32
      %dma_start3A_299 = arith.constant 2 : i32
      %dma_start3A_300 = arith.constant 0 : i32
      %dma_start3A_301 = tpu.memref_slice %arg11[%add3A_298, %dma_start3A_299, %dma_start3A_300] : memref<16x8x32xf32, #tpu.memory_space<vmem>> -> memref<1x1x32xf32, #tpu.memory_space<vmem>>
      %dma_start3A_302 = arith.constant 0 : i32
      %dma_start3A_303 = tpu.memref_slice %arg2[%shift_right_arithmetic3A_290, %and3A_294, %dma_start3A_302] : memref<125000x8x32xf32, #tpu.memory_space<hbm>> -> memref<1x1x32xf32, #tpu.memory_space<hbm>>
      %dma_start3A_304 = arith.constant 2 : i32
      %dma_start3A_305 = arith.constant 0 : i32
      %dma_start3A_306 = tpu.memref_slice %arg11[%add3A_298, %dma_start3A_304, %dma_start3A_305] : memref<16x8x32xf32, #tpu.memory_space<vmem>> -> memref<1x1x32xf32, #tpu.memory_space<vmem>>
      %dma_start3A_307 = arith.constant 0 : i32
      %dma_start3A_308 = tpu.memref_slice %arg2[%shift_right_arithmetic3A_290, %and3A_294, %dma_start3A_307] : memref<125000x8x32xf32, #tpu.memory_space<hbm>> -> memref<1x1x32xf32, #tpu.memory_space<hbm>>
      tpu.enqueue_dma source(%dma_start3A_308 : memref<1x1x32xf32, #tpu.memory_space<hbm>>) target(%dma_start3A_306 : memref<1x1x32xf32, #tpu.memory_space<vmem>>) target_semaphore(%arg15 : memref<!tpu.dma_semaphore, #tpu.memory_space<semaphore_mem>>)
      %slice3A_309 = vector.extract_strided_slice %get3A_247 {offsets = [3], sizes = [1], strides = [1]} : vector<16xi32> to vector<1xi32>
      %squeeze3A_310 = vector.extract %slice3A_309[0] : i32 from vector<1xi32>
      %shift_right_arithmetic3A_311 = arith.constant 3 : i32
      %shift_right_arithmetic3A_312 = arith.shrsi %squeeze3A_310, %shift_right_arithmetic3A_311 : i32
      %slice3A_313 = vector.extract_strided_slice %get3A_247 {offsets = [3], sizes = [1], strides = [1]} : vector<16xi32> to vector<1xi32>
      %squeeze3A_314 = vector.extract %slice3A_313[0] : i32 from vector<1xi32>
      %and3A_315 = arith.constant 7 : i32
      %and3A_316 = arith.andi %squeeze3A_314, %and3A_315 : i32
      %mul3A_317 = arith.constant 2 : i32
      %mul3A_318 = arith.muli %scan3A_241, %mul3A_317 : i32
      %add3A_319 = arith.constant 0 : i32
      %add3A_320 = arith.addi %mul3A_318, %add3A_319 : i32
      %dma_start3A_321 = arith.constant 3 : i32
      %dma_start3A_322 = arith.constant 0 : i32
      %dma_start3A_323 = tpu.memref_slice %arg11[%add3A_320, %dma_start3A_321, %dma_start3A_322] : memref<16x8x32xf32, #tpu.memory_space<vmem>> -> memref<1x1x32xf32, #tpu.memory_space<vmem>>
      %dma_start3A_324 = arith.constant 0 : i32
      %dma_start3A_325 = tpu.memref_slice %arg2[%shift_right_arithmetic3A_312, %and3A_316, %dma_start3A_324] : memref<125000x8x32xf32, #tpu.memory_space<hbm>> -> memref<1x1x32xf32, #tpu.memory_space<hbm>>
      %dma_start3A_326 = arith.constant 3 : i32
      %dma_start3A_327 = arith.constant 0 : i32
      %dma_start3A_328 = tpu.memref_slice %arg11[%add3A_320, %dma_start3A_326, %dma_start3A_327] : memref<16x8x32xf32, #tpu.memory_space<vmem>> -> memref<1x1x32xf32, #tpu.memory_space<vmem>>
      %dma_start3A_329 = arith.constant 0 : i32
      %dma_start3A_330 = tpu.memref_slice %arg2[%shift_right_arithmetic3A_312, %and3A_316, %dma_start3A_329] : memref<125000x8x32xf32, #tpu.memory_space<hbm>> -> memref<1x1x32xf32, #tpu.memory_space<hbm>>
      tpu.enqueue_dma source(%dma_start3A_330 : memref<1x1x32xf32, #tpu.memory_space<hbm>>) target(%dma_start3A_328 : memref<1x1x32xf32, #tpu.memory_space<vmem>>) target_semaphore(%arg15 : memref<!tpu.dma_semaphore, #tpu.memory_space<semaphore_mem>>)
      %slice3A_331 = vector.extract_strided_slice %get3A_247 {offsets = [4], sizes = [1], strides = [1]} : vector<16xi32> to vector<1xi32>
      %squeeze3A_332 = vector.extract %slice3A_331[0] : i32 from vector<1xi32>
      %shift_right_arithmetic3A_333 = arith.constant 3 : i32
      %shift_right_arithmetic3A_334 = arith.shrsi %squeeze3A_332, %shift_right_arithmetic3A_333 : i32
      %slice3A_335 = vector.extract_strided_slice %get3A_247 {offsets = [4], sizes = [1], strides = [1]} : vector<16xi32> to vector<1xi32>
      %squeeze3A_336 = vector.extract %slice3A_335[0] : i32 from vector<1xi32>
      %and3A_337 = arith.constant 7 : i32
      %and3A_338 = arith.andi %squeeze3A_336, %and3A_337 : i32
      %mul3A_339 = arith.constant 2 : i32
      %mul3A_340 = arith.muli %scan3A_241, %mul3A_339 : i32
      %add3A_341 = arith.constant 0 : i32
      %add3A_342 = arith.addi %mul3A_340, %add3A_341 : i32
      %dma_start3A_343 = arith.constant 4 : i32
      %dma_start3A_344 = arith.constant 0 : i32
      %dma_start3A_345 = tpu.memref_slice %arg11[%add3A_342, %dma_start3A_343, %dma_start3A_344] : memref<16x8x32xf32, #tpu.memory_space<vmem>> -> memref<1x1x32xf32, #tpu.memory_space<vmem>>
      %dma_start3A_346 = arith.constant 0 : i32
      %dma_start3A_347 = tpu.memref_slice %arg2[%shift_right_arithmetic3A_334, %and3A_338, %dma_start3A_346] : memref<125000x8x32xf32, #tpu.memory_space<hbm>> -> memref<1x1x32xf32, #tpu.memory_space<hbm>>
      %dma_start3A_348 = arith.constant 4 : i32
      %dma_start3A_349 = arith.constant 0 : i32
      %dma_start3A_350 = tpu.memref_slice %arg11[%add3A_342, %dma_start3A_348, %dma_start3A_349] : memref<16x8x32xf32, #tpu.memory_space<vmem>> -> memref<1x1x32xf32, #tpu.memory_space<vmem>>
      %dma_start3A_351 = arith.constant 0 : i32
      %dma_start3A_352 = tpu.memref_slice %arg2[%shift_right_arithmetic3A_334, %and3A_338, %dma_start3A_351] : memref<125000x8x32xf32, #tpu.memory_space<hbm>> -> memref<1x1x32xf32, #tpu.memory_space<hbm>>
      tpu.enqueue_dma source(%dma_start3A_352 : memref<1x1x32xf32, #tpu.memory_space<hbm>>) target(%dma_start3A_350 : memref<1x1x32xf32, #tpu.memory_space<vmem>>) target_semaphore(%arg15 : memref<!tpu.dma_semaphore, #tpu.memory_space<semaphore_mem>>)
      %slice3A_353 = vector.extract_strided_slice %get3A_247 {offsets = [5], sizes = [1], strides = [1]} : vector<16xi32> to vector<1xi32>
      %squeeze3A_354 = vector.extract %slice3A_353[0] : i32 from vector<1xi32>
      %shift_right_arithmetic3A_355 = arith.constant 3 : i32
      %shift_right_arithmetic3A_356 = arith.shrsi %squeeze3A_354, %shift_right_arithmetic3A_355 : i32
      %slice3A_357 = vector.extract_strided_slice %get3A_247 {offsets = [5], sizes = [1], strides = [1]} : vector<16xi32> to vector<1xi32>
      %squeeze3A_358 = vector.extract %slice3A_357[0] : i32 from vector<1xi32>
      %and3A_359 = arith.constant 7 : i32
      %and3A_360 = arith.andi %squeeze3A_358, %and3A_359 : i32
      %mul3A_361 = arith.constant 2 : i32
      %mul3A_362 = arith.muli %scan3A_241, %mul3A_361 : i32
      %add3A_363 = arith.constant 0 : i32
      %add3A_364 = arith.addi %mul3A_362, %add3A_363 : i32
      %dma_start3A_365 = arith.constant 5 : i32
      %dma_start3A_366 = arith.constant 0 : i32
      %dma_start3A_367 = tpu.memref_slice %arg11[%add3A_364, %dma_start3A_365, %dma_start3A_366] : memref<16x8x32xf32, #tpu.memory_space<vmem>> -> memref<1x1x32xf32, #tpu.memory_space<vmem>>
      %dma_start3A_368 = arith.constant 0 : i32
      %dma_start3A_369 = tpu.memref_slice %arg2[%shift_right_arithmetic3A_356, %and3A_360, %dma_start3A_368] : memref<125000x8x32xf32, #tpu.memory_space<hbm>> -> memref<1x1x32xf32, #tpu.memory_space<hbm>>
      %dma_start3A_370 = arith.constant 5 : i32
      %dma_start3A_371 = arith.constant 0 : i32
      %dma_start3A_372 = tpu.memref_slice %arg11[%add3A_364, %dma_start3A_370, %dma_start3A_371] : memref<16x8x32xf32, #tpu.memory_space<vmem>> -> memref<1x1x32xf32, #tpu.memory_space<vmem>>
      %dma_start3A_373 = arith.constant 0 : i32
      %dma_start3A_374 = tpu.memref_slice %arg2[%shift_right_arithmetic3A_356, %and3A_360, %dma_start3A_373] : memref<125000x8x32xf32, #tpu.memory_space<hbm>> -> memref<1x1x32xf32, #tpu.memory_space<hbm>>
      tpu.enqueue_dma source(%dma_start3A_374 : memref<1x1x32xf32, #tpu.memory_space<hbm>>) target(%dma_start3A_372 : memref<1x1x32xf32, #tpu.memory_space<vmem>>) target_semaphore(%arg15 : memref<!tpu.dma_semaphore, #tpu.memory_space<semaphore_mem>>)
      %slice3A_375 = vector.extract_strided_slice %get3A_247 {offsets = [6], sizes = [1], strides = [1]} : vector<16xi32> to vector<1xi32>
      %squeeze3A_376 = vector.extract %slice3A_375[0] : i32 from vector<1xi32>
      %shift_right_arithmetic3A_377 = arith.constant 3 : i32
      %shift_right_arithmetic3A_378 = arith.shrsi %squeeze3A_376, %shift_right_arithmetic3A_377 : i32
      %slice3A_379 = vector.extract_strided_slice %get3A_247 {offsets = [6], sizes = [1], strides = [1]} : vector<16xi32> to vector<1xi32>
      %squeeze3A_380 = vector.extract %slice3A_379[0] : i32 from vector<1xi32>
      %and3A_381 = arith.constant 7 : i32
      %and3A_382 = arith.andi %squeeze3A_380, %and3A_381 : i32
      %mul3A_383 = arith.constant 2 : i32
      %mul3A_384 = arith.muli %scan3A_241, %mul3A_383 : i32
      %add3A_385 = arith.constant 0 : i32
      %add3A_386 = arith.addi %mul3A_384, %add3A_385 : i32
      %dma_start3A_387 = arith.constant 6 : i32
      %dma_start3A_388 = arith.constant 0 : i32
      %dma_start3A_389 = tpu.memref_slice %arg11[%add3A_386, %dma_start3A_387, %dma_start3A_388] : memref<16x8x32xf32, #tpu.memory_space<vmem>> -> memref<1x1x32xf32, #tpu.memory_space<vmem>>
      %dma_start3A_390 = arith.constant 0 : i32
      %dma_start3A_391 = tpu.memref_slice %arg2[%shift_right_arithmetic3A_378, %and3A_382, %dma_start3A_390] : memref<125000x8x32xf32, #tpu.memory_space<hbm>> -> memref<1x1x32xf32, #tpu.memory_space<hbm>>
      %dma_start3A_392 = arith.constant 6 : i32
      %dma_start3A_393 = arith.constant 0 : i32
      %dma_start3A_394 = tpu.memref_slice %arg11[%add3A_386, %dma_start3A_392, %dma_start3A_393] : memref<16x8x32xf32, #tpu.memory_space<vmem>> -> memref<1x1x32xf32, #tpu.memory_space<vmem>>
      %dma_start3A_395 = arith.constant 0 : i32
      %dma_start3A_396 = tpu.memref_slice %arg2[%shift_right_arithmetic3A_378, %and3A_382, %dma_start3A_395] : memref<125000x8x32xf32, #tpu.memory_space<hbm>> -> memref<1x1x32xf32, #tpu.memory_space<hbm>>
      tpu.enqueue_dma source(%dma_start3A_396 : memref<1x1x32xf32, #tpu.memory_space<hbm>>) target(%dma_start3A_394 : memref<1x1x32xf32, #tpu.memory_space<vmem>>) target_semaphore(%arg15 : memref<!tpu.dma_semaphore, #tpu.memory_space<semaphore_mem>>)
      %slice3A_397 = vector.extract_strided_slice %get3A_247 {offsets = [7], sizes = [1], strides = [1]} : vector<16xi32> to vector<1xi32>
      %squeeze3A_398 = vector.extract %slice3A_397[0] : i32 from vector<1xi32>
      %shift_right_arithmetic3A_399 = arith.constant 3 : i32
      %shift_right_arithmetic3A_400 = arith.shrsi %squeeze3A_398, %shift_right_arithmetic3A_399 : i32
      %slice3A_401 = vector.extract_strided_slice %get3A_247 {offsets = [7], sizes = [1], strides = [1]} : vector<16xi32> to vector<1xi32>
      %squeeze3A_402 = vector.extract %slice3A_401[0] : i32 from vector<1xi32>
      %and3A_403 = arith.constant 7 : i32
      %and3A_404 = arith.andi %squeeze3A_402, %and3A_403 : i32
      %mul3A_405 = arith.constant 2 : i32
      %mul3A_406 = arith.muli %scan3A_241, %mul3A_405 : i32
      %add3A_407 = arith.constant 0 : i32
      %add3A_408 = arith.addi %mul3A_406, %add3A_407 : i32
      %dma_start3A_409 = arith.constant 7 : i32
      %dma_start3A_410 = arith.constant 0 : i32
      %dma_start3A_411 = tpu.memref_slice %arg11[%add3A_408, %dma_start3A_409, %dma_start3A_410] : memref<16x8x32xf32, #tpu.memory_space<vmem>> -> memref<1x1x32xf32, #tpu.memory_space<vmem>>
      %dma_start3A_412 = arith.constant 0 : i32
      %dma_start3A_413 = tpu.memref_slice %arg2[%shift_right_arithmetic3A_400, %and3A_404, %dma_start3A_412] : memref<125000x8x32xf32, #tpu.memory_space<hbm>> -> memref<1x1x32xf32, #tpu.memory_space<hbm>>
      %dma_start3A_414 = arith.constant 7 : i32
      %dma_start3A_415 = arith.constant 0 : i32
      %dma_start3A_416 = tpu.memref_slice %arg11[%add3A_408, %dma_start3A_414, %dma_start3A_415] : memref<16x8x32xf32, #tpu.memory_space<vmem>> -> memref<1x1x32xf32, #tpu.memory_space<vmem>>
      %dma_start3A_417 = arith.constant 0 : i32
      %dma_start3A_418 = tpu.memref_slice %arg2[%shift_right_arithmetic3A_400, %and3A_404, %dma_start3A_417] : memref<125000x8x32xf32, #tpu.memory_space<hbm>> -> memref<1x1x32xf32, #tpu.memory_space<hbm>>
      tpu.enqueue_dma source(%dma_start3A_418 : memref<1x1x32xf32, #tpu.memory_space<hbm>>) target(%dma_start3A_416 : memref<1x1x32xf32, #tpu.memory_space<vmem>>) target_semaphore(%arg15 : memref<!tpu.dma_semaphore, #tpu.memory_space<semaphore_mem>>)
      %slice3A_419 = vector.extract_strided_slice %get3A_247 {offsets = [8], sizes = [1], strides = [1]} : vector<16xi32> to vector<1xi32>
      %squeeze3A_420 = vector.extract %slice3A_419[0] : i32 from vector<1xi32>
      %shift_right_arithmetic3A_421 = arith.constant 3 : i32
      %shift_right_arithmetic3A_422 = arith.shrsi %squeeze3A_420, %shift_right_arithmetic3A_421 : i32
      %slice3A_423 = vector.extract_strided_slice %get3A_247 {offsets = [8], sizes = [1], strides = [1]} : vector<16xi32> to vector<1xi32>
      %squeeze3A_424 = vector.extract %slice3A_423[0] : i32 from vector<1xi32>
      %and3A_425 = arith.constant 7 : i32
      %and3A_426 = arith.andi %squeeze3A_424, %and3A_425 : i32
      %mul3A_427 = arith.constant 2 : i32
      %mul3A_428 = arith.muli %scan3A_241, %mul3A_427 : i32
      %add3A_429 = arith.constant 1 : i32
      %add3A_430 = arith.addi %mul3A_428, %add3A_429 : i32
      %dma_start3A_431 = arith.constant 0 : i32
      %dma_start3A_432 = arith.constant 0 : i32
      %dma_start3A_433 = tpu.memref_slice %arg11[%add3A_430, %dma_start3A_431, %dma_start3A_432] : memref<16x8x32xf32, #tpu.memory_space<vmem>> -> memref<1x1x32xf32, #tpu.memory_space<vmem>>
      %dma_start3A_434 = arith.constant 0 : i32
      %dma_start3A_435 = tpu.memref_slice %arg2[%shift_right_arithmetic3A_422, %and3A_426, %dma_start3A_434] : memref<125000x8x32xf32, #tpu.memory_space<hbm>> -> memref<1x1x32xf32, #tpu.memory_space<hbm>>
      %dma_start3A_436 = arith.constant 0 : i32
      %dma_start3A_437 = arith.constant 0 : i32
      %dma_start3A_438 = tpu.memref_slice %arg11[%add3A_430, %dma_start3A_436, %dma_start3A_437] : memref<16x8x32xf32, #tpu.memory_space<vmem>> -> memref<1x1x32xf32, #tpu.memory_space<vmem>>
      %dma_start3A_439 = arith.constant 0 : i32
      %dma_start3A_440 = tpu.memref_slice %arg2[%shift_right_arithmetic3A_422, %and3A_426, %dma_start3A_439] : memref<125000x8x32xf32, #tpu.memory_space<hbm>> -> memref<1x1x32xf32, #tpu.memory_space<hbm>>
      tpu.enqueue_dma source(%dma_start3A_440 : memref<1x1x32xf32, #tpu.memory_space<hbm>>) target(%dma_start3A_438 : memref<1x1x32xf32, #tpu.memory_space<vmem>>) target_semaphore(%arg15 : memref<!tpu.dma_semaphore, #tpu.memory_space<semaphore_mem>>)
      %slice3A_441 = vector.extract_strided_slice %get3A_247 {offsets = [9], sizes = [1], strides = [1]} : vector<16xi32> to vector<1xi32>
      %squeeze3A_442 = vector.extract %slice3A_441[0] : i32 from vector<1xi32>
      %shift_right_arithmetic3A_443 = arith.constant 3 : i32
      %shift_right_arithmetic3A_444 = arith.shrsi %squeeze3A_442, %shift_right_arithmetic3A_443 : i32
      %slice3A_445 = vector.extract_strided_slice %get3A_247 {offsets = [9], sizes = [1], strides = [1]} : vector<16xi32> to vector<1xi32>
      %squeeze3A_446 = vector.extract %slice3A_445[0] : i32 from vector<1xi32>
      %and3A_447 = arith.constant 7 : i32
      %and3A_448 = arith.andi %squeeze3A_446, %and3A_447 : i32
      %mul3A_449 = arith.constant 2 : i32
      %mul3A_450 = arith.muli %scan3A_241, %mul3A_449 : i32
      %add3A_451 = arith.constant 1 : i32
      %add3A_452 = arith.addi %mul3A_450, %add3A_451 : i32
      %dma_start3A_453 = arith.constant 1 : i32
      %dma_start3A_454 = arith.constant 0 : i32
      %dma_start3A_455 = tpu.memref_slice %arg11[%add3A_452, %dma_start3A_453, %dma_start3A_454] : memref<16x8x32xf32, #tpu.memory_space<vmem>> -> memref<1x1x32xf32, #tpu.memory_space<vmem>>
      %dma_start3A_456 = arith.constant 0 : i32
      %dma_start3A_457 = tpu.memref_slice %arg2[%shift_right_arithmetic3A_444, %and3A_448, %dma_start3A_456] : memref<125000x8x32xf32, #tpu.memory_space<hbm>> -> memref<1x1x32xf32, #tpu.memory_space<hbm>>
      %dma_start3A_458 = arith.constant 1 : i32
      %dma_start3A_459 = arith.constant 0 : i32
      %dma_start3A_460 = tpu.memref_slice %arg11[%add3A_452, %dma_start3A_458, %dma_start3A_459] : memref<16x8x32xf32, #tpu.memory_space<vmem>> -> memref<1x1x32xf32, #tpu.memory_space<vmem>>
      %dma_start3A_461 = arith.constant 0 : i32
      %dma_start3A_462 = tpu.memref_slice %arg2[%shift_right_arithmetic3A_444, %and3A_448, %dma_start3A_461] : memref<125000x8x32xf32, #tpu.memory_space<hbm>> -> memref<1x1x32xf32, #tpu.memory_space<hbm>>
      tpu.enqueue_dma source(%dma_start3A_462 : memref<1x1x32xf32, #tpu.memory_space<hbm>>) target(%dma_start3A_460 : memref<1x1x32xf32, #tpu.memory_space<vmem>>) target_semaphore(%arg15 : memref<!tpu.dma_semaphore, #tpu.memory_space<semaphore_mem>>)
      %slice3A_463 = vector.extract_strided_slice %get3A_247 {offsets = [10], sizes = [1], strides = [1]} : vector<16xi32> to vector<1xi32>
      %squeeze3A_464 = vector.extract %slice3A_463[0] : i32 from vector<1xi32>
      %shift_right_arithmetic3A_465 = arith.constant 3 : i32
      %shift_right_arithmetic3A_466 = arith.shrsi %squeeze3A_464, %shift_right_arithmetic3A_465 : i32
      %slice3A_467 = vector.extract_strided_slice %get3A_247 {offsets = [10], sizes = [1], strides = [1]} : vector<16xi32> to vector<1xi32>
      %squeeze3A_468 = vector.extract %slice3A_467[0] : i32 from vector<1xi32>
      %and3A_469 = arith.constant 7 : i32
      %and3A_470 = arith.andi %squeeze3A_468, %and3A_469 : i32
      %mul3A_471 = arith.constant 2 : i32
      %mul3A_472 = arith.muli %scan3A_241, %mul3A_471 : i32
      %add3A_473 = arith.constant 1 : i32
      %add3A_474 = arith.addi %mul3A_472, %add3A_473 : i32
      %dma_start3A_475 = arith.constant 2 : i32
      %dma_start3A_476 = arith.constant 0 : i32
      %dma_start3A_477 = tpu.memref_slice %arg11[%add3A_474, %dma_start3A_475, %dma_start3A_476] : memref<16x8x32xf32, #tpu.memory_space<vmem>> -> memref<1x1x32xf32, #tpu.memory_space<vmem>>
      %dma_start3A_478 = arith.constant 0 : i32
      %dma_start3A_479 = tpu.memref_slice %arg2[%shift_right_arithmetic3A_466, %and3A_470, %dma_start3A_478] : memref<125000x8x32xf32, #tpu.memory_space<hbm>> -> memref<1x1x32xf32, #tpu.memory_space<hbm>>
      %dma_start3A_480 = arith.constant 2 : i32
      %dma_start3A_481 = arith.constant 0 : i32
      %dma_start3A_482 = tpu.memref_slice %arg11[%add3A_474, %dma_start3A_480, %dma_start3A_481] : memref<16x8x32xf32, #tpu.memory_space<vmem>> -> memref<1x1x32xf32, #tpu.memory_space<vmem>>
      %dma_start3A_483 = arith.constant 0 : i32
      %dma_start3A_484 = tpu.memref_slice %arg2[%shift_right_arithmetic3A_466, %and3A_470, %dma_start3A_483] : memref<125000x8x32xf32, #tpu.memory_space<hbm>> -> memref<1x1x32xf32, #tpu.memory_space<hbm>>
      tpu.enqueue_dma source(%dma_start3A_484 : memref<1x1x32xf32, #tpu.memory_space<hbm>>) target(%dma_start3A_482 : memref<1x1x32xf32, #tpu.memory_space<vmem>>) target_semaphore(%arg15 : memref<!tpu.dma_semaphore, #tpu.memory_space<semaphore_mem>>)
      %slice3A_485 = vector.extract_strided_slice %get3A_247 {offsets = [11], sizes = [1], strides = [1]} : vector<16xi32> to vector<1xi32>
      %squeeze3A_486 = vector.extract %slice3A_485[0] : i32 from vector<1xi32>
      %shift_right_arithmetic3A_487 = arith.constant 3 : i32
      %shift_right_arithmetic3A_488 = arith.shrsi %squeeze3A_486, %shift_right_arithmetic3A_487 : i32
      %slice3A_489 = vector.extract_strided_slice %get3A_247 {offsets = [11], sizes = [1], strides = [1]} : vector<16xi32> to vector<1xi32>
      %squeeze3A_490 = vector.extract %slice3A_489[0] : i32 from vector<1xi32>
      %and3A_491 = arith.constant 7 : i32
      %and3A_492 = arith.andi %squeeze3A_490, %and3A_491 : i32
      %mul3A_493 = arith.constant 2 : i32
      %mul3A_494 = arith.muli %scan3A_241, %mul3A_493 : i32
      %add3A_495 = arith.constant 1 : i32
      %add3A_496 = arith.addi %mul3A_494, %add3A_495 : i32
      %dma_start3A_497 = arith.constant 3 : i32
      %dma_start3A_498 = arith.constant 0 : i32
      %dma_start3A_499 = tpu.memref_slice %arg11[%add3A_496, %dma_start3A_497, %dma_start3A_498] : memref<16x8x32xf32, #tpu.memory_space<vmem>> -> memref<1x1x32xf32, #tpu.memory_space<vmem>>
      %dma_start3A_500 = arith.constant 0 : i32
      %dma_start3A_501 = tpu.memref_slice %arg2[%shift_right_arithmetic3A_488, %and3A_492, %dma_start3A_500] : memref<125000x8x32xf32, #tpu.memory_space<hbm>> -> memref<1x1x32xf32, #tpu.memory_space<hbm>>
      %dma_start3A_502 = arith.constant 3 : i32
      %dma_start3A_503 = arith.constant 0 : i32
      %dma_start3A_504 = tpu.memref_slice %arg11[%add3A_496, %dma_start3A_502, %dma_start3A_503] : memref<16x8x32xf32, #tpu.memory_space<vmem>> -> memref<1x1x32xf32, #tpu.memory_space<vmem>>
      %dma_start3A_505 = arith.constant 0 : i32
      %dma_start3A_506 = tpu.memref_slice %arg2[%shift_right_arithmetic3A_488, %and3A_492, %dma_start3A_505] : memref<125000x8x32xf32, #tpu.memory_space<hbm>> -> memref<1x1x32xf32, #tpu.memory_space<hbm>>
      tpu.enqueue_dma source(%dma_start3A_506 : memref<1x1x32xf32, #tpu.memory_space<hbm>>) target(%dma_start3A_504 : memref<1x1x32xf32, #tpu.memory_space<vmem>>) target_semaphore(%arg15 : memref<!tpu.dma_semaphore, #tpu.memory_space<semaphore_mem>>)
      %slice3A_507 = vector.extract_strided_slice %get3A_247 {offsets = [12], sizes = [1], strides = [1]} : vector<16xi32> to vector<1xi32>
      %squeeze3A_508 = vector.extract %slice3A_507[0] : i32 from vector<1xi32>
      %shift_right_arithmetic3A_509 = arith.constant 3 : i32
      %shift_right_arithmetic3A_510 = arith.shrsi %squeeze3A_508, %shift_right_arithmetic3A_509 : i32
      %slice3A_511 = vector.extract_strided_slice %get3A_247 {offsets = [12], sizes = [1], strides = [1]} : vector<16xi32> to vector<1xi32>
      %squeeze3A_512 = vector.extract %slice3A_511[0] : i32 from vector<1xi32>
      %and3A_513 = arith.constant 7 : i32
      %and3A_514 = arith.andi %squeeze3A_512, %and3A_513 : i32
      %mul3A_515 = arith.constant 2 : i32
      %mul3A_516 = arith.muli %scan3A_241, %mul3A_515 : i32
      %add3A_517 = arith.constant 1 : i32
      %add3A_518 = arith.addi %mul3A_516, %add3A_517 : i32
      %dma_start3A_519 = arith.constant 4 : i32
      %dma_start3A_520 = arith.constant 0 : i32
      %dma_start3A_521 = tpu.memref_slice %arg11[%add3A_518, %dma_start3A_519, %dma_start3A_520] : memref<16x8x32xf32, #tpu.memory_space<vmem>> -> memref<1x1x32xf32, #tpu.memory_space<vmem>>
      %dma_start3A_522 = arith.constant 0 : i32
      %dma_start3A_523 = tpu.memref_slice %arg2[%shift_right_arithmetic3A_510, %and3A_514, %dma_start3A_522] : memref<125000x8x32xf32, #tpu.memory_space<hbm>> -> memref<1x1x32xf32, #tpu.memory_space<hbm>>
      %dma_start3A_524 = arith.constant 4 : i32
      %dma_start3A_525 = arith.constant 0 : i32
      %dma_start3A_526 = tpu.memref_slice %arg11[%add3A_518, %dma_start3A_524, %dma_start3A_525] : memref<16x8x32xf32, #tpu.memory_space<vmem>> -> memref<1x1x32xf32, #tpu.memory_space<vmem>>
      %dma_start3A_527 = arith.constant 0 : i32
      %dma_start3A_528 = tpu.memref_slice %arg2[%shift_right_arithmetic3A_510, %and3A_514, %dma_start3A_527] : memref<125000x8x32xf32, #tpu.memory_space<hbm>> -> memref<1x1x32xf32, #tpu.memory_space<hbm>>
      tpu.enqueue_dma source(%dma_start3A_528 : memref<1x1x32xf32, #tpu.memory_space<hbm>>) target(%dma_start3A_526 : memref<1x1x32xf32, #tpu.memory_space<vmem>>) target_semaphore(%arg15 : memref<!tpu.dma_semaphore, #tpu.memory_space<semaphore_mem>>)
      %slice3A_529 = vector.extract_strided_slice %get3A_247 {offsets = [13], sizes = [1], strides = [1]} : vector<16xi32> to vector<1xi32>
      %squeeze3A_530 = vector.extract %slice3A_529[0] : i32 from vector<1xi32>
      %shift_right_arithmetic3A_531 = arith.constant 3 : i32
      %shift_right_arithmetic3A_532 = arith.shrsi %squeeze3A_530, %shift_right_arithmetic3A_531 : i32
      %slice3A_533 = vector.extract_strided_slice %get3A_247 {offsets = [13], sizes = [1], strides = [1]} : vector<16xi32> to vector<1xi32>
      %squeeze3A_534 = vector.extract %slice3A_533[0] : i32 from vector<1xi32>
      %and3A_535 = arith.constant 7 : i32
      %and3A_536 = arith.andi %squeeze3A_534, %and3A_535 : i32
      %mul3A_537 = arith.constant 2 : i32
      %mul3A_538 = arith.muli %scan3A_241, %mul3A_537 : i32
      %add3A_539 = arith.constant 1 : i32
      %add3A_540 = arith.addi %mul3A_538, %add3A_539 : i32
      %dma_start3A_541 = arith.constant 5 : i32
      %dma_start3A_542 = arith.constant 0 : i32
      %dma_start3A_543 = tpu.memref_slice %arg11[%add3A_540, %dma_start3A_541, %dma_start3A_542] : memref<16x8x32xf32, #tpu.memory_space<vmem>> -> memref<1x1x32xf32, #tpu.memory_space<vmem>>
      %dma_start3A_544 = arith.constant 0 : i32
      %dma_start3A_545 = tpu.memref_slice %arg2[%shift_right_arithmetic3A_532, %and3A_536, %dma_start3A_544] : memref<125000x8x32xf32, #tpu.memory_space<hbm>> -> memref<1x1x32xf32, #tpu.memory_space<hbm>>
      %dma_start3A_546 = arith.constant 5 : i32
      %dma_start3A_547 = arith.constant 0 : i32
      %dma_start3A_548 = tpu.memref_slice %arg11[%add3A_540, %dma_start3A_546, %dma_start3A_547] : memref<16x8x32xf32, #tpu.memory_space<vmem>> -> memref<1x1x32xf32, #tpu.memory_space<vmem>>
      %dma_start3A_549 = arith.constant 0 : i32
      %dma_start3A_550 = tpu.memref_slice %arg2[%shift_right_arithmetic3A_532, %and3A_536, %dma_start3A_549] : memref<125000x8x32xf32, #tpu.memory_space<hbm>> -> memref<1x1x32xf32, #tpu.memory_space<hbm>>
      tpu.enqueue_dma source(%dma_start3A_550 : memref<1x1x32xf32, #tpu.memory_space<hbm>>) target(%dma_start3A_548 : memref<1x1x32xf32, #tpu.memory_space<vmem>>) target_semaphore(%arg15 : memref<!tpu.dma_semaphore, #tpu.memory_space<semaphore_mem>>)
      %slice3A_551 = vector.extract_strided_slice %get3A_247 {offsets = [14], sizes = [1], strides = [1]} : vector<16xi32> to vector<1xi32>
      %squeeze3A_552 = vector.extract %slice3A_551[0] : i32 from vector<1xi32>
      %shift_right_arithmetic3A_553 = arith.constant 3 : i32
      %shift_right_arithmetic3A_554 = arith.shrsi %squeeze3A_552, %shift_right_arithmetic3A_553 : i32
      %slice3A_555 = vector.extract_strided_slice %get3A_247 {offsets = [14], sizes = [1], strides = [1]} : vector<16xi32> to vector<1xi32>
      %squeeze3A_556 = vector.extract %slice3A_555[0] : i32 from vector<1xi32>
      %and3A_557 = arith.constant 7 : i32
      %and3A_558 = arith.andi %squeeze3A_556, %and3A_557 : i32
      %mul3A_559 = arith.constant 2 : i32
      %mul3A_560 = arith.muli %scan3A_241, %mul3A_559 : i32
      %add3A_561 = arith.constant 1 : i32
      %add3A_562 = arith.addi %mul3A_560, %add3A_561 : i32
      %dma_start3A_563 = arith.constant 6 : i32
      %dma_start3A_564 = arith.constant 0 : i32
      %dma_start3A_565 = tpu.memref_slice %arg11[%add3A_562, %dma_start3A_563, %dma_start3A_564] : memref<16x8x32xf32, #tpu.memory_space<vmem>> -> memref<1x1x32xf32, #tpu.memory_space<vmem>>
      %dma_start3A_566 = arith.constant 0 : i32
      %dma_start3A_567 = tpu.memref_slice %arg2[%shift_right_arithmetic3A_554, %and3A_558, %dma_start3A_566] : memref<125000x8x32xf32, #tpu.memory_space<hbm>> -> memref<1x1x32xf32, #tpu.memory_space<hbm>>
      %dma_start3A_568 = arith.constant 6 : i32
      %dma_start3A_569 = arith.constant 0 : i32
      %dma_start3A_570 = tpu.memref_slice %arg11[%add3A_562, %dma_start3A_568, %dma_start3A_569] : memref<16x8x32xf32, #tpu.memory_space<vmem>> -> memref<1x1x32xf32, #tpu.memory_space<vmem>>
      %dma_start3A_571 = arith.constant 0 : i32
      %dma_start3A_572 = tpu.memref_slice %arg2[%shift_right_arithmetic3A_554, %and3A_558, %dma_start3A_571] : memref<125000x8x32xf32, #tpu.memory_space<hbm>> -> memref<1x1x32xf32, #tpu.memory_space<hbm>>
      tpu.enqueue_dma source(%dma_start3A_572 : memref<1x1x32xf32, #tpu.memory_space<hbm>>) target(%dma_start3A_570 : memref<1x1x32xf32, #tpu.memory_space<vmem>>) target_semaphore(%arg15 : memref<!tpu.dma_semaphore, #tpu.memory_space<semaphore_mem>>)
      %slice3A_573 = vector.extract_strided_slice %get3A_247 {offsets = [15], sizes = [1], strides = [1]} : vector<16xi32> to vector<1xi32>
      %squeeze3A_574 = vector.extract %slice3A_573[0] : i32 from vector<1xi32>
      %shift_right_arithmetic3A_575 = arith.constant 3 : i32
      %shift_right_arithmetic3A_576 = arith.shrsi %squeeze3A_574, %shift_right_arithmetic3A_575 : i32
      %slice3A_577 = vector.extract_strided_slice %get3A_247 {offsets = [15], sizes = [1], strides = [1]} : vector<16xi32> to vector<1xi32>
      %squeeze3A_578 = vector.extract %slice3A_577[0] : i32 from vector<1xi32>
      %and3A_579 = arith.constant 7 : i32
      %and3A_580 = arith.andi %squeeze3A_578, %and3A_579 : i32
      %mul3A_581 = arith.constant 2 : i32
      %mul3A_582 = arith.muli %scan3A_241, %mul3A_581 : i32
      %add3A_583 = arith.constant 1 : i32
      %add3A_584 = arith.addi %mul3A_582, %add3A_583 : i32
      %dma_start3A_585 = arith.constant 7 : i32
      %dma_start3A_586 = arith.constant 0 : i32
      %dma_start3A_587 = tpu.memref_slice %arg11[%add3A_584, %dma_start3A_585, %dma_start3A_586] : memref<16x8x32xf32, #tpu.memory_space<vmem>> -> memref<1x1x32xf32, #tpu.memory_space<vmem>>
      %dma_start3A_588 = arith.constant 0 : i32
      %dma_start3A_589 = tpu.memref_slice %arg2[%shift_right_arithmetic3A_576, %and3A_580, %dma_start3A_588] : memref<125000x8x32xf32, #tpu.memory_space<hbm>> -> memref<1x1x32xf32, #tpu.memory_space<hbm>>
      %dma_start3A_590 = arith.constant 7 : i32
      %dma_start3A_591 = arith.constant 0 : i32
      %dma_start3A_592 = tpu.memref_slice %arg11[%add3A_584, %dma_start3A_590, %dma_start3A_591] : memref<16x8x32xf32, #tpu.memory_space<vmem>> -> memref<1x1x32xf32, #tpu.memory_space<vmem>>
      %dma_start3A_593 = arith.constant 0 : i32
      %dma_start3A_594 = tpu.memref_slice %arg2[%shift_right_arithmetic3A_576, %and3A_580, %dma_start3A_593] : memref<125000x8x32xf32, #tpu.memory_space<hbm>> -> memref<1x1x32xf32, #tpu.memory_space<hbm>>
      tpu.enqueue_dma source(%dma_start3A_594 : memref<1x1x32xf32, #tpu.memory_space<hbm>>) target(%dma_start3A_592 : memref<1x1x32xf32, #tpu.memory_space<vmem>>) target_semaphore(%arg15 : memref<!tpu.dma_semaphore, #tpu.memory_space<semaphore_mem>>)
      %scan3A_595 = arith.constant 0 : i32
      scf.yield %scan3A_595 : i32
    }
    %scan3A_148 = arith.constant 8 : i32
    %dma_wait3A_149 = arith.constant 0 : i32
    %dma_wait3A_150 = arith.constant 0 : i32
    %dma_wait3A_151 = arith.constant 0 : i32
    %dma_wait3A_152 = tpu.memref_slice %arg2[%dma_wait3A_149, %dma_wait3A_150, %dma_wait3A_151] : memref<125000x8x32xf32, #tpu.memory_space<hbm>> -> memref<16x8x32xf32, #tpu.memory_space<hbm>>
    %dma_wait3A_153 = arith.constant 0 : i32
    %dma_wait3A_154 = arith.constant 0 : i32
    %dma_wait3A_155 = arith.constant 0 : i32
    %dma_wait3A_156 = tpu.memref_slice %arg2[%dma_wait3A_153, %dma_wait3A_154, %dma_wait3A_155] : memref<125000x8x32xf32, #tpu.memory_space<hbm>> -> memref<16x8x32xf32, #tpu.memory_space<hbm>>
    tpu.wait_dma2 semaphore(%arg12 : memref<!tpu.dma_semaphore, #tpu.memory_space<semaphore_mem>>) src(%dma_wait3A_156 : memref<16x8x32xf32, #tpu.memory_space<hbm>>) dst(%arg8 : memref<16x8x32xf32, #tpu.memory_space<vmem>>)
    %add3A_157 = arith.constant 0 : i32
    %add3A_158 = arith.addi %mul3A_2, %add3A_157 : i32
    %scan3A_159 = arith.constant 0 : i32
    %scan3A_160 = arith.constant 0 : i32
    %scan3A_161 = arith.constant 128 : i32
    %scan3A_162 = arith.addi %scan3A_160, %scan3A_161 : i32
    %scan3A_163 = arith.constant 1 : i32
    %scan3A_164 = scf.for %scan3A_241 = %scan3A_160 to %scan3A_162 step %scan3A_163 iter_args(%scan3A_242 = %scan3A_159) -> (i32)  : i32 {
      %jit3A = arith.constant 8 : i32
      %div3A = arith.divsi %scan3A_241, %jit3A : i32
      %sign3A = arith.constant 0 : i32
      %sign3A_243 = arith.cmpi sgt, %scan3A_241, %sign3A : i32
      %sign3A_244 = arith.extui %sign3A_243 : i1 to i32
      %sign3A_245 = arith.constant 0 : i32
      %sign3A_246 = arith.cmpi slt, %scan3A_241, %sign3A_245 : i32
      %sign3A_247 = arith.extui %sign3A_246 : i1 to i32
      %sign3A_248 = arith.subi %sign3A_244, %sign3A_247 : i32
      %sign3A_249 = arith.constant 0 : i32
      %sign3A_250 = arith.cmpi sgt, %jit3A, %sign3A_249 : i32
      %sign3A_251 = arith.extui %sign3A_250 : i1 to i32
      %sign3A_252 = arith.constant 0 : i32
      %sign3A_253 = arith.cmpi slt, %jit3A, %sign3A_252 : i32
      %sign3A_254 = arith.extui %sign3A_253 : i1 to i32
      %sign3A_255 = arith.subi %sign3A_251, %sign3A_254 : i32
      %ne3A = arith.cmpi ne, %sign3A_248, %sign3A_255 : i32
      %rem3A = arith.remsi %scan3A_241, %jit3A : i32
      %ne3A_256 = arith.constant 0 : i32
      %ne3A_257 = arith.cmpi ne, %rem3A, %ne3A_256 : i32
      %and3A = arith.andi %ne3A, %ne3A_257 : i1
      %sub3A = arith.constant 1 : i32
      %sub3A_258 = arith.subi %div3A, %sub3A : i32
      %select_n3A = arith.select %and3A, %sub3A_258, %div3A : i32
      %jit3A_259 = arith.constant 8 : i32
      %eq3A = arith.constant 0 : i32
      %eq3A_260 = arith.cmpi eq, %jit3A_259, %eq3A : i32
      %jit3A_261 = arith.constant 1 : i32
      %select_n3A_262 = arith.select %eq3A_260, %jit3A_261, %jit3A_259 : i32
      %rem3A_263 = arith.remsi %scan3A_241, %select_n3A_262 : i32
      %ne3A_264 = arith.constant 0 : i32
      %ne3A_265 = arith.cmpi ne, %rem3A_263, %ne3A_264 : i32
      %lt3A = arith.constant 0 : i32
      %lt3A_266 = arith.cmpi slt, %rem3A_263, %lt3A : i32
      %lt3A_267 = arith.constant 0 : i32
      %lt3A_268 = arith.cmpi slt, %select_n3A_262, %lt3A_267 : i32
      %ne3A_269 = arith.xori %lt3A_266, %lt3A_268 : i1
      %and3A_270 = arith.andi %ne3A_269, %ne3A_265 : i1
      %add3A_271 = arith.addi %rem3A_263, %select_n3A_262 : i32
      %select_n3A_272 = arith.select %and3A_270, %add3A_271, %rem3A_263 : i32
      %add3A_273 = arith.addi %add3A_158, %scan3A_241 : i32
      %dma_start3A = arith.constant 0 : i32
      %dma_start3A_274 = tpu.memref_slice %arg8[%select_n3A, %select_n3A_272, %dma_start3A] : memref<16x8x32xf32, #tpu.memory_space<vmem>> -> memref<1x1x32xf32, #tpu.memory_space<vmem>>
      %dma_start3A_275 = tpu.memref_squeeze %dma_start3A_274 : memref<1x1x32xf32, #tpu.memory_space<vmem>> -> memref<32xf32, #tpu.memory_space<vmem>>
      %dma_start3A_276 = arith.constant 0 : i32
      %dma_start3A_277 = tpu.memref_slice %arg6[%add3A_273, %dma_start3A_276] : memref<16384x32xf32, #tpu.memory_space<hbm>> -> memref<1x32xf32, #tpu.memory_space<hbm>>
      %dma_start3A_278 = tpu.memref_squeeze %dma_start3A_277 : memref<1x32xf32, #tpu.memory_space<hbm>> -> memref<32xf32, #tpu.memory_space<hbm>>
      %dma_start3A_279 = arith.constant 0 : i32
      %dma_start3A_280 = tpu.memref_slice %arg6[%add3A_273, %dma_start3A_279] : memref<16384x32xf32, #tpu.memory_space<hbm>> -> memref<1x32xf32, #tpu.memory_space<hbm>>
      %dma_start3A_281 = tpu.memref_squeeze %dma_start3A_280 : memref<1x32xf32, #tpu.memory_space<hbm>> -> memref<32xf32, #tpu.memory_space<hbm>>
      %dma_start3A_282 = arith.constant 0 : i32
      %dma_start3A_283 = tpu.memref_slice %arg8[%select_n3A, %select_n3A_272, %dma_start3A_282] : memref<16x8x32xf32, #tpu.memory_space<vmem>> -> memref<1x1x32xf32, #tpu.memory_space<vmem>>
      %dma_start3A_284 = tpu.memref_squeeze %dma_start3A_283 : memref<1x1x32xf32, #tpu.memory_space<vmem>> -> memref<32xf32, #tpu.memory_space<vmem>>
      tpu.enqueue_dma source(%dma_start3A_284 : memref<32xf32, #tpu.memory_space<vmem>>) target(%dma_start3A_281 : memref<32xf32, #tpu.memory_space<hbm>>) target_semaphore(%arg16 : memref<!tpu.dma_semaphore, #tpu.memory_space<semaphore_mem>>)
      %scan3A_285 = arith.constant 0 : i32
      scf.yield %scan3A_285 : i32
    }
    %scan3A_165 = arith.constant 128 : i32
    %dma_wait3A_166 = arith.constant 0 : i32
    %dma_wait3A_167 = arith.constant 0 : i32
    %dma_wait3A_168 = arith.constant 0 : i32
    %dma_wait3A_169 = tpu.memref_slice %arg2[%dma_wait3A_166, %dma_wait3A_167, %dma_wait3A_168] : memref<125000x8x32xf32, #tpu.memory_space<hbm>> -> memref<16x8x32xf32, #tpu.memory_space<hbm>>
    %dma_wait3A_170 = arith.constant 0 : i32
    %dma_wait3A_171 = arith.constant 0 : i32
    %dma_wait3A_172 = arith.constant 0 : i32
    %dma_wait3A_173 = tpu.memref_slice %arg2[%dma_wait3A_170, %dma_wait3A_171, %dma_wait3A_172] : memref<125000x8x32xf32, #tpu.memory_space<hbm>> -> memref<16x8x32xf32, #tpu.memory_space<hbm>>
    tpu.wait_dma2 semaphore(%arg13 : memref<!tpu.dma_semaphore, #tpu.memory_space<semaphore_mem>>) src(%dma_wait3A_173 : memref<16x8x32xf32, #tpu.memory_space<hbm>>) dst(%arg9 : memref<16x8x32xf32, #tpu.memory_space<vmem>>)
    %add3A_174 = arith.constant 128 : i32
    %add3A_175 = arith.addi %mul3A_2, %add3A_174 : i32
    %scan3A_176 = arith.constant 0 : i32
    %scan3A_177 = arith.constant 0 : i32
    %scan3A_178 = arith.constant 128 : i32
    %scan3A_179 = arith.addi %scan3A_177, %scan3A_178 : i32
    %scan3A_180 = arith.constant 1 : i32
    %scan3A_181 = scf.for %scan3A_241 = %scan3A_177 to %scan3A_179 step %scan3A_180 iter_args(%scan3A_242 = %scan3A_176) -> (i32)  : i32 {
      %jit3A = arith.constant 8 : i32
      %div3A = arith.divsi %scan3A_241, %jit3A : i32
      %sign3A = arith.constant 0 : i32
      %sign3A_243 = arith.cmpi sgt, %scan3A_241, %sign3A : i32
      %sign3A_244 = arith.extui %sign3A_243 : i1 to i32
      %sign3A_245 = arith.constant 0 : i32
      %sign3A_246 = arith.cmpi slt, %scan3A_241, %sign3A_245 : i32
      %sign3A_247 = arith.extui %sign3A_246 : i1 to i32
      %sign3A_248 = arith.subi %sign3A_244, %sign3A_247 : i32
      %sign3A_249 = arith.constant 0 : i32
      %sign3A_250 = arith.cmpi sgt, %jit3A, %sign3A_249 : i32
      %sign3A_251 = arith.extui %sign3A_250 : i1 to i32
      %sign3A_252 = arith.constant 0 : i32
      %sign3A_253 = arith.cmpi slt, %jit3A, %sign3A_252 : i32
      %sign3A_254 = arith.extui %sign3A_253 : i1 to i32
      %sign3A_255 = arith.subi %sign3A_251, %sign3A_254 : i32
      %ne3A = arith.cmpi ne, %sign3A_248, %sign3A_255 : i32
      %rem3A = arith.remsi %scan3A_241, %jit3A : i32
      %ne3A_256 = arith.constant 0 : i32
      %ne3A_257 = arith.cmpi ne, %rem3A, %ne3A_256 : i32
      %and3A = arith.andi %ne3A, %ne3A_257 : i1
      %sub3A = arith.constant 1 : i32
      %sub3A_258 = arith.subi %div3A, %sub3A : i32
      %select_n3A = arith.select %and3A, %sub3A_258, %div3A : i32
      %jit3A_259 = arith.constant 8 : i32
      %eq3A = arith.constant 0 : i32
      %eq3A_260 = arith.cmpi eq, %jit3A_259, %eq3A : i32
      %jit3A_261 = arith.constant 1 : i32
      %select_n3A_262 = arith.select %eq3A_260, %jit3A_261, %jit3A_259 : i32
      %rem3A_263 = arith.remsi %scan3A_241, %select_n3A_262 : i32
      %ne3A_264 = arith.constant 0 : i32
      %ne3A_265 = arith.cmpi ne, %rem3A_263, %ne3A_264 : i32
      %lt3A = arith.constant 0 : i32
      %lt3A_266 = arith.cmpi slt, %rem3A_263, %lt3A : i32
      %lt3A_267 = arith.constant 0 : i32
      %lt3A_268 = arith.cmpi slt, %select_n3A_262, %lt3A_267 : i32
      %ne3A_269 = arith.xori %lt3A_266, %lt3A_268 : i1
      %and3A_270 = arith.andi %ne3A_269, %ne3A_265 : i1
      %add3A_271 = arith.addi %rem3A_263, %select_n3A_262 : i32
      %select_n3A_272 = arith.select %and3A_270, %add3A_271, %rem3A_263 : i32
      %add3A_273 = arith.addi %add3A_175, %scan3A_241 : i32
      %dma_start3A = arith.constant 0 : i32
      %dma_start3A_274 = tpu.memref_slice %arg9[%select_n3A, %select_n3A_272, %dma_start3A] : memref<16x8x32xf32, #tpu.memory_space<vmem>> -> memref<1x1x32xf32, #tpu.memory_space<vmem>>
      %dma_start3A_275 = tpu.memref_squeeze %dma_start3A_274 : memref<1x1x32xf32, #tpu.memory_space<vmem>> -> memref<32xf32, #tpu.memory_space<vmem>>
      %dma_start3A_276 = arith.constant 0 : i32
      %dma_start3A_277 = tpu.memref_slice %arg6[%add3A_273, %dma_start3A_276] : memref<16384x32xf32, #tpu.memory_space<hbm>> -> memref<1x32xf32, #tpu.memory_space<hbm>>
      %dma_start3A_278 = tpu.memref_squeeze %dma_start3A_277 : memref<1x32xf32, #tpu.memory_space<hbm>> -> memref<32xf32, #tpu.memory_space<hbm>>
      %dma_start3A_279 = arith.constant 0 : i32
      %dma_start3A_280 = tpu.memref_slice %arg6[%add3A_273, %dma_start3A_279] : memref<16384x32xf32, #tpu.memory_space<hbm>> -> memref<1x32xf32, #tpu.memory_space<hbm>>
      %dma_start3A_281 = tpu.memref_squeeze %dma_start3A_280 : memref<1x32xf32, #tpu.memory_space<hbm>> -> memref<32xf32, #tpu.memory_space<hbm>>
      %dma_start3A_282 = arith.constant 0 : i32
      %dma_start3A_283 = tpu.memref_slice %arg9[%select_n3A, %select_n3A_272, %dma_start3A_282] : memref<16x8x32xf32, #tpu.memory_space<vmem>> -> memref<1x1x32xf32, #tpu.memory_space<vmem>>
      %dma_start3A_284 = tpu.memref_squeeze %dma_start3A_283 : memref<1x1x32xf32, #tpu.memory_space<vmem>> -> memref<32xf32, #tpu.memory_space<vmem>>
      tpu.enqueue_dma source(%dma_start3A_284 : memref<32xf32, #tpu.memory_space<vmem>>) target(%dma_start3A_281 : memref<32xf32, #tpu.memory_space<hbm>>) target_semaphore(%arg17 : memref<!tpu.dma_semaphore, #tpu.memory_space<semaphore_mem>>)
      %scan3A_285 = arith.constant 0 : i32
      scf.yield %scan3A_285 : i32
    }
    %scan3A_182 = arith.constant 128 : i32
    %dma_wait3A_183 = arith.constant 0 : i32
    %dma_wait3A_184 = arith.constant 0 : i32
    %dma_wait3A_185 = arith.constant 0 : i32
    %dma_wait3A_186 = tpu.memref_slice %arg2[%dma_wait3A_183, %dma_wait3A_184, %dma_wait3A_185] : memref<125000x8x32xf32, #tpu.memory_space<hbm>> -> memref<16x8x32xf32, #tpu.memory_space<hbm>>
    %dma_wait3A_187 = arith.constant 0 : i32
    %dma_wait3A_188 = arith.constant 0 : i32
    %dma_wait3A_189 = arith.constant 0 : i32
    %dma_wait3A_190 = tpu.memref_slice %arg2[%dma_wait3A_187, %dma_wait3A_188, %dma_wait3A_189] : memref<125000x8x32xf32, #tpu.memory_space<hbm>> -> memref<16x8x32xf32, #tpu.memory_space<hbm>>
    tpu.wait_dma2 semaphore(%arg14 : memref<!tpu.dma_semaphore, #tpu.memory_space<semaphore_mem>>) src(%dma_wait3A_190 : memref<16x8x32xf32, #tpu.memory_space<hbm>>) dst(%arg10 : memref<16x8x32xf32, #tpu.memory_space<vmem>>)
    %add3A_191 = arith.constant 256 : i32
    %add3A_192 = arith.addi %mul3A_2, %add3A_191 : i32
    %scan3A_193 = arith.constant 0 : i32
    %scan3A_194 = arith.constant 0 : i32
    %scan3A_195 = arith.constant 128 : i32
    %scan3A_196 = arith.addi %scan3A_194, %scan3A_195 : i32
    %scan3A_197 = arith.constant 1 : i32
    %scan3A_198 = scf.for %scan3A_241 = %scan3A_194 to %scan3A_196 step %scan3A_197 iter_args(%scan3A_242 = %scan3A_193) -> (i32)  : i32 {
      %jit3A = arith.constant 8 : i32
      %div3A = arith.divsi %scan3A_241, %jit3A : i32
      %sign3A = arith.constant 0 : i32
      %sign3A_243 = arith.cmpi sgt, %scan3A_241, %sign3A : i32
      %sign3A_244 = arith.extui %sign3A_243 : i1 to i32
      %sign3A_245 = arith.constant 0 : i32
      %sign3A_246 = arith.cmpi slt, %scan3A_241, %sign3A_245 : i32
      %sign3A_247 = arith.extui %sign3A_246 : i1 to i32
      %sign3A_248 = arith.subi %sign3A_244, %sign3A_247 : i32
      %sign3A_249 = arith.constant 0 : i32
      %sign3A_250 = arith.cmpi sgt, %jit3A, %sign3A_249 : i32
      %sign3A_251 = arith.extui %sign3A_250 : i1 to i32
      %sign3A_252 = arith.constant 0 : i32
      %sign3A_253 = arith.cmpi slt, %jit3A, %sign3A_252 : i32
      %sign3A_254 = arith.extui %sign3A_253 : i1 to i32
      %sign3A_255 = arith.subi %sign3A_251, %sign3A_254 : i32
      %ne3A = arith.cmpi ne, %sign3A_248, %sign3A_255 : i32
      %rem3A = arith.remsi %scan3A_241, %jit3A : i32
      %ne3A_256 = arith.constant 0 : i32
      %ne3A_257 = arith.cmpi ne, %rem3A, %ne3A_256 : i32
      %and3A = arith.andi %ne3A, %ne3A_257 : i1
      %sub3A = arith.constant 1 : i32
      %sub3A_258 = arith.subi %div3A, %sub3A : i32
      %select_n3A = arith.select %and3A, %sub3A_258, %div3A : i32
      %jit3A_259 = arith.constant 8 : i32
      %eq3A = arith.constant 0 : i32
      %eq3A_260 = arith.cmpi eq, %jit3A_259, %eq3A : i32
      %jit3A_261 = arith.constant 1 : i32
      %select_n3A_262 = arith.select %eq3A_260, %jit3A_261, %jit3A_259 : i32
      %rem3A_263 = arith.remsi %scan3A_241, %select_n3A_262 : i32
      %ne3A_264 = arith.constant 0 : i32
      %ne3A_265 = arith.cmpi ne, %rem3A_263, %ne3A_264 : i32
      %lt3A = arith.constant 0 : i32
      %lt3A_266 = arith.cmpi slt, %rem3A_263, %lt3A : i32
      %lt3A_267 = arith.constant 0 : i32
      %lt3A_268 = arith.cmpi slt, %select_n3A_262, %lt3A_267 : i32
      %ne3A_269 = arith.xori %lt3A_266, %lt3A_268 : i1
      %and3A_270 = arith.andi %ne3A_269, %ne3A_265 : i1
      %add3A_271 = arith.addi %rem3A_263, %select_n3A_262 : i32
      %select_n3A_272 = arith.select %and3A_270, %add3A_271, %rem3A_263 : i32
      %add3A_273 = arith.addi %add3A_192, %scan3A_241 : i32
      %dma_start3A = arith.constant 0 : i32
      %dma_start3A_274 = tpu.memref_slice %arg10[%select_n3A, %select_n3A_272, %dma_start3A] : memref<16x8x32xf32, #tpu.memory_space<vmem>> -> memref<1x1x32xf32, #tpu.memory_space<vmem>>
      %dma_start3A_275 = tpu.memref_squeeze %dma_start3A_274 : memref<1x1x32xf32, #tpu.memory_space<vmem>> -> memref<32xf32, #tpu.memory_space<vmem>>
      %dma_start3A_276 = arith.constant 0 : i32
      %dma_start3A_277 = tpu.memref_slice %arg6[%add3A_273, %dma_start3A_276] : memref<16384x32xf32, #tpu.memory_space<hbm>> -> memref<1x32xf32, #tpu.memory_space<hbm>>
      %dma_start3A_278 = tpu.memref_squeeze %dma_start3A_277 : memref<1x32xf32, #tpu.memory_space<hbm>> -> memref<32xf32, #tpu.memory_space<hbm>>
      %dma_start3A_279 = arith.constant 0 : i32
      %dma_start3A_280 = tpu.memref_slice %arg6[%add3A_273, %dma_start3A_279] : memref<16384x32xf32, #tpu.memory_space<hbm>> -> memref<1x32xf32, #tpu.memory_space<hbm>>
      %dma_start3A_281 = tpu.memref_squeeze %dma_start3A_280 : memref<1x32xf32, #tpu.memory_space<hbm>> -> memref<32xf32, #tpu.memory_space<hbm>>
      %dma_start3A_282 = arith.constant 0 : i32
      %dma_start3A_283 = tpu.memref_slice %arg10[%select_n3A, %select_n3A_272, %dma_start3A_282] : memref<16x8x32xf32, #tpu.memory_space<vmem>> -> memref<1x1x32xf32, #tpu.memory_space<vmem>>
      %dma_start3A_284 = tpu.memref_squeeze %dma_start3A_283 : memref<1x1x32xf32, #tpu.memory_space<vmem>> -> memref<32xf32, #tpu.memory_space<vmem>>
      tpu.enqueue_dma source(%dma_start3A_284 : memref<32xf32, #tpu.memory_space<vmem>>) target(%dma_start3A_281 : memref<32xf32, #tpu.memory_space<hbm>>) target_semaphore(%arg18 : memref<!tpu.dma_semaphore, #tpu.memory_space<semaphore_mem>>)
      %scan3A_285 = arith.constant 0 : i32
      scf.yield %scan3A_285 : i32
    }
    %scan3A_199 = arith.constant 128 : i32
    %dma_wait3A_200 = arith.constant 0 : i32
    %dma_wait3A_201 = arith.constant 0 : i32
    %dma_wait3A_202 = arith.constant 0 : i32
    %dma_wait3A_203 = tpu.memref_slice %arg2[%dma_wait3A_200, %dma_wait3A_201, %dma_wait3A_202] : memref<125000x8x32xf32, #tpu.memory_space<hbm>> -> memref<16x8x32xf32, #tpu.memory_space<hbm>>
    %dma_wait3A_204 = arith.constant 0 : i32
    %dma_wait3A_205 = arith.constant 0 : i32
    %dma_wait3A_206 = arith.constant 0 : i32
    %dma_wait3A_207 = tpu.memref_slice %arg2[%dma_wait3A_204, %dma_wait3A_205, %dma_wait3A_206] : memref<125000x8x32xf32, #tpu.memory_space<hbm>> -> memref<16x8x32xf32, #tpu.memory_space<hbm>>
    tpu.wait_dma2 semaphore(%arg15 : memref<!tpu.dma_semaphore, #tpu.memory_space<semaphore_mem>>) src(%dma_wait3A_207 : memref<16x8x32xf32, #tpu.memory_space<hbm>>) dst(%arg11 : memref<16x8x32xf32, #tpu.memory_space<vmem>>)
    %add3A_208 = arith.constant 384 : i32
    %add3A_209 = arith.addi %mul3A_2, %add3A_208 : i32
    %scan3A_210 = arith.constant 0 : i32
    %scan3A_211 = arith.constant 0 : i32
    %scan3A_212 = arith.constant 128 : i32
    %scan3A_213 = arith.addi %scan3A_211, %scan3A_212 : i32
    %scan3A_214 = arith.constant 1 : i32
    %scan3A_215 = scf.for %scan3A_241 = %scan3A_211 to %scan3A_213 step %scan3A_214 iter_args(%scan3A_242 = %scan3A_210) -> (i32)  : i32 {
      %jit3A = arith.constant 8 : i32
      %div3A = arith.divsi %scan3A_241, %jit3A : i32
      %sign3A = arith.constant 0 : i32
      %sign3A_243 = arith.cmpi sgt, %scan3A_241, %sign3A : i32
      %sign3A_244 = arith.extui %sign3A_243 : i1 to i32
      %sign3A_245 = arith.constant 0 : i32
      %sign3A_246 = arith.cmpi slt, %scan3A_241, %sign3A_245 : i32
      %sign3A_247 = arith.extui %sign3A_246 : i1 to i32
      %sign3A_248 = arith.subi %sign3A_244, %sign3A_247 : i32
      %sign3A_249 = arith.constant 0 : i32
      %sign3A_250 = arith.cmpi sgt, %jit3A, %sign3A_249 : i32
      %sign3A_251 = arith.extui %sign3A_250 : i1 to i32
      %sign3A_252 = arith.constant 0 : i32
      %sign3A_253 = arith.cmpi slt, %jit3A, %sign3A_252 : i32
      %sign3A_254 = arith.extui %sign3A_253 : i1 to i32
      %sign3A_255 = arith.subi %sign3A_251, %sign3A_254 : i32
      %ne3A = arith.cmpi ne, %sign3A_248, %sign3A_255 : i32
      %rem3A = arith.remsi %scan3A_241, %jit3A : i32
      %ne3A_256 = arith.constant 0 : i32
      %ne3A_257 = arith.cmpi ne, %rem3A, %ne3A_256 : i32
      %and3A = arith.andi %ne3A, %ne3A_257 : i1
      %sub3A = arith.constant 1 : i32
      %sub3A_258 = arith.subi %div3A, %sub3A : i32
      %select_n3A = arith.select %and3A, %sub3A_258, %div3A : i32
      %jit3A_259 = arith.constant 8 : i32
      %eq3A = arith.constant 0 : i32
      %eq3A_260 = arith.cmpi eq, %jit3A_259, %eq3A : i32
      %jit3A_261 = arith.constant 1 : i32
      %select_n3A_262 = arith.select %eq3A_260, %jit3A_261, %jit3A_259 : i32
      %rem3A_263 = arith.remsi %scan3A_241, %select_n3A_262 : i32
      %ne3A_264 = arith.constant 0 : i32
      %ne3A_265 = arith.cmpi ne, %rem3A_263, %ne3A_264 : i32
      %lt3A = arith.constant 0 : i32
      %lt3A_266 = arith.cmpi slt, %rem3A_263, %lt3A : i32
      %lt3A_267 = arith.constant 0 : i32
      %lt3A_268 = arith.cmpi slt, %select_n3A_262, %lt3A_267 : i32
      %ne3A_269 = arith.xori %lt3A_266, %lt3A_268 : i1
      %and3A_270 = arith.andi %ne3A_269, %ne3A_265 : i1
      %add3A_271 = arith.addi %rem3A_263, %select_n3A_262 : i32
      %select_n3A_272 = arith.select %and3A_270, %add3A_271, %rem3A_263 : i32
      %add3A_273 = arith.addi %add3A_209, %scan3A_241 : i32
      %dma_start3A = arith.constant 0 : i32
      %dma_start3A_274 = tpu.memref_slice %arg11[%select_n3A, %select_n3A_272, %dma_start3A] : memref<16x8x32xf32, #tpu.memory_space<vmem>> -> memref<1x1x32xf32, #tpu.memory_space<vmem>>
      %dma_start3A_275 = tpu.memref_squeeze %dma_start3A_274 : memref<1x1x32xf32, #tpu.memory_space<vmem>> -> memref<32xf32, #tpu.memory_space<vmem>>
      %dma_start3A_276 = arith.constant 0 : i32
      %dma_start3A_277 = tpu.memref_slice %arg6[%add3A_273, %dma_start3A_276] : memref<16384x32xf32, #tpu.memory_space<hbm>> -> memref<1x32xf32, #tpu.memory_space<hbm>>
      %dma_start3A_278 = tpu.memref_squeeze %dma_start3A_277 : memref<1x32xf32, #tpu.memory_space<hbm>> -> memref<32xf32, #tpu.memory_space<hbm>>
      %dma_start3A_279 = arith.constant 0 : i32
      %dma_start3A_280 = tpu.memref_slice %arg6[%add3A_273, %dma_start3A_279] : memref<16384x32xf32, #tpu.memory_space<hbm>> -> memref<1x32xf32, #tpu.memory_space<hbm>>
      %dma_start3A_281 = tpu.memref_squeeze %dma_start3A_280 : memref<1x32xf32, #tpu.memory_space<hbm>> -> memref<32xf32, #tpu.memory_space<hbm>>
      %dma_start3A_282 = arith.constant 0 : i32
      %dma_start3A_283 = tpu.memref_slice %arg11[%select_n3A, %select_n3A_272, %dma_start3A_282] : memref<16x8x32xf32, #tpu.memory_space<vmem>> -> memref<1x1x32xf32, #tpu.memory_space<vmem>>
      %dma_start3A_284 = tpu.memref_squeeze %dma_start3A_283 : memref<1x1x32xf32, #tpu.memory_space<vmem>> -> memref<32xf32, #tpu.memory_space<vmem>>
      tpu.enqueue_dma source(%dma_start3A_284 : memref<32xf32, #tpu.memory_space<vmem>>) target(%dma_start3A_281 : memref<32xf32, #tpu.memory_space<hbm>>) target_semaphore(%arg19 : memref<!tpu.dma_semaphore, #tpu.memory_space<semaphore_mem>>)
      %scan3A_285 = arith.constant 0 : i32
      scf.yield %scan3A_285 : i32
    }
    %scan3A_216 = arith.constant 128 : i32
    %add3A_217 = arith.constant 0 : i32
    %add3A_218 = arith.addi %mul3A_2, %add3A_217 : i32
    %dma_wait3A_219 = arith.constant 0 : i32
    %dma_wait3A_220 = tpu.memref_slice %arg6[%add3A_218, %dma_wait3A_219] : memref<16384x32xf32, #tpu.memory_space<hbm>> -> memref<128x32xf32, #tpu.memory_space<hbm>>
    %dma_wait3A_221 = arith.constant 0 : i32
    %dma_wait3A_222 = tpu.memref_slice %arg6[%add3A_218, %dma_wait3A_221] : memref<16384x32xf32, #tpu.memory_space<hbm>> -> memref<128x32xf32, #tpu.memory_space<hbm>>
    tpu.wait_dma2 semaphore(%arg16 : memref<!tpu.dma_semaphore, #tpu.memory_space<semaphore_mem>>) src(%arg8 : memref<16x8x32xf32, #tpu.memory_space<vmem>>) dst(%dma_wait3A_222 : memref<128x32xf32, #tpu.memory_space<hbm>>)
    %add3A_223 = arith.constant 128 : i32
    %add3A_224 = arith.addi %mul3A_2, %add3A_223 : i32
    %dma_wait3A_225 = arith.constant 0 : i32
    %dma_wait3A_226 = tpu.memref_slice %arg6[%add3A_224, %dma_wait3A_225] : memref<16384x32xf32, #tpu.memory_space<hbm>> -> memref<128x32xf32, #tpu.memory_space<hbm>>
    %dma_wait3A_227 = arith.constant 0 : i32
    %dma_wait3A_228 = tpu.memref_slice %arg6[%add3A_224, %dma_wait3A_227] : memref<16384x32xf32, #tpu.memory_space<hbm>> -> memref<128x32xf32, #tpu.memory_space<hbm>>
    tpu.wait_dma2 semaphore(%arg17 : memref<!tpu.dma_semaphore, #tpu.memory_space<semaphore_mem>>) src(%arg9 : memref<16x8x32xf32, #tpu.memory_space<vmem>>) dst(%dma_wait3A_228 : memref<128x32xf32, #tpu.memory_space<hbm>>)
    %add3A_229 = arith.constant 256 : i32
    %add3A_230 = arith.addi %mul3A_2, %add3A_229 : i32
    %dma_wait3A_231 = arith.constant 0 : i32
    %dma_wait3A_232 = tpu.memref_slice %arg6[%add3A_230, %dma_wait3A_231] : memref<16384x32xf32, #tpu.memory_space<hbm>> -> memref<128x32xf32, #tpu.memory_space<hbm>>
    %dma_wait3A_233 = arith.constant 0 : i32
    %dma_wait3A_234 = tpu.memref_slice %arg6[%add3A_230, %dma_wait3A_233] : memref<16384x32xf32, #tpu.memory_space<hbm>> -> memref<128x32xf32, #tpu.memory_space<hbm>>
    tpu.wait_dma2 semaphore(%arg18 : memref<!tpu.dma_semaphore, #tpu.memory_space<semaphore_mem>>) src(%arg10 : memref<16x8x32xf32, #tpu.memory_space<vmem>>) dst(%dma_wait3A_234 : memref<128x32xf32, #tpu.memory_space<hbm>>)
    %add3A_235 = arith.constant 384 : i32
    %add3A_236 = arith.addi %mul3A_2, %add3A_235 : i32
    %dma_wait3A_237 = arith.constant 0 : i32
    %dma_wait3A_238 = tpu.memref_slice %arg6[%add3A_236, %dma_wait3A_237] : memref<16384x32xf32, #tpu.memory_space<hbm>> -> memref<128x32xf32, #tpu.memory_space<hbm>>
    %dma_wait3A_239 = arith.constant 0 : i32
    %dma_wait3A_240 = tpu.memref_slice %arg6[%add3A_236, %dma_wait3A_239] : memref<16384x32xf32, #tpu.memory_space<hbm>> -> memref<128x32xf32, #tpu.memory_space<hbm>>
    tpu.wait_dma2 semaphore(%arg19 : memref<!tpu.dma_semaphore, #tpu.memory_space<semaphore_mem>>) src(%arg11 : memref<16x8x32xf32, #tpu.memory_space<vmem>>) dst(%dma_wait3A_240 : memref<128x32xf32, #tpu.memory_space<hbm>>)
    return
  }
}

</mosaic_0001>

<sc_bundles>
// kernel: kernel.3.cloned.1.call-start
scs
__scs_entry_jumppad:
0x0: {  	(pc) =	sbr.rel $0x88, $3  }
0x1: {  	(tag) =	ssettag $0x0;
	lr =	simm.s32 $0x1  }
0x2: {  	[smem:$0x3F9E] =	sst lr;
	_ =	strace $0xD0000000  }
0x3: {  	_ = 	snop  }
0x4: {  	_ = 	snop  }
0x5: {  	_ = 	snop  }
0x6: {  	_ = 	snop  }
0x7: {  	_ = 	snop  }
__scs_overlays_trampoline_lowered:
0x8: {  	[smem:$0x3FAD] =	sst s0  }
0x9: {  	[smem:$0x3FAE] =	sst s1  }
0xa: {  	[smem:$0x3FAF] =	sst s2  }
0xb: {  	[smem:$0x3FB0] =	sst s3  }
0xc: {  	[smem:$0x3FB1] =	sst s4  }
0xd: {  	[smem:$0x3FB2] =	sst s5  }
0xe: {  	[smem:$0x3FB3] =	sst s6  }
0xf: {  	[smem:$0x3FB4] =	sst s7  }
0x10: {  	[smem:$0x3FB5] =	sst s8  }
0x11: {  	[smem:$0x3FB6] =	sst s9;
	s0 =	simm.s32 @!p0 $0x0  }
0x12: {  	s1 =	sld [smem:$0x3F9C];
	s0 =	simm.s32 @p0 $0x1  }
0x13: {  	[smem:$0x3FB7] =	sst s0;
	s0 =	simm.s32 @!p1 $0x0  }
0x14: {  	s2 =	sld [smem:$0x3F9B];
	s0 =	simm.s32 @p1 $0x1  }
0x15: {  	[smem:$0x3FB8] =	sst s0;
	s0 =	simm.s32 @!p2 $0x0  }
0x16: {  	s3 =	sld [smem:$0x3FDB];
	s0 =	simm.s32 @p2 $0x1  }
0x17: {  	s4 =	simm.s32 $0x1BF5;
	[smem:$0x3FBA] =	sst s0  }
0x18: {  	s0 =	sld [smem:$0x3F9D];
	_ =	swait.ge [sflag:s4], $0x0  }
0x19: {  	s7 =	sld [smem:$0x3F9E]  }
0x1a: {  	s8 =	sadd.s32 $0xFFFFE003, lr  }
0x1b: {  	s9 =	sadd.s32 $0xFFFFFEF7, lr;
	s5 =	simm.s32 $0xFFFFFFFF;
	p2 =	slt.u32 s8, $0xFFFFF086  }
0x1c: {  	p1 =	slt.u32 s9, $0xF7A;
	s5 =	simm.s32 @!p2 $0x0  }
0x1d: {  	s5 =	simm.s32 @p1 $0x1;
	p0 =	seq.s32 s7, s2  }
0x1e: {  	s7 =	smul.u32 @!p0 $0xF7A, s2;
	p2 =	seq.s32 @!p0 s5, $0x0  }
0x1f: {  	s9 =	smul.u32 $0xF7A, s1;
	s8 =	simm.s32 @!p0 $0x1BF5;
	p2 =	por !p2, p0  }
0x20: {  	[sflag:s8] =	ssyncset.s32 @!p0 $0xFFFFF086;
	s6 =	sadd.s32 @!p0 s3, s7;
	s7 =	simm.s32 @!p0 $0x108  }
0x21: {  	s3 =	sadd.s32 s3, s9;
	s6 =	sadd.s32 @!p0 $0x88, s6;
	s7 =	simm.s32 @p2 $0x1082  }
0x22: {  	[simem:s7], [sflag:s8] =	dma.local @!p0 [hbm:s6], $0xF7A  }
0x23: {  	s9 =	sor.u32 $0xD0000000, s2;
	s6 =	simm.s32 $0x108;
	_ =	swait.ge @!p0 [sflag:s8], $0x0  }
0x24: {  	s3 =	sadd.s32 $0x88, s3;
	s6 =	simm.s32 @!p1 $0x1082;
	[sflag:s4] =	ssyncset.s32 $0xFFFFF086  }
0x25: {  	[simem:s6], [sflag:s4] =	dma.local [hbm:s3], $0xF7A  }
0x26: {  	[smem:$0x3F9E] =	sst s1;
	(tag) =	ssettag s2;
	_ =	strace s9  }
0x27: {  	s1 =	sld [smem:$0x3FAE]  }
0x28: {  	s2 =	sld [smem:$0x3FAF]  }
0x29: {  	s4 =	sld [smem:$0x3FB1]  }
0x2a: {  	p0 =	seq.s32 s5, $0x0;
	s5 =	sld [smem:$0x3FB2]  }
0x2b: {  	s6 =	sld [smem:$0x3FB3]  }
0x2c: {  	s7 =	sld [smem:$0x3FB4]  }
0x2d: {  	s3 =	simm.s32 $0x108;
	s8 =	sld [smem:$0x3FB5]  }
0x2e: {  	s3 =	simm.s32 @!p0 $0x1082;
	s9 =	sld [smem:$0x3FB6]  }
0x2f: {  	lr =	sadd.s32 s0, s3;
	s0 =	sld [smem:$0x3FAD]  }
0x30: {  	s3 =	sld [smem:$0x3FB0]  }
0x31: {  	[smem:$0x3FB9] =	sst s10  }
0x32: {  	s10 =	sld [smem:$0x3FB7];
	_ =	sdelay $0x3  }
0x33: {  	p0 =	seq.s32 s10, $0x1;
	s10 =	sld [smem:$0x3FB9];
	_ =	sdelay $0x3  }
0x34: {  	[smem:$0x3FB9] =	sst s10  }
0x35: {  	s10 =	sld [smem:$0x3FB8];
	_ =	sdelay $0x3  }
0x36: {  	p1 =	seq.s32 s10, $0x1;
	s10 =	sld [smem:$0x3FB9];
	_ =	sdelay $0x3  }
0x37: {  	[smem:$0x3FB9] =	sst s10  }
0x38: {  	s10 =	sld [smem:$0x3FBA]  }
0x39: {  	_ = 	snop;
	(pc) =	sbr.ind lr, $3  }
0x3a: {  	_ = 	snop  }
0x3b: {  	_ = 	snop  }
0x3c: {  	p2 =	seq.s32 s10, $0x1;
	s10 =	sld [smem:$0x3FB9]  }
0x3d: {  	_ =	shalt  }
0x3e: {  	_ =	shalt  }
0x3f: {  	_ =	shalt  }
0x40: {  	_ =	shalt  }
0x41: {  	_ =	shalt  }
0x42: {  	_ =	shalt  }
0x43: {  	_ =	shalt  }
0x44: {  	_ =	shalt  }
0x45: {  	_ =	shalt  }
0x46: {  	_ =	shalt  }
0x47: {  	_ =	shalt  }
0x48: {  	_ =	shalt  }
0x49: {  	_ =	shalt  }
0x4a: {  	_ =	shalt  }
0x4b: {  	_ =	shalt  }
0x4c: {  	_ =	shalt  }
0x4d: {  	_ =	shalt  }
0x4e: {  	_ =	shalt  }
0x4f: {  	_ =	shalt  }
0x50: {  	_ =	shalt  }
0x51: {  	_ =	shalt  }
0x52: {  	_ =	shalt  }
0x53: {  	_ =	shalt  }
0x54: {  	_ =	shalt  }
0x55: {  	_ =	shalt  }
0x56: {  	_ =	shalt  }
0x57: {  	_ =	shalt  }
0x58: {  	_ =	shalt  }
0x59: {  	_ =	shalt  }
0x5a: {  	_ =	shalt  }
0x5b: {  	_ =	shalt  }
0x5c: {  	_ =	shalt  }
0x5d: {  	_ =	shalt  }
0x5e: {  	_ =	shalt  }
0x5f: {  	_ =	shalt  }
0x60: {  	_ =	shalt  }
0x61: {  	_ =	shalt  }
0x62: {  	_ =	shalt  }
0x63: {  	_ =	shalt  }
0x64: {  	_ =	shalt  }
0x65: {  	_ =	shalt  }
0x66: {  	_ =	shalt  }
0x67: {  	_ =	shalt  }
0x68: {  	_ =	shalt  }
0x69: {  	_ =	shalt  }
0x6a: {  	_ =	shalt  }
0x6b: {  	_ =	shalt  }
0x6c: {  	_ =	shalt  }
0x6d: {  	_ =	shalt  }
0x6e: {  	_ =	shalt  }
0x6f: {  	_ =	shalt  }
0x70: {  	_ =	shalt  }
0x71: {  	_ =	shalt  }
0x72: {  	_ =	shalt  }
0x73: {  	_ =	shalt  }
0x74: {  	_ =	shalt  }
0x75: {  	_ =	shalt  }
0x76: {  	_ =	shalt  }
0x77: {  	_ =	shalt  }
0x78: {  	_ =	shalt  }
0x79: {  	_ =	shalt  }
0x7a: {  	_ =	shalt  }
0x7b: {  	_ =	shalt  }
0x7c: {  	_ =	shalt  }
0x7d: {  	_ =	shalt  }
0x7e: {  	_ =	shalt  }
0x7f: {  	_ =	shalt  }
0x80: {  	_ =	shalt  }
0x81: {  	_ =	shalt  }
0x82: {  	_ =	shalt  }
0x83: {  	_ =	shalt  }
0x84: {  	_ =	shalt  }
0x85: {  	_ =	shalt  }
0x86: {  	_ =	shalt  }
0x87: {  	_ =	shalt  }
.Lfunc_end0:
.L_simem_size_0:
called_computation_lowered:
.L_overlay_start_0:
0x88: {  	s2 =	sld [smem:$0x3FD9]  }
0x89: {  	s3 =	sld [smem:$0x3FFE];
	_ =	sdelay $0x1  }
0x8a: {  	s1 =	srdreg.scid  }
0x8b: {  	s0 =	sand.u32 $0x1, s1  }
0x8c: {  	s17 =	sshll.u32 s0, $0xA;
	s2 =	sadd.s32 s3, s2  }
0x8d: {  	s2 =	sadd.s32 s2, s17  }
0x8e: {  	[smem:$0x3FC5] =	sst s2  }
0x8f: {  	_ = 	snop  }
0x90: {  	s2 =	sld [smem:$0x3FC8]  }
0x91: {  	s18 =	sld [smem:$0x3FC7];
	(tm) =	ssettm $0x1  }
0x92: {  	s4 =	sld [smem:$0x3FFB];
	_ =	sdelay $0x3  }
0x93: {  	_ =	strace s4  }
0x94: {  	s4 =	sld [smem:$0x3FFC];
	_ =	sdelay $0x3  }
0x95: {  	_ =	strace s4  }
0x96: {  	s4 =	sld [smem:$0x3FFD];
	_ =	sdelay $0x3  }
0x97: {  	_ =	strace s4  }
0x98: {  	_ =	strace $0x8FFFFFFF  }
0x99: {  	s19 =	sld [smem:$0x3FDB];
	_ =	sdelay $0x1  }
0x9a: {  	s5 =	simm.s32 $_scs_section_size  }
0x9b: {  	s6 =	simm.s32 $_size__tile_overlayer_lowered;
	s7 =	simm.s32 $_tile_overlayer_lowered  }
0x9c: {  	s22 =	simm.s32 $0x1BFF;
	s21 =	sshll.u32 s7, $0x1;
	s4 =	sadd.s32 s5, s19  }
0x9d: {  	s8 =	simm.s32 $0x0;
	s20 =	sshll.u32 s6, $0x1;
	s6 =	sadd.s32 s21, s4  }
0x9e: {  	[timem:s8], [sflag:s22] =	dma.local [hbm:s6], s20  }
0x9f: {  	_ =	swait.ge [sflag:s22], s20  }
0xa0: {  	s5 =	ssub.s32 $0x0, s20;
	[sflag:s22] =	ssyncset.done $0x0  }
0xa1: {  	[sflag:s22] =	ssyncadd.s32 s5;
	_ =	sdelay $0x1  }
0xa2: {  	s23 =	simm.s32 $0x1B8B  }
0xa3: {  	_ =	swait.ge [sflag:s23], $0x1  }
0xa4: {  	[sflag:s23] =	ssyncset.done $0x0  }
0xa5: {  	s25 =	simm.s32 $0x1B8E;
	s24 =	sld [smem:$0x3FFE];
	[sflag:s23] =	ssyncadd.s32 $0xFFFFFFFF  }
0xa6: {  	s26 =	simm.s32 $execute0_lowered;
	[smem:$0x3FD2] =	sst s25  }
0xa7: {  	s6 =	sshll.u32 s26, $0x1;
	_ =	strace $0x80000046;
	[dreg:$0x1] =	wrdreg $0xFFFFFFFF  }
0xa8: {  	s28 =	simm.s32 $_size_execute0_lowered;
	s4 =	sadd.s32 s4, s6;
	[dreg:$0x0] =	wrdreg $0x0  }
0xa9: {  	s6 =	sshll.u32 s28, $0x1;
	[dreg:$0x2] =	wrdreg s4  }
0xaa: {  	[dreg:$0x3] =	wrdreg s6  }
0xab: {  	[dreg:$0x4] =	wrdreg $0xC0  }
0xac: {  	_ =	task [dreg:s8], $0x5FFFF  }
0xad: {  	[dreg:$0x1] =	wrdreg $0xFFFFFFFF  }
0xae: {  	[dreg:$0x0] =	wrdreg $0x60  }
0xaf: {  	[dreg:$0x2] =	wrdreg s24  }
0xb0: {  	[dreg:$0x3] =	wrdreg s2  }
0xb1: {  	[dreg:$0x4] =	wrdreg s18  }
0xb2: {  	[dreg:$0x5] =	wrdreg $0x9  }
0xb3: {  	_ =	task.clear_ibuf [dreg:s8], $0x6FFFF;
	_ =	strace $0x90000046  }
0xb4: {  	s29 =	simm.s32 $0x9;
	_ =	strace $0x80000048  }
0xb5: {  	_ =	swait.ge [sflag:s29], $0x1  }
0xb6: {  	[sflag:s29] =	ssyncadd.s32 $0xFFFFFFFF  }
0xb7: {  	_ =	strace $0x90000048  }
0xb8: {  	_ =	sfence  }
0xb9: {  	s30 =	sld [smem:$0x0];
	_ =	sdelay $0x2  }
0xba: {  	s31 =	sshll.u32 s1, $0xD;
	s1 =	sshrl.u32 s1, $0x2  }
0xbb: {  	s3 =	sand.u32 $0x4000, s31;
	s1 =	sadd.s32 s1, s30  }
0xbc: {  	s0 =	sor.u32 s3, s0;
	s1 =	sshll.u32 s1, $0x11  }
0xbd: {  	s0 =	sor.u32 s1, s0  }
0xbe: {  	s0 =	sadd.s32 $0x8F2B, s0  }
0xbf: {  	[sflag:s0] =	ssyncadd.remote.s32 $0x1  }
0xc0: {  	_ =	sfence.sel $0xFFFF  }
0xc1: {  	[dreg:$0x0] =	wrdreg $0xFFFFFFFF;
	(pc) =	sbr.abs _section_cstart, $3  }
0xc2: {  	[dreg:$0x1] =	wrdreg $0xFFFFFFFF  }
0xc3: {  	_ =	task.clear_ibuf [dreg:s8], $0x2FFFF;
	_ =	strace $0x9FFFFFFF  }
0xc4: {  	(tm) =	ssettm $0x7FFFFFFF  }
0xc5: {  	_ =	shalt  }
tec
execute0_lowered:
.L_overlay_start_1:
0x0: {  	(tag) =	ssettag $0x1  }
0x1: {  	s0 =	rddreg [dreg:$0x0]  }
0x2: {  	s2 =	rddreg [dreg:$0x1]  }
0x3: {  	s6 =	rddreg [dreg:$0x2]  }
0x4: {  	s1 =	simm.s32 $0x0;
	s4 =	srdreg.scid;
	s12 =	stileid.u32  }
0x5: {  	s22 =	simm.s32 $0x8;
	[smem:$0x7FF] =	sst s1;
	s7 =	sand.u32 $0x1, s4  }
0x6: {  	s10 =	sshll.u32 s12, $0xA;
	s8 =	ssub.s32 $0x2, s7;
	s11 =	sshll.u32 s7, $0x9  }
0x7: {  	s3 =	sadd.s32 $0xA00, s0;
	s9 =	sshrl.u32 s8, $0x1;
	s29 =	sor.u32 s11, s10  }
0x8: {  	s4 =	sadd.s32 $0xF42E00, s0;
	s28 =	ssub.s32 s8, s9;
	s8 =	sshrl.u32 s29, $0x3  }
0x9: {  	s5 =	sadd.s32 $0xF82E00, s0;
	s30 =	sshll.u32 s12, $0xE;
	s2 =	sadd.s32 s2, s8  }
0xa: {  	_ =	strace $0x80000047;
	s31 =	sadd.s32 s6, s8;
	[dreg:$0x4] =	wrdreg s2  }
0xb: {  	s7 =	sshll.u32 s7, $0xD;
	s0 =	smax.u32 s28, $0x1;
	[dreg:$0x5] =	wrdreg s31  }
0xc: {  	s23 =	simm.s32 $0x0;
	s8 =	sor.u32 s7, s30;
	[dreg:$0x6] =	wrdreg s0  }
0xd: {  	s10 =	sor.u32 $0x800, s8;
	s11 =	sor.u32 $0x1000, s8;
	s12 =	sor.u32 $0x1800, s8  }
.LBB2_1:
0xe: {  	s0 =	rddreg [dreg:$0x4];
	s2 =	simm.s32 $0x9  }
0xf: {  	[tilespmem:s1], [sflag:$0x9] =	stream.linear.gather [hbm4b:s0+s1], $0x200, $0x38;
	[tilespmem:$0x10400] =	vst v63  }
0x10: {  	_ =	swait.ge [sflag:s2], $0x200  }
0x11: {  	[sflag:s2] =	ssyncset.done $0x0  }
0x12: {  	s6 =	simm.s32 $0x200;
	s31 =	rddreg [dreg:$0x5];
	[sflag:s2] =	ssyncadd.s32 $0xFFFFFE00  }
0x13: {  	[tilespmem:s6], [sflag:$0x9] =	stream.linear.gather [hbm4b:s31+s1], $0x200, $0x38;
	[tilespmem:$0x10400] =	vst v63  }
0x14: {  	_ =	swait.ge [sflag:s2], $0x200  }
0x15: {  	[sflag:s2] =	ssyncset.done $0x0  }
0x16: {  	[sflag:s2] =	ssyncadd.s32 $0xFFFFFE00  }
0x17: {  	v0 =	vld [tilespmem:s1+$0x0];
	_ =	sdelay $0x4  }
0x18: {  	v0 =	vshll.u32 v0, $0x4  }
0x19: {  	(v2sf) =	vpush v0, $0x0  }
0x1a: {  	(v2sf) =	vpush v0, $0x1  }
0x1b: {  	(v2sf) =	vpush v0, $0x2;
	_ =	sdelay $0x1  }
0x1c: {  	(v2sf) =	vpush v0, $0x4;
	_ =	sdelay $0x1  }
0x1d: {  	(v2sf) =	vpush v0, $0x3  }
0x1e: {  	(v2sf) =	vpush v0, $0x5  }
0x1f: {  	s26 =	simm.s32 $0x2000;
	s25 =	simm.s32 $0x0;
	s28 =	simm.s32 $0x0;
	(v2sf) =	vpush v0, $0x6  }
.LBB2_2:
0x20: {  	p0 =	sne.s32 s26, $0xE000  }
0x21: {  	s13 =	sadd.s32 $0x480, s25;
	s0 =	sadd.s32 $0x980, s25;
	s29 =	smov.u32 s26  }
0x22: {  	s26 =	sadd.s32 $0x2000, s26;
	s6 =	sadd.s32 $0x780, s25;
	s30 =	sadd.s32 $0xA00, s25;
	(v2sf) =	vpush v0, $0x7  }
0x23: {  	s9 =	sadd.s32 $0x680, s25;
	s2 =	sadd.s32 $0x800, s25;
	s31 =	sadd.s32 $0xA80, s25  }
0x24: {  	s15 =	sadd.s32 $0x400, s25;
	s16 =	sadd.s32 $0x600, s25;
	(v2sf) =	vpush v0, $0x8  }
0x25: {  	s24 =	simm.s32 $0x0;
	s17 =	sadd.s32 $0x700, s25;
	s28 =	sadd.s32 $0x10, s28  }
0x26: {  	s18 =	sadd.s32 $0x500, s25;
	s14 =	sadd.s32 $0x900, s25;
	s7 =	spop (v2sf);
	(v2sf) =	vpush v0, $0x9  }
0x27: {  	s19 =	sand.u32 $0x1FFFFFF0, s7;
	s7 =	sadd.s32 $0x880, s25;
	s20 =	spop (v2sf)  }
0x28: {  	s19 =	sadd.s32 s3, s19;
	s20 =	sand.u32 $0x1FFFFFF0, s20;
	s21 =	spop (v2sf);
	(v2sf) =	vpush v0, $0xA  }
0x29: {  	[tilespmem:s15], [sflag:$0x1] =	stream.linear.gather [hbm4b:s19+s24], $0x80, $0x38;
	[tilespmem:$0x10400] =	vst v63  }
0x2a: {  	s15 =	sadd.s32 s3, s20;
	s19 =	sadd.s32 $0x580, s25;
	s20 =	spop (v2sf);
	(v2sf) =	vpush v0, $0xB  }
0x2b: {  	[tilespmem:s13], [sflag:$0x1] =	stream.linear.gather [hbm4b:s15+s24], $0x80, $0x38;
	[tilespmem:$0x10400] =	vst v63  }
0x2c: {  	s13 =	sand.u32 $0x1FFFFFF0, s21;
	s15 =	sand.u32 $0x1FFFFFF0, s20;
	s20 =	spop (v2sf);
	(v2sf) =	vpush v0, $0xC  }
0x2d: {  	s13 =	sadd.s32 s3, s13;
	s20 =	sand.u32 $0x1FFFFFF0, s20;
	s21 =	spop (v2sf)  }
0x2e: {  	[tilespmem:s18], [sflag:$0x1] =	stream.linear.gather [hbm4b:s13+s24], $0x80, $0x38;
	(v2sf) =	vpush v0, $0xD;
	[tilespmem:$0x10400] =	vst v63  }
0x2f: {  	s13 =	sadd.s32 s3, s20;
	s18 =	sand.u32 $0x1FFFFFF0, s21;
	s20 =	spop (v2sf)  }
0x30: {  	[tilespmem:s19], [sflag:$0x1] =	stream.linear.gather [hbm4b:s13+s24], $0x80, $0x38;
	(v2sf) =	vpush v0, $0xE;
	[tilespmem:$0x10400] =	vst v63  }
0x31: {  	s13 =	sadd.s32 s3, s15;
	s15 =	sand.u32 $0x1FFFFFF0, s20;
	s19 =	spop (v2sf)  }
0x32: {  	[tilespmem:s16], [sflag:$0x1] =	stream.linear.gather [hbm4b:s13+s24], $0x80, $0x38;
	(v2sf) =	vpush v0, $0xF;
	[tilespmem:$0x10400] =	vst v63  }
0x33: {  	s13 =	sadd.s32 s3, s18;
	s16 =	sand.u32 $0x1FFFFFF0, s19;
	s18 =	spop (v2sf)  }
0x34: {  	[tilespmem:s9], [sflag:$0x1] =	stream.linear.gather [hbm4b:s13+s24], $0x80, $0x38;
	[tilespmem:$0x10400] =	vst v63  }
0x35: {  	s9 =	sadd.s32 s3, s15;
	s13 =	sand.u32 $0x1FFFFFF0, s18;
	s15 =	spop (v2sf)  }
0x36: {  	[tilespmem:s17], [sflag:$0x1] =	stream.linear.gather [hbm4b:s9+s24], $0x80, $0x38;
	[tilespmem:$0x10400] =	vst v63  }
0x37: {  	s9 =	sadd.s32 s3, s16;
	s15 =	sand.u32 $0x1FFFFFF0, s15;
	s16 =	spop (v2sf)  }
0x38: {  	[tilespmem:s6], [sflag:$0x1] =	stream.linear.gather [hbm4b:s9+s24], $0x80, $0x38;
	[tilespmem:$0x10400] =	vst v63  }
0x39: {  	s6 =	sadd.s32 s3, s13;
	s9 =	sand.u32 $0x1FFFFFF0, s16;
	s13 =	spop (v2sf)  }
0x3a: {  	[tilespmem:s2], [sflag:$0x1] =	stream.linear.gather [hbm4b:s6+s24], $0x80, $0x38;
	[tilespmem:$0x10400] =	vst v63  }
0x3b: {  	s2 =	sadd.s32 s3, s15;
	s6 =	sand.u32 $0x1FFFFFF0, s13;
	s13 =	spop (v2sf)  }
0x3c: {  	[tilespmem:s7], [sflag:$0x1] =	stream.linear.gather [hbm4b:s2+s24], $0x80, $0x38;
	[tilespmem:$0x10400] =	vst v63  }
0x3d: {  	s2 =	sadd.s32 s3, s9;
	s7 =	sand.u32 $0x1FFFFFF0, s13;
	s9 =	spop (v2sf)  }
0x3e: {  	[tilespmem:s14], [sflag:$0x1] =	stream.linear.gather [hbm4b:s2+s24], $0x80, $0x38;
	[tilespmem:$0x10400] =	vst v63  }
0x3f: {  	s2 =	sadd.s32 s3, s6;
	s6 =	sand.u32 $0x1FFFFFF0, s9;
	s9 =	spop (v2sf)  }
0x40: {  	[tilespmem:s0], [sflag:$0x1] =	stream.linear.gather [hbm4b:s2+s24], $0x80, $0x38;
	[tilespmem:$0x10400] =	vst v63  }
0x41: {  	s0 =	sadd.s32 s3, s7;
	s2 =	sand.u32 $0x1FFFFFF0, s9;
	s7 =	spop (v2sf)  }
0x42: {  	[tilespmem:s30], [sflag:$0x1] =	stream.linear.gather [hbm4b:s0+s24], $0x80, $0x38;
	[tilespmem:$0x10400] =	vst v63  }
0x43: {  	s0 =	sadd.s32 s3, s6;
	s6 =	sand.u32 $0x1FFFFFF0, s7  }
0x44: {  	[tilespmem:s31], [sflag:$0x1] =	stream.linear.gather [hbm4b:s0+s24], $0x80, $0x38;
	[tilespmem:$0x10400] =	vst v63  }
0x45: {  	s2 =	sadd.s32 s3, s2;
	s0 =	sadd.s32 $0xB00, s25  }
0x46: {  	[tilespmem:s0], [sflag:$0x1] =	stream.linear.gather [hbm4b:s2+s24], $0x80, $0x38;
	[tilespmem:$0x10400] =	vst v63  }
0x47: {  	s0 =	sadd.s32 $0xB80, s25;
	s2 =	sadd.s32 s3, s6  }
0x48: {  	[tilespmem:s0], [sflag:$0x1] =	stream.linear.gather [hbm4b:s2+s24], $0x80, $0x38;
	[tilespmem:$0x10400] =	vst v63  }
0x49: {  	v0 =	vld [tilespmem:s28+$0x0];
	_ =	sdelay $0x4  }
0x4a: {  	v0 =	vshll.u32 v0, $0x4  }
0x4b: {  	(v2sf) =	vpush v0, $0x0  }
0x4c: {  	(v2sf) =	vpush v0, $0x1  }
0x4d: {  	(v2sf) =	vpush v0, $0x2;
	_ =	sdelay $0x1  }
0x4e: {  	(v2sf) =	vpush v0, $0x4  }
.Ltmp0:
0x4f: {  	(pc) =	sbr.rel @p0 .LBB2_2-.Ltmp0, $3  }
0x50: {  	(v2sf) =	vpush v0, $0x3  }
0x51: {  	(v2sf) =	vpush v0, $0x5;
	_ =	sdelay $0x1  }
0x52: {  	s25 =	sshra.s32 s29, $0x2;
	(v2sf) =	vpush v0, $0x6  }
0x53: {  	_ =	sdelay $0x1  }
0x54: {  	s7 =	sadd.s32 $0x480, s25;
	s6 =	sadd.s32 $0x980, s25  }
0x55: {  	s9 =	sadd.s32 $0x780, s25;
	s0 =	sadd.s32 $0xA00, s25;
	(v2sf) =	vpush v0, $0x7;
	s13 =	sadd.s32 $0x680, s25  }
0x56: {  	s14 =	sadd.s32 $0x800, s25;
	s2 =	sadd.s32 $0xA80, s25;
	s15 =	sadd.s32 $0x400, s25  }
0x57: {  	s16 =	sadd.s32 $0x600, s25;
	s17 =	sadd.s32 $0x700, s25;
	(v2sf) =	vpush v0, $0x8;
	s18 =	spop (v2sf)  }
0x58: {  	s19 =	sadd.s32 $0x500, s25;
	s18 =	sand.u32 $0x1FFFFFF0, s18;
	s20 =	spop (v2sf)  }
0x59: {  	(v2sf) =	vpush v0, $0x9;
	s18 =	sadd.s32 s3, s18;
	s20 =	sand.u32 $0x1FFFFFF0, s20;
	s21 =	spop (v2sf)  }
0x5a: {  	[tilespmem:s15], [sflag:$0x1] =	stream.linear.gather [hbm4b:s18+s24], $0x80, $0x38;
	[tilespmem:$0x10400] =	vst v63  }
0x5b: {  	s26 =	sadd.s32 $0x580, s25;
	(v2sf) =	vpush v0, $0xA;
	s30 =	sadd.s32 s3, s20;
	s31 =	spop (v2sf)  }
0x5c: {  	[tilespmem:s7], [sflag:$0x1] =	stream.linear.gather [hbm4b:s30+s24], $0x80, $0x38;
	[tilespmem:$0x10400] =	vst v63  }
0x5d: {  	s15 =	sadd.s32 $0x900, s25;
	s21 =	sand.u32 $0x1FFFFFF0, s21;
	(v2sf) =	vpush v0, $0xB;
	s29 =	spop (v2sf)  }
0x5e: {  	s18 =	sadd.s32 s3, s21;
	s7 =	sadd.s32 $0x880, s25;
	s21 =	sand.u32 $0x1FFFFFF0, s29  }
0x5f: {  	(v2sf) =	vpush v0, $0xC;
	[tilespmem:s19], [sflag:$0x1] =	stream.linear.gather [hbm4b:s18+s24], $0x80, $0x38;
	[tilespmem:$0x10400] =	vst v63  }
0x60: {  	s30 =	sand.u32 $0x1FFFFFF0, s31;
	s31 =	spop (v2sf);
	s21 =	sadd.s32 s3, s21  }
0x61: {  	(v2sf) =	vpush v0, $0xD;
	[tilespmem:s26], [sflag:$0x1] =	stream.linear.gather [hbm4b:s21+s24], $0x80, $0x38;
	[tilespmem:$0x10400] =	vst v63  }
0x62: {  	s18 =	sadd.s32 s3, s30;
	s19 =	sand.u32 $0x1FFFFFF0, s31;
	s29 =	spop (v2sf)  }
0x63: {  	(v2sf) =	vpush v0, $0xE;
	[tilespmem:s16], [sflag:$0x1] =	stream.linear.gather [hbm4b:s18+s24], $0x80, $0x38;
	[tilespmem:$0x10400] =	vst v63  }
0x64: {  	s19 =	sadd.s32 s3, s19;
	s30 =	sand.u32 $0x1FFFFFF0, s29;
	s31 =	spop (v2sf)  }
0x65: {  	(v2sf) =	vpush v0, $0xF;
	[tilespmem:s13], [sflag:$0x1] =	stream.linear.gather [hbm4b:s19+s24], $0x80, $0x38;
	[tilespmem:$0x10400] =	vst v63  }
0x66: {  	s20 =	spop (v2sf);
	s16 =	sadd.s32 s3, s30;
	s19 =	sand.u32 $0x1FFFFFF0, s31  }
0x67: {  	[tilespmem:s17], [sflag:$0x1] =	stream.linear.gather [hbm4b:s16+s24], $0x80, $0x38;
	[tilespmem:$0x10400] =	vst v63  }
0x68: {  	s21 =	sand.u32 $0x1FFFFFF0, s20;
	s13 =	sadd.s32 s3, s19;
	s26 =	spop (v2sf)  }
0x69: {  	[tilespmem:s9], [sflag:$0x1] =	stream.linear.gather [hbm4b:s13+s24], $0x80, $0x38;
	[tilespmem:$0x10400] =	vst v63  }
0x6a: {  	s16 =	sadd.s32 s3, s21;
	s29 =	sand.u32 $0x1FFFFFF0, s26;
	s30 =	spop (v2sf)  }
0x6b: {  	[tilespmem:s14], [sflag:$0x1] =	stream.linear.gather [hbm4b:s16+s24], $0x80, $0x38;
	[tilespmem:$0x10400] =	vst v63  }
0x6c: {  	s13 =	sand.u32 $0x1FFFFFF0, s30;
	s9 =	sadd.s32 s3, s29;
	s31 =	spop (v2sf)  }
0x6d: {  	[tilespmem:s7], [sflag:$0x1] =	stream.linear.gather [hbm4b:s9+s24], $0x80, $0x38;
	[tilespmem:$0x10400] =	vst v63  }
0x6e: {  	s13 =	sadd.s32 s3, s13;
	s16 =	sand.u32 $0x1FFFFFF0, s31;
	s17 =	spop (v2sf)  }
0x6f: {  	[tilespmem:s15], [sflag:$0x1] =	stream.linear.gather [hbm4b:s13+s24], $0x80, $0x38;
	[tilespmem:$0x10400] =	vst v63  }
0x70: {  	s7 =	sadd.s32 s3, s16;
	s9 =	sand.u32 $0x1FFFFFF0, s17;
	s18 =	spop (v2sf)  }
0x71: {  	[tilespmem:s6], [sflag:$0x1] =	stream.linear.gather [hbm4b:s7+s24], $0x80, $0x38;
	[tilespmem:$0x10400] =	vst v63  }
0x72: {  	s19 =	sand.u32 $0x1FFFFFF0, s18;
	s9 =	sadd.s32 s3, s9;
	s20 =	spop (v2sf)  }
0x73: {  	[tilespmem:s0], [sflag:$0x1] =	stream.linear.gather [hbm4b:s9+s24], $0x80, $0x38;
	[tilespmem:$0x10400] =	vst v63  }
0x74: {  	s21 =	sand.u32 $0x1FFFFFF0, s20;
	s26 =	spop (v2sf);
	s6 =	sadd.s32 s3, s19  }
0x75: {  	[tilespmem:s2], [sflag:$0x1] =	stream.linear.gather [hbm4b:s6+s24], $0x80, $0x38;
	[tilespmem:$0x10400] =	vst v63  }
0x76: {  	s30 =	sadd.s32 $0xB00, s25;
	s29 =	sand.u32 $0x1FFFFFF0, s26;
	s0 =	sadd.s32 s3, s21  }
0x77: {  	[tilespmem:s30], [sflag:$0x1] =	stream.linear.gather [hbm4b:s0+s24], $0x80, $0x38;
	[tilespmem:$0x10400] =	vst v63  }
0x78: {  	s31 =	sadd.s32 $0xB80, s25;
	s26 =	simm.s32 $0x80;
	s2 =	sadd.s32 s3, s29  }
0x79: {  	[tilespmem:s31], [sflag:$0x1] =	stream.linear.gather [hbm4b:s2+s24], $0x80, $0x38;
	[tilespmem:$0x10400] =	vst v63  }
0x7a: {  	v0 =	vld [tilespmem:s26+$0x0];
	_ =	sdelay $0x4  }
0x7b: {  	v0 =	vshll.u32 v0, $0x4  }
0x7c: {  	(v2sf) =	vpush v0, $0x0  }
0x7d: {  	(v2sf) =	vpush v0, $0x1  }
0x7e: {  	(v2sf) =	vpush v0, $0x2;
	_ =	sdelay $0x1  }
0x7f: {  	(v2sf) =	vpush v0, $0x4;
	_ =	sdelay $0x1  }
0x80: {  	(v2sf) =	vpush v0, $0x3  }
0x81: {  	(v2sf) =	vpush v0, $0x5  }
0x82: {  	s28 =	simm.s32 $0x2000;
	s25 =	simm.s32 $0x0;
	(v2sf) =	vpush v0, $0x6  }
.LBB2_4:
0x83: {  	p0 =	sne.s32 s28, $0xE000  }
0x84: {  	s13 =	sadd.s32 $0x4480, s25;
	s31 =	sadd.s32 $0x4980, s25;
	s29 =	smov.u32 s28  }
0x85: {  	s28 =	sadd.s32 $0x2000, s28;
	s14 =	sadd.s32 $0x4780, s25;
	s0 =	sadd.s32 $0x4A00, s25;
	(v2sf) =	vpush v0, $0x7  }
0x86: {  	s9 =	sadd.s32 $0x4680, s25;
	s6 =	sadd.s32 $0x4800, s25;
	s30 =	sadd.s32 $0x4A80, s25  }
0x87: {  	s15 =	sadd.s32 $0x4400, s25;
	s16 =	sadd.s32 $0x4600, s25;
	(v2sf) =	vpush v0, $0x8  }
0x88: {  	s17 =	sadd.s32 $0x4700, s25;
	s26 =	sadd.s32 $0x10, s26  }
0x89: {  	s18 =	sadd.s32 $0x4500, s25;
	s2 =	sadd.s32 $0x4900, s25;
	s7 =	spop (v2sf);
	(v2sf) =	vpush v0, $0x9  }
0x8a: {  	s19 =	sand.u32 $0x1FFFFFF0, s7;
	s7 =	sadd.s32 $0x4880, s25;
	s20 =	spop (v2sf)  }
0x8b: {  	s19 =	sadd.s32 s3, s19;
	s20 =	sand.u32 $0x1FFFFFF0, s20;
	s21 =	spop (v2sf);
	(v2sf) =	vpush v0, $0xA  }
0x8c: {  	[tilespmem:s15], [sflag:$0x2] =	stream.linear.gather [hbm4b:s19+s24], $0x80, $0x38;
	[tilespmem:$0x10400] =	vst v63  }
0x8d: {  	s15 =	sadd.s32 s3, s20;
	s19 =	sadd.s32 $0x4580, s25;
	s20 =	spop (v2sf);
	(v2sf) =	vpush v0, $0xB  }
0x8e: {  	[tilespmem:s13], [sflag:$0x2] =	stream.linear.gather [hbm4b:s15+s24], $0x80, $0x38;
	[tilespmem:$0x10400] =	vst v63  }
0x8f: {  	s13 =	sand.u32 $0x1FFFFFF0, s21;
	s15 =	sand.u32 $0x1FFFFFF0, s20;
	s20 =	spop (v2sf);
	(v2sf) =	vpush v0, $0xC  }
0x90: {  	s13 =	sadd.s32 s3, s13;
	s20 =	sand.u32 $0x1FFFFFF0, s20;
	s21 =	spop (v2sf)  }
0x91: {  	[tilespmem:s18], [sflag:$0x2] =	stream.linear.gather [hbm4b:s13+s24], $0x80, $0x38;
	(v2sf) =	vpush v0, $0xD;
	[tilespmem:$0x10400] =	vst v63  }
0x92: {  	s13 =	sadd.s32 s3, s20;
	s18 =	sand.u32 $0x1FFFFFF0, s21;
	s20 =	spop (v2sf)  }
0x93: {  	[tilespmem:s19], [sflag:$0x2] =	stream.linear.gather [hbm4b:s13+s24], $0x80, $0x38;
	(v2sf) =	vpush v0, $0xE;
	[tilespmem:$0x10400] =	vst v63  }
0x94: {  	s13 =	sadd.s32 s3, s15;
	s15 =	sand.u32 $0x1FFFFFF0, s20;
	s19 =	spop (v2sf)  }
0x95: {  	[tilespmem:s16], [sflag:$0x2] =	stream.linear.gather [hbm4b:s13+s24], $0x80, $0x38;
	(v2sf) =	vpush v0, $0xF;
	[tilespmem:$0x10400] =	vst v63  }
0x96: {  	s13 =	sadd.s32 s3, s18;
	s16 =	sand.u32 $0x1FFFFFF0, s19;
	s18 =	spop (v2sf)  }
0x97: {  	[tilespmem:s9], [sflag:$0x2] =	stream.linear.gather [hbm4b:s13+s24], $0x80, $0x38;
	[tilespmem:$0x10400] =	vst v63  }
0x98: {  	s9 =	sadd.s32 s3, s15;
	s13 =	sand.u32 $0x1FFFFFF0, s18;
	s15 =	spop (v2sf)  }
0x99: {  	[tilespmem:s17], [sflag:$0x2] =	stream.linear.gather [hbm4b:s9+s24], $0x80, $0x38;
	[tilespmem:$0x10400] =	vst v63  }
0x9a: {  	s9 =	sadd.s32 s3, s16;
	s15 =	sand.u32 $0x1FFFFFF0, s15;
	s16 =	spop (v2sf)  }
0x9b: {  	[tilespmem:s14], [sflag:$0x2] =	stream.linear.gather [hbm4b:s9+s24], $0x80, $0x38;
	[tilespmem:$0x10400] =	vst v63  }
0x9c: {  	s9 =	sadd.s32 s3, s13;
	s13 =	sand.u32 $0x1FFFFFF0, s16;
	s14 =	spop (v2sf)  }
0x9d: {  	[tilespmem:s6], [sflag:$0x2] =	stream.linear.gather [hbm4b:s9+s24], $0x80, $0x38;
	[tilespmem:$0x10400] =	vst v63  }
0x9e: {  	s6 =	sadd.s32 s3, s15;
	s9 =	sand.u32 $0x1FFFFFF0, s14;
	s14 =	spop (v2sf)  }
0x9f: {  	[tilespmem:s7], [sflag:$0x2] =	stream.linear.gather [hbm4b:s6+s24], $0x80, $0x38;
	[tilespmem:$0x10400] =	vst v63  }
0xa0: {  	s6 =	sadd.s32 s3, s13;
	s7 =	sand.u32 $0x1FFFFFF0, s14;
	s13 =	spop (v2sf)  }
0xa1: {  	[tilespmem:s2], [sflag:$0x2] =	stream.linear.gather [hbm4b:s6+s24], $0x80, $0x38;
	[tilespmem:$0x10400] =	vst v63  }
0xa2: {  	s2 =	sadd.s32 s3, s9;
	s6 =	sand.u32 $0x1FFFFFF0, s13;
	s9 =	spop (v2sf)  }
0xa3: {  	[tilespmem:s31], [sflag:$0x2] =	stream.linear.gather [hbm4b:s2+s24], $0x80, $0x38;
	[tilespmem:$0x10400] =	vst v63  }
0xa4: {  	s2 =	sadd.s32 s3, s7;
	s7 =	sand.u32 $0x1FFFFFF0, s9;
	s9 =	spop (v2sf)  }
0xa5: {  	[tilespmem:s0], [sflag:$0x2] =	stream.linear.gather [hbm4b:s2+s24], $0x80, $0x38;
	[tilespmem:$0x10400] =	vst v63  }
0xa6: {  	s0 =	sadd.s32 s3, s6;
	s2 =	sand.u32 $0x1FFFFFF0, s9  }
0xa7: {  	[tilespmem:s30], [sflag:$0x2] =	stream.linear.gather [hbm4b:s0+s24], $0x80, $0x38;
	[tilespmem:$0x10400] =	vst v63  }
0xa8: {  	s6 =	sadd.s32 s3, s7;
	s0 =	sadd.s32 $0x4B00, s25  }
0xa9: {  	[tilespmem:s0], [sflag:$0x2] =	stream.linear.gather [hbm4b:s6+s24], $0x80, $0x38;
	[tilespmem:$0x10400] =	vst v63  }
0xaa: {  	s2 =	sadd.s32 s3, s2;
	s0 =	sadd.s32 $0x4B80, s25  }
0xab: {  	[tilespmem:s0], [sflag:$0x2] =	stream.linear.gather [hbm4b:s2+s24], $0x80, $0x38;
	[tilespmem:$0x10400] =	vst v63  }
0xac: {  	v0 =	vld [tilespmem:s26+$0x0];
	_ =	sdelay $0x4  }
0xad: {  	v0 =	vshll.u32 v0, $0x4  }
0xae: {  	(v2sf) =	vpush v0, $0x0  }
0xaf: {  	(v2sf) =	vpush v0, $0x1  }
0xb0: {  	(v2sf) =	vpush v0, $0x2;
	_ =	sdelay $0x1  }
0xb1: {  	(v2sf) =	vpush v0, $0x4  }
.Ltmp1:
0xb2: {  	(pc) =	sbr.rel @p0 .LBB2_4-.Ltmp1, $3  }
0xb3: {  	(v2sf) =	vpush v0, $0x3  }
0xb4: {  	(v2sf) =	vpush v0, $0x5;
	_ =	sdelay $0x1  }
0xb5: {  	s25 =	sshra.s32 s29, $0x2;
	(v2sf) =	vpush v0, $0x6  }
0xb6: {  	_ =	sdelay $0x1  }
0xb7: {  	s7 =	sadd.s32 $0x4480, s25;
	s6 =	sadd.s32 $0x4980, s25  }
0xb8: {  	s9 =	sadd.s32 $0x4780, s25;
	s0 =	sadd.s32 $0x4A00, s25;
	(v2sf) =	vpush v0, $0x7;
	s13 =	sadd.s32 $0x4680, s25  }
0xb9: {  	s14 =	sadd.s32 $0x4800, s25;
	s2 =	sadd.s32 $0x4A80, s25;
	s15 =	sadd.s32 $0x4400, s25  }
0xba: {  	s16 =	sadd.s32 $0x4600, s25;
	s17 =	sadd.s32 $0x4700, s25;
	(v2sf) =	vpush v0, $0x8;
	s18 =	spop (v2sf)  }
0xbb: {  	s19 =	sadd.s32 $0x4500, s25;
	s18 =	sand.u32 $0x1FFFFFF0, s18;
	s20 =	spop (v2sf)  }
0xbc: {  	(v2sf) =	vpush v0, $0x9;
	s18 =	sadd.s32 s3, s18;
	s20 =	sand.u32 $0x1FFFFFF0, s20;
	s21 =	spop (v2sf)  }
0xbd: {  	[tilespmem:s15], [sflag:$0x2] =	stream.linear.gather [hbm4b:s18+s24], $0x80, $0x38;
	[tilespmem:$0x10400] =	vst v63  }
0xbe: {  	s26 =	sadd.s32 $0x4580, s25;
	(v2sf) =	vpush v0, $0xA;
	s30 =	sadd.s32 s3, s20;
	s31 =	spop (v2sf)  }
0xbf: {  	[tilespmem:s7], [sflag:$0x2] =	stream.linear.gather [hbm4b:s30+s24], $0x80, $0x38;
	[tilespmem:$0x10400] =	vst v63  }
0xc0: {  	s15 =	sadd.s32 $0x4900, s25;
	s21 =	sand.u32 $0x1FFFFFF0, s21;
	(v2sf) =	vpush v0, $0xB;
	s29 =	spop (v2sf)  }
0xc1: {  	s18 =	sadd.s32 s3, s21;
	s7 =	sadd.s32 $0x4880, s25;
	s21 =	sand.u32 $0x1FFFFFF0, s29  }
0xc2: {  	(v2sf) =	vpush v0, $0xC;
	[tilespmem:s19], [sflag:$0x2] =	stream.linear.gather [hbm4b:s18+s24], $0x80, $0x38;
	[tilespmem:$0x10400] =	vst v63  }
0xc3: {  	s30 =	sand.u32 $0x1FFFFFF0, s31;
	s31 =	spop (v2sf);
	s21 =	sadd.s32 s3, s21  }
0xc4: {  	(v2sf) =	vpush v0, $0xD;
	[tilespmem:s26], [sflag:$0x2] =	stream.linear.gather [hbm4b:s21+s24], $0x80, $0x38;
	[tilespmem:$0x10400] =	vst v63  }
0xc5: {  	s18 =	sadd.s32 s3, s30;
	s19 =	sand.u32 $0x1FFFFFF0, s31;
	s29 =	spop (v2sf)  }
0xc6: {  	(v2sf) =	vpush v0, $0xE;
	[tilespmem:s16], [sflag:$0x2] =	stream.linear.gather [hbm4b:s18+s24], $0x80, $0x38;
	[tilespmem:$0x10400] =	vst v63  }
0xc7: {  	s19 =	sadd.s32 s3, s19;
	s30 =	sand.u32 $0x1FFFFFF0, s29;
	s31 =	spop (v2sf)  }
0xc8: {  	(v2sf) =	vpush v0, $0xF;
	[tilespmem:s13], [sflag:$0x2] =	stream.linear.gather [hbm4b:s19+s24], $0x80, $0x38;
	[tilespmem:$0x10400] =	vst v63  }
0xc9: {  	s20 =	spop (v2sf);
	s16 =	sadd.s32 s3, s30;
	s19 =	sand.u32 $0x1FFFFFF0, s31  }
0xca: {  	[tilespmem:s17], [sflag:$0x2] =	stream.linear.gather [hbm4b:s16+s24], $0x80, $0x38;
	[tilespmem:$0x10400] =	vst v63  }
0xcb: {  	s21 =	sand.u32 $0x1FFFFFF0, s20;
	s13 =	sadd.s32 s3, s19;
	s26 =	spop (v2sf)  }
0xcc: {  	[tilespmem:s9], [sflag:$0x2] =	stream.linear.gather [hbm4b:s13+s24], $0x80, $0x38;
	[tilespmem:$0x10400] =	vst v63  }
0xcd: {  	s16 =	sadd.s32 s3, s21;
	s29 =	sand.u32 $0x1FFFFFF0, s26;
	s30 =	spop (v2sf)  }
0xce: {  	[tilespmem:s14], [sflag:$0x2] =	stream.linear.gather [hbm4b:s16+s24], $0x80, $0x38;
	[tilespmem:$0x10400] =	vst v63  }
0xcf: {  	s13 =	sand.u32 $0x1FFFFFF0, s30;
	s9 =	sadd.s32 s3, s29;
	s31 =	spop (v2sf)  }
0xd0: {  	[tilespmem:s7], [sflag:$0x2] =	stream.linear.gather [hbm4b:s9+s24], $0x80, $0x38;
	[tilespmem:$0x10400] =	vst v63  }
0xd1: {  	s13 =	sadd.s32 s3, s13;
	s16 =	sand.u32 $0x1FFFFFF0, s31;
	s17 =	spop (v2sf)  }
0xd2: {  	[tilespmem:s15], [sflag:$0x2] =	stream.linear.gather [hbm4b:s13+s24], $0x80, $0x38;
	[tilespmem:$0x10400] =	vst v63  }
0xd3: {  	s7 =	sadd.s32 s3, s16;
	s9 =	sand.u32 $0x1FFFFFF0, s17;
	s18 =	spop (v2sf)  }
0xd4: {  	[tilespmem:s6], [sflag:$0x2] =	stream.linear.gather [hbm4b:s7+s24], $0x80, $0x38;
	[tilespmem:$0x10400] =	vst v63  }
0xd5: {  	s19 =	sand.u32 $0x1FFFFFF0, s18;
	s9 =	sadd.s32 s3, s9;
	s20 =	spop (v2sf)  }
0xd6: {  	[tilespmem:s0], [sflag:$0x2] =	stream.linear.gather [hbm4b:s9+s24], $0x80, $0x38;
	[tilespmem:$0x10400] =	vst v63  }
0xd7: {  	s21 =	sand.u32 $0x1FFFFFF0, s20;
	s26 =	spop (v2sf);
	s6 =	sadd.s32 s3, s19  }
0xd8: {  	[tilespmem:s2], [sflag:$0x2] =	stream.linear.gather [hbm4b:s6+s24], $0x80, $0x38;
	[tilespmem:$0x10400] =	vst v63  }
0xd9: {  	s30 =	sadd.s32 $0x4B00, s25;
	s29 =	sand.u32 $0x1FFFFFF0, s26;
	s0 =	sadd.s32 s3, s21  }
0xda: {  	[tilespmem:s30], [sflag:$0x2] =	stream.linear.gather [hbm4b:s0+s24], $0x80, $0x38;
	[tilespmem:$0x10400] =	vst v63  }
0xdb: {  	s31 =	sadd.s32 $0x4B80, s25;
	s26 =	simm.s32 $0x100;
	s2 =	sadd.s32 s3, s29  }
0xdc: {  	[tilespmem:s31], [sflag:$0x2] =	stream.linear.gather [hbm4b:s2+s24], $0x80, $0x38;
	[tilespmem:$0x10400] =	vst v63  }
0xdd: {  	v0 =	vld [tilespmem:s26+$0x0];
	_ =	sdelay $0x4  }
0xde: {  	v0 =	vshll.u32 v0, $0x4  }
0xdf: {  	(v2sf) =	vpush v0, $0x0  }
0xe0: {  	(v2sf) =	vpush v0, $0x1  }
0xe1: {  	(v2sf) =	vpush v0, $0x2;
	_ =	sdelay $0x1  }
0xe2: {  	(v2sf) =	vpush v0, $0x4;
	_ =	sdelay $0x1  }
0xe3: {  	(v2sf) =	vpush v0, $0x3  }
0xe4: {  	(v2sf) =	vpush v0, $0x5  }
0xe5: {  	s28 =	simm.s32 $0x2000;
	s25 =	simm.s32 $0x0;
	(v2sf) =	vpush v0, $0x6  }
.LBB2_6:
0xe6: {  	p0 =	sne.s32 s28, $0xE000  }
0xe7: {  	s13 =	sadd.s32 $0x8480, s25;
	s0 =	sadd.s32 $0x8980, s25;
	s29 =	smov.u32 s28  }
0xe8: {  	s28 =	sadd.s32 $0x2000, s28;
	s6 =	sadd.s32 $0x8780, s25;
	s30 =	sadd.s32 $0x8A00, s25;
	(v2sf) =	vpush v0, $0x7  }
0xe9: {  	s9 =	sadd.s32 $0x8680, s25;
	s2 =	sadd.s32 $0x8800, s25;
	s31 =	sadd.s32 $0x8A80, s25  }
0xea: {  	s15 =	sadd.s32 $0x8400, s25;
	s16 =	sadd.s32 $0x8600, s25;
	(v2sf) =	vpush v0, $0x8  }
0xeb: {  	s24 =	simm.s32 $0x0;
	s17 =	sadd.s32 $0x8700, s25;
	s26 =	sadd.s32 $0x10, s26  }
0xec: {  	s18 =	sadd.s32 $0x8500, s25;
	s14 =	sadd.s32 $0x8900, s25;
	s7 =	spop (v2sf);
	(v2sf) =	vpush v0, $0x9  }
0xed: {  	s19 =	sand.u32 $0x1FFFFFF0, s7;
	s7 =	sadd.s32 $0x8880, s25;
	s20 =	spop (v2sf)  }
0xee: {  	s19 =	sadd.s32 s3, s19;
	s20 =	sand.u32 $0x1FFFFFF0, s20;
	s21 =	spop (v2sf);
	(v2sf) =	vpush v0, $0xA  }
0xef: {  	[tilespmem:s15], [sflag:$0x3] =	stream.linear.gather [hbm4b:s19+s24], $0x80, $0x38;
	[tilespmem:$0x10400] =	vst v63  }
0xf0: {  	s15 =	sadd.s32 s3, s20;
	s19 =	sadd.s32 $0x8580, s25;
	s20 =	spop (v2sf);
	(v2sf) =	vpush v0, $0xB  }
0xf1: {  	[tilespmem:s13], [sflag:$0x3] =	stream.linear.gather [hbm4b:s15+s24], $0x80, $0x38;
	[tilespmem:$0x10400] =	vst v63  }
0xf2: {  	s13 =	sand.u32 $0x1FFFFFF0, s21;
	s15 =	sand.u32 $0x1FFFFFF0, s20;
	s20 =	spop (v2sf);
	(v2sf) =	vpush v0, $0xC  }
0xf3: {  	s13 =	sadd.s32 s3, s13;
	s20 =	sand.u32 $0x1FFFFFF0, s20;
	s21 =	spop (v2sf)  }
0xf4: {  	[tilespmem:s18], [sflag:$0x3] =	stream.linear.gather [hbm4b:s13+s24], $0x80, $0x38;
	(v2sf) =	vpush v0, $0xD;
	[tilespmem:$0x10400] =	vst v63  }
0xf5: {  	s13 =	sadd.s32 s3, s20;
	s18 =	sand.u32 $0x1FFFFFF0, s21;
	s20 =	spop (v2sf)  }
0xf6: {  	[tilespmem:s19], [sflag:$0x3] =	stream.linear.gather [hbm4b:s13+s24], $0x80, $0x38;
	(v2sf) =	vpush v0, $0xE;
	[tilespmem:$0x10400] =	vst v63  }
0xf7: {  	s13 =	sadd.s32 s3, s15;
	s15 =	sand.u32 $0x1FFFFFF0, s20;
	s19 =	spop (v2sf)  }
0xf8: {  	[tilespmem:s16], [sflag:$0x3] =	stream.linear.gather [hbm4b:s13+s24], $0x80, $0x38;
	(v2sf) =	vpush v0, $0xF;
	[tilespmem:$0x10400] =	vst v63  }
0xf9: {  	s13 =	sadd.s32 s3, s18;
	s16 =	sand.u32 $0x1FFFFFF0, s19;
	s18 =	spop (v2sf)  }
0xfa: {  	[tilespmem:s9], [sflag:$0x3] =	stream.linear.gather [hbm4b:s13+s24], $0x80, $0x38;
	[tilespmem:$0x10400] =	vst v63  }
0xfb: {  	s9 =	sadd.s32 s3, s15;
	s13 =	sand.u32 $0x1FFFFFF0, s18;
	s15 =	spop (v2sf)  }
0xfc: {  	[tilespmem:s17], [sflag:$0x3] =	stream.linear.gather [hbm4b:s9+s24], $0x80, $0x38;
	[tilespmem:$0x10400] =	vst v63  }
0xfd: {  	s9 =	sadd.s32 s3, s16;
	s15 =	sand.u32 $0x1FFFFFF0, s15;
	s16 =	spop (v2sf)  }
0xfe: {  	[tilespmem:s6], [sflag:$0x3] =	stream.linear.gather [hbm4b:s9+s24], $0x80, $0x38;
	[tilespmem:$0x10400] =	vst v63  }
0xff: {  	s6 =	sadd.s32 s3, s13;
	s9 =	sand.u32 $0x1FFFFFF0, s16;
	s13 =	spop (v2sf)  }
0x100: {  	[tilespmem:s2], [sflag:$0x3] =	stream.linear.gather [hbm4b:s6+s24], $0x80, $0x38;
	[tilespmem:$0x10400] =	vst v63  }
0x101: {  	s2 =	sadd.s32 s3, s15;
	s6 =	sand.u32 $0x1FFFFFF0, s13;
	s13 =	spop (v2sf)  }
0x102: {  	[tilespmem:s7], [sflag:$0x3] =	stream.linear.gather [hbm4b:s2+s24], $0x80, $0x38;
	[tilespmem:$0x10400] =	vst v63  }
0x103: {  	s2 =	sadd.s32 s3, s9;
	s7 =	sand.u32 $0x1FFFFFF0, s13;
	s9 =	spop (v2sf)  }
0x104: {  	[tilespmem:s14], [sflag:$0x3] =	stream.linear.gather [hbm4b:s2+s24], $0x80, $0x38;
	[tilespmem:$0x10400] =	vst v63  }
0x105: {  	s2 =	sadd.s32 s3, s6;
	s6 =	sand.u32 $0x1FFFFFF0, s9;
	s9 =	spop (v2sf)  }
0x106: {  	[tilespmem:s0], [sflag:$0x3] =	stream.linear.gather [hbm4b:s2+s24], $0x80, $0x38;
	[tilespmem:$0x10400] =	vst v63  }
0x107: {  	s0 =	sadd.s32 s3, s7;
	s2 =	sand.u32 $0x1FFFFFF0, s9;
	s7 =	spop (v2sf)  }
0x108: {  	[tilespmem:s30], [sflag:$0x3] =	stream.linear.gather [hbm4b:s0+s24], $0x80, $0x38;
	[tilespmem:$0x10400] =	vst v63  }
0x109: {  	s0 =	sadd.s32 s3, s6;
	s6 =	sand.u32 $0x1FFFFFF0, s7  }
0x10a: {  	[tilespmem:s31], [sflag:$0x3] =	stream.linear.gather [hbm4b:s0+s24], $0x80, $0x38;
	[tilespmem:$0x10400] =	vst v63  }
0x10b: {  	s2 =	sadd.s32 s3, s2;
	s0 =	sadd.s32 $0x8B00, s25  }
0x10c: {  	[tilespmem:s0], [sflag:$0x3] =	stream.linear.gather [hbm4b:s2+s24], $0x80, $0x38;
	[tilespmem:$0x10400] =	vst v63  }
0x10d: {  	s0 =	sadd.s32 $0x8B80, s25;
	s2 =	sadd.s32 s3, s6  }
0x10e: {  	[tilespmem:s0], [sflag:$0x3] =	stream.linear.gather [hbm4b:s2+s24], $0x80, $0x38;
	[tilespmem:$0x10400] =	vst v63  }
0x10f: {  	v0 =	vld [tilespmem:s26+$0x0];
	_ =	sdelay $0x4  }
0x110: {  	v0 =	vshll.u32 v0, $0x4  }
0x111: {  	(v2sf) =	vpush v0, $0x0  }
0x112: {  	(v2sf) =	vpush v0, $0x1  }
0x113: {  	(v2sf) =	vpush v0, $0x2;
	_ =	sdelay $0x1  }
0x114: {  	(v2sf) =	vpush v0, $0x4  }
.Ltmp2:
0x115: {  	(pc) =	sbr.rel @p0 .LBB2_6-.Ltmp2, $3  }
0x116: {  	(v2sf) =	vpush v0, $0x3  }
0x117: {  	(v2sf) =	vpush v0, $0x5;
	_ =	sdelay $0x1  }
0x118: {  	s25 =	sshra.s32 s29, $0x2;
	(v2sf) =	vpush v0, $0x6  }
0x119: {  	_ =	sdelay $0x1  }
0x11a: {  	s7 =	sadd.s32 $0x8480, s25;
	s6 =	sadd.s32 $0x8980, s25  }
0x11b: {  	s9 =	sadd.s32 $0x8780, s25;
	s0 =	sadd.s32 $0x8A00, s25;
	(v2sf) =	vpush v0, $0x7;
	s13 =	sadd.s32 $0x8680, s25  }
0x11c: {  	s14 =	sadd.s32 $0x8800, s25;
	s2 =	sadd.s32 $0x8A80, s25;
	s15 =	sadd.s32 $0x8400, s25  }
0x11d: {  	s16 =	sadd.s32 $0x8600, s25;
	s17 =	sadd.s32 $0x8700, s25;
	(v2sf) =	vpush v0, $0x8;
	s18 =	spop (v2sf)  }
0x11e: {  	s19 =	sadd.s32 $0x8500, s25;
	s18 =	sand.u32 $0x1FFFFFF0, s18;
	s20 =	spop (v2sf)  }
0x11f: {  	(v2sf) =	vpush v0, $0x9;
	s18 =	sadd.s32 s3, s18;
	s20 =	sand.u32 $0x1FFFFFF0, s20;
	s21 =	spop (v2sf)  }
0x120: {  	[tilespmem:s15], [sflag:$0x3] =	stream.linear.gather [hbm4b:s18+s24], $0x80, $0x38;
	[tilespmem:$0x10400] =	vst v63  }
0x121: {  	(v2sf) =	vpush v0, $0xA;
	s26 =	sadd.s32 s3, s20;
	s29 =	sand.u32 $0x1FFFFFF0, s21;
	s28 =	spop (v2sf)  }
0x122: {  	[tilespmem:s7], [sflag:$0x3] =	stream.linear.gather [hbm4b:s26+s24], $0x80, $0x38;
	[tilespmem:$0x10400] =	vst v63  }
0x123: {  	s15 =	sadd.s32 $0x8900, s25;
	(v2sf) =	vpush v0, $0xB;
	s18 =	sadd.s32 s3, s29;
	s30 =	spop (v2sf)  }
0x124: {  	s7 =	sadd.s32 $0x8880, s25;
	s26 =	sadd.s32 $0x8580, s25;
	s21 =	sand.u32 $0x1FFFFFF0, s30  }
0x125: {  	(v2sf) =	vpush v0, $0xC;
	[tilespmem:s19], [sflag:$0x3] =	stream.linear.gather [hbm4b:s18+s24], $0x80, $0x38;
	[tilespmem:$0x10400] =	vst v63  }
0x126: {  	s31 =	sand.u32 $0x1FFFFFF0, s28;
	s28 =	spop (v2sf);
	s29 =	sadd.s32 s3, s21  }
0x127: {  	(v2sf) =	vpush v0, $0xD;
	[tilespmem:s26], [sflag:$0x3] =	stream.linear.gather [hbm4b:s29+s24], $0x80, $0x38;
	[tilespmem:$0x10400] =	vst v63  }
0x128: {  	s18 =	sadd.s32 s3, s31;
	s19 =	sand.u32 $0x1FFFFFF0, s28;
	s30 =	spop (v2sf)  }
0x129: {  	(v2sf) =	vpush v0, $0xE;
	[tilespmem:s16], [sflag:$0x3] =	stream.linear.gather [hbm4b:s18+s24], $0x80, $0x38;
	[tilespmem:$0x10400] =	vst v63  }
0x12a: {  	s19 =	sadd.s32 s3, s19;
	s31 =	sand.u32 $0x1FFFFFF0, s30;
	s20 =	spop (v2sf)  }
0x12b: {  	(v2sf) =	vpush v0, $0xF;
	[tilespmem:s13], [sflag:$0x3] =	stream.linear.gather [hbm4b:s19+s24], $0x80, $0x38;
	[tilespmem:$0x10400] =	vst v63  }
0x12c: {  	s21 =	sand.u32 $0x1FFFFFF0, s20;
	s26 =	spop (v2sf);
	s16 =	sadd.s32 s3, s31  }
0x12d: {  	[tilespmem:s17], [sflag:$0x3] =	stream.linear.gather [hbm4b:s16+s24], $0x80, $0x38;
	[tilespmem:$0x10400] =	vst v63  }
0x12e: {  	s28 =	sand.u32 $0x1FFFFFF0, s26;
	s13 =	sadd.s32 s3, s21;
	s29 =	spop (v2sf)  }
0x12f: {  	[tilespmem:s9], [sflag:$0x3] =	stream.linear.gather [hbm4b:s13+s24], $0x80, $0x38;
	[tilespmem:$0x10400] =	vst v63  }
0x130: {  	s16 =	sadd.s32 s3, s28;
	s30 =	sand.u32 $0x1FFFFFF0, s29;
	s31 =	spop (v2sf)  }
0x131: {  	[tilespmem:s14], [sflag:$0x3] =	stream.linear.gather [hbm4b:s16+s24], $0x80, $0x38;
	[tilespmem:$0x10400] =	vst v63  }
0x132: {  	s13 =	sand.u32 $0x1FFFFFF0, s31;
	s9 =	sadd.s32 s3, s30;
	s16 =	spop (v2sf)  }
0x133: {  	[tilespmem:s7], [sflag:$0x3] =	stream.linear.gather [hbm4b:s9+s24], $0x80, $0x38;
	[tilespmem:$0x10400] =	vst v63  }
0x134: {  	s13 =	sadd.s32 s3, s13;
	s17 =	sand.u32 $0x1FFFFFF0, s16;
	s18 =	spop (v2sf)  }
0x135: {  	[tilespmem:s15], [sflag:$0x3] =	stream.linear.gather [hbm4b:s13+s24], $0x80, $0x38;
	[tilespmem:$0x10400] =	vst v63  }
0x136: {  	s7 =	sadd.s32 s3, s17;
	s9 =	sand.u32 $0x1FFFFFF0, s18;
	s19 =	spop (v2sf)  }
0x137: {  	[tilespmem:s6], [sflag:$0x3] =	stream.linear.gather [hbm4b:s7+s24], $0x80, $0x38;
	[tilespmem:$0x10400] =	vst v63  }
0x138: {  	s20 =	sand.u32 $0x1FFFFFF0, s19;
	s9 =	sadd.s32 s3, s9;
	s21 =	spop (v2sf)  }
0x139: {  	[tilespmem:s0], [sflag:$0x3] =	stream.linear.gather [hbm4b:s9+s24], $0x80, $0x38;
	[tilespmem:$0x10400] =	vst v63  }
0x13a: {  	s26 =	sand.u32 $0x1FFFFFF0, s21;
	s28 =	spop (v2sf);
	s6 =	sadd.s32 s3, s20  }
0x13b: {  	[tilespmem:s2], [sflag:$0x3] =	stream.linear.gather [hbm4b:s6+s24], $0x80, $0x38;
	[tilespmem:$0x10400] =	vst v63  }
0x13c: {  	s30 =	sadd.s32 $0x8B00, s25;
	s29 =	sand.u32 $0x1FFFFFF0, s28;
	s0 =	sadd.s32 s3, s26  }
0x13d: {  	[tilespmem:s30], [sflag:$0x3] =	stream.linear.gather [hbm4b:s0+s24], $0x80, $0x38;
	[tilespmem:$0x10400] =	vst v63  }
0x13e: {  	s31 =	sadd.s32 $0x8B80, s25;
	s25 =	simm.s32 $0x180;
	s2 =	sadd.s32 s3, s29  }
0x13f: {  	[tilespmem:s31], [sflag:$0x3] =	stream.linear.gather [hbm4b:s2+s24], $0x80, $0x38;
	[tilespmem:$0x10400] =	vst v63  }
0x140: {  	v0 =	vld [tilespmem:s25+$0x0];
	_ =	sdelay $0x4  }
0x141: {  	v0 =	vshll.u32 v0, $0x4  }
0x142: {  	(v2sf) =	vpush v0, $0x0  }
0x143: {  	(v2sf) =	vpush v0, $0x1  }
0x144: {  	(v2sf) =	vpush v0, $0x2;
	_ =	sdelay $0x1  }
0x145: {  	(v2sf) =	vpush v0, $0x4;
	_ =	sdelay $0x1  }
0x146: {  	(v2sf) =	vpush v0, $0x3  }
0x147: {  	(v2sf) =	vpush v0, $0x5  }
0x148: {  	s26 =	simm.s32 $0x2000;
	s24 =	simm.s32 $0x0;
	(v2sf) =	vpush v0, $0x6  }
.LBB2_8:
0x149: {  	p0 =	sne.s32 s26, $0xE000  }
0x14a: {  	s13 =	sadd.s32 $0xC480, s24;
	s30 =	sadd.s32 $0xC980, s24;
	s28 =	smov.u32 s26  }
0x14b: {  	s26 =	sadd.s32 $0x2000, s26;
	s14 =	sadd.s32 $0xC780, s24;
	s0 =	sadd.s32 $0xCA00, s24;
	(v2sf) =	vpush v0, $0x7  }
0x14c: {  	s9 =	sadd.s32 $0xC680, s24;
	s6 =	sadd.s32 $0xC800, s24;
	s29 =	sadd.s32 $0xCA80, s24  }
0x14d: {  	s15 =	sadd.s32 $0xC400, s24;
	s16 =	sadd.s32 $0xC600, s24;
	(v2sf) =	vpush v0, $0x8  }
0x14e: {  	s17 =	sadd.s32 $0xC700, s24;
	s25 =	sadd.s32 $0x10, s25  }
0x14f: {  	s18 =	sadd.s32 $0xC500, s24;
	s2 =	sadd.s32 $0xC900, s24;
	s7 =	spop (v2sf);
	(v2sf) =	vpush v0, $0x9  }
0x150: {  	s19 =	sand.u32 $0x1FFFFFF0, s7;
	s7 =	sadd.s32 $0xC880, s24;
	s20 =	spop (v2sf)  }
0x151: {  	s19 =	sadd.s32 s3, s19;
	s20 =	sand.u32 $0x1FFFFFF0, s20;
	s21 =	spop (v2sf);
	(v2sf) =	vpush v0, $0xA  }
0x152: {  	[tilespmem:s15], [sflag:$0x4] =	stream.linear.gather [hbm4b:s19+s1], $0x80, $0x38;
	[tilespmem:$0x10400] =	vst v63  }
0x153: {  	s15 =	sadd.s32 s3, s20;
	s19 =	sadd.s32 $0xC580, s24;
	s20 =	spop (v2sf);
	(v2sf) =	vpush v0, $0xB  }
0x154: {  	[tilespmem:s13], [sflag:$0x4] =	stream.linear.gather [hbm4b:s15+s1], $0x80, $0x38;
	[tilespmem:$0x10400] =	vst v63  }
0x155: {  	s13 =	sand.u32 $0x1FFFFFF0, s21;
	s15 =	sand.u32 $0x1FFFFFF0, s20;
	s20 =	spop (v2sf);
	(v2sf) =	vpush v0, $0xC  }
0x156: {  	s13 =	sadd.s32 s3, s13;
	s20 =	sand.u32 $0x1FFFFFF0, s20;
	s21 =	spop (v2sf)  }
0x157: {  	[tilespmem:s18], [sflag:$0x4] =	stream.linear.gather [hbm4b:s13+s1], $0x80, $0x38;
	(v2sf) =	vpush v0, $0xD;
	[tilespmem:$0x10400] =	vst v63  }
0x158: {  	s13 =	sadd.s32 s3, s20;
	s18 =	sand.u32 $0x1FFFFFF0, s21;
	s20 =	spop (v2sf)  }
0x159: {  	[tilespmem:s19], [sflag:$0x4] =	stream.linear.gather [hbm4b:s13+s1], $0x80, $0x38;
	(v2sf) =	vpush v0, $0xE;
	[tilespmem:$0x10400] =	vst v63  }
0x15a: {  	s13 =	sadd.s32 s3, s15;
	s15 =	sand.u32 $0x1FFFFFF0, s20;
	s19 =	spop (v2sf)  }
0x15b: {  	[tilespmem:s16], [sflag:$0x4] =	stream.linear.gather [hbm4b:s13+s1], $0x80, $0x38;
	(v2sf) =	vpush v0, $0xF;
	[tilespmem:$0x10400] =	vst v63  }
0x15c: {  	s13 =	sadd.s32 s3, s18;
	s16 =	sand.u32 $0x1FFFFFF0, s19;
	s18 =	spop (v2sf)  }
0x15d: {  	[tilespmem:s9], [sflag:$0x4] =	stream.linear.gather [hbm4b:s13+s1], $0x80, $0x38;
	[tilespmem:$0x10400] =	vst v63  }
0x15e: {  	s9 =	sadd.s32 s3, s15;
	s13 =	sand.u32 $0x1FFFFFF0, s18;
	s15 =	spop (v2sf)  }
0x15f: {  	[tilespmem:s17], [sflag:$0x4] =	stream.linear.gather [hbm4b:s9+s1], $0x80, $0x38;
	[tilespmem:$0x10400] =	vst v63  }
0x160: {  	s9 =	sadd.s32 s3, s16;
	s15 =	sand.u32 $0x1FFFFFF0, s15;
	s16 =	spop (v2sf)  }
0x161: {  	[tilespmem:s14], [sflag:$0x4] =	stream.linear.gather [hbm4b:s9+s1], $0x80, $0x38;
	[tilespmem:$0x10400] =	vst v63  }
0x162: {  	s9 =	sadd.s32 s3, s13;
	s13 =	sand.u32 $0x1FFFFFF0, s16;
	s14 =	spop (v2sf)  }
0x163: {  	[tilespmem:s6], [sflag:$0x4] =	stream.linear.gather [hbm4b:s9+s1], $0x80, $0x38;
	[tilespmem:$0x10400] =	vst v63  }
0x164: {  	s6 =	sadd.s32 s3, s15;
	s9 =	sand.u32 $0x1FFFFFF0, s14;
	s14 =	spop (v2sf)  }
0x165: {  	[tilespmem:s7], [sflag:$0x4] =	stream.linear.gather [hbm4b:s6+s1], $0x80, $0x38;
	[tilespmem:$0x10400] =	vst v63  }
0x166: {  	s6 =	sadd.s32 s3, s13;
	s7 =	sand.u32 $0x1FFFFFF0, s14;
	s13 =	spop (v2sf)  }
0x167: {  	[tilespmem:s2], [sflag:$0x4] =	stream.linear.gather [hbm4b:s6+s1], $0x80, $0x38;
	[tilespmem:$0x10400] =	vst v63  }
0x168: {  	s2 =	sadd.s32 s3, s9;
	s6 =	sand.u32 $0x1FFFFFF0, s13;
	s9 =	spop (v2sf)  }
0x169: {  	[tilespmem:s30], [sflag:$0x4] =	stream.linear.gather [hbm4b:s2+s1], $0x80, $0x38;
	[tilespmem:$0x10400] =	vst v63  }
0x16a: {  	s2 =	sadd.s32 s3, s7;
	s7 =	sand.u32 $0x1FFFFFF0, s9;
	s9 =	spop (v2sf)  }
0x16b: {  	[tilespmem:s0], [sflag:$0x4] =	stream.linear.gather [hbm4b:s2+s1], $0x80, $0x38;
	[tilespmem:$0x10400] =	vst v63  }
0x16c: {  	s0 =	sadd.s32 s3, s6;
	s2 =	sand.u32 $0x1FFFFFF0, s9  }
0x16d: {  	[tilespmem:s29], [sflag:$0x4] =	stream.linear.gather [hbm4b:s0+s1], $0x80, $0x38;
	[tilespmem:$0x10400] =	vst v63  }
0x16e: {  	s6 =	sadd.s32 s3, s7;
	s0 =	sadd.s32 $0xCB00, s24  }
0x16f: {  	[tilespmem:s0], [sflag:$0x4] =	stream.linear.gather [hbm4b:s6+s1], $0x80, $0x38;
	[tilespmem:$0x10400] =	vst v63  }
0x170: {  	s2 =	sadd.s32 s3, s2;
	s0 =	sadd.s32 $0xCB80, s24  }
0x171: {  	[tilespmem:s0], [sflag:$0x4] =	stream.linear.gather [hbm4b:s2+s1], $0x80, $0x38;
	[tilespmem:$0x10400] =	vst v63  }
0x172: {  	v0 =	vld [tilespmem:s25+$0x0];
	_ =	sdelay $0x4  }
0x173: {  	v0 =	vshll.u32 v0, $0x4  }
0x174: {  	(v2sf) =	vpush v0, $0x0  }
0x175: {  	(v2sf) =	vpush v0, $0x1  }
0x176: {  	(v2sf) =	vpush v0, $0x2;
	_ =	sdelay $0x1  }
0x177: {  	(v2sf) =	vpush v0, $0x4  }
.Ltmp3:
0x178: {  	(pc) =	sbr.rel @p0 .LBB2_8-.Ltmp3, $3  }
0x179: {  	(v2sf) =	vpush v0, $0x3  }
0x17a: {  	(v2sf) =	vpush v0, $0x5;
	_ =	sdelay $0x1  }
0x17b: {  	s24 =	sshra.s32 s28, $0x2;
	(v2sf) =	vpush v0, $0x6  }
0x17c: {  	_ =	sdelay $0x1  }
0x17d: {  	s7 =	sadd.s32 $0xC480, s24;
	(v2sf) =	vpush v0, $0x7  }
0x17e: {  	s6 =	sadd.s32 $0xC980, s24;
	s9 =	sadd.s32 $0xC780, s24;
	s0 =	sadd.s32 $0xCA00, s24  }
0x17f: {  	s13 =	sadd.s32 $0xC680, s24;
	s14 =	sadd.s32 $0xC800, s24;
	s2 =	sadd.s32 $0xCA80, s24;
	(v2sf) =	vpush v0, $0x8  }
0x180: {  	s15 =	sadd.s32 $0xC400, s24;
	s16 =	sadd.s32 $0xC600, s24;
	s18 =	spop (v2sf)  }
0x181: {  	s17 =	sadd.s32 $0xC700, s24;
	s18 =	sand.u32 $0x1FFFFFF0, s18;
	s20 =	spop (v2sf)  }
0x182: {  	s18 =	sadd.s32 s3, s18;
	s20 =	sand.u32 $0x1FFFFFF0, s20;
	s21 =	spop (v2sf)  }
0x183: {  	(v2sf) =	vpush v0, $0x9;
	[tilespmem:s15], [sflag:$0x4] =	stream.linear.gather [hbm4b:s18+s1], $0x80, $0x38;
	[tilespmem:$0x10400] =	vst v63  }
0x184: {  	s19 =	sadd.s32 $0xC500, s24;
	s29 =	sadd.s32 s3, s20;
	s30 =	spop (v2sf)  }
0x185: {  	(v2sf) =	vpush v0, $0xA;
	[tilespmem:s7], [sflag:$0x4] =	stream.linear.gather [hbm4b:s29+s1], $0x80, $0x38;
	[tilespmem:$0x10400] =	vst v63  }
0x186: {  	s25 =	sadd.s32 $0xC580, s24;
	s26 =	sand.u32 $0x1FFFFFF0, s21;
	s28 =	spop (v2sf)  }
0x187: {  	s31 =	simm.s32 $0x1;
	(v2sf) =	vpush v0, $0xB;
	s18 =	sadd.s32 s3, s26;
	s21 =	sand.u32 $0x1FFFFFF0, s28  }
0x188: {  	[tilespmem:s19], [sflag:$0x4] =	stream.linear.gather [hbm4b:s18+s1], $0x80, $0x38;
	[tilespmem:$0x10400] =	vst v63  }
0x189: {  	s29 =	sand.u32 $0x1FFFFFF0, s30;
	(v2sf) =	vpush v0, $0xC;
	s30 =	spop (v2sf);
	s26 =	sadd.s32 s3, s21  }
0x18a: {  	[tilespmem:s25], [sflag:$0x4] =	stream.linear.gather [hbm4b:s26+s1], $0x80, $0x38;
	[tilespmem:$0x10400] =	vst v63  }
0x18b: {  	s15 =	sadd.s32 $0xC900, s24;
	s7 =	sadd.s32 $0xC880, s24;
	(v2sf) =	vpush v0, $0xD;
	s28 =	spop (v2sf)  }
0x18c: {  	s18 =	sadd.s32 s3, s29;
	s19 =	sand.u32 $0x1FFFFFF0, s30;
	s30 =	spop (v2sf)  }
0x18d: {  	(v2sf) =	vpush v0, $0xE;
	[tilespmem:s16], [sflag:$0x4] =	stream.linear.gather [hbm4b:s18+s1], $0x80, $0x38;
	[tilespmem:$0x10400] =	vst v63  }
0x18e: {  	s19 =	sadd.s32 s3, s19;
	s29 =	sand.u32 $0x1FFFFFF0, s28;
	s20 =	spop (v2sf)  }
0x18f: {  	(v2sf) =	vpush v0, $0xF;
	[tilespmem:s13], [sflag:$0x4] =	stream.linear.gather [hbm4b:s19+s1], $0x80, $0x38;
	[tilespmem:$0x10400] =	vst v63  }
0x190: {  	s16 =	sadd.s32 s3, s29;
	s21 =	sand.u32 $0x1FFFFFF0, s20;
	s19 =	sand.u32 $0x1FFFFFF0, s30  }
0x191: {  	[tilespmem:s17], [sflag:$0x4] =	stream.linear.gather [hbm4b:s16+s1], $0x80, $0x38;
	[tilespmem:$0x10400] =	vst v63  }
0x192: {  	s13 =	sadd.s32 s3, s19;
	s16 =	sadd.s32 s3, s21;
	s25 =	spop (v2sf)  }
0x193: {  	[tilespmem:s9], [sflag:$0x4] =	stream.linear.gather [hbm4b:s13+s1], $0x80, $0x38;
	[tilespmem:$0x10400] =	vst v63  }
0x194: {  	s21 =	sadd.s32 $0xCB00, s24;
	s26 =	sand.u32 $0x1FFFFFF0, s25;
	s28 =	spop (v2sf)  }
0x195: {  	[tilespmem:s14], [sflag:$0x4] =	stream.linear.gather [hbm4b:s16+s1], $0x80, $0x38;
	[tilespmem:$0x10400] =	vst v63  }
0x196: {  	s13 =	sand.u32 $0x1FFFFFF0, s28;
	s9 =	sadd.s32 s3, s26;
	s29 =	spop (v2sf)  }
0x197: {  	[tilespmem:s7], [sflag:$0x4] =	stream.linear.gather [hbm4b:s9+s1], $0x80, $0x38;
	[tilespmem:$0x10400] =	vst v63  }
0x198: {  	s13 =	sadd.s32 s3, s13;
	s30 =	sand.u32 $0x1FFFFFF0, s29;
	s14 =	spop (v2sf)  }
0x199: {  	[tilespmem:s15], [sflag:$0x4] =	stream.linear.gather [hbm4b:s13+s1], $0x80, $0x38;
	[tilespmem:$0x10400] =	vst v63  }
0x19a: {  	s7 =	sadd.s32 s3, s30;
	s9 =	sand.u32 $0x1FFFFFF0, s14;
	s15 =	spop (v2sf)  }
0x19b: {  	[tilespmem:s6], [sflag:$0x4] =	stream.linear.gather [hbm4b:s7+s1], $0x80, $0x38;
	[tilespmem:$0x10400] =	vst v63  }
0x19c: {  	s9 =	sadd.s32 s3, s9;
	s16 =	sand.u32 $0x1FFFFFF0, s15;
	s17 =	spop (v2sf)  }
0x19d: {  	[tilespmem:s0], [sflag:$0x4] =	stream.linear.gather [hbm4b:s9+s1], $0x80, $0x38;
	[tilespmem:$0x10400] =	vst v63  }
0x19e: {  	s18 =	sand.u32 $0x1FFFFFF0, s17;
	s19 =	spop (v2sf);
	s6 =	sadd.s32 s3, s16  }
0x19f: {  	[tilespmem:s2], [sflag:$0x4] =	stream.linear.gather [hbm4b:s6+s1], $0x80, $0x38;
	[tilespmem:$0x10400] =	vst v63  }
0x1a0: {  	s25 =	sadd.s32 $0xCB80, s24;
	s20 =	sand.u32 $0x1FFFFFF0, s19;
	s0 =	sadd.s32 s3, s18  }
0x1a1: {  	[tilespmem:s21], [sflag:$0x4] =	stream.linear.gather [hbm4b:s0+s1], $0x80, $0x38;
	[tilespmem:$0x10400] =	vst v63  }
0x1a2: {  	s28 =	sadd.s32 $0x0, s8;
	s2 =	sadd.s32 s3, s20;
	s0 =	simm.s32 $0x0  }
0x1a3: {  	s6 =	sand.u32 $0x3E780, s28;
	s26 =	sand.u32 $0xF000, s0;
	s29 =	sand.u32 $0x70, s0  }
0x1a4: {  	[tilespmem:s25], [sflag:$0x4] =	stream.linear.gather [hbm4b:s2+s1], $0x80, $0x38;
	[tilespmem:$0x10400] =	vst v63  }
0x1a5: {  	s30 =	sand.u32 $0x380, s0;
	s2 =	sshrl.u32 s26, $0x2;
	_ =	swait.ge [sflag:s31], $0x4000  }
0x1a6: {  	s7 =	sadd.s32 s4, s29;
	s2 =	sor.u32 s30, s2;
	[sflag:s31] =	ssyncset.done $0x0  }
0x1a7: {  	s6 =	sadd.s32 s6, s7;
	s2 =	sadd.s32 $0x400, s2;
	[sflag:s31] =	ssyncadd.s32 $0xFFFFC000  }
0x1a8: {  	[hbm4b:s6+s1] =	stream.linear.scatter [tilespmem:s2], [sflag:$0x5], $0x80, $0x38;
	[tilespmem:$0x10400] =	vst v63  }
0x1a9: {  	s2 =	simm.s32 $0x200;
	s6 =	simm.s32 $0x0  }
.LBB2_10:
0x1aa: {  	s7 =	sand.u32 $0xF000, s2  }
0x1ab: {  	s0 =	sadd.s32 $0x10, s0;
	s6 =	sadd.s32 $0x80, s6;
	p0 =	sne.s32 s2, $0xFE00  }
.Ltmp4:
0x1ac: {  	s2 =	sadd.s32 $0x200, s2;
	s9 =	sadd.s32 s0, s8;
	(pc) =	sbr.rel @p0 .LBB2_10-.Ltmp4, $4  }
0x1ad: {  	s13 =	sand.u32 $0x70, s0;
	s14 =	sand.u32 $0x380, s6;
	s7 =	sshrl.u32 s7, $0x2  }
0x1ae: {  	s9 =	sand.u32 $0x3E780, s9;
	s13 =	sadd.s32 s4, s13;
	s7 =	sor.u32 s14, s7  }
0x1af: {  	s9 =	sadd.s32 s9, s13;
	s7 =	sadd.s32 $0x400, s7  }
0x1b0: {  	[hbm4b:s9+s1] =	stream.linear.scatter [tilespmem:s7], [sflag:$0x5], $0x80, $0x38;
	[tilespmem:$0x10400] =	vst v63  }
0x1b1: {  	s0 =	simm.s32 $0x5  }
0x1b2: {  	_ =	swait.ge [sflag:s0], $0x4000  }
0x1b3: {  	[sflag:s0] =	ssyncset.done $0x0  }
0x1b4: {  	s25 =	simm.s32 $0x200;
	[sflag:s0] =	ssyncadd.s32 $0xFFFFC000  }
0x1b5: {  	v0 =	vld [tilespmem:s25+$0x0];
	_ =	sdelay $0x4  }
0x1b6: {  	v0 =	vshll.u32 v0, $0x4  }
0x1b7: {  	(v2sf) =	vpush v0, $0x0  }
0x1b8: {  	(v2sf) =	vpush v0, $0x1  }
0x1b9: {  	(v2sf) =	vpush v0, $0x2;
	_ =	sdelay $0x1  }
0x1ba: {  	(v2sf) =	vpush v0, $0x4;
	_ =	sdelay $0x1  }
0x1bb: {  	(v2sf) =	vpush v0, $0x3  }
0x1bc: {  	(v2sf) =	vpush v0, $0x5  }
0x1bd: {  	s26 =	simm.s32 $0x2000;
	s24 =	simm.s32 $0x0;
	(v2sf) =	vpush v0, $0x6  }
.LBB2_12:
0x1be: {  	p0 =	sne.s32 s26, $0xE000  }
0x1bf: {  	s13 =	sadd.s32 $0x480, s24;
	s30 =	sadd.s32 $0x980, s24;
	s28 =	smov.u32 s26  }
0x1c0: {  	s26 =	sadd.s32 $0x2000, s26;
	s14 =	sadd.s32 $0x780, s24;
	s0 =	sadd.s32 $0xA00, s24;
	(v2sf) =	vpush v0, $0x7  }
0x1c1: {  	s9 =	sadd.s32 $0x680, s24;
	s6 =	sadd.s32 $0x800, s24;
	s29 =	sadd.s32 $0xA80, s24  }
0x1c2: {  	s15 =	sadd.s32 $0x400, s24;
	s16 =	sadd.s32 $0x600, s24;
	(v2sf) =	vpush v0, $0x8  }
0x1c3: {  	s17 =	sadd.s32 $0x700, s24;
	s25 =	sadd.s32 $0x10, s25  }
0x1c4: {  	s18 =	sadd.s32 $0x500, s24;
	s2 =	sadd.s32 $0x900, s24;
	s7 =	spop (v2sf);
	(v2sf) =	vpush v0, $0x9  }
0x1c5: {  	s19 =	sand.u32 $0x1FFFFFF0, s7;
	s7 =	sadd.s32 $0x880, s24;
	s20 =	spop (v2sf)  }
0x1c6: {  	s19 =	sadd.s32 s3, s19;
	s20 =	sand.u32 $0x1FFFFFF0, s20;
	s21 =	spop (v2sf);
	(v2sf) =	vpush v0, $0xA  }
0x1c7: {  	[tilespmem:s15], [sflag:$0x1] =	stream.linear.gather [hbm4b:s19+s1], $0x80, $0x38;
	[tilespmem:$0x10400] =	vst v63  }
0x1c8: {  	s15 =	sadd.s32 s3, s20;
	s19 =	sadd.s32 $0x580, s24;
	s20 =	spop (v2sf);
	(v2sf) =	vpush v0, $0xB  }
0x1c9: {  	[tilespmem:s13], [sflag:$0x1] =	stream.linear.gather [hbm4b:s15+s1], $0x80, $0x38;
	[tilespmem:$0x10400] =	vst v63  }
0x1ca: {  	s13 =	sand.u32 $0x1FFFFFF0, s21;
	s15 =	sand.u32 $0x1FFFFFF0, s20;
	s20 =	spop (v2sf);
	(v2sf) =	vpush v0, $0xC  }
0x1cb: {  	s13 =	sadd.s32 s3, s13;
	s20 =	sand.u32 $0x1FFFFFF0, s20;
	s21 =	spop (v2sf)  }
0x1cc: {  	[tilespmem:s18], [sflag:$0x1] =	stream.linear.gather [hbm4b:s13+s1], $0x80, $0x38;
	(v2sf) =	vpush v0, $0xD;
	[tilespmem:$0x10400] =	vst v63  }
0x1cd: {  	s13 =	sadd.s32 s3, s20;
	s18 =	sand.u32 $0x1FFFFFF0, s21;
	s20 =	spop (v2sf)  }
0x1ce: {  	[tilespmem:s19], [sflag:$0x1] =	stream.linear.gather [hbm4b:s13+s1], $0x80, $0x38;
	(v2sf) =	vpush v0, $0xE;
	[tilespmem:$0x10400] =	vst v63  }
0x1cf: {  	s13 =	sadd.s32 s3, s15;
	s15 =	sand.u32 $0x1FFFFFF0, s20;
	s19 =	spop (v2sf)  }
0x1d0: {  	[tilespmem:s16], [sflag:$0x1] =	stream.linear.gather [hbm4b:s13+s1], $0x80, $0x38;
	(v2sf) =	vpush v0, $0xF;
	[tilespmem:$0x10400] =	vst v63  }
0x1d1: {  	s13 =	sadd.s32 s3, s18;
	s16 =	sand.u32 $0x1FFFFFF0, s19;
	s18 =	spop (v2sf)  }
0x1d2: {  	[tilespmem:s9], [sflag:$0x1] =	stream.linear.gather [hbm4b:s13+s1], $0x80, $0x38;
	[tilespmem:$0x10400] =	vst v63  }
0x1d3: {  	s9 =	sadd.s32 s3, s15;
	s13 =	sand.u32 $0x1FFFFFF0, s18;
	s15 =	spop (v2sf)  }
0x1d4: {  	[tilespmem:s17], [sflag:$0x1] =	stream.linear.gather [hbm4b:s9+s1], $0x80, $0x38;
	[tilespmem:$0x10400] =	vst v63  }
0x1d5: {  	s9 =	sadd.s32 s3, s16;
	s15 =	sand.u32 $0x1FFFFFF0, s15;
	s16 =	spop (v2sf)  }
0x1d6: {  	[tilespmem:s14], [sflag:$0x1] =	stream.linear.gather [hbm4b:s9+s1], $0x80, $0x38;
	[tilespmem:$0x10400] =	vst v63  }
0x1d7: {  	s9 =	sadd.s32 s3, s13;
	s13 =	sand.u32 $0x1FFFFFF0, s16;
	s14 =	spop (v2sf)  }
0x1d8: {  	[tilespmem:s6], [sflag:$0x1] =	stream.linear.gather [hbm4b:s9+s1], $0x80, $0x38;
	[tilespmem:$0x10400] =	vst v63  }
0x1d9: {  	s6 =	sadd.s32 s3, s15;
	s9 =	sand.u32 $0x1FFFFFF0, s14;
	s14 =	spop (v2sf)  }
0x1da: {  	[tilespmem:s7], [sflag:$0x1] =	stream.linear.gather [hbm4b:s6+s1], $0x80, $0x38;
	[tilespmem:$0x10400] =	vst v63  }
0x1db: {  	s6 =	sadd.s32 s3, s13;
	s7 =	sand.u32 $0x1FFFFFF0, s14;
	s13 =	spop (v2sf)  }
0x1dc: {  	[tilespmem:s2], [sflag:$0x1] =	stream.linear.gather [hbm4b:s6+s1], $0x80, $0x38;
	[tilespmem:$0x10400] =	vst v63  }
0x1dd: {  	s2 =	sadd.s32 s3, s9;
	s6 =	sand.u32 $0x1FFFFFF0, s13;
	s9 =	spop (v2sf)  }
0x1de: {  	[tilespmem:s30], [sflag:$0x1] =	stream.linear.gather [hbm4b:s2+s1], $0x80, $0x38;
	[tilespmem:$0x10400] =	vst v63  }
0x1df: {  	s2 =	sadd.s32 s3, s7;
	s7 =	sand.u32 $0x1FFFFFF0, s9;
	s9 =	spop (v2sf)  }
0x1e0: {  	[tilespmem:s0], [sflag:$0x1] =	stream.linear.gather [hbm4b:s2+s1], $0x80, $0x38;
	[tilespmem:$0x10400] =	vst v63  }
0x1e1: {  	s0 =	sadd.s32 s3, s6;
	s2 =	sand.u32 $0x1FFFFFF0, s9  }
0x1e2: {  	[tilespmem:s29], [sflag:$0x1] =	stream.linear.gather [hbm4b:s0+s1], $0x80, $0x38;
	[tilespmem:$0x10400] =	vst v63  }
0x1e3: {  	s6 =	sadd.s32 s3, s7;
	s0 =	sadd.s32 $0xB00, s24  }
0x1e4: {  	[tilespmem:s0], [sflag:$0x1] =	stream.linear.gather [hbm4b:s6+s1], $0x80, $0x38;
	[tilespmem:$0x10400] =	vst v63  }
0x1e5: {  	s2 =	sadd.s32 s3, s2;
	s0 =	sadd.s32 $0xB80, s24  }
0x1e6: {  	[tilespmem:s0], [sflag:$0x1] =	stream.linear.gather [hbm4b:s2+s1], $0x80, $0x38;
	[tilespmem:$0x10400] =	vst v63  }
0x1e7: {  	v0 =	vld [tilespmem:s25+$0x0];
	_ =	sdelay $0x4  }
0x1e8: {  	v0 =	vshll.u32 v0, $0x4  }
0x1e9: {  	(v2sf) =	vpush v0, $0x0  }
0x1ea: {  	(v2sf) =	vpush v0, $0x1  }
0x1eb: {  	(v2sf) =	vpush v0, $0x2;
	_ =	sdelay $0x1  }
0x1ec: {  	(v2sf) =	vpush v0, $0x4  }
.Ltmp5:
0x1ed: {  	(pc) =	sbr.rel @p0 .LBB2_12-.Ltmp5, $3  }
0x1ee: {  	(v2sf) =	vpush v0, $0x3  }
0x1ef: {  	(v2sf) =	vpush v0, $0x5;
	_ =	sdelay $0x1  }
0x1f0: {  	s24 =	sshra.s32 s28, $0x2;
	(v2sf) =	vpush v0, $0x6  }
0x1f1: {  	_ =	sdelay $0x1  }
0x1f2: {  	s7 =	sadd.s32 $0x480, s24  }
0x1f3: {  	s6 =	sadd.s32 $0x980, s24;
	s9 =	sadd.s32 $0x780, s24;
	s0 =	sadd.s32 $0xA00, s24;
	(v2sf) =	vpush v0, $0x7  }
0x1f4: {  	s13 =	sadd.s32 $0x680, s24;
	s14 =	sadd.s32 $0x800, s24;
	s2 =	sadd.s32 $0xA80, s24  }
0x1f5: {  	s15 =	sadd.s32 $0x400, s24;
	s16 =	sadd.s32 $0x600, s24;
	(v2sf) =	vpush v0, $0x8;
	s18 =	spop (v2sf)  }
0x1f6: {  	s17 =	sadd.s32 $0x700, s24;
	s18 =	sand.u32 $0x1FFFFFF0, s18;
	s20 =	spop (v2sf)  }
0x1f7: {  	s18 =	sadd.s32 s3, s18;
	s20 =	sand.u32 $0x1FFFFFF0, s20;
	s21 =	spop (v2sf)  }
0x1f8: {  	(v2sf) =	vpush v0, $0x9;
	[tilespmem:s15], [sflag:$0x1] =	stream.linear.gather [hbm4b:s18+s1], $0x80, $0x38;
	[tilespmem:$0x10400] =	vst v63  }
0x1f9: {  	s19 =	sadd.s32 $0x500, s24;
	s29 =	sadd.s32 s3, s20;
	s30 =	spop (v2sf)  }
0x1fa: {  	(v2sf) =	vpush v0, $0xA;
	[tilespmem:s7], [sflag:$0x1] =	stream.linear.gather [hbm4b:s29+s1], $0x80, $0x38;
	[tilespmem:$0x10400] =	vst v63  }
0x1fb: {  	s25 =	sadd.s32 $0x580, s24;
	s26 =	sand.u32 $0x1FFFFFF0, s21;
	s28 =	spop (v2sf)  }
0x1fc: {  	s15 =	sadd.s32 $0x900, s24;
	(v2sf) =	vpush v0, $0xB;
	s18 =	sadd.s32 s3, s26;
	s21 =	sand.u32 $0x1FFFFFF0, s28  }
0x1fd: {  	[tilespmem:s19], [sflag:$0x1] =	stream.linear.gather [hbm4b:s18+s1], $0x80, $0x38;
	[tilespmem:$0x10400] =	vst v63  }
0x1fe: {  	s29 =	sand.u32 $0x1FFFFFF0, s30;
	(v2sf) =	vpush v0, $0xC;
	s30 =	spop (v2sf);
	s26 =	sadd.s32 s3, s21  }
0x1ff: {  	[tilespmem:s25], [sflag:$0x1] =	stream.linear.gather [hbm4b:s26+s1], $0x80, $0x38;
	[tilespmem:$0x10400] =	vst v63  }
0x200: {  	(v2sf) =	vpush v0, $0xD;
	s18 =	sadd.s32 s3, s29;
	s19 =	sand.u32 $0x1FFFFFF0, s30;
	s28 =	spop (v2sf)  }
0x201: {  	[tilespmem:s16], [sflag:$0x1] =	stream.linear.gather [hbm4b:s18+s1], $0x80, $0x38;
	[tilespmem:$0x10400] =	vst v63  }
0x202: {  	s7 =	sadd.s32 $0x880, s24;
	(v2sf) =	vpush v0, $0xE;
	s19 =	sadd.s32 s3, s19;
	s30 =	spop (v2sf)  }
0x203: {  	[tilespmem:s13], [sflag:$0x1] =	stream.linear.gather [hbm4b:s19+s1], $0x80, $0x38;
	[tilespmem:$0x10400] =	vst v63  }
0x204: {  	s29 =	sand.u32 $0x1FFFFFF0, s28;
	(v2sf) =	vpush v0, $0xF;
	s20 =	spop (v2sf);
	s19 =	sand.u32 $0x1FFFFFF0, s30  }
0x205: {  	s16 =	sadd.s32 s3, s29;
	s21 =	sand.u32 $0x1FFFFFF0, s20;
	s13 =	sadd.s32 s3, s19  }
0x206: {  	[tilespmem:s17], [sflag:$0x1] =	stream.linear.gather [hbm4b:s16+s1], $0x80, $0x38;
	[tilespmem:$0x10400] =	vst v63  }
0x207: {  	s16 =	sadd.s32 s3, s21;
	s21 =	sadd.s32 $0xB00, s24;
	s25 =	spop (v2sf)  }
0x208: {  	[tilespmem:s9], [sflag:$0x1] =	stream.linear.gather [hbm4b:s13+s1], $0x80, $0x38;
	[tilespmem:$0x10400] =	vst v63  }
0x209: {  	s24 =	sadd.s32 $0xB80, s24;
	s26 =	sand.u32 $0x1FFFFFF0, s25;
	s28 =	spop (v2sf)  }
0x20a: {  	[tilespmem:s14], [sflag:$0x1] =	stream.linear.gather [hbm4b:s16+s1], $0x80, $0x38;
	[tilespmem:$0x10400] =	vst v63  }
0x20b: {  	s13 =	sand.u32 $0x1FFFFFF0, s28;
	s9 =	sadd.s32 s3, s26;
	s29 =	spop (v2sf)  }
0x20c: {  	[tilespmem:s7], [sflag:$0x1] =	stream.linear.gather [hbm4b:s9+s1], $0x80, $0x38;
	[tilespmem:$0x10400] =	vst v63  }
0x20d: {  	s13 =	sadd.s32 s3, s13;
	s30 =	sand.u32 $0x1FFFFFF0, s29;
	s14 =	spop (v2sf)  }
0x20e: {  	[tilespmem:s15], [sflag:$0x1] =	stream.linear.gather [hbm4b:s13+s1], $0x80, $0x38;
	[tilespmem:$0x10400] =	vst v63  }
0x20f: {  	s7 =	sadd.s32 s3, s30;
	s9 =	sand.u32 $0x1FFFFFF0, s14;
	s15 =	spop (v2sf)  }
0x210: {  	[tilespmem:s6], [sflag:$0x1] =	stream.linear.gather [hbm4b:s7+s1], $0x80, $0x38;
	[tilespmem:$0x10400] =	vst v63  }
0x211: {  	s9 =	sadd.s32 s3, s9;
	s16 =	sand.u32 $0x1FFFFFF0, s15;
	s17 =	spop (v2sf)  }
0x212: {  	[tilespmem:s0], [sflag:$0x1] =	stream.linear.gather [hbm4b:s9+s1], $0x80, $0x38;
	[tilespmem:$0x10400] =	vst v63  }
0x213: {  	s18 =	sand.u32 $0x1FFFFFF0, s17;
	s19 =	spop (v2sf);
	s6 =	sadd.s32 s3, s16  }
0x214: {  	[tilespmem:s2], [sflag:$0x1] =	stream.linear.gather [hbm4b:s6+s1], $0x80, $0x38;
	[tilespmem:$0x10400] =	vst v63  }
0x215: {  	s25 =	simm.s32 $0x2;
	s20 =	sand.u32 $0x1FFFFFF0, s19;
	s0 =	sadd.s32 s3, s18  }
0x216: {  	[tilespmem:s21], [sflag:$0x1] =	stream.linear.gather [hbm4b:s0+s1], $0x80, $0x38;
	[tilespmem:$0x10400] =	vst v63  }
0x217: {  	s28 =	sadd.s32 $0x0, s10;
	s2 =	sadd.s32 s3, s20;
	s0 =	simm.s32 $0x0  }
0x218: {  	s6 =	sand.u32 $0xFFFEF80, s28;
	s26 =	sand.u32 $0xF000, s0;
	s29 =	sand.u32 $0x70, s0  }
0x219: {  	[tilespmem:s24], [sflag:$0x1] =	stream.linear.gather [hbm4b:s2+s1], $0x80, $0x38;
	[tilespmem:$0x10400] =	vst v63  }
0x21a: {  	s30 =	sand.u32 $0x380, s0;
	s2 =	sshrl.u32 s26, $0x2;
	_ =	swait.ge [sflag:s25], $0x4000  }
0x21b: {  	s7 =	sadd.s32 s4, s29;
	s2 =	sor.u32 s30, s2;
	[sflag:s25] =	ssyncset.done $0x0  }
0x21c: {  	s6 =	sadd.s32 s6, s7;
	s2 =	sadd.s32 $0x4400, s2;
	[sflag:s25] =	ssyncadd.s32 $0xFFFFC000  }
0x21d: {  	[hbm4b:s6+s1] =	stream.linear.scatter [tilespmem:s2], [sflag:$0x6], $0x80, $0x38;
	[tilespmem:$0x10400] =	vst v63  }
0x21e: {  	s2 =	simm.s32 $0x200;
	s6 =	simm.s32 $0x0  }
.LBB2_14:
0x21f: {  	s7 =	sand.u32 $0xF000, s2  }
0x220: {  	s0 =	sadd.s32 $0x10, s0;
	s6 =	sadd.s32 $0x80, s6;
	p0 =	sne.s32 s2, $0xFE00  }
.Ltmp6:
0x221: {  	s2 =	sadd.s32 $0x200, s2;
	s9 =	sadd.s32 s0, s10;
	(pc) =	sbr.rel @p0 .LBB2_14-.Ltmp6, $4  }
0x222: {  	s13 =	sand.u32 $0x70, s0;
	s14 =	sand.u32 $0x380, s6;
	s7 =	sshrl.u32 s7, $0x2  }
0x223: {  	s9 =	sand.u32 $0xFFFEF80, s9;
	s13 =	sadd.s32 s4, s13;
	s7 =	sor.u32 s14, s7  }
0x224: {  	s9 =	sadd.s32 s9, s13;
	s7 =	sadd.s32 $0x4400, s7  }
0x225: {  	[hbm4b:s9+s1] =	stream.linear.scatter [tilespmem:s7], [sflag:$0x6], $0x80, $0x38;
	[tilespmem:$0x10400] =	vst v63  }
0x226: {  	s0 =	simm.s32 $0x6  }
0x227: {  	_ =	swait.ge [sflag:s0], $0x4000  }
0x228: {  	[sflag:s0] =	ssyncset.done $0x0  }
0x229: {  	s25 =	simm.s32 $0x280;
	[sflag:s0] =	ssyncadd.s32 $0xFFFFC000  }
0x22a: {  	v0 =	vld [tilespmem:s25+$0x0];
	_ =	sdelay $0x4  }
0x22b: {  	v0 =	vshll.u32 v0, $0x4  }
0x22c: {  	(v2sf) =	vpush v0, $0x0  }
0x22d: {  	(v2sf) =	vpush v0, $0x1  }
0x22e: {  	(v2sf) =	vpush v0, $0x2;
	_ =	sdelay $0x1  }
0x22f: {  	(v2sf) =	vpush v0, $0x4;
	_ =	sdelay $0x1  }
0x230: {  	(v2sf) =	vpush v0, $0x3  }
0x231: {  	(v2sf) =	vpush v0, $0x5  }
0x232: {  	s26 =	simm.s32 $0x2000;
	s24 =	simm.s32 $0x0;
	(v2sf) =	vpush v0, $0x6  }
.LBB2_16:
0x233: {  	p0 =	sne.s32 s26, $0xE000  }
0x234: {  	s13 =	sadd.s32 $0x4480, s24;
	s30 =	sadd.s32 $0x4980, s24;
	s28 =	smov.u32 s26  }
0x235: {  	s26 =	sadd.s32 $0x2000, s26;
	s14 =	sadd.s32 $0x4780, s24;
	s0 =	sadd.s32 $0x4A00, s24;
	(v2sf) =	vpush v0, $0x7  }
0x236: {  	s9 =	sadd.s32 $0x4680, s24;
	s6 =	sadd.s32 $0x4800, s24;
	s29 =	sadd.s32 $0x4A80, s24  }
0x237: {  	s15 =	sadd.s32 $0x4400, s24;
	s16 =	sadd.s32 $0x4600, s24;
	(v2sf) =	vpush v0, $0x8  }
0x238: {  	s17 =	sadd.s32 $0x4700, s24;
	s25 =	sadd.s32 $0x10, s25  }
0x239: {  	s18 =	sadd.s32 $0x4500, s24;
	s2 =	sadd.s32 $0x4900, s24;
	s7 =	spop (v2sf);
	(v2sf) =	vpush v0, $0x9  }
0x23a: {  	s19 =	sand.u32 $0x1FFFFFF0, s7;
	s7 =	sadd.s32 $0x4880, s24;
	s20 =	spop (v2sf)  }
0x23b: {  	s19 =	sadd.s32 s3, s19;
	s20 =	sand.u32 $0x1FFFFFF0, s20;
	s21 =	spop (v2sf);
	(v2sf) =	vpush v0, $0xA  }
0x23c: {  	[tilespmem:s15], [sflag:$0x2] =	stream.linear.gather [hbm4b:s19+s1], $0x80, $0x38;
	[tilespmem:$0x10400] =	vst v63  }
0x23d: {  	s15 =	sadd.s32 s3, s20;
	s19 =	sadd.s32 $0x4580, s24;
	s20 =	spop (v2sf);
	(v2sf) =	vpush v0, $0xB  }
0x23e: {  	[tilespmem:s13], [sflag:$0x2] =	stream.linear.gather [hbm4b:s15+s1], $0x80, $0x38;
	[tilespmem:$0x10400] =	vst v63  }
0x23f: {  	s13 =	sand.u32 $0x1FFFFFF0, s21;
	s15 =	sand.u32 $0x1FFFFFF0, s20;
	s20 =	spop (v2sf);
	(v2sf) =	vpush v0, $0xC  }
0x240: {  	s13 =	sadd.s32 s3, s13;
	s20 =	sand.u32 $0x1FFFFFF0, s20;
	s21 =	spop (v2sf)  }
0x241: {  	[tilespmem:s18], [sflag:$0x2] =	stream.linear.gather [hbm4b:s13+s1], $0x80, $0x38;
	(v2sf) =	vpush v0, $0xD;
	[tilespmem:$0x10400] =	vst v63  }
0x242: {  	s13 =	sadd.s32 s3, s20;
	s18 =	sand.u32 $0x1FFFFFF0, s21;
	s20 =	spop (v2sf)  }
0x243: {  	[tilespmem:s19], [sflag:$0x2] =	stream.linear.gather [hbm4b:s13+s1], $0x80, $0x38;
	(v2sf) =	vpush v0, $0xE;
	[tilespmem:$0x10400] =	vst v63  }
0x244: {  	s13 =	sadd.s32 s3, s15;
	s15 =	sand.u32 $0x1FFFFFF0, s20;
	s19 =	spop (v2sf)  }
0x245: {  	[tilespmem:s16], [sflag:$0x2] =	stream.linear.gather [hbm4b:s13+s1], $0x80, $0x38;
	(v2sf) =	vpush v0, $0xF;
	[tilespmem:$0x10400] =	vst v63  }
0x246: {  	s13 =	sadd.s32 s3, s18;
	s16 =	sand.u32 $0x1FFFFFF0, s19;
	s18 =	spop (v2sf)  }
0x247: {  	[tilespmem:s9], [sflag:$0x2] =	stream.linear.gather [hbm4b:s13+s1], $0x80, $0x38;
	[tilespmem:$0x10400] =	vst v63  }
0x248: {  	s9 =	sadd.s32 s3, s15;
	s13 =	sand.u32 $0x1FFFFFF0, s18;
	s15 =	spop (v2sf)  }
0x249: {  	[tilespmem:s17], [sflag:$0x2] =	stream.linear.gather [hbm4b:s9+s1], $0x80, $0x38;
	[tilespmem:$0x10400] =	vst v63  }
0x24a: {  	s9 =	sadd.s32 s3, s16;
	s15 =	sand.u32 $0x1FFFFFF0, s15;
	s16 =	spop (v2sf)  }
0x24b: {  	[tilespmem:s14], [sflag:$0x2] =	stream.linear.gather [hbm4b:s9+s1], $0x80, $0x38;
	[tilespmem:$0x10400] =	vst v63  }
0x24c: {  	s9 =	sadd.s32 s3, s13;
	s13 =	sand.u32 $0x1FFFFFF0, s16;
	s14 =	spop (v2sf)  }
0x24d: {  	[tilespmem:s6], [sflag:$0x2] =	stream.linear.gather [hbm4b:s9+s1], $0x80, $0x38;
	[tilespmem:$0x10400] =	vst v63  }
0x24e: {  	s6 =	sadd.s32 s3, s15;
	s9 =	sand.u32 $0x1FFFFFF0, s14;
	s14 =	spop (v2sf)  }
0x24f: {  	[tilespmem:s7], [sflag:$0x2] =	stream.linear.gather [hbm4b:s6+s1], $0x80, $0x38;
	[tilespmem:$0x10400] =	vst v63  }
0x250: {  	s6 =	sadd.s32 s3, s13;
	s7 =	sand.u32 $0x1FFFFFF0, s14;
	s13 =	spop (v2sf)  }
0x251: {  	[tilespmem:s2], [sflag:$0x2] =	stream.linear.gather [hbm4b:s6+s1], $0x80, $0x38;
	[tilespmem:$0x10400] =	vst v63  }
0x252: {  	s2 =	sadd.s32 s3, s9;
	s6 =	sand.u32 $0x1FFFFFF0, s13;
	s9 =	spop (v2sf)  }
0x253: {  	[tilespmem:s30], [sflag:$0x2] =	stream.linear.gather [hbm4b:s2+s1], $0x80, $0x38;
	[tilespmem:$0x10400] =	vst v63  }
0x254: {  	s2 =	sadd.s32 s3, s7;
	s7 =	sand.u32 $0x1FFFFFF0, s9;
	s9 =	spop (v2sf)  }
0x255: {  	[tilespmem:s0], [sflag:$0x2] =	stream.linear.gather [hbm4b:s2+s1], $0x80, $0x38;
	[tilespmem:$0x10400] =	vst v63  }
0x256: {  	s0 =	sadd.s32 s3, s6;
	s2 =	sand.u32 $0x1FFFFFF0, s9  }
0x257: {  	[tilespmem:s29], [sflag:$0x2] =	stream.linear.gather [hbm4b:s0+s1], $0x80, $0x38;
	[tilespmem:$0x10400] =	vst v63  }
0x258: {  	s6 =	sadd.s32 s3, s7;
	s0 =	sadd.s32 $0x4B00, s24  }
0x259: {  	[tilespmem:s0], [sflag:$0x2] =	stream.linear.gather [hbm4b:s6+s1], $0x80, $0x38;
	[tilespmem:$0x10400] =	vst v63  }
0x25a: {  	s2 =	sadd.s32 s3, s2;
	s0 =	sadd.s32 $0x4B80, s24  }
0x25b: {  	[tilespmem:s0], [sflag:$0x2] =	stream.linear.gather [hbm4b:s2+s1], $0x80, $0x38;
	[tilespmem:$0x10400] =	vst v63  }
0x25c: {  	v0 =	vld [tilespmem:s25+$0x0];
	_ =	sdelay $0x4  }
0x25d: {  	v0 =	vshll.u32 v0, $0x4  }
0x25e: {  	(v2sf) =	vpush v0, $0x0  }
0x25f: {  	(v2sf) =	vpush v0, $0x1  }
0x260: {  	(v2sf) =	vpush v0, $0x2;
	_ =	sdelay $0x1  }
0x261: {  	(v2sf) =	vpush v0, $0x4  }
.Ltmp7:
0x262: {  	(pc) =	sbr.rel @p0 .LBB2_16-.Ltmp7, $3  }
0x263: {  	(v2sf) =	vpush v0, $0x3  }
0x264: {  	(v2sf) =	vpush v0, $0x5;
	_ =	sdelay $0x1  }
0x265: {  	s24 =	sshra.s32 s28, $0x2;
	(v2sf) =	vpush v0, $0x6  }
0x266: {  	_ =	sdelay $0x1  }
0x267: {  	s7 =	sadd.s32 $0x4480, s24  }
0x268: {  	s6 =	sadd.s32 $0x4980, s24;
	s9 =	sadd.s32 $0x4780, s24;
	s0 =	sadd.s32 $0x4A00, s24;
	(v2sf) =	vpush v0, $0x7  }
0x269: {  	s13 =	sadd.s32 $0x4680, s24;
	s14 =	sadd.s32 $0x4800, s24;
	s2 =	sadd.s32 $0x4A80, s24  }
0x26a: {  	s15 =	sadd.s32 $0x4400, s24;
	s16 =	sadd.s32 $0x4600, s24;
	(v2sf) =	vpush v0, $0x8;
	s18 =	spop (v2sf)  }
0x26b: {  	s17 =	sadd.s32 $0x4700, s24;
	s18 =	sand.u32 $0x1FFFFFF0, s18;
	s20 =	spop (v2sf)  }
0x26c: {  	s18 =	sadd.s32 s3, s18;
	s20 =	sand.u32 $0x1FFFFFF0, s20;
	s21 =	spop (v2sf)  }
0x26d: {  	(v2sf) =	vpush v0, $0x9;
	[tilespmem:s15], [sflag:$0x2] =	stream.linear.gather [hbm4b:s18+s1], $0x80, $0x38;
	[tilespmem:$0x10400] =	vst v63  }
0x26e: {  	s19 =	sadd.s32 $0x4500, s24;
	s29 =	sadd.s32 s3, s20;
	s30 =	spop (v2sf)  }
0x26f: {  	(v2sf) =	vpush v0, $0xA;
	[tilespmem:s7], [sflag:$0x2] =	stream.linear.gather [hbm4b:s29+s1], $0x80, $0x38;
	[tilespmem:$0x10400] =	vst v63  }
0x270: {  	s25 =	sadd.s32 $0x4580, s24;
	s26 =	sand.u32 $0x1FFFFFF0, s21;
	s28 =	spop (v2sf)  }
0x271: {  	s15 =	sadd.s32 $0x4900, s24;
	(v2sf) =	vpush v0, $0xB;
	s18 =	sadd.s32 s3, s26;
	s21 =	sand.u32 $0x1FFFFFF0, s28  }
0x272: {  	[tilespmem:s19], [sflag:$0x2] =	stream.linear.gather [hbm4b:s18+s1], $0x80, $0x38;
	[tilespmem:$0x10400] =	vst v63  }
0x273: {  	s29 =	sand.u32 $0x1FFFFFF0, s30;
	(v2sf) =	vpush v0, $0xC;
	s30 =	spop (v2sf);
	s26 =	sadd.s32 s3, s21  }
0x274: {  	[tilespmem:s25], [sflag:$0x2] =	stream.linear.gather [hbm4b:s26+s1], $0x80, $0x38;
	[tilespmem:$0x10400] =	vst v63  }
0x275: {  	(v2sf) =	vpush v0, $0xD;
	s18 =	sadd.s32 s3, s29;
	s19 =	sand.u32 $0x1FFFFFF0, s30;
	s28 =	spop (v2sf)  }
0x276: {  	[tilespmem:s16], [sflag:$0x2] =	stream.linear.gather [hbm4b:s18+s1], $0x80, $0x38;
	[tilespmem:$0x10400] =	vst v63  }
0x277: {  	s7 =	sadd.s32 $0x4880, s24;
	(v2sf) =	vpush v0, $0xE;
	s19 =	sadd.s32 s3, s19;
	s30 =	spop (v2sf)  }
0x278: {  	[tilespmem:s13], [sflag:$0x2] =	stream.linear.gather [hbm4b:s19+s1], $0x80, $0x38;
	[tilespmem:$0x10400] =	vst v63  }
0x279: {  	s29 =	sand.u32 $0x1FFFFFF0, s28;
	(v2sf) =	vpush v0, $0xF;
	s20 =	spop (v2sf);
	s19 =	sand.u32 $0x1FFFFFF0, s30  }
0x27a: {  	s16 =	sadd.s32 s3, s29;
	s21 =	sand.u32 $0x1FFFFFF0, s20;
	s13 =	sadd.s32 s3, s19  }
0x27b: {  	[tilespmem:s17], [sflag:$0x2] =	stream.linear.gather [hbm4b:s16+s1], $0x80, $0x38;
	[tilespmem:$0x10400] =	vst v63  }
0x27c: {  	s16 =	sadd.s32 s3, s21;
	s21 =	sadd.s32 $0x4B00, s24;
	s25 =	spop (v2sf)  }
0x27d: {  	[tilespmem:s9], [sflag:$0x2] =	stream.linear.gather [hbm4b:s13+s1], $0x80, $0x38;
	[tilespmem:$0x10400] =	vst v63  }
0x27e: {  	s24 =	sadd.s32 $0x4B80, s24;
	s26 =	sand.u32 $0x1FFFFFF0, s25;
	s28 =	spop (v2sf)  }
0x27f: {  	[tilespmem:s14], [sflag:$0x2] =	stream.linear.gather [hbm4b:s16+s1], $0x80, $0x38;
	[tilespmem:$0x10400] =	vst v63  }
0x280: {  	s13 =	sand.u32 $0x1FFFFFF0, s28;
	s9 =	sadd.s32 s3, s26;
	s29 =	spop (v2sf)  }
0x281: {  	[tilespmem:s7], [sflag:$0x2] =	stream.linear.gather [hbm4b:s9+s1], $0x80, $0x38;
	[tilespmem:$0x10400] =	vst v63  }
0x282: {  	s13 =	sadd.s32 s3, s13;
	s30 =	sand.u32 $0x1FFFFFF0, s29;
	s14 =	spop (v2sf)  }
0x283: {  	[tilespmem:s15], [sflag:$0x2] =	stream.linear.gather [hbm4b:s13+s1], $0x80, $0x38;
	[tilespmem:$0x10400] =	vst v63  }
0x284: {  	s7 =	sadd.s32 s3, s30;
	s9 =	sand.u32 $0x1FFFFFF0, s14;
	s15 =	spop (v2sf)  }
0x285: {  	[tilespmem:s6], [sflag:$0x2] =	stream.linear.gather [hbm4b:s7+s1], $0x80, $0x38;
	[tilespmem:$0x10400] =	vst v63  }
0x286: {  	s9 =	sadd.s32 s3, s9;
	s16 =	sand.u32 $0x1FFFFFF0, s15;
	s17 =	spop (v2sf)  }
0x287: {  	[tilespmem:s0], [sflag:$0x2] =	stream.linear.gather [hbm4b:s9+s1], $0x80, $0x38;
	[tilespmem:$0x10400] =	vst v63  }
0x288: {  	s18 =	sand.u32 $0x1FFFFFF0, s17;
	s19 =	spop (v2sf);
	s6 =	sadd.s32 s3, s16  }
0x289: {  	[tilespmem:s2], [sflag:$0x2] =	stream.linear.gather [hbm4b:s6+s1], $0x80, $0x38;
	[tilespmem:$0x10400] =	vst v63  }
0x28a: {  	s25 =	simm.s32 $0x3;
	s20 =	sand.u32 $0x1FFFFFF0, s19;
	s0 =	sadd.s32 s3, s18  }
0x28b: {  	[tilespmem:s21], [sflag:$0x2] =	stream.linear.gather [hbm4b:s0+s1], $0x80, $0x38;
	[tilespmem:$0x10400] =	vst v63  }
0x28c: {  	s28 =	sadd.s32 $0x0, s11;
	s2 =	sadd.s32 s3, s20;
	s0 =	simm.s32 $0x0  }
0x28d: {  	s6 =	sand.u32 $0xFFFF780, s28;
	s26 =	sand.u32 $0xF000, s0;
	s29 =	sand.u32 $0x70, s0  }
0x28e: {  	[tilespmem:s24], [sflag:$0x2] =	stream.linear.gather [hbm4b:s2+s1], $0x80, $0x38;
	[tilespmem:$0x10400] =	vst v63  }
0x28f: {  	s30 =	sand.u32 $0x380, s0;
	s2 =	sshrl.u32 s26, $0x2;
	_ =	swait.ge [sflag:s25], $0x4000  }
0x290: {  	s7 =	sadd.s32 s4, s29;
	s2 =	sor.u32 s30, s2;
	[sflag:s25] =	ssyncset.done $0x0  }
0x291: {  	s6 =	sadd.s32 s6, s7;
	s2 =	sadd.s32 $0x8400, s2;
	[sflag:s25] =	ssyncadd.s32 $0xFFFFC000  }
0x292: {  	[hbm4b:s6+s1] =	stream.linear.scatter [tilespmem:s2], [sflag:$0x7], $0x80, $0x38;
	[tilespmem:$0x10400] =	vst v63  }
0x293: {  	s2 =	simm.s32 $0x200;
	s6 =	simm.s32 $0x0  }
.LBB2_18:
0x294: {  	s7 =	sand.u32 $0xF000, s2  }
0x295: {  	s0 =	sadd.s32 $0x10, s0;
	s6 =	sadd.s32 $0x80, s6;
	p0 =	sne.s32 s2, $0xFE00  }
.Ltmp8:
0x296: {  	s2 =	sadd.s32 $0x200, s2;
	s9 =	sadd.s32 s0, s11;
	(pc) =	sbr.rel @p0 .LBB2_18-.Ltmp8, $4  }
0x297: {  	s13 =	sand.u32 $0x70, s0;
	s14 =	sand.u32 $0x380, s6;
	s7 =	sshrl.u32 s7, $0x2  }
0x298: {  	s9 =	sand.u32 $0xFFFF780, s9;
	s13 =	sadd.s32 s4, s13;
	s7 =	sor.u32 s14, s7  }
0x299: {  	s9 =	sadd.s32 s9, s13;
	s7 =	sadd.s32 $0x8400, s7  }
0x29a: {  	[hbm4b:s9+s1] =	stream.linear.scatter [tilespmem:s7], [sflag:$0x7], $0x80, $0x38;
	[tilespmem:$0x10400] =	vst v63  }
0x29b: {  	s0 =	simm.s32 $0x7  }
0x29c: {  	_ =	swait.ge [sflag:s0], $0x4000  }
0x29d: {  	[sflag:s0] =	ssyncset.done $0x0  }
0x29e: {  	s25 =	simm.s32 $0x300;
	[sflag:s0] =	ssyncadd.s32 $0xFFFFC000  }
0x29f: {  	v0 =	vld [tilespmem:s25+$0x0];
	_ =	sdelay $0x4  }
0x2a0: {  	v0 =	vshll.u32 v0, $0x4  }
0x2a1: {  	(v2sf) =	vpush v0, $0x0  }
0x2a2: {  	(v2sf) =	vpush v0, $0x1  }
0x2a3: {  	(v2sf) =	vpush v0, $0x2;
	_ =	sdelay $0x1  }
0x2a4: {  	(v2sf) =	vpush v0, $0x4;
	_ =	sdelay $0x1  }
0x2a5: {  	(v2sf) =	vpush v0, $0x3  }
0x2a6: {  	(v2sf) =	vpush v0, $0x5  }
0x2a7: {  	s26 =	simm.s32 $0x2000;
	s24 =	simm.s32 $0x0;
	(v2sf) =	vpush v0, $0x6  }
.LBB2_20:
0x2a8: {  	p0 =	sne.s32 s26, $0xE000  }
0x2a9: {  	s13 =	sadd.s32 $0x8480, s24;
	s30 =	sadd.s32 $0x8980, s24;
	s28 =	smov.u32 s26  }
0x2aa: {  	s26 =	sadd.s32 $0x2000, s26;
	s14 =	sadd.s32 $0x8780, s24;
	s0 =	sadd.s32 $0x8A00, s24;
	(v2sf) =	vpush v0, $0x7  }
0x2ab: {  	s9 =	sadd.s32 $0x8680, s24;
	s6 =	sadd.s32 $0x8800, s24;
	s29 =	sadd.s32 $0x8A80, s24  }
0x2ac: {  	s15 =	sadd.s32 $0x8400, s24;
	s16 =	sadd.s32 $0x8600, s24;
	(v2sf) =	vpush v0, $0x8  }
0x2ad: {  	s17 =	sadd.s32 $0x8700, s24;
	s25 =	sadd.s32 $0x10, s25  }
0x2ae: {  	s18 =	sadd.s32 $0x8500, s24;
	s2 =	sadd.s32 $0x8900, s24;
	s7 =	spop (v2sf);
	(v2sf) =	vpush v0, $0x9  }
0x2af: {  	s19 =	sand.u32 $0x1FFFFFF0, s7;
	s7 =	sadd.s32 $0x8880, s24;
	s20 =	spop (v2sf)  }
0x2b0: {  	s19 =	sadd.s32 s3, s19;
	s20 =	sand.u32 $0x1FFFFFF0, s20;
	s21 =	spop (v2sf);
	(v2sf) =	vpush v0, $0xA  }
0x2b1: {  	[tilespmem:s15], [sflag:$0x3] =	stream.linear.gather [hbm4b:s19+s1], $0x80, $0x38;
	[tilespmem:$0x10400] =	vst v63  }
0x2b2: {  	s15 =	sadd.s32 s3, s20;
	s19 =	sadd.s32 $0x8580, s24;
	s20 =	spop (v2sf);
	(v2sf) =	vpush v0, $0xB  }
0x2b3: {  	[tilespmem:s13], [sflag:$0x3] =	stream.linear.gather [hbm4b:s15+s1], $0x80, $0x38;
	[tilespmem:$0x10400] =	vst v63  }
0x2b4: {  	s13 =	sand.u32 $0x1FFFFFF0, s21;
	s15 =	sand.u32 $0x1FFFFFF0, s20;
	s20 =	spop (v2sf);
	(v2sf) =	vpush v0, $0xC  }
0x2b5: {  	s13 =	sadd.s32 s3, s13;
	s20 =	sand.u32 $0x1FFFFFF0, s20;
	s21 =	spop (v2sf)  }
0x2b6: {  	[tilespmem:s18], [sflag:$0x3] =	stream.linear.gather [hbm4b:s13+s1], $0x80, $0x38;
	(v2sf) =	vpush v0, $0xD;
	[tilespmem:$0x10400] =	vst v63  }
0x2b7: {  	s13 =	sadd.s32 s3, s20;
	s18 =	sand.u32 $0x1FFFFFF0, s21;
	s20 =	spop (v2sf)  }
0x2b8: {  	[tilespmem:s19], [sflag:$0x3] =	stream.linear.gather [hbm4b:s13+s1], $0x80, $0x38;
	(v2sf) =	vpush v0, $0xE;
	[tilespmem:$0x10400] =	vst v63  }
0x2b9: {  	s13 =	sadd.s32 s3, s15;
	s15 =	sand.u32 $0x1FFFFFF0, s20;
	s19 =	spop (v2sf)  }
0x2ba: {  	[tilespmem:s16], [sflag:$0x3] =	stream.linear.gather [hbm4b:s13+s1], $0x80, $0x38;
	(v2sf) =	vpush v0, $0xF;
	[tilespmem:$0x10400] =	vst v63  }
0x2bb: {  	s13 =	sadd.s32 s3, s18;
	s16 =	sand.u32 $0x1FFFFFF0, s19;
	s18 =	spop (v2sf)  }
0x2bc: {  	[tilespmem:s9], [sflag:$0x3] =	stream.linear.gather [hbm4b:s13+s1], $0x80, $0x38;
	[tilespmem:$0x10400] =	vst v63  }
0x2bd: {  	s9 =	sadd.s32 s3, s15;
	s13 =	sand.u32 $0x1FFFFFF0, s18;
	s15 =	spop (v2sf)  }
0x2be: {  	[tilespmem:s17], [sflag:$0x3] =	stream.linear.gather [hbm4b:s9+s1], $0x80, $0x38;
	[tilespmem:$0x10400] =	vst v63  }
0x2bf: {  	s9 =	sadd.s32 s3, s16;
	s15 =	sand.u32 $0x1FFFFFF0, s15;
	s16 =	spop (v2sf)  }
0x2c0: {  	[tilespmem:s14], [sflag:$0x3] =	stream.linear.gather [hbm4b:s9+s1], $0x80, $0x38;
	[tilespmem:$0x10400] =	vst v63  }
0x2c1: {  	s9 =	sadd.s32 s3, s13;
	s13 =	sand.u32 $0x1FFFFFF0, s16;
	s14 =	spop (v2sf)  }
0x2c2: {  	[tilespmem:s6], [sflag:$0x3] =	stream.linear.gather [hbm4b:s9+s1], $0x80, $0x38;
	[tilespmem:$0x10400] =	vst v63  }
0x2c3: {  	s6 =	sadd.s32 s3, s15;
	s9 =	sand.u32 $0x1FFFFFF0, s14;
	s14 =	spop (v2sf)  }
0x2c4: {  	[tilespmem:s7], [sflag:$0x3] =	stream.linear.gather [hbm4b:s6+s1], $0x80, $0x38;
	[tilespmem:$0x10400] =	vst v63  }
0x2c5: {  	s6 =	sadd.s32 s3, s13;
	s7 =	sand.u32 $0x1FFFFFF0, s14;
	s13 =	spop (v2sf)  }
0x2c6: {  	[tilespmem:s2], [sflag:$0x3] =	stream.linear.gather [hbm4b:s6+s1], $0x80, $0x38;
	[tilespmem:$0x10400] =	vst v63  }
0x2c7: {  	s2 =	sadd.s32 s3, s9;
	s6 =	sand.u32 $0x1FFFFFF0, s13;
	s9 =	spop (v2sf)  }
0x2c8: {  	[tilespmem:s30], [sflag:$0x3] =	stream.linear.gather [hbm4b:s2+s1], $0x80, $0x38;
	[tilespmem:$0x10400] =	vst v63  }
0x2c9: {  	s2 =	sadd.s32 s3, s7;
	s7 =	sand.u32 $0x1FFFFFF0, s9;
	s9 =	spop (v2sf)  }
0x2ca: {  	[tilespmem:s0], [sflag:$0x3] =	stream.linear.gather [hbm4b:s2+s1], $0x80, $0x38;
	[tilespmem:$0x10400] =	vst v63  }
0x2cb: {  	s0 =	sadd.s32 s3, s6;
	s2 =	sand.u32 $0x1FFFFFF0, s9  }
0x2cc: {  	[tilespmem:s29], [sflag:$0x3] =	stream.linear.gather [hbm4b:s0+s1], $0x80, $0x38;
	[tilespmem:$0x10400] =	vst v63  }
0x2cd: {  	s6 =	sadd.s32 s3, s7;
	s0 =	sadd.s32 $0x8B00, s24  }
0x2ce: {  	[tilespmem:s0], [sflag:$0x3] =	stream.linear.gather [hbm4b:s6+s1], $0x80, $0x38;
	[tilespmem:$0x10400] =	vst v63  }
0x2cf: {  	s2 =	sadd.s32 s3, s2;
	s0 =	sadd.s32 $0x8B80, s24  }
0x2d0: {  	[tilespmem:s0], [sflag:$0x3] =	stream.linear.gather [hbm4b:s2+s1], $0x80, $0x38;
	[tilespmem:$0x10400] =	vst v63  }
0x2d1: {  	v0 =	vld [tilespmem:s25+$0x0];
	_ =	sdelay $0x4  }
0x2d2: {  	v0 =	vshll.u32 v0, $0x4  }
0x2d3: {  	(v2sf) =	vpush v0, $0x0  }
0x2d4: {  	(v2sf) =	vpush v0, $0x1  }
0x2d5: {  	(v2sf) =	vpush v0, $0x2;
	_ =	sdelay $0x1  }
0x2d6: {  	(v2sf) =	vpush v0, $0x4  }
.Ltmp9:
0x2d7: {  	(pc) =	sbr.rel @p0 .LBB2_20-.Ltmp9, $3  }
0x2d8: {  	(v2sf) =	vpush v0, $0x3  }
0x2d9: {  	(v2sf) =	vpush v0, $0x5;
	_ =	sdelay $0x1  }
0x2da: {  	s24 =	sshra.s32 s28, $0x2;
	(v2sf) =	vpush v0, $0x6  }
0x2db: {  	_ =	sdelay $0x1  }
0x2dc: {  	s7 =	sadd.s32 $0x8480, s24  }
0x2dd: {  	s6 =	sadd.s32 $0x8980, s24;
	s9 =	sadd.s32 $0x8780, s24;
	s0 =	sadd.s32 $0x8A00, s24;
	(v2sf) =	vpush v0, $0x7  }
0x2de: {  	s13 =	sadd.s32 $0x8680, s24;
	s14 =	sadd.s32 $0x8800, s24;
	s2 =	sadd.s32 $0x8A80, s24  }
0x2df: {  	s15 =	sadd.s32 $0x8400, s24;
	s16 =	sadd.s32 $0x8600, s24;
	(v2sf) =	vpush v0, $0x8;
	s18 =	spop (v2sf)  }
0x2e0: {  	s17 =	sadd.s32 $0x8700, s24;
	s18 =	sand.u32 $0x1FFFFFF0, s18;
	s20 =	spop (v2sf)  }
0x2e1: {  	s18 =	sadd.s32 s3, s18;
	s20 =	sand.u32 $0x1FFFFFF0, s20;
	s21 =	spop (v2sf)  }
0x2e2: {  	(v2sf) =	vpush v0, $0x9;
	[tilespmem:s15], [sflag:$0x3] =	stream.linear.gather [hbm4b:s18+s1], $0x80, $0x38;
	[tilespmem:$0x10400] =	vst v63  }
0x2e3: {  	s19 =	sadd.s32 $0x8500, s24;
	s29 =	sadd.s32 s3, s20;
	s30 =	spop (v2sf)  }
0x2e4: {  	(v2sf) =	vpush v0, $0xA;
	[tilespmem:s7], [sflag:$0x3] =	stream.linear.gather [hbm4b:s29+s1], $0x80, $0x38;
	[tilespmem:$0x10400] =	vst v63  }
0x2e5: {  	s25 =	sadd.s32 $0x8580, s24;
	s26 =	sand.u32 $0x1FFFFFF0, s21;
	s28 =	spop (v2sf)  }
0x2e6: {  	s15 =	sadd.s32 $0x8900, s24;
	(v2sf) =	vpush v0, $0xB;
	s18 =	sadd.s32 s3, s26;
	s21 =	sand.u32 $0x1FFFFFF0, s28  }
0x2e7: {  	[tilespmem:s19], [sflag:$0x3] =	stream.linear.gather [hbm4b:s18+s1], $0x80, $0x38;
	[tilespmem:$0x10400] =	vst v63  }
0x2e8: {  	s29 =	sand.u32 $0x1FFFFFF0, s30;
	(v2sf) =	vpush v0, $0xC;
	s30 =	spop (v2sf);
	s26 =	sadd.s32 s3, s21  }
0x2e9: {  	[tilespmem:s25], [sflag:$0x3] =	stream.linear.gather [hbm4b:s26+s1], $0x80, $0x38;
	[tilespmem:$0x10400] =	vst v63  }
0x2ea: {  	(v2sf) =	vpush v0, $0xD;
	s18 =	sadd.s32 s3, s29;
	s19 =	sand.u32 $0x1FFFFFF0, s30;
	s28 =	spop (v2sf)  }
0x2eb: {  	[tilespmem:s16], [sflag:$0x3] =	stream.linear.gather [hbm4b:s18+s1], $0x80, $0x38;
	[tilespmem:$0x10400] =	vst v63  }
0x2ec: {  	s7 =	sadd.s32 $0x8880, s24;
	(v2sf) =	vpush v0, $0xE;
	s19 =	sadd.s32 s3, s19;
	s30 =	spop (v2sf)  }
0x2ed: {  	[tilespmem:s13], [sflag:$0x3] =	stream.linear.gather [hbm4b:s19+s1], $0x80, $0x38;
	[tilespmem:$0x10400] =	vst v63  }
0x2ee: {  	s29 =	sand.u32 $0x1FFFFFF0, s28;
	(v2sf) =	vpush v0, $0xF;
	s20 =	spop (v2sf);
	s19 =	sand.u32 $0x1FFFFFF0, s30  }
0x2ef: {  	s16 =	sadd.s32 s3, s29;
	s21 =	sand.u32 $0x1FFFFFF0, s20;
	s13 =	sadd.s32 s3, s19  }
0x2f0: {  	[tilespmem:s17], [sflag:$0x3] =	stream.linear.gather [hbm4b:s16+s1], $0x80, $0x38;
	[tilespmem:$0x10400] =	vst v63  }
0x2f1: {  	s16 =	sadd.s32 s3, s21;
	s21 =	sadd.s32 $0x8B00, s24;
	s25 =	spop (v2sf)  }
0x2f2: {  	[tilespmem:s9], [sflag:$0x3] =	stream.linear.gather [hbm4b:s13+s1], $0x80, $0x38;
	[tilespmem:$0x10400] =	vst v63  }
0x2f3: {  	s24 =	sadd.s32 $0x8B80, s24;
	s26 =	sand.u32 $0x1FFFFFF0, s25;
	s28 =	spop (v2sf)  }
0x2f4: {  	[tilespmem:s14], [sflag:$0x3] =	stream.linear.gather [hbm4b:s16+s1], $0x80, $0x38;
	[tilespmem:$0x10400] =	vst v63  }
0x2f5: {  	s13 =	sand.u32 $0x1FFFFFF0, s28;
	s9 =	sadd.s32 s3, s26;
	s29 =	spop (v2sf)  }
0x2f6: {  	[tilespmem:s7], [sflag:$0x3] =	stream.linear.gather [hbm4b:s9+s1], $0x80, $0x38;
	[tilespmem:$0x10400] =	vst v63  }
0x2f7: {  	s13 =	sadd.s32 s3, s13;
	s30 =	sand.u32 $0x1FFFFFF0, s29;
	s14 =	spop (v2sf)  }
0x2f8: {  	[tilespmem:s15], [sflag:$0x3] =	stream.linear.gather [hbm4b:s13+s1], $0x80, $0x38;
	[tilespmem:$0x10400] =	vst v63  }
0x2f9: {  	s7 =	sadd.s32 s3, s30;
	s9 =	sand.u32 $0x1FFFFFF0, s14;
	s15 =	spop (v2sf)  }
0x2fa: {  	[tilespmem:s6], [sflag:$0x3] =	stream.linear.gather [hbm4b:s7+s1], $0x80, $0x38;
	[tilespmem:$0x10400] =	vst v63  }
0x2fb: {  	s9 =	sadd.s32 s3, s9;
	s16 =	sand.u32 $0x1FFFFFF0, s15;
	s17 =	spop (v2sf)  }
0x2fc: {  	[tilespmem:s0], [sflag:$0x3] =	stream.linear.gather [hbm4b:s9+s1], $0x80, $0x38;
	[tilespmem:$0x10400] =	vst v63  }
0x2fd: {  	s18 =	sand.u32 $0x1FFFFFF0, s17;
	s19 =	spop (v2sf);
	s6 =	sadd.s32 s3, s16  }
0x2fe: {  	[tilespmem:s2], [sflag:$0x3] =	stream.linear.gather [hbm4b:s6+s1], $0x80, $0x38;
	[tilespmem:$0x10400] =	vst v63  }
0x2ff: {  	s25 =	simm.s32 $0x4;
	s20 =	sand.u32 $0x1FFFFFF0, s19;
	s0 =	sadd.s32 s3, s18  }
0x300: {  	[tilespmem:s21], [sflag:$0x3] =	stream.linear.gather [hbm4b:s0+s1], $0x80, $0x38;
	[tilespmem:$0x10400] =	vst v63  }
0x301: {  	s28 =	sadd.s32 $0x0, s12;
	s2 =	sadd.s32 s3, s20;
	s0 =	simm.s32 $0x0  }
0x302: {  	s6 =	sand.u32 $0xFFFFF80, s28;
	s26 =	sand.u32 $0xF000, s0;
	s29 =	sand.u32 $0x70, s0  }
0x303: {  	[tilespmem:s24], [sflag:$0x3] =	stream.linear.gather [hbm4b:s2+s1], $0x80, $0x38;
	[tilespmem:$0x10400] =	vst v63  }
0x304: {  	s30 =	sand.u32 $0x380, s0;
	s2 =	sshrl.u32 s26, $0x2;
	_ =	swait.ge [sflag:s25], $0x4000  }
0x305: {  	s7 =	sadd.s32 s4, s29;
	s2 =	sor.u32 s30, s2;
	[sflag:s25] =	ssyncset.done $0x0  }
0x306: {  	s6 =	sadd.s32 s6, s7;
	s2 =	sadd.s32 $0xC400, s2;
	[sflag:s25] =	ssyncadd.s32 $0xFFFFC000  }
0x307: {  	[hbm4b:s6+s1] =	stream.linear.scatter [tilespmem:s2], [sflag:$0x8], $0x80, $0x38;
	[tilespmem:$0x10400] =	vst v63  }
0x308: {  	s2 =	simm.s32 $0x200;
	s6 =	simm.s32 $0x0  }
.LBB2_22:
0x309: {  	s7 =	sand.u32 $0xF000, s2  }
0x30a: {  	s0 =	sadd.s32 $0x10, s0;
	s6 =	sadd.s32 $0x80, s6;
	p0 =	sne.s32 s2, $0xFE00  }
.Ltmp10:
0x30b: {  	s2 =	sadd.s32 $0x200, s2;
	s9 =	sadd.s32 s0, s12;
	(pc) =	sbr.rel @p0 .LBB2_22-.Ltmp10, $4  }
0x30c: {  	s13 =	sand.u32 $0x70, s0;
	s14 =	sand.u32 $0x380, s6;
	s7 =	sshrl.u32 s7, $0x2  }
0x30d: {  	s9 =	sand.u32 $0xFFFFF80, s9;
	s13 =	sadd.s32 s4, s13;
	s7 =	sor.u32 s14, s7  }
0x30e: {  	s9 =	sadd.s32 s9, s13;
	s7 =	sadd.s32 $0xC400, s7  }
0x30f: {  	[hbm4b:s9+s1] =	stream.linear.scatter [tilespmem:s7], [sflag:$0x8], $0x80, $0x38;
	[tilespmem:$0x10400] =	vst v63  }
0x310: {  	_ =	swait.ge [sflag:s22], $0x4000  }
0x311: {  	[sflag:s22] =	ssyncset.done $0x0  }
0x312: {  	s25 =	simm.s32 $0x380;
	[sflag:s22] =	ssyncadd.s32 $0xFFFFC000  }
0x313: {  	v0 =	vld [tilespmem:s25+$0x0];
	_ =	sdelay $0x4  }
0x314: {  	v0 =	vshll.u32 v0, $0x4  }
0x315: {  	(v2sf) =	vpush v0, $0x0  }
0x316: {  	(v2sf) =	vpush v0, $0x1  }
0x317: {  	(v2sf) =	vpush v0, $0x2;
	_ =	sdelay $0x1  }
0x318: {  	(v2sf) =	vpush v0, $0x4;
	_ =	sdelay $0x1  }
0x319: {  	(v2sf) =	vpush v0, $0x3  }
0x31a: {  	(v2sf) =	vpush v0, $0x5  }
0x31b: {  	s26 =	simm.s32 $0x2000;
	s24 =	simm.s32 $0x0;
	(v2sf) =	vpush v0, $0x6  }
.LBB2_24:
0x31c: {  	p0 =	sne.s32 s26, $0xE000  }
0x31d: {  	s13 =	sadd.s32 $0xC480, s24;
	s30 =	sadd.s32 $0xC980, s24;
	s28 =	smov.u32 s26  }
0x31e: {  	s26 =	sadd.s32 $0x2000, s26;
	s14 =	sadd.s32 $0xC780, s24;
	s0 =	sadd.s32 $0xCA00, s24;
	(v2sf) =	vpush v0, $0x7  }
0x31f: {  	s9 =	sadd.s32 $0xC680, s24;
	s6 =	sadd.s32 $0xC800, s24;
	s29 =	sadd.s32 $0xCA80, s24  }
0x320: {  	s15 =	sadd.s32 $0xC400, s24;
	s16 =	sadd.s32 $0xC600, s24;
	(v2sf) =	vpush v0, $0x8  }
0x321: {  	s17 =	sadd.s32 $0xC700, s24;
	s25 =	sadd.s32 $0x10, s25  }
0x322: {  	s18 =	sadd.s32 $0xC500, s24;
	s2 =	sadd.s32 $0xC900, s24;
	s7 =	spop (v2sf);
	(v2sf) =	vpush v0, $0x9  }
0x323: {  	s19 =	sand.u32 $0x1FFFFFF0, s7;
	s7 =	sadd.s32 $0xC880, s24;
	s20 =	spop (v2sf)  }
0x324: {  	s19 =	sadd.s32 s3, s19;
	s20 =	sand.u32 $0x1FFFFFF0, s20;
	s21 =	spop (v2sf);
	(v2sf) =	vpush v0, $0xA  }
0x325: {  	[tilespmem:s15], [sflag:$0x4] =	stream.linear.gather [hbm4b:s19+s1], $0x80, $0x38;
	[tilespmem:$0x10400] =	vst v63  }
0x326: {  	s15 =	sadd.s32 s3, s20;
	s19 =	sadd.s32 $0xC580, s24;
	s20 =	spop (v2sf);
	(v2sf) =	vpush v0, $0xB  }
0x327: {  	[tilespmem:s13], [sflag:$0x4] =	stream.linear.gather [hbm4b:s15+s1], $0x80, $0x38;
	[tilespmem:$0x10400] =	vst v63  }
0x328: {  	s13 =	sand.u32 $0x1FFFFFF0, s21;
	s15 =	sand.u32 $0x1FFFFFF0, s20;
	s20 =	spop (v2sf);
	(v2sf) =	vpush v0, $0xC  }
0x329: {  	s13 =	sadd.s32 s3, s13;
	s20 =	sand.u32 $0x1FFFFFF0, s20;
	s21 =	spop (v2sf)  }
0x32a: {  	[tilespmem:s18], [sflag:$0x4] =	stream.linear.gather [hbm4b:s13+s1], $0x80, $0x38;
	(v2sf) =	vpush v0, $0xD;
	[tilespmem:$0x10400] =	vst v63  }
0x32b: {  	s13 =	sadd.s32 s3, s20;
	s18 =	sand.u32 $0x1FFFFFF0, s21;
	s20 =	spop (v2sf)  }
0x32c: {  	[tilespmem:s19], [sflag:$0x4] =	stream.linear.gather [hbm4b:s13+s1], $0x80, $0x38;
	(v2sf) =	vpush v0, $0xE;
	[tilespmem:$0x10400] =	vst v63  }
0x32d: {  	s13 =	sadd.s32 s3, s15;
	s15 =	sand.u32 $0x1FFFFFF0, s20;
	s19 =	spop (v2sf)  }
0x32e: {  	[tilespmem:s16], [sflag:$0x4] =	stream.linear.gather [hbm4b:s13+s1], $0x80, $0x38;
	(v2sf) =	vpush v0, $0xF;
	[tilespmem:$0x10400] =	vst v63  }
0x32f: {  	s13 =	sadd.s32 s3, s18;
	s16 =	sand.u32 $0x1FFFFFF0, s19;
	s18 =	spop (v2sf)  }
0x330: {  	[tilespmem:s9], [sflag:$0x4] =	stream.linear.gather [hbm4b:s13+s1], $0x80, $0x38;
	[tilespmem:$0x10400] =	vst v63  }
0x331: {  	s9 =	sadd.s32 s3, s15;
	s13 =	sand.u32 $0x1FFFFFF0, s18;
	s15 =	spop (v2sf)  }
0x332: {  	[tilespmem:s17], [sflag:$0x4] =	stream.linear.gather [hbm4b:s9+s1], $0x80, $0x38;
	[tilespmem:$0x10400] =	vst v63  }
0x333: {  	s9 =	sadd.s32 s3, s16;
	s15 =	sand.u32 $0x1FFFFFF0, s15;
	s16 =	spop (v2sf)  }
0x334: {  	[tilespmem:s14], [sflag:$0x4] =	stream.linear.gather [hbm4b:s9+s1], $0x80, $0x38;
	[tilespmem:$0x10400] =	vst v63  }
0x335: {  	s9 =	sadd.s32 s3, s13;
	s13 =	sand.u32 $0x1FFFFFF0, s16;
	s14 =	spop (v2sf)  }
0x336: {  	[tilespmem:s6], [sflag:$0x4] =	stream.linear.gather [hbm4b:s9+s1], $0x80, $0x38;
	[tilespmem:$0x10400] =	vst v63  }
0x337: {  	s6 =	sadd.s32 s3, s15;
	s9 =	sand.u32 $0x1FFFFFF0, s14;
	s14 =	spop (v2sf)  }
0x338: {  	[tilespmem:s7], [sflag:$0x4] =	stream.linear.gather [hbm4b:s6+s1], $0x80, $0x38;
	[tilespmem:$0x10400] =	vst v63  }
0x339: {  	s6 =	sadd.s32 s3, s13;
	s7 =	sand.u32 $0x1FFFFFF0, s14;
	s13 =	spop (v2sf)  }
0x33a: {  	[tilespmem:s2], [sflag:$0x4] =	stream.linear.gather [hbm4b:s6+s1], $0x80, $0x38;
	[tilespmem:$0x10400] =	vst v63  }
0x33b: {  	s2 =	sadd.s32 s3, s9;
	s6 =	sand.u32 $0x1FFFFFF0, s13;
	s9 =	spop (v2sf)  }
0x33c: {  	[tilespmem:s30], [sflag:$0x4] =	stream.linear.gather [hbm4b:s2+s1], $0x80, $0x38;
	[tilespmem:$0x10400] =	vst v63  }
0x33d: {  	s2 =	sadd.s32 s3, s7;
	s7 =	sand.u32 $0x1FFFFFF0, s9;
	s9 =	spop (v2sf)  }
0x33e: {  	[tilespmem:s0], [sflag:$0x4] =	stream.linear.gather [hbm4b:s2+s1], $0x80, $0x38;
	[tilespmem:$0x10400] =	vst v63  }
0x33f: {  	s0 =	sadd.s32 s3, s6;
	s2 =	sand.u32 $0x1FFFFFF0, s9  }
0x340: {  	[tilespmem:s29], [sflag:$0x4] =	stream.linear.gather [hbm4b:s0+s1], $0x80, $0x38;
	[tilespmem:$0x10400] =	vst v63  }
0x341: {  	s6 =	sadd.s32 s3, s7;
	s0 =	sadd.s32 $0xCB00, s24  }
0x342: {  	[tilespmem:s0], [sflag:$0x4] =	stream.linear.gather [hbm4b:s6+s1], $0x80, $0x38;
	[tilespmem:$0x10400] =	vst v63  }
0x343: {  	s2 =	sadd.s32 s3, s2;
	s0 =	sadd.s32 $0xCB80, s24  }
0x344: {  	[tilespmem:s0], [sflag:$0x4] =	stream.linear.gather [hbm4b:s2+s1], $0x80, $0x38;
	[tilespmem:$0x10400] =	vst v63  }
0x345: {  	v0 =	vld [tilespmem:s25+$0x0];
	_ =	sdelay $0x4  }
0x346: {  	v0 =	vshll.u32 v0, $0x4  }
0x347: {  	(v2sf) =	vpush v0, $0x0  }
0x348: {  	(v2sf) =	vpush v0, $0x1  }
0x349: {  	(v2sf) =	vpush v0, $0x2;
	_ =	sdelay $0x1  }
0x34a: {  	(v2sf) =	vpush v0, $0x4  }
.Ltmp11:
0x34b: {  	(pc) =	sbr.rel @p0 .LBB2_24-.Ltmp11, $3  }
0x34c: {  	(v2sf) =	vpush v0, $0x3  }
0x34d: {  	(v2sf) =	vpush v0, $0x5;
	_ =	sdelay $0x1  }
0x34e: {  	s24 =	sshra.s32 s28, $0x2;
	(v2sf) =	vpush v0, $0x6  }
0x34f: {  	_ =	sdelay $0x1  }
0x350: {  	(v2sf) =	vpush v0, $0x7  }
0x351: {  	s7 =	sadd.s32 $0xC480, s24;
	s6 =	sadd.s32 $0xC980, s24;
	s9 =	sadd.s32 $0xC780, s24  }
0x352: {  	s0 =	sadd.s32 $0xCA00, s24;
	s13 =	sadd.s32 $0xC680, s24;
	s14 =	sadd.s32 $0xC800, s24;
	(v2sf) =	vpush v0, $0x8  }
0x353: {  	s2 =	sadd.s32 $0xCA80, s24;
	s15 =	sadd.s32 $0xC400, s24;
	s18 =	spop (v2sf)  }
0x354: {  	s16 =	sadd.s32 $0xC600, s24;
	s18 =	sand.u32 $0x1FFFFFF0, s18;
	s20 =	spop (v2sf)  }
0x355: {  	s18 =	sadd.s32 s3, s18;
	s20 =	sand.u32 $0x1FFFFFF0, s20;
	s21 =	spop (v2sf)  }
0x356: {  	(v2sf) =	vpush v0, $0x9;
	[tilespmem:s15], [sflag:$0x4] =	stream.linear.gather [hbm4b:s18+s1], $0x80, $0x38;
	[tilespmem:$0x10400] =	vst v63  }
0x357: {  	s17 =	sadd.s32 $0xC700, s24;
	s29 =	sadd.s32 s3, s20;
	s30 =	spop (v2sf)  }
0x358: {  	(v2sf) =	vpush v0, $0xA;
	[tilespmem:s7], [sflag:$0x4] =	stream.linear.gather [hbm4b:s29+s1], $0x80, $0x38;
	[tilespmem:$0x10400] =	vst v63  }
0x359: {  	s19 =	sadd.s32 $0xC500, s24;
	s26 =	sand.u32 $0x1FFFFFF0, s21;
	s28 =	spop (v2sf)  }
0x35a: {  	s25 =	sadd.s32 $0xC580, s24;
	(v2sf) =	vpush v0, $0xB;
	s18 =	sadd.s32 s3, s26;
	s21 =	sand.u32 $0x1FFFFFF0, s28  }
0x35b: {  	[tilespmem:s19], [sflag:$0x4] =	stream.linear.gather [hbm4b:s18+s1], $0x80, $0x38;
	[tilespmem:$0x10400] =	vst v63  }
0x35c: {  	s29 =	sand.u32 $0x1FFFFFF0, s30;
	(v2sf) =	vpush v0, $0xC;
	s30 =	spop (v2sf);
	s26 =	sadd.s32 s3, s21  }
0x35d: {  	[tilespmem:s25], [sflag:$0x4] =	stream.linear.gather [hbm4b:s26+s1], $0x80, $0x38;
	[tilespmem:$0x10400] =	vst v63  }
0x35e: {  	s15 =	sadd.s32 $0xC900, s24;
	s7 =	sadd.s32 $0xC880, s24;
	(v2sf) =	vpush v0, $0xD;
	s28 =	spop (v2sf)  }
0x35f: {  	s18 =	sadd.s32 s3, s29;
	s19 =	sand.u32 $0x1FFFFFF0, s30;
	s30 =	spop (v2sf)  }
0x360: {  	(v2sf) =	vpush v0, $0xE;
	[tilespmem:s16], [sflag:$0x4] =	stream.linear.gather [hbm4b:s18+s1], $0x80, $0x38;
	[tilespmem:$0x10400] =	vst v63  }
0x361: {  	s19 =	sadd.s32 s3, s19;
	s29 =	sand.u32 $0x1FFFFFF0, s28;
	s20 =	spop (v2sf)  }
0x362: {  	(v2sf) =	vpush v0, $0xF;
	[tilespmem:s13], [sflag:$0x4] =	stream.linear.gather [hbm4b:s19+s1], $0x80, $0x38;
	[tilespmem:$0x10400] =	vst v63  }
0x363: {  	s16 =	sadd.s32 s3, s29;
	s21 =	sand.u32 $0x1FFFFFF0, s20;
	s19 =	sand.u32 $0x1FFFFFF0, s30  }
0x364: {  	[tilespmem:s17], [sflag:$0x4] =	stream.linear.gather [hbm4b:s16+s1], $0x80, $0x38;
	[tilespmem:$0x10400] =	vst v63  }
0x365: {  	s13 =	sadd.s32 s3, s19;
	s16 =	sadd.s32 s3, s21;
	s25 =	spop (v2sf)  }
0x366: {  	[tilespmem:s9], [sflag:$0x4] =	stream.linear.gather [hbm4b:s13+s1], $0x80, $0x38;
	[tilespmem:$0x10400] =	vst v63  }
0x367: {  	s21 =	sadd.s32 $0xCB00, s24;
	s26 =	sand.u32 $0x1FFFFFF0, s25;
	s28 =	spop (v2sf)  }
0x368: {  	[tilespmem:s14], [sflag:$0x4] =	stream.linear.gather [hbm4b:s16+s1], $0x80, $0x38;
	[tilespmem:$0x10400] =	vst v63  }
0x369: {  	s13 =	sand.u32 $0x1FFFFFF0, s28;
	s9 =	sadd.s32 s3, s26;
	s29 =	spop (v2sf)  }
0x36a: {  	[tilespmem:s7], [sflag:$0x4] =	stream.linear.gather [hbm4b:s9+s1], $0x80, $0x38;
	[tilespmem:$0x10400] =	vst v63  }
0x36b: {  	s13 =	sadd.s32 s3, s13;
	s30 =	sand.u32 $0x1FFFFFF0, s29;
	s14 =	spop (v2sf)  }
0x36c: {  	[tilespmem:s15], [sflag:$0x4] =	stream.linear.gather [hbm4b:s13+s1], $0x80, $0x38;
	[tilespmem:$0x10400] =	vst v63  }
0x36d: {  	s7 =	sadd.s32 s3, s30;
	s9 =	sand.u32 $0x1FFFFFF0, s14;
	s15 =	spop (v2sf)  }
0x36e: {  	[tilespmem:s6], [sflag:$0x4] =	stream.linear.gather [hbm4b:s7+s1], $0x80, $0x38;
	[tilespmem:$0x10400] =	vst v63  }
0x36f: {  	s9 =	sadd.s32 s3, s9;
	s16 =	sand.u32 $0x1FFFFFF0, s15;
	s17 =	spop (v2sf)  }
0x370: {  	[tilespmem:s0], [sflag:$0x4] =	stream.linear.gather [hbm4b:s9+s1], $0x80, $0x38;
	[tilespmem:$0x10400] =	vst v63  }
0x371: {  	s18 =	sand.u32 $0x1FFFFFF0, s17;
	s19 =	spop (v2sf);
	s6 =	sadd.s32 s3, s16  }
0x372: {  	[tilespmem:s2], [sflag:$0x4] =	stream.linear.gather [hbm4b:s6+s1], $0x80, $0x38;
	[tilespmem:$0x10400] =	vst v63  }
0x373: {  	s25 =	sadd.s32 $0xCB80, s24;
	s20 =	sand.u32 $0x1FFFFFF0, s19;
	s0 =	sadd.s32 s3, s18  }
0x374: {  	[tilespmem:s21], [sflag:$0x4] =	stream.linear.gather [hbm4b:s0+s1], $0x80, $0x38;
	[tilespmem:$0x10400] =	vst v63  }
0x375: {  	s28 =	sadd.s32 $0x0, s8;
	s2 =	sadd.s32 s3, s20;
	s0 =	simm.s32 $0x0  }
0x376: {  	s6 =	sand.u32 $0x3E780, s28;
	s26 =	sand.u32 $0xF000, s0;
	s29 =	sand.u32 $0x70, s0  }
0x377: {  	[tilespmem:s25], [sflag:$0x4] =	stream.linear.gather [hbm4b:s2+s1], $0x80, $0x38;
	[tilespmem:$0x10400] =	vst v63  }
0x378: {  	s30 =	sand.u32 $0x380, s0;
	s2 =	sshrl.u32 s26, $0x2;
	_ =	swait.ge [sflag:s31], $0x4000  }
0x379: {  	s7 =	sadd.s32 s5, s29;
	s2 =	sor.u32 s30, s2;
	[sflag:s31] =	ssyncset.done $0x0  }
0x37a: {  	s6 =	sadd.s32 s6, s7;
	s2 =	sadd.s32 $0x400, s2;
	[sflag:s31] =	ssyncadd.s32 $0xFFFFC000  }
0x37b: {  	[hbm4b:s6+s1] =	stream.linear.scatter [tilespmem:s2], [sflag:$0x5], $0x80, $0x38;
	[tilespmem:$0x10400] =	vst v63  }
0x37c: {  	s2 =	simm.s32 $0x200;
	s6 =	simm.s32 $0x0  }
.LBB2_26:
0x37d: {  	s7 =	sand.u32 $0xF000, s2  }
0x37e: {  	s0 =	sadd.s32 $0x10, s0;
	s6 =	sadd.s32 $0x80, s6;
	p0 =	sne.s32 s2, $0xFE00  }
.Ltmp12:
0x37f: {  	s2 =	sadd.s32 $0x200, s2;
	s9 =	sadd.s32 s0, s8;
	(pc) =	sbr.rel @p0 .LBB2_26-.Ltmp12, $4  }
0x380: {  	s13 =	sand.u32 $0x70, s0;
	s14 =	sand.u32 $0x380, s6;
	s7 =	sshrl.u32 s7, $0x2  }
0x381: {  	s9 =	sand.u32 $0x3E780, s9;
	s13 =	sadd.s32 s5, s13;
	s7 =	sor.u32 s14, s7  }
0x382: {  	s9 =	sadd.s32 s9, s13;
	s7 =	sadd.s32 $0x400, s7  }
0x383: {  	[hbm4b:s9+s1] =	stream.linear.scatter [tilespmem:s7], [sflag:$0x5], $0x80, $0x38;
	[tilespmem:$0x10400] =	vst v63  }
0x384: {  	s13 =	simm.s32 $0x2;
	s0 =	simm.s32 $0x0;
	s6 =	sadd.s32 $0x0, s10  }
0x385: {  	_ =	swait.ge [sflag:s13], $0x4000;
	s2 =	sand.u32 $0xF000, s0;
	s7 =	sand.u32 $0x70, s0  }
0x386: {  	s9 =	sand.u32 $0x380, s0;
	s6 =	sand.u32 $0xFFFEF80, s6;
	s2 =	sshrl.u32 s2, $0x2  }
0x387: {  	[sflag:s13] =	ssyncset.done $0x0;
	s7 =	sadd.s32 s5, s7;
	s2 =	sor.u32 s9, s2  }
0x388: {  	[sflag:s13] =	ssyncadd.s32 $0xFFFFC000;
	s6 =	sadd.s32 s6, s7;
	s2 =	sadd.s32 $0x4400, s2  }
0x389: {  	[hbm4b:s6+s1] =	stream.linear.scatter [tilespmem:s2], [sflag:$0x6], $0x80, $0x38;
	[tilespmem:$0x10400] =	vst v63  }
0x38a: {  	s2 =	simm.s32 $0x200;
	s6 =	simm.s32 $0x0  }
.LBB2_28:
0x38b: {  	s7 =	sand.u32 $0xF000, s2  }
0x38c: {  	s0 =	sadd.s32 $0x10, s0;
	s6 =	sadd.s32 $0x80, s6;
	p0 =	sne.s32 s2, $0xFE00  }
.Ltmp13:
0x38d: {  	s2 =	sadd.s32 $0x200, s2;
	s9 =	sadd.s32 s0, s10;
	(pc) =	sbr.rel @p0 .LBB2_28-.Ltmp13, $4  }
0x38e: {  	s13 =	sand.u32 $0x70, s0;
	s14 =	sand.u32 $0x380, s6;
	s7 =	sshrl.u32 s7, $0x2  }
0x38f: {  	s9 =	sand.u32 $0xFFFEF80, s9;
	s13 =	sadd.s32 s5, s13;
	s7 =	sor.u32 s14, s7  }
0x390: {  	s9 =	sadd.s32 s9, s13;
	s7 =	sadd.s32 $0x4400, s7  }
0x391: {  	[hbm4b:s9+s1] =	stream.linear.scatter [tilespmem:s7], [sflag:$0x6], $0x80, $0x38;
	[tilespmem:$0x10400] =	vst v63  }
0x392: {  	s13 =	simm.s32 $0x3;
	s0 =	simm.s32 $0x0;
	s6 =	sadd.s32 $0x0, s11  }
0x393: {  	_ =	swait.ge [sflag:s13], $0x4000;
	s2 =	sand.u32 $0xF000, s0;
	s7 =	sand.u32 $0x70, s0  }
0x394: {  	s9 =	sand.u32 $0x380, s0;
	s6 =	sand.u32 $0xFFFF780, s6;
	s2 =	sshrl.u32 s2, $0x2  }
0x395: {  	[sflag:s13] =	ssyncset.done $0x0;
	s7 =	sadd.s32 s5, s7;
	s2 =	sor.u32 s9, s2  }
0x396: {  	[sflag:s13] =	ssyncadd.s32 $0xFFFFC000;
	s6 =	sadd.s32 s6, s7;
	s2 =	sadd.s32 $0x8400, s2  }
0x397: {  	[hbm4b:s6+s1] =	stream.linear.scatter [tilespmem:s2], [sflag:$0x7], $0x80, $0x38;
	[tilespmem:$0x10400] =	vst v63  }
0x398: {  	s2 =	simm.s32 $0x200;
	s6 =	simm.s32 $0x0  }
.LBB2_30:
0x399: {  	s7 =	sand.u32 $0xF000, s2  }
0x39a: {  	s0 =	sadd.s32 $0x10, s0;
	s6 =	sadd.s32 $0x80, s6;
	p0 =	sne.s32 s2, $0xFE00  }
.Ltmp14:
0x39b: {  	s2 =	sadd.s32 $0x200, s2;
	s9 =	sadd.s32 s0, s11;
	(pc) =	sbr.rel @p0 .LBB2_30-.Ltmp14, $4  }
0x39c: {  	s13 =	sand.u32 $0x70, s0;
	s14 =	sand.u32 $0x380, s6;
	s7 =	sshrl.u32 s7, $0x2  }
0x39d: {  	s9 =	sand.u32 $0xFFFF780, s9;
	s13 =	sadd.s32 s5, s13;
	s7 =	sor.u32 s14, s7  }
0x39e: {  	s9 =	sadd.s32 s9, s13;
	s7 =	sadd.s32 $0x8400, s7  }
0x39f: {  	[hbm4b:s9+s1] =	stream.linear.scatter [tilespmem:s7], [sflag:$0x7], $0x80, $0x38;
	[tilespmem:$0x10400] =	vst v63  }
0x3a0: {  	s13 =	simm.s32 $0x4;
	s0 =	simm.s32 $0x0;
	s6 =	sadd.s32 $0x0, s12  }
0x3a1: {  	_ =	swait.ge [sflag:s13], $0x4000;
	s2 =	sand.u32 $0xF000, s0;
	s7 =	sand.u32 $0x70, s0  }
0x3a2: {  	s9 =	sand.u32 $0x380, s0;
	s6 =	sand.u32 $0xFFFFF80, s6;
	s2 =	sshrl.u32 s2, $0x2  }
0x3a3: {  	[sflag:s13] =	ssyncset.done $0x0;
	s7 =	sadd.s32 s5, s7;
	s2 =	sor.u32 s9, s2  }
0x3a4: {  	[sflag:s13] =	ssyncadd.s32 $0xFFFFC000;
	s6 =	sadd.s32 s6, s7;
	s2 =	sadd.s32 $0xC400, s2  }
0x3a5: {  	[hbm4b:s6+s1] =	stream.linear.scatter [tilespmem:s2], [sflag:$0x8], $0x80, $0x38;
	[tilespmem:$0x10400] =	vst v63  }
0x3a6: {  	s2 =	simm.s32 $0x200;
	s6 =	simm.s32 $0x0  }
.LBB2_32:
0x3a7: {  	s7 =	sand.u32 $0xF000, s2  }
0x3a8: {  	s0 =	sadd.s32 $0x10, s0;
	s6 =	sadd.s32 $0x80, s6;
	p0 =	sne.s32 s2, $0xFE00  }
.Ltmp15:
0x3a9: {  	s2 =	sadd.s32 $0x200, s2;
	s9 =	sadd.s32 s0, s12;
	(pc) =	sbr.rel @p0 .LBB2_32-.Ltmp15, $4  }
0x3aa: {  	s13 =	sand.u32 $0x70, s0;
	s14 =	sand.u32 $0x380, s6;
	s7 =	sshrl.u32 s7, $0x2  }
0x3ab: {  	s9 =	sand.u32 $0xFFFFF80, s9;
	s13 =	sadd.s32 s5, s13;
	s7 =	sor.u32 s14, s7  }
0x3ac: {  	s9 =	sadd.s32 s9, s13;
	s7 =	sadd.s32 $0xC400, s7  }
0x3ad: {  	[hbm4b:s9+s1] =	stream.linear.scatter [tilespmem:s7], [sflag:$0x8], $0x80, $0x38;
	[tilespmem:$0x10400] =	vst v63  }
0x3ae: {  	s0 =	simm.s32 $0x5  }
0x3af: {  	_ =	swait.ge [sflag:s0], $0x4000  }
0x3b0: {  	[sflag:s0] =	ssyncset.done $0x0  }
0x3b1: {  	s29 =	simm.s32 $0x6;
	[sflag:s0] =	ssyncadd.s32 $0xFFFFC000  }
0x3b2: {  	_ =	swait.ge [sflag:s29], $0x4000  }
0x3b3: {  	[sflag:s29] =	ssyncset.done $0x0  }
0x3b4: {  	s30 =	simm.s32 $0x7;
	[sflag:s29] =	ssyncadd.s32 $0xFFFFC000  }
0x3b5: {  	_ =	swait.ge [sflag:s30], $0x4000  }
0x3b6: {  	[sflag:s30] =	ssyncset.done $0x0  }
0x3b7: {  	[sflag:s30] =	ssyncadd.s32 $0xFFFFC000  }
0x3b8: {  	_ =	swait.ge [sflag:s22], $0x4000  }
0x3b9: {  	s23 =	sadd.s32 $0x1, s23;
	s31 =	rddreg [dreg:$0x6]  }
0x3ba: {  	p0 =	sne.s32 s23, s31  }
.Ltmp16:
0x3bb: {  	_ = 	snop;
	(pc) =	sbr.rel @p0 .LBB2_1-.Ltmp16, $3  }
0x3bc: {  	_ =	sdelay $0x1  }
0x3bd: {  	[sflag:s22] =	ssyncset.done $0x0  }
0x3be: {  	[sflag:s22] =	ssyncadd.s32 $0xFFFFC000  }
0x3bf: {  	_ =	sfence.sel $0x180000  }
0x3c0: {  	[bflag:$0x0] =	sbarrier.arrive $0xFFFF  }
0x3c1: {  	_ =	strace $0x90000047  }
0x3c2: {  	s0 =	stileid.u32;
	[bflag:$0x2] =	sbarrier.arrive $0xFFFF  }
0x3c3: {  	p0 =	sne.s32 s0, $0x0;
	s0 =	rddreg [dreg:$0x3]  }
0x3c4: {  	s0 =	sadd.s32 @!p0 $0x100000, s0  }
0x3c5: {  	[sflag:s0] =	ssyncadd.tile.s32 @!p0 $0x1;
	_ =	shalt  }
.Lfunc_end2:
_tile_overlayer_lowered:
.L_overlay_start_2:
0x3c6: {  	(tag) =	ssettag $0x2  }
0x3c7: {  	s0 =	rddreg [dreg:$0x0];
	s2 =	stileid.u32  }
0x3c8: {  	s1 =	rddreg [dreg:$0x1];
	p0 =	sne.s32 s2, $0x0  }
0x3c9: {  	s3 =	rddreg [dreg:$0x2];
	[bflag:$0x3] =	sbarrier.arrive $0xFFFF;
	s2 =	simm.s32 @!p0 $0x1C09  }
0x3ca: {  	[timem:s3], [sflag:s2] =	dma.local @!p0 [hbm:s0], s1  }
0x3cb: {  	s0 =	simm.s32 @!p0 $0x9  }
0x3cc: {  	_ =	swait.ge @!p0 [sflag:s0], s1  }
0x3cd: {  	s1 =	ssub.s32 @!p0 $0x0, s1;
	[sflag:s0] =	ssyncset.done @!p0 $0x0  }
0x3ce: {  	[sflag:s0] =	ssyncadd.s32 @!p0 s1  }
0x3cf: {  	[bflag:$0x3] =	sbarrier.arrive $0xFFFF  }
0x3d0: {  	_ =	shalt  }

</sc_bundles>
